<compile_context>
chip_gen: v7x
topology: tpu7x:2x2x1
jax: 0.10.2.dev20260603
libtpu: 0.0.44.dev20260713+nightly
codegen_flags: <defaults>
</compile_context>

<pallas_src>
import functools

import jax
import jax.numpy as jnp
from jax import lax
from jax.experimental import pallas as pl
from jax.experimental.pallas import tpu as pltpu
from jax.experimental.pallas import tpu_sc as plsc

_ROWS = 1024
_COLS = 32768
_LANES = 16
_NC = 2
_NS = 16
_NW = _NC * _NS
_CHUNKS = _COLS // _LANES
_NSEG = 32
_SEG_CHUNKS = _CHUNKS // _NSEG
_BIG = 2**30


def _row_argmax(buf, segmax, lanes):
    n_acc = 8
    neg_inf = jnp.full((_LANES,), -jnp.inf, jnp.float32)

    @plsc.parallel_loop(0, _NSEG, carry=None)
    def _(s):
        sbase = s * (_SEG_CHUNKS * _LANES)
        accs = [neg_inf for _ in range(n_acc)]
        for k in range(_SEG_CHUNKS):
            v = buf[pl.ds(sbase + k * _LANES, _LANES)]
            accs[k % n_acc] = jnp.maximum(accs[k % n_acc], v)
        while len(accs) > 1:
            accs = [jnp.maximum(accs[2 * i], accs[2 * i + 1])
                    for i in range(len(accs) // 2)]
        segmax[pl.ds(s * _LANES, _LANES)] = accs[0]

    @plsc.parallel_loop(0, _NSEG, carry=neg_inf)
    def gvec(s, acc):
        return jnp.maximum(acc, segmax[pl.ds(s * _LANES, _LANES)])

    gm = jnp.max(gvec)
    gmv = jnp.full((_LANES,), gm)

    @plsc.parallel_loop(0, _NSEG, carry=jnp.full((_LANES,), _BIG, jnp.int32))
    def run_s(s, acc):
        seg = segmax[pl.ds(s * _LANES, _LANES)]
        sv = jnp.full((_LANES,), s, jnp.int32)
        return jnp.minimum(acc, jnp.where(seg == gmv, sv, _BIG))

    seg_star = jnp.min(run_s)

    cbase = seg_star * (_SEG_CHUNKS * _LANES)
    big_v = jnp.full((_LANES,), _BIG, jnp.int32)

    @plsc.parallel_loop(0, _SEG_CHUNKS, step=2, carry=(big_v, big_v))
    def runs(kk, carry):
        r0, r1 = carry
        v0 = buf[pl.ds(cbase + kk * _LANES, _LANES)]
        v1 = buf[pl.ds(cbase + (kk + 1) * _LANES, _LANES)]
        k0 = jnp.full((_LANES,), kk, jnp.int32)
        r0 = jnp.minimum(r0, jnp.where(v0 == gmv, k0, _BIG))
        r1 = jnp.minimum(r1, jnp.where(v1 == gmv, k0 + 1, _BIG))
        return r0, r1

    runk = jnp.minimum(runs[0], runs[1])
    kcol = jnp.where(runk == _BIG, _BIG, runk * _LANES + lanes)
    col = cbase + jnp.min(kcol)
    return col.astype(jnp.float32)


def _argmax_rows_sc(x_flat, nrows):
    rpw = nrows // _NW
    mesh = plsc.VectorSubcoreMesh(
        core_axis_name="c", subcore_axis_name="s",
        num_cores=_NC, num_subcores=_NS)

    @functools.partial(
        pl.kernel,
        out_type=jax.ShapeDtypeStruct((nrows,), jnp.float32),
        mesh=mesh,
        scratch_types=[
            pltpu.VMEM((_COLS,), jnp.float32),
            pltpu.VMEM((_COLS,), jnp.float32),
            pltpu.VMEM((_COLS,), jnp.float32),
            pltpu.VMEM((_NSEG * _LANES,), jnp.float32),
            pltpu.VMEM((rpw,), jnp.float32),
            pltpu.SemaphoreType.DMA,
            pltpu.SemaphoreType.DMA,
            pltpu.SemaphoreType.DMA,
        ],
        compiler_params=pltpu.CompilerParams(needs_layout_passes=False),
    )
    def k(x_hbm, out_hbm, buf0, buf1, buf2, segmax, out_buf, *sems):
        wid = lax.axis_index("s") * _NC + lax.axis_index("c")
        base = wid * rpw
        lanes = lax.iota(jnp.int32, _LANES)
        bufs = ((buf0, sems[0]), (buf1, sems[1]), (buf2, sems[2]))

        for s, (buf, sem) in enumerate(bufs):
            pltpu.async_copy(x_hbm.at[base + s], buf, sem)

        def one_row(r, res, buf, sem):
            pltpu.make_async_copy(x_hbm.at[base], buf, sem).wait()
            val = _row_argmax(buf, segmax, lanes)

            @pl.when(r + 3 < rpw)
            def _():
                pltpu.async_copy(x_hbm.at[base + r + 3], buf, sem)

            res = jnp.where(lanes == (r % _LANES), val, res)
            flush = (r % _LANES) == (_LANES - 1)

            @pl.when(flush)
            def _():
                out_buf[pl.ds((r // _LANES) * _LANES, _LANES)] = res

            return jnp.where(flush, jnp.zeros((_LANES,), jnp.float32), res)

        def outer(g, res):
            for b, (buf, sem) in enumerate(bufs):
                res = one_row(3 * g + b, res, buf, sem)
            return res

        res = lax.fori_loop(0, rpw // 3, outer,
                            jnp.zeros((_LANES,), jnp.float32))
        for r in range((rpw // 3) * 3, rpw):
            buf, sem = bufs[r % 3]
            res = one_row(r, res, buf, sem)
        pltpu.sync_copy(out_buf, out_hbm.at[pl.ds(base, rpw)])

    return k(x_flat)


def kernel(output):
    flat = output.reshape(_ROWS, _COLS)
    idx = _argmax_rows_sc(flat, _ROWS)
    return idx.reshape(64, 16, 1)

# --- scband reference (transcript-rebuilt; emitter-appended) ---
"""Pipeline reference for scband-memory-from-decoder-23682449670550 (READ-ONLY COPY).

The authoritative reference and input builder live on the scoring server;
editing this copy changes nothing except your own understanding.
"""

import jax, jax.numpy as jnp
import numpy as np


def setup_inputs(seed: int = 0) -> dict:
    key = jax.random.key(seed)
    output = jax.random.normal(key, (64, 16, 32768), dtype=jnp.float32)
    return {"output": output}


def reference(output):
    # Faithful translation of MemoryFromDecoder.output2input:
    #   softmax over dim 2, top-1 over dim 2, write the top-1 indices into a
    #   float zeros tensor of shape [n, d, 1] (the python double-loop simply
    #   copies index_id[i][j] into fake_input[i][j]).
    sm = jax.nn.softmax(output, axis=2)
    topks, index_id = jax.lax.top_k(sm, 1)  # top_k along last axis; shapes [n, d, 1]
    fake_input = index_id.astype(jnp.float32)  # zeros tensor overwritten with indices
    return fake_input

if __name__ == "__main__":
    import jax
    _d = setup_inputs()
    print(jax.jit(kernel)(*tuple(_d.values())))

</pallas_src>

<mosaic_0001>
#map = affine_map<(d0, d1) -> (0, 0)>
#map1 = affine_map<(d0, d1) -> (0)>
module attributes {stable_mosaic.version = 14 : i64} {
  func.func @k(%arg0: i32, %arg1: i32, %arg2: memref<1024x32768xf32, #tpu.memory_space<hbm>>, %arg3: memref<1024xf32, #tpu.memory_space<hbm>>, %arg4: memref<32768xf32, #tpu.memory_space<vmem>>, %arg5: memref<32768xf32, #tpu.memory_space<vmem>>, %arg6: memref<32768xf32, #tpu.memory_space<vmem>>, %arg7: memref<512xf32, #tpu.memory_space<vmem>>, %arg8: memref<32xf32, #tpu.memory_space<vmem>>, %arg9: memref<!tpu.dma_semaphore, #tpu.memory_space<semaphore_mem>>, %arg10: memref<!tpu.dma_semaphore, #tpu.memory_space<semaphore_mem>>, %arg11: memref<!tpu.dma_semaphore, #tpu.memory_space<semaphore_mem>>) attributes {dimension_semantics = [#tpu.dimension_semantics<core_parallel>, #tpu.dimension_semantics<subcore_parallel>], iteration_bounds = array<i64: 2, 16>, scalar_prefetch = 0 : i64, scratch_operands = 8 : i64, tpu.core_type = #tpu.core_type<sc_vector_subcore>, window_params = [{transform_indices = #map}, {transform_indices = #map1}]} {
    %mul3A = arith.constant 2 : i32
    %mul3A_0 = arith.muli %arg1, %mul3A : i32
    %add3A = arith.addi %mul3A_0, %arg0 : i32
    %mul3A_1 = arith.constant 32 : i32
    %mul3A_2 = arith.muli %add3A, %mul3A_1 : i32
    %iota3A = tpu.iota {dimensions = array<i32: 0>} : vector<16xi32>
    %add3A_3 = arith.constant 0 : i32
    %add3A_4 = arith.addi %mul3A_2, %add3A_3 : i32
    %dma_start3A = arith.constant 0 : i32
    %dma_start3A_5 = tpu.memref_slice %arg2[%add3A_4, %dma_start3A] : memref<1024x32768xf32, #tpu.memory_space<hbm>> -> memref<1x32768xf32, #tpu.memory_space<hbm>>
    %dma_start3A_6 = tpu.memref_squeeze %dma_start3A_5 : memref<1x32768xf32, #tpu.memory_space<hbm>> -> memref<32768xf32, #tpu.memory_space<hbm>>
    %dma_start3A_7 = arith.constant 0 : i32
    %dma_start3A_8 = tpu.memref_slice %arg2[%add3A_4, %dma_start3A_7] : memref<1024x32768xf32, #tpu.memory_space<hbm>> -> memref<1x32768xf32, #tpu.memory_space<hbm>>
    %dma_start3A_9 = tpu.memref_squeeze %dma_start3A_8 : memref<1x32768xf32, #tpu.memory_space<hbm>> -> memref<32768xf32, #tpu.memory_space<hbm>>
    tpu.enqueue_dma source(%dma_start3A_9 : memref<32768xf32, #tpu.memory_space<hbm>>) target(%arg4 : memref<32768xf32, #tpu.memory_space<vmem>>) target_semaphore(%arg9 : memref<!tpu.dma_semaphore, #tpu.memory_space<semaphore_mem>>)
    %add3A_10 = arith.constant 1 : i32
    %add3A_11 = arith.addi %mul3A_2, %add3A_10 : i32
    %dma_start3A_12 = arith.constant 0 : i32
    %dma_start3A_13 = tpu.memref_slice %arg2[%add3A_11, %dma_start3A_12] : memref<1024x32768xf32, #tpu.memory_space<hbm>> -> memref<1x32768xf32, #tpu.memory_space<hbm>>
    %dma_start3A_14 = tpu.memref_squeeze %dma_start3A_13 : memref<1x32768xf32, #tpu.memory_space<hbm>> -> memref<32768xf32, #tpu.memory_space<hbm>>
    %dma_start3A_15 = arith.constant 0 : i32
    %dma_start3A_16 = tpu.memref_slice %arg2[%add3A_11, %dma_start3A_15] : memref<1024x32768xf32, #tpu.memory_space<hbm>> -> memref<1x32768xf32, #tpu.memory_space<hbm>>
    %dma_start3A_17 = tpu.memref_squeeze %dma_start3A_16 : memref<1x32768xf32, #tpu.memory_space<hbm>> -> memref<32768xf32, #tpu.memory_space<hbm>>
    tpu.enqueue_dma source(%dma_start3A_17 : memref<32768xf32, #tpu.memory_space<hbm>>) target(%arg5 : memref<32768xf32, #tpu.memory_space<vmem>>) target_semaphore(%arg10 : memref<!tpu.dma_semaphore, #tpu.memory_space<semaphore_mem>>)
    %add3A_18 = arith.constant 2 : i32
    %add3A_19 = arith.addi %mul3A_2, %add3A_18 : i32
    %dma_start3A_20 = arith.constant 0 : i32
    %dma_start3A_21 = tpu.memref_slice %arg2[%add3A_19, %dma_start3A_20] : memref<1024x32768xf32, #tpu.memory_space<hbm>> -> memref<1x32768xf32, #tpu.memory_space<hbm>>
    %dma_start3A_22 = tpu.memref_squeeze %dma_start3A_21 : memref<1x32768xf32, #tpu.memory_space<hbm>> -> memref<32768xf32, #tpu.memory_space<hbm>>
    %dma_start3A_23 = arith.constant 0 : i32
    %dma_start3A_24 = tpu.memref_slice %arg2[%add3A_19, %dma_start3A_23] : memref<1024x32768xf32, #tpu.memory_space<hbm>> -> memref<1x32768xf32, #tpu.memory_space<hbm>>
    %dma_start3A_25 = tpu.memref_squeeze %dma_start3A_24 : memref<1x32768xf32, #tpu.memory_space<hbm>> -> memref<32768xf32, #tpu.memory_space<hbm>>
    tpu.enqueue_dma source(%dma_start3A_25 : memref<32768xf32, #tpu.memory_space<hbm>>) target(%arg6 : memref<32768xf32, #tpu.memory_space<vmem>>) target_semaphore(%arg11 : memref<!tpu.dma_semaphore, #tpu.memory_space<semaphore_mem>>)
    %broadcast_in_dim3A = arith.constant 0.000000e+00 : f32
    %broadcast_in_dim3A_26 = vector.broadcast %broadcast_in_dim3A : f32 to vector<16xf32>
    %scan3A = arith.constant 0 : i32
    %scan3A_27 = arith.constant 10 : i32
    %scan3A_28 = arith.addi %scan3A, %scan3A_27 : i32
    %scan3A_29 = arith.constant 1 : i32
    %scan3A_30 = scf.for %scan3A_168 = %scan3A to %scan3A_28 step %scan3A_29 iter_args(%scan3A_169 = %broadcast_in_dim3A_26) -> (vector<16xf32>)  : i32 {
      %mul3A_170 = arith.constant 3 : i32
      %mul3A_171 = arith.muli %mul3A_170, %scan3A_168 : i32
      %add3A_172 = arith.constant 0 : i32
      %add3A_173 = arith.addi %mul3A_171, %add3A_172 : i32
      %dma_wait3A_174 = arith.constant 0 : i32
      %dma_wait3A_175 = tpu.memref_slice %arg2[%mul3A_2, %dma_wait3A_174] : memref<1024x32768xf32, #tpu.memory_space<hbm>> -> memref<1x32768xf32, #tpu.memory_space<hbm>>
      %dma_wait3A_176 = tpu.memref_squeeze %dma_wait3A_175 : memref<1x32768xf32, #tpu.memory_space<hbm>> -> memref<32768xf32, #tpu.memory_space<hbm>>
      %dma_wait3A_177 = arith.constant 0 : i32
      %dma_wait3A_178 = tpu.memref_slice %arg2[%mul3A_2, %dma_wait3A_177] : memref<1024x32768xf32, #tpu.memory_space<hbm>> -> memref<1x32768xf32, #tpu.memory_space<hbm>>
      %dma_wait3A_179 = tpu.memref_squeeze %dma_wait3A_178 : memref<1x32768xf32, #tpu.memory_space<hbm>> -> memref<32768xf32, #tpu.memory_space<hbm>>
      tpu.wait_dma2 semaphore(%arg9 : memref<!tpu.dma_semaphore, #tpu.memory_space<semaphore_mem>>) src(%dma_wait3A_179 : memref<32768xf32, #tpu.memory_space<hbm>>) dst(%arg4 : memref<32768xf32, #tpu.memory_space<vmem>>)
      %broadcast_in_dim3A_180 = arith.constant 0xFF800000 : f32
      %broadcast_in_dim3A_181 = vector.broadcast %broadcast_in_dim3A_180 : f32 to vector<16xf32>
      %parallel_loop3A_182 = arith.constant 0 : i32
      %parallel_loop3A_183 = arith.constant 32 : i32
      %parallel_loop3A_184 = arith.constant 1 : i32
      scf.for %parallel_loop3A_519 = %parallel_loop3A_182 to %parallel_loop3A_183 step %parallel_loop3A_184  : i32 {
        %parallel_loop3A_520 = arith.constant 1024 : i32
        %parallel_loop3A_521 = arith.muli %parallel_loop3A_519, %parallel_loop3A_520 : i32
        %parallel_loop3A_522 = arith.constant 0 : i32
        %parallel_loop3A_523 = arith.addi %parallel_loop3A_521, %parallel_loop3A_522 : i32
        %parallel_loop3A_524 = arith.index_cast %parallel_loop3A_523 : i32 to index
        %parallel_loop3A_525 = tpu.vector_load %arg4[%parallel_loop3A_524] {strides = array<i32>} : memref<32768xf32, #tpu.memory_space<vmem>>, vector<16xf32>,
        %parallel_loop3A_526 = arith.maximumf %broadcast_in_dim3A_181, %parallel_loop3A_525 : vector<16xf32>
        %parallel_loop3A_527 = arith.constant 16 : i32
        %parallel_loop3A_528 = arith.addi %parallel_loop3A_521, %parallel_loop3A_527 : i32
        %parallel_loop3A_529 = arith.index_cast %parallel_loop3A_528 : i32 to index
        %parallel_loop3A_530 = tpu.vector_load %arg4[%parallel_loop3A_529] {strides = array<i32>} : memref<32768xf32, #tpu.memory_space<vmem>>, vector<16xf32>,
        %parallel_loop3A_531 = arith.maximumf %broadcast_in_dim3A_181, %parallel_loop3A_530 : vector<16xf32>
        %parallel_loop3A_532 = arith.constant 32 : i32
        %parallel_loop3A_533 = arith.addi %parallel_loop3A_521, %parallel_loop3A_532 : i32
        %parallel_loop3A_534 = arith.index_cast %parallel_loop3A_533 : i32 to index
        %parallel_loop3A_535 = tpu.vector_load %arg4[%parallel_loop3A_534] {strides = array<i32>} : memref<32768xf32, #tpu.memory_space<vmem>>, vector<16xf32>,
        %parallel_loop3A_536 = arith.maximumf %broadcast_in_dim3A_181, %parallel_loop3A_535 : vector<16xf32>
        %parallel_loop3A_537 = arith.constant 48 : i32
        %parallel_loop3A_538 = arith.addi %parallel_loop3A_521, %parallel_loop3A_537 : i32
        %parallel_loop3A_539 = arith.index_cast %parallel_loop3A_538 : i32 to index
        %parallel_loop3A_540 = tpu.vector_load %arg4[%parallel_loop3A_539] {strides = array<i32>} : memref<32768xf32, #tpu.memory_space<vmem>>, vector<16xf32>,
        %parallel_loop3A_541 = arith.maximumf %broadcast_in_dim3A_181, %parallel_loop3A_540 : vector<16xf32>
        %parallel_loop3A_542 = arith.constant 64 : i32
        %parallel_loop3A_543 = arith.addi %parallel_loop3A_521, %parallel_loop3A_542 : i32
        %parallel_loop3A_544 = arith.index_cast %parallel_loop3A_543 : i32 to index
        %parallel_loop3A_545 = tpu.vector_load %arg4[%parallel_loop3A_544] {strides = array<i32>} : memref<32768xf32, #tpu.memory_space<vmem>>, vector<16xf32>,
        %parallel_loop3A_546 = arith.maximumf %broadcast_in_dim3A_181, %parallel_loop3A_545 : vector<16xf32>
        %parallel_loop3A_547 = arith.constant 80 : i32
        %parallel_loop3A_548 = arith.addi %parallel_loop3A_521, %parallel_loop3A_547 : i32
        %parallel_loop3A_549 = arith.index_cast %parallel_loop3A_548 : i32 to index
        %parallel_loop3A_550 = tpu.vector_load %arg4[%parallel_loop3A_549] {strides = array<i32>} : memref<32768xf32, #tpu.memory_space<vmem>>, vector<16xf32>,
        %parallel_loop3A_551 = arith.maximumf %broadcast_in_dim3A_181, %parallel_loop3A_550 : vector<16xf32>
        %parallel_loop3A_552 = arith.constant 96 : i32
        %parallel_loop3A_553 = arith.addi %parallel_loop3A_521, %parallel_loop3A_552 : i32
        %parallel_loop3A_554 = arith.index_cast %parallel_loop3A_553 : i32 to index
        %parallel_loop3A_555 = tpu.vector_load %arg4[%parallel_loop3A_554] {strides = array<i32>} : memref<32768xf32, #tpu.memory_space<vmem>>, vector<16xf32>,
        %parallel_loop3A_556 = arith.maximumf %broadcast_in_dim3A_181, %parallel_loop3A_555 : vector<16xf32>
        %parallel_loop3A_557 = arith.constant 112 : i32
        %parallel_loop3A_558 = arith.addi %parallel_loop3A_521, %parallel_loop3A_557 : i32
        %parallel_loop3A_559 = arith.index_cast %parallel_loop3A_558 : i32 to index
        %parallel_loop3A_560 = tpu.vector_load %arg4[%parallel_loop3A_559] {strides = array<i32>} : memref<32768xf32, #tpu.memory_space<vmem>>, vector<16xf32>,
        %parallel_loop3A_561 = arith.maximumf %broadcast_in_dim3A_181, %parallel_loop3A_560 : vector<16xf32>
        %parallel_loop3A_562 = arith.constant 128 : i32
        %parallel_loop3A_563 = arith.addi %parallel_loop3A_521, %parallel_loop3A_562 : i32
        %parallel_loop3A_564 = arith.index_cast %parallel_loop3A_563 : i32 to index
        %parallel_loop3A_565 = tpu.vector_load %arg4[%parallel_loop3A_564] {strides = array<i32>} : memref<32768xf32, #tpu.memory_space<vmem>>, vector<16xf32>,
        %parallel_loop3A_566 = arith.maximumf %parallel_loop3A_526, %parallel_loop3A_565 : vector<16xf32>
        %parallel_loop3A_567 = arith.constant 144 : i32
        %parallel_loop3A_568 = arith.addi %parallel_loop3A_521, %parallel_loop3A_567 : i32
        %parallel_loop3A_569 = arith.index_cast %parallel_loop3A_568 : i32 to index
        %parallel_loop3A_570 = tpu.vector_load %arg4[%parallel_loop3A_569] {strides = array<i32>} : memref<32768xf32, #tpu.memory_space<vmem>>, vector<16xf32>,
        %parallel_loop3A_571 = arith.maximumf %parallel_loop3A_531, %parallel_loop3A_570 : vector<16xf32>
        %parallel_loop3A_572 = arith.constant 160 : i32
        %parallel_loop3A_573 = arith.addi %parallel_loop3A_521, %parallel_loop3A_572 : i32
        %parallel_loop3A_574 = arith.index_cast %parallel_loop3A_573 : i32 to index
        %parallel_loop3A_575 = tpu.vector_load %arg4[%parallel_loop3A_574] {strides = array<i32>} : memref<32768xf32, #tpu.memory_space<vmem>>, vector<16xf32>,
        %parallel_loop3A_576 = arith.maximumf %parallel_loop3A_536, %parallel_loop3A_575 : vector<16xf32>
        %parallel_loop3A_577 = arith.constant 176 : i32
        %parallel_loop3A_578 = arith.addi %parallel_loop3A_521, %parallel_loop3A_577 : i32
        %parallel_loop3A_579 = arith.index_cast %parallel_loop3A_578 : i32 to index
        %parallel_loop3A_580 = tpu.vector_load %arg4[%parallel_loop3A_579] {strides = array<i32>} : memref<32768xf32, #tpu.memory_space<vmem>>, vector<16xf32>,
        %parallel_loop3A_581 = arith.maximumf %parallel_loop3A_541, %parallel_loop3A_580 : vector<16xf32>
        %parallel_loop3A_582 = arith.constant 192 : i32
        %parallel_loop3A_583 = arith.addi %parallel_loop3A_521, %parallel_loop3A_582 : i32
        %parallel_loop3A_584 = arith.index_cast %parallel_loop3A_583 : i32 to index
        %parallel_loop3A_585 = tpu.vector_load %arg4[%parallel_loop3A_584] {strides = array<i32>} : memref<32768xf32, #tpu.memory_space<vmem>>, vector<16xf32>,
        %parallel_loop3A_586 = arith.maximumf %parallel_loop3A_546, %parallel_loop3A_585 : vector<16xf32>
        %parallel_loop3A_587 = arith.constant 208 : i32
        %parallel_loop3A_588 = arith.addi %parallel_loop3A_521, %parallel_loop3A_587 : i32
        %parallel_loop3A_589 = arith.index_cast %parallel_loop3A_588 : i32 to index
        %parallel_loop3A_590 = tpu.vector_load %arg4[%parallel_loop3A_589] {strides = array<i32>} : memref<32768xf32, #tpu.memory_space<vmem>>, vector<16xf32>,
        %parallel_loop3A_591 = arith.maximumf %parallel_loop3A_551, %parallel_loop3A_590 : vector<16xf32>
        %parallel_loop3A_592 = arith.constant 224 : i32
        %parallel_loop3A_593 = arith.addi %parallel_loop3A_521, %parallel_loop3A_592 : i32
        %parallel_loop3A_594 = arith.index_cast %parallel_loop3A_593 : i32 to index
        %parallel_loop3A_595 = tpu.vector_load %arg4[%parallel_loop3A_594] {strides = array<i32>} : memref<32768xf32, #tpu.memory_space<vmem>>, vector<16xf32>,
        %parallel_loop3A_596 = arith.maximumf %parallel_loop3A_556, %parallel_loop3A_595 : vector<16xf32>
        %parallel_loop3A_597 = arith.constant 240 : i32
        %parallel_loop3A_598 = arith.addi %parallel_loop3A_521, %parallel_loop3A_597 : i32
        %parallel_loop3A_599 = arith.index_cast %parallel_loop3A_598 : i32 to index
        %parallel_loop3A_600 = tpu.vector_load %arg4[%parallel_loop3A_599] {strides = array<i32>} : memref<32768xf32, #tpu.memory_space<vmem>>, vector<16xf32>,
        %parallel_loop3A_601 = arith.maximumf %parallel_loop3A_561, %parallel_loop3A_600 : vector<16xf32>
        %parallel_loop3A_602 = arith.constant 256 : i32
        %parallel_loop3A_603 = arith.addi %parallel_loop3A_521, %parallel_loop3A_602 : i32
        %parallel_loop3A_604 = arith.index_cast %parallel_loop3A_603 : i32 to index
        %parallel_loop3A_605 = tpu.vector_load %arg4[%parallel_loop3A_604] {strides = array<i32>} : memref<32768xf32, #tpu.memory_space<vmem>>, vector<16xf32>,
        %parallel_loop3A_606 = arith.maximumf %parallel_loop3A_566, %parallel_loop3A_605 : vector<16xf32>
        %parallel_loop3A_607 = arith.constant 272 : i32
        %parallel_loop3A_608 = arith.addi %parallel_loop3A_521, %parallel_loop3A_607 : i32
        %parallel_loop3A_609 = arith.index_cast %parallel_loop3A_608 : i32 to index
        %parallel_loop3A_610 = tpu.vector_load %arg4[%parallel_loop3A_609] {strides = array<i32>} : memref<32768xf32, #tpu.memory_space<vmem>>, vector<16xf32>,
        %parallel_loop3A_611 = arith.maximumf %parallel_loop3A_571, %parallel_loop3A_610 : vector<16xf32>
        %parallel_loop3A_612 = arith.constant 288 : i32
        %parallel_loop3A_613 = arith.addi %parallel_loop3A_521, %parallel_loop3A_612 : i32
        %parallel_loop3A_614 = arith.index_cast %parallel_loop3A_613 : i32 to index
        %parallel_loop3A_615 = tpu.vector_load %arg4[%parallel_loop3A_614] {strides = array<i32>} : memref<32768xf32, #tpu.memory_space<vmem>>, vector<16xf32>,
        %parallel_loop3A_616 = arith.maximumf %parallel_loop3A_576, %parallel_loop3A_615 : vector<16xf32>
        %parallel_loop3A_617 = arith.constant 304 : i32
        %parallel_loop3A_618 = arith.addi %parallel_loop3A_521, %parallel_loop3A_617 : i32
        %parallel_loop3A_619 = arith.index_cast %parallel_loop3A_618 : i32 to index
        %parallel_loop3A_620 = tpu.vector_load %arg4[%parallel_loop3A_619] {strides = array<i32>} : memref<32768xf32, #tpu.memory_space<vmem>>, vector<16xf32>,
        %parallel_loop3A_621 = arith.maximumf %parallel_loop3A_581, %parallel_loop3A_620 : vector<16xf32>
        %parallel_loop3A_622 = arith.constant 320 : i32
        %parallel_loop3A_623 = arith.addi %parallel_loop3A_521, %parallel_loop3A_622 : i32
        %parallel_loop3A_624 = arith.index_cast %parallel_loop3A_623 : i32 to index
        %parallel_loop3A_625 = tpu.vector_load %arg4[%parallel_loop3A_624] {strides = array<i32>} : memref<32768xf32, #tpu.memory_space<vmem>>, vector<16xf32>,
        %parallel_loop3A_626 = arith.maximumf %parallel_loop3A_586, %parallel_loop3A_625 : vector<16xf32>
        %parallel_loop3A_627 = arith.constant 336 : i32
        %parallel_loop3A_628 = arith.addi %parallel_loop3A_521, %parallel_loop3A_627 : i32
        %parallel_loop3A_629 = arith.index_cast %parallel_loop3A_628 : i32 to index
        %parallel_loop3A_630 = tpu.vector_load %arg4[%parallel_loop3A_629] {strides = array<i32>} : memref<32768xf32, #tpu.memory_space<vmem>>, vector<16xf32>,
        %parallel_loop3A_631 = arith.maximumf %parallel_loop3A_591, %parallel_loop3A_630 : vector<16xf32>
        %parallel_loop3A_632 = arith.constant 352 : i32
        %parallel_loop3A_633 = arith.addi %parallel_loop3A_521, %parallel_loop3A_632 : i32
        %parallel_loop3A_634 = arith.index_cast %parallel_loop3A_633 : i32 to index
        %parallel_loop3A_635 = tpu.vector_load %arg4[%parallel_loop3A_634] {strides = array<i32>} : memref<32768xf32, #tpu.memory_space<vmem>>, vector<16xf32>,
        %parallel_loop3A_636 = arith.maximumf %parallel_loop3A_596, %parallel_loop3A_635 : vector<16xf32>
        %parallel_loop3A_637 = arith.constant 368 : i32
        %parallel_loop3A_638 = arith.addi %parallel_loop3A_521, %parallel_loop3A_637 : i32
        %parallel_loop3A_639 = arith.index_cast %parallel_loop3A_638 : i32 to index
        %parallel_loop3A_640 = tpu.vector_load %arg4[%parallel_loop3A_639] {strides = array<i32>} : memref<32768xf32, #tpu.memory_space<vmem>>, vector<16xf32>,
        %parallel_loop3A_641 = arith.maximumf %parallel_loop3A_601, %parallel_loop3A_640 : vector<16xf32>
        %parallel_loop3A_642 = arith.constant 384 : i32
        %parallel_loop3A_643 = arith.addi %parallel_loop3A_521, %parallel_loop3A_642 : i32
        %parallel_loop3A_644 = arith.index_cast %parallel_loop3A_643 : i32 to index
        %parallel_loop3A_645 = tpu.vector_load %arg4[%parallel_loop3A_644] {strides = array<i32>} : memref<32768xf32, #tpu.memory_space<vmem>>, vector<16xf32>,
        %parallel_loop3A_646 = arith.maximumf %parallel_loop3A_606, %parallel_loop3A_645 : vector<16xf32>
        %parallel_loop3A_647 = arith.constant 400 : i32
        %parallel_loop3A_648 = arith.addi %parallel_loop3A_521, %parallel_loop3A_647 : i32
        %parallel_loop3A_649 = arith.index_cast %parallel_loop3A_648 : i32 to index
        %parallel_loop3A_650 = tpu.vector_load %arg4[%parallel_loop3A_649] {strides = array<i32>} : memref<32768xf32, #tpu.memory_space<vmem>>, vector<16xf32>,
        %parallel_loop3A_651 = arith.maximumf %parallel_loop3A_611, %parallel_loop3A_650 : vector<16xf32>
        %parallel_loop3A_652 = arith.constant 416 : i32
        %parallel_loop3A_653 = arith.addi %parallel_loop3A_521, %parallel_loop3A_652 : i32
        %parallel_loop3A_654 = arith.index_cast %parallel_loop3A_653 : i32 to index
        %parallel_loop3A_655 = tpu.vector_load %arg4[%parallel_loop3A_654] {strides = array<i32>} : memref<32768xf32, #tpu.memory_space<vmem>>, vector<16xf32>,
        %parallel_loop3A_656 = arith.maximumf %parallel_loop3A_616, %parallel_loop3A_655 : vector<16xf32>
        %parallel_loop3A_657 = arith.constant 432 : i32
        %parallel_loop3A_658 = arith.addi %parallel_loop3A_521, %parallel_loop3A_657 : i32
        %parallel_loop3A_659 = arith.index_cast %parallel_loop3A_658 : i32 to index
        %parallel_loop3A_660 = tpu.vector_load %arg4[%parallel_loop3A_659] {strides = array<i32>} : memref<32768xf32, #tpu.memory_space<vmem>>, vector<16xf32>,
        %parallel_loop3A_661 = arith.maximumf %parallel_loop3A_621, %parallel_loop3A_660 : vector<16xf32>
        %parallel_loop3A_662 = arith.constant 448 : i32
        %parallel_loop3A_663 = arith.addi %parallel_loop3A_521, %parallel_loop3A_662 : i32
        %parallel_loop3A_664 = arith.index_cast %parallel_loop3A_663 : i32 to index
        %parallel_loop3A_665 = tpu.vector_load %arg4[%parallel_loop3A_664] {strides = array<i32>} : memref<32768xf32, #tpu.memory_space<vmem>>, vector<16xf32>,
        %parallel_loop3A_666 = arith.maximumf %parallel_loop3A_626, %parallel_loop3A_665 : vector<16xf32>
        %parallel_loop3A_667 = arith.constant 464 : i32
        %parallel_loop3A_668 = arith.addi %parallel_loop3A_521, %parallel_loop3A_667 : i32
        %parallel_loop3A_669 = arith.index_cast %parallel_loop3A_668 : i32 to index
        %parallel_loop3A_670 = tpu.vector_load %arg4[%parallel_loop3A_669] {strides = array<i32>} : memref<32768xf32, #tpu.memory_space<vmem>>, vector<16xf32>,
        %parallel_loop3A_671 = arith.maximumf %parallel_loop3A_631, %parallel_loop3A_670 : vector<16xf32>
        %parallel_loop3A_672 = arith.constant 480 : i32
        %parallel_loop3A_673 = arith.addi %parallel_loop3A_521, %parallel_loop3A_672 : i32
        %parallel_loop3A_674 = arith.index_cast %parallel_loop3A_673 : i32 to index
        %parallel_loop3A_675 = tpu.vector_load %arg4[%parallel_loop3A_674] {strides = array<i32>} : memref<32768xf32, #tpu.memory_space<vmem>>, vector<16xf32>,
        %parallel_loop3A_676 = arith.maximumf %parallel_loop3A_636, %parallel_loop3A_675 : vector<16xf32>
        %parallel_loop3A_677 = arith.constant 496 : i32
        %parallel_loop3A_678 = arith.addi %parallel_loop3A_521, %parallel_loop3A_677 : i32
        %parallel_loop3A_679 = arith.index_cast %parallel_loop3A_678 : i32 to index
        %parallel_loop3A_680 = tpu.vector_load %arg4[%parallel_loop3A_679] {strides = array<i32>} : memref<32768xf32, #tpu.memory_space<vmem>>, vector<16xf32>,
        %parallel_loop3A_681 = arith.maximumf %parallel_loop3A_641, %parallel_loop3A_680 : vector<16xf32>
        %parallel_loop3A_682 = arith.constant 512 : i32
        %parallel_loop3A_683 = arith.addi %parallel_loop3A_521, %parallel_loop3A_682 : i32
        %parallel_loop3A_684 = arith.index_cast %parallel_loop3A_683 : i32 to index
        %parallel_loop3A_685 = tpu.vector_load %arg4[%parallel_loop3A_684] {strides = array<i32>} : memref<32768xf32, #tpu.memory_space<vmem>>, vector<16xf32>,
        %parallel_loop3A_686 = arith.maximumf %parallel_loop3A_646, %parallel_loop3A_685 : vector<16xf32>
        %parallel_loop3A_687 = arith.constant 528 : i32
        %parallel_loop3A_688 = arith.addi %parallel_loop3A_521, %parallel_loop3A_687 : i32
        %parallel_loop3A_689 = arith.index_cast %parallel_loop3A_688 : i32 to index
        %parallel_loop3A_690 = tpu.vector_load %arg4[%parallel_loop3A_689] {strides = array<i32>} : memref<32768xf32, #tpu.memory_space<vmem>>, vector<16xf32>,
        %parallel_loop3A_691 = arith.maximumf %parallel_loop3A_651, %parallel_loop3A_690 : vector<16xf32>
        %parallel_loop3A_692 = arith.constant 544 : i32
        %parallel_loop3A_693 = arith.addi %parallel_loop3A_521, %parallel_loop3A_692 : i32
        %parallel_loop3A_694 = arith.index_cast %parallel_loop3A_693 : i32 to index
        %parallel_loop3A_695 = tpu.vector_load %arg4[%parallel_loop3A_694] {strides = array<i32>} : memref<32768xf32, #tpu.memory_space<vmem>>, vector<16xf32>,
        %parallel_loop3A_696 = arith.maximumf %parallel_loop3A_656, %parallel_loop3A_695 : vector<16xf32>
        %parallel_loop3A_697 = arith.constant 560 : i32
        %parallel_loop3A_698 = arith.addi %parallel_loop3A_521, %parallel_loop3A_697 : i32
        %parallel_loop3A_699 = arith.index_cast %parallel_loop3A_698 : i32 to index
        %parallel_loop3A_700 = tpu.vector_load %arg4[%parallel_loop3A_699] {strides = array<i32>} : memref<32768xf32, #tpu.memory_space<vmem>>, vector<16xf32>,
        %parallel_loop3A_701 = arith.maximumf %parallel_loop3A_661, %parallel_loop3A_700 : vector<16xf32>
        %parallel_loop3A_702 = arith.constant 576 : i32
        %parallel_loop3A_703 = arith.addi %parallel_loop3A_521, %parallel_loop3A_702 : i32
        %parallel_loop3A_704 = arith.index_cast %parallel_loop3A_703 : i32 to index
        %parallel_loop3A_705 = tpu.vector_load %arg4[%parallel_loop3A_704] {strides = array<i32>} : memref<32768xf32, #tpu.memory_space<vmem>>, vector<16xf32>,
        %parallel_loop3A_706 = arith.maximumf %parallel_loop3A_666, %parallel_loop3A_705 : vector<16xf32>
        %parallel_loop3A_707 = arith.constant 592 : i32
        %parallel_loop3A_708 = arith.addi %parallel_loop3A_521, %parallel_loop3A_707 : i32
        %parallel_loop3A_709 = arith.index_cast %parallel_loop3A_708 : i32 to index
        %parallel_loop3A_710 = tpu.vector_load %arg4[%parallel_loop3A_709] {strides = array<i32>} : memref<32768xf32, #tpu.memory_space<vmem>>, vector<16xf32>,
        %parallel_loop3A_711 = arith.maximumf %parallel_loop3A_671, %parallel_loop3A_710 : vector<16xf32>
        %parallel_loop3A_712 = arith.constant 608 : i32
        %parallel_loop3A_713 = arith.addi %parallel_loop3A_521, %parallel_loop3A_712 : i32
        %parallel_loop3A_714 = arith.index_cast %parallel_loop3A_713 : i32 to index
        %parallel_loop3A_715 = tpu.vector_load %arg4[%parallel_loop3A_714] {strides = array<i32>} : memref<32768xf32, #tpu.memory_space<vmem>>, vector<16xf32>,
        %parallel_loop3A_716 = arith.maximumf %parallel_loop3A_676, %parallel_loop3A_715 : vector<16xf32>
        %parallel_loop3A_717 = arith.constant 624 : i32
        %parallel_loop3A_718 = arith.addi %parallel_loop3A_521, %parallel_loop3A_717 : i32
        %parallel_loop3A_719 = arith.index_cast %parallel_loop3A_718 : i32 to index
        %parallel_loop3A_720 = tpu.vector_load %arg4[%parallel_loop3A_719] {strides = array<i32>} : memref<32768xf32, #tpu.memory_space<vmem>>, vector<16xf32>,
        %parallel_loop3A_721 = arith.maximumf %parallel_loop3A_681, %parallel_loop3A_720 : vector<16xf32>
        %parallel_loop3A_722 = arith.constant 640 : i32
        %parallel_loop3A_723 = arith.addi %parallel_loop3A_521, %parallel_loop3A_722 : i32
        %parallel_loop3A_724 = arith.index_cast %parallel_loop3A_723 : i32 to index
        %parallel_loop3A_725 = tpu.vector_load %arg4[%parallel_loop3A_724] {strides = array<i32>} : memref<32768xf32, #tpu.memory_space<vmem>>, vector<16xf32>,
        %parallel_loop3A_726 = arith.maximumf %parallel_loop3A_686, %parallel_loop3A_725 : vector<16xf32>
        %parallel_loop3A_727 = arith.constant 656 : i32
        %parallel_loop3A_728 = arith.addi %parallel_loop3A_521, %parallel_loop3A_727 : i32
        %parallel_loop3A_729 = arith.index_cast %parallel_loop3A_728 : i32 to index
        %parallel_loop3A_730 = tpu.vector_load %arg4[%parallel_loop3A_729] {strides = array<i32>} : memref<32768xf32, #tpu.memory_space<vmem>>, vector<16xf32>,
        %parallel_loop3A_731 = arith.maximumf %parallel_loop3A_691, %parallel_loop3A_730 : vector<16xf32>
        %parallel_loop3A_732 = arith.constant 672 : i32
        %parallel_loop3A_733 = arith.addi %parallel_loop3A_521, %parallel_loop3A_732 : i32
        %parallel_loop3A_734 = arith.index_cast %parallel_loop3A_733 : i32 to index
        %parallel_loop3A_735 = tpu.vector_load %arg4[%parallel_loop3A_734] {strides = array<i32>} : memref<32768xf32, #tpu.memory_space<vmem>>, vector<16xf32>,
        %parallel_loop3A_736 = arith.maximumf %parallel_loop3A_696, %parallel_loop3A_735 : vector<16xf32>
        %parallel_loop3A_737 = arith.constant 688 : i32
        %parallel_loop3A_738 = arith.addi %parallel_loop3A_521, %parallel_loop3A_737 : i32
        %parallel_loop3A_739 = arith.index_cast %parallel_loop3A_738 : i32 to index
        %parallel_loop3A_740 = tpu.vector_load %arg4[%parallel_loop3A_739] {strides = array<i32>} : memref<32768xf32, #tpu.memory_space<vmem>>, vector<16xf32>,
        %parallel_loop3A_741 = arith.maximumf %parallel_loop3A_701, %parallel_loop3A_740 : vector<16xf32>
        %parallel_loop3A_742 = arith.constant 704 : i32
        %parallel_loop3A_743 = arith.addi %parallel_loop3A_521, %parallel_loop3A_742 : i32
        %parallel_loop3A_744 = arith.index_cast %parallel_loop3A_743 : i32 to index
        %parallel_loop3A_745 = tpu.vector_load %arg4[%parallel_loop3A_744] {strides = array<i32>} : memref<32768xf32, #tpu.memory_space<vmem>>, vector<16xf32>,
        %parallel_loop3A_746 = arith.maximumf %parallel_loop3A_706, %parallel_loop3A_745 : vector<16xf32>
        %parallel_loop3A_747 = arith.constant 720 : i32
        %parallel_loop3A_748 = arith.addi %parallel_loop3A_521, %parallel_loop3A_747 : i32
        %parallel_loop3A_749 = arith.index_cast %parallel_loop3A_748 : i32 to index
        %parallel_loop3A_750 = tpu.vector_load %arg4[%parallel_loop3A_749] {strides = array<i32>} : memref<32768xf32, #tpu.memory_space<vmem>>, vector<16xf32>,
        %parallel_loop3A_751 = arith.maximumf %parallel_loop3A_711, %parallel_loop3A_750 : vector<16xf32>
        %parallel_loop3A_752 = arith.constant 736 : i32
        %parallel_loop3A_753 = arith.addi %parallel_loop3A_521, %parallel_loop3A_752 : i32
        %parallel_loop3A_754 = arith.index_cast %parallel_loop3A_753 : i32 to index
        %parallel_loop3A_755 = tpu.vector_load %arg4[%parallel_loop3A_754] {strides = array<i32>} : memref<32768xf32, #tpu.memory_space<vmem>>, vector<16xf32>,
        %parallel_loop3A_756 = arith.maximumf %parallel_loop3A_716, %parallel_loop3A_755 : vector<16xf32>
        %parallel_loop3A_757 = arith.constant 752 : i32
        %parallel_loop3A_758 = arith.addi %parallel_loop3A_521, %parallel_loop3A_757 : i32
        %parallel_loop3A_759 = arith.index_cast %parallel_loop3A_758 : i32 to index
        %parallel_loop3A_760 = tpu.vector_load %arg4[%parallel_loop3A_759] {strides = array<i32>} : memref<32768xf32, #tpu.memory_space<vmem>>, vector<16xf32>,
        %parallel_loop3A_761 = arith.maximumf %parallel_loop3A_721, %parallel_loop3A_760 : vector<16xf32>
        %parallel_loop3A_762 = arith.constant 768 : i32
        %parallel_loop3A_763 = arith.addi %parallel_loop3A_521, %parallel_loop3A_762 : i32
        %parallel_loop3A_764 = arith.index_cast %parallel_loop3A_763 : i32 to index
        %parallel_loop3A_765 = tpu.vector_load %arg4[%parallel_loop3A_764] {strides = array<i32>} : memref<32768xf32, #tpu.memory_space<vmem>>, vector<16xf32>,
        %parallel_loop3A_766 = arith.maximumf %parallel_loop3A_726, %parallel_loop3A_765 : vector<16xf32>
        %parallel_loop3A_767 = arith.constant 784 : i32
        %parallel_loop3A_768 = arith.addi %parallel_loop3A_521, %parallel_loop3A_767 : i32
        %parallel_loop3A_769 = arith.index_cast %parallel_loop3A_768 : i32 to index
        %parallel_loop3A_770 = tpu.vector_load %arg4[%parallel_loop3A_769] {strides = array<i32>} : memref<32768xf32, #tpu.memory_space<vmem>>, vector<16xf32>,
        %parallel_loop3A_771 = arith.maximumf %parallel_loop3A_731, %parallel_loop3A_770 : vector<16xf32>
        %parallel_loop3A_772 = arith.constant 800 : i32
        %parallel_loop3A_773 = arith.addi %parallel_loop3A_521, %parallel_loop3A_772 : i32
        %parallel_loop3A_774 = arith.index_cast %parallel_loop3A_773 : i32 to index
        %parallel_loop3A_775 = tpu.vector_load %arg4[%parallel_loop3A_774] {strides = array<i32>} : memref<32768xf32, #tpu.memory_space<vmem>>, vector<16xf32>,
        %parallel_loop3A_776 = arith.maximumf %parallel_loop3A_736, %parallel_loop3A_775 : vector<16xf32>
        %parallel_loop3A_777 = arith.constant 816 : i32
        %parallel_loop3A_778 = arith.addi %parallel_loop3A_521, %parallel_loop3A_777 : i32
        %parallel_loop3A_779 = arith.index_cast %parallel_loop3A_778 : i32 to index
        %parallel_loop3A_780 = tpu.vector_load %arg4[%parallel_loop3A_779] {strides = array<i32>} : memref<32768xf32, #tpu.memory_space<vmem>>, vector<16xf32>,
        %parallel_loop3A_781 = arith.maximumf %parallel_loop3A_741, %parallel_loop3A_780 : vector<16xf32>
        %parallel_loop3A_782 = arith.constant 832 : i32
        %parallel_loop3A_783 = arith.addi %parallel_loop3A_521, %parallel_loop3A_782 : i32
        %parallel_loop3A_784 = arith.index_cast %parallel_loop3A_783 : i32 to index
        %parallel_loop3A_785 = tpu.vector_load %arg4[%parallel_loop3A_784] {strides = array<i32>} : memref<32768xf32, #tpu.memory_space<vmem>>, vector<16xf32>,
        %parallel_loop3A_786 = arith.maximumf %parallel_loop3A_746, %parallel_loop3A_785 : vector<16xf32>
        %parallel_loop3A_787 = arith.constant 848 : i32
        %parallel_loop3A_788 = arith.addi %parallel_loop3A_521, %parallel_loop3A_787 : i32
        %parallel_loop3A_789 = arith.index_cast %parallel_loop3A_788 : i32 to index
        %parallel_loop3A_790 = tpu.vector_load %arg4[%parallel_loop3A_789] {strides = array<i32>} : memref<32768xf32, #tpu.memory_space<vmem>>, vector<16xf32>,
        %parallel_loop3A_791 = arith.maximumf %parallel_loop3A_751, %parallel_loop3A_790 : vector<16xf32>
        %parallel_loop3A_792 = arith.constant 864 : i32
        %parallel_loop3A_793 = arith.addi %parallel_loop3A_521, %parallel_loop3A_792 : i32
        %parallel_loop3A_794 = arith.index_cast %parallel_loop3A_793 : i32 to index
        %parallel_loop3A_795 = tpu.vector_load %arg4[%parallel_loop3A_794] {strides = array<i32>} : memref<32768xf32, #tpu.memory_space<vmem>>, vector<16xf32>,
        %parallel_loop3A_796 = arith.maximumf %parallel_loop3A_756, %parallel_loop3A_795 : vector<16xf32>
        %parallel_loop3A_797 = arith.constant 880 : i32
        %parallel_loop3A_798 = arith.addi %parallel_loop3A_521, %parallel_loop3A_797 : i32
        %parallel_loop3A_799 = arith.index_cast %parallel_loop3A_798 : i32 to index
        %parallel_loop3A_800 = tpu.vector_load %arg4[%parallel_loop3A_799] {strides = array<i32>} : memref<32768xf32, #tpu.memory_space<vmem>>, vector<16xf32>,
        %parallel_loop3A_801 = arith.maximumf %parallel_loop3A_761, %parallel_loop3A_800 : vector<16xf32>
        %parallel_loop3A_802 = arith.constant 896 : i32
        %parallel_loop3A_803 = arith.addi %parallel_loop3A_521, %parallel_loop3A_802 : i32
        %parallel_loop3A_804 = arith.index_cast %parallel_loop3A_803 : i32 to index
        %parallel_loop3A_805 = tpu.vector_load %arg4[%parallel_loop3A_804] {strides = array<i32>} : memref<32768xf32, #tpu.memory_space<vmem>>, vector<16xf32>,
        %parallel_loop3A_806 = arith.maximumf %parallel_loop3A_766, %parallel_loop3A_805 : vector<16xf32>
        %parallel_loop3A_807 = arith.constant 912 : i32
        %parallel_loop3A_808 = arith.addi %parallel_loop3A_521, %parallel_loop3A_807 : i32
        %parallel_loop3A_809 = arith.index_cast %parallel_loop3A_808 : i32 to index
        %parallel_loop3A_810 = tpu.vector_load %arg4[%parallel_loop3A_809] {strides = array<i32>} : memref<32768xf32, #tpu.memory_space<vmem>>, vector<16xf32>,
        %parallel_loop3A_811 = arith.maximumf %parallel_loop3A_771, %parallel_loop3A_810 : vector<16xf32>
        %parallel_loop3A_812 = arith.constant 928 : i32
        %parallel_loop3A_813 = arith.addi %parallel_loop3A_521, %parallel_loop3A_812 : i32
        %parallel_loop3A_814 = arith.index_cast %parallel_loop3A_813 : i32 to index
        %parallel_loop3A_815 = tpu.vector_load %arg4[%parallel_loop3A_814] {strides = array<i32>} : memref<32768xf32, #tpu.memory_space<vmem>>, vector<16xf32>,
        %parallel_loop3A_816 = arith.maximumf %parallel_loop3A_776, %parallel_loop3A_815 : vector<16xf32>
        %parallel_loop3A_817 = arith.constant 944 : i32
        %parallel_loop3A_818 = arith.addi %parallel_loop3A_521, %parallel_loop3A_817 : i32
        %parallel_loop3A_819 = arith.index_cast %parallel_loop3A_818 : i32 to index
        %parallel_loop3A_820 = tpu.vector_load %arg4[%parallel_loop3A_819] {strides = array<i32>} : memref<32768xf32, #tpu.memory_space<vmem>>, vector<16xf32>,
        %parallel_loop3A_821 = arith.maximumf %parallel_loop3A_781, %parallel_loop3A_820 : vector<16xf32>
        %parallel_loop3A_822 = arith.constant 960 : i32
        %parallel_loop3A_823 = arith.addi %parallel_loop3A_521, %parallel_loop3A_822 : i32
        %parallel_loop3A_824 = arith.index_cast %parallel_loop3A_823 : i32 to index
        %parallel_loop3A_825 = tpu.vector_load %arg4[%parallel_loop3A_824] {strides = array<i32>} : memref<32768xf32, #tpu.memory_space<vmem>>, vector<16xf32>,
        %parallel_loop3A_826 = arith.maximumf %parallel_loop3A_786, %parallel_loop3A_825 : vector<16xf32>
        %parallel_loop3A_827 = arith.constant 976 : i32
        %parallel_loop3A_828 = arith.addi %parallel_loop3A_521, %parallel_loop3A_827 : i32
        %parallel_loop3A_829 = arith.index_cast %parallel_loop3A_828 : i32 to index
        %parallel_loop3A_830 = tpu.vector_load %arg4[%parallel_loop3A_829] {strides = array<i32>} : memref<32768xf32, #tpu.memory_space<vmem>>, vector<16xf32>,
        %parallel_loop3A_831 = arith.maximumf %parallel_loop3A_791, %parallel_loop3A_830 : vector<16xf32>
        %parallel_loop3A_832 = arith.constant 992 : i32
        %parallel_loop3A_833 = arith.addi %parallel_loop3A_521, %parallel_loop3A_832 : i32
        %parallel_loop3A_834 = arith.index_cast %parallel_loop3A_833 : i32 to index
        %parallel_loop3A_835 = tpu.vector_load %arg4[%parallel_loop3A_834] {strides = array<i32>} : memref<32768xf32, #tpu.memory_space<vmem>>, vector<16xf32>,
        %parallel_loop3A_836 = arith.maximumf %parallel_loop3A_796, %parallel_loop3A_835 : vector<16xf32>
        %parallel_loop3A_837 = arith.constant 1008 : i32
        %parallel_loop3A_838 = arith.addi %parallel_loop3A_521, %parallel_loop3A_837 : i32
        %parallel_loop3A_839 = arith.index_cast %parallel_loop3A_838 : i32 to index
        %parallel_loop3A_840 = tpu.vector_load %arg4[%parallel_loop3A_839] {strides = array<i32>} : memref<32768xf32, #tpu.memory_space<vmem>>, vector<16xf32>,
        %parallel_loop3A_841 = arith.maximumf %parallel_loop3A_801, %parallel_loop3A_840 : vector<16xf32>
        %parallel_loop3A_842 = arith.maximumf %parallel_loop3A_806, %parallel_loop3A_811 : vector<16xf32>
        %parallel_loop3A_843 = arith.maximumf %parallel_loop3A_816, %parallel_loop3A_821 : vector<16xf32>
        %parallel_loop3A_844 = arith.maximumf %parallel_loop3A_826, %parallel_loop3A_831 : vector<16xf32>
        %parallel_loop3A_845 = arith.maximumf %parallel_loop3A_836, %parallel_loop3A_841 : vector<16xf32>
        %parallel_loop3A_846 = arith.maximumf %parallel_loop3A_842, %parallel_loop3A_843 : vector<16xf32>
        %parallel_loop3A_847 = arith.maximumf %parallel_loop3A_844, %parallel_loop3A_845 : vector<16xf32>
        %parallel_loop3A_848 = arith.maximumf %parallel_loop3A_846, %parallel_loop3A_847 : vector<16xf32>
        %parallel_loop3A_849 = arith.constant 16 : i32
        %parallel_loop3A_850 = arith.muli %parallel_loop3A_519, %parallel_loop3A_849 : i32
        %parallel_loop3A_851 = arith.index_cast %parallel_loop3A_850 : i32 to index
        %parallel_loop3A_852 = tpu.vector_load %arg7[%parallel_loop3A_851] {strides = array<i32>} : memref<512xf32, #tpu.memory_space<vmem>>, vector<16xf32>,
        tpu.vector_store %arg7[%parallel_loop3A_851], %parallel_loop3A_848 {strides = array<i32>} : memref<512xf32, #tpu.memory_space<vmem>>, vector<16xf32>,
      } {sc.loop_unroll_factor = 1 : i64, sc.parallel_access}
      %parallel_loop3A_185 = arith.constant 0 : i32
      %parallel_loop3A_186 = arith.constant 32 : i32
      %parallel_loop3A_187 = arith.constant 1 : i32
      %parallel_loop3A_188 = scf.for %parallel_loop3A_519 = %parallel_loop3A_185 to %parallel_loop3A_186 step %parallel_loop3A_187 iter_args(%parallel_loop3A_520 = %broadcast_in_dim3A_181) -> (vector<16xf32>)  : i32 {
        %parallel_loop3A_521 = arith.constant 16 : i32
        %parallel_loop3A_522 = arith.muli %parallel_loop3A_519, %parallel_loop3A_521 : i32
        %parallel_loop3A_523 = arith.index_cast %parallel_loop3A_522 : i32 to index
        %parallel_loop3A_524 = tpu.vector_load %arg7[%parallel_loop3A_523] {strides = array<i32>} : memref<512xf32, #tpu.memory_space<vmem>>, vector<16xf32>,
        %parallel_loop3A_525 = arith.maximumf %parallel_loop3A_520, %parallel_loop3A_524 : vector<16xf32>
        scf.yield %parallel_loop3A_525 : vector<16xf32>
      } {sc.loop_unroll_factor = 1 : i64, sc.parallel_access}
      %reduce_max3A_189 = arith.constant true
      %reduce_max3A_190 = vector.broadcast %reduce_max3A_189 : i1 to vector<16xi1>
      %reduce_max3A_191 = tpu.scan <max>, %parallel_loop3A_188 masked %reduce_max3A_190 : vector<16xf32>, vector<16xi1> -> vector<16xf32>
      %reduce_max3A_192 = vector.extract %reduce_max3A_191[15] : f32 from vector<16xf32>
      %broadcast_in_dim3A_193 = vector.broadcast %reduce_max3A_192 : f32 to vector<16xf32>
      %broadcast_in_dim3A_194 = arith.constant 1073741824 : i32
      %broadcast_in_dim3A_195 = vector.broadcast %broadcast_in_dim3A_194 : i32 to vector<16xi32>
      %parallel_loop3A_196 = arith.constant 0 : i32
      %parallel_loop3A_197 = arith.constant 32 : i32
      %parallel_loop3A_198 = arith.constant 1 : i32
      %parallel_loop3A_199 = scf.for %parallel_loop3A_519 = %parallel_loop3A_196 to %parallel_loop3A_197 step %parallel_loop3A_198 iter_args(%parallel_loop3A_520 = %broadcast_in_dim3A_195) -> (vector<16xi32>)  : i32 {
        %parallel_loop3A_521 = arith.constant 16 : i32
        %parallel_loop3A_522 = arith.muli %parallel_loop3A_519, %parallel_loop3A_521 : i32
        %parallel_loop3A_523 = arith.index_cast %parallel_loop3A_522 : i32 to index
        %parallel_loop3A_524 = tpu.vector_load %arg7[%parallel_loop3A_523] {strides = array<i32>} : memref<512xf32, #tpu.memory_space<vmem>>, vector<16xf32>,
        %parallel_loop3A_525 = vector.broadcast %parallel_loop3A_519 : i32 to vector<16xi32>
        %parallel_loop3A_526 = arith.cmpf oeq, %parallel_loop3A_524, %broadcast_in_dim3A_193 : vector<16xf32>
        %parallel_loop3A_527 = arith.constant 1073741824 : i32
        %parallel_loop3A_528 = vector.broadcast %parallel_loop3A_527 : i32 to vector<16xi32>
        %parallel_loop3A_529 = arith.select %parallel_loop3A_526, %parallel_loop3A_525, %parallel_loop3A_528 : vector<16xi1>, vector<16xi32>
        %parallel_loop3A_530 = arith.minsi %parallel_loop3A_520, %parallel_loop3A_529 : vector<16xi32>
        scf.yield %parallel_loop3A_530 : vector<16xi32>
      } {sc.loop_unroll_factor = 1 : i64, sc.parallel_access}
      %reduce_min3A_200 = arith.constant true
      %reduce_min3A_201 = vector.broadcast %reduce_min3A_200 : i1 to vector<16xi1>
      %reduce_min3A_202 = arith.constant -2147483648 : i32
      %reduce_min3A_203 = vector.broadcast %reduce_min3A_202 : i32 to vector<16xi32>
      %reduce_min3A_204 = arith.xori %parallel_loop3A_199, %reduce_min3A_203 : vector<16xi32>
      %reduce_min3A_205 = tpu.scan <min>, %reduce_min3A_204 masked %reduce_min3A_201 : vector<16xi32>, vector<16xi1> -> vector<16xi32>
      %reduce_min3A_206 = arith.xori %reduce_min3A_205, %reduce_min3A_203 : vector<16xi32>
      %reduce_min3A_207 = vector.extract %reduce_min3A_206[15] : i32 from vector<16xi32>
      %mul3A_208 = arith.constant 1024 : i32
      %mul3A_209 = arith.muli %reduce_min3A_207, %mul3A_208 : i32
      %broadcast_in_dim3A_210 = arith.constant 1073741824 : i32
      %broadcast_in_dim3A_211 = vector.broadcast %broadcast_in_dim3A_210 : i32 to vector<16xi32>
      %parallel_loop3A_212 = arith.constant 0 : i32
      %parallel_loop3A_213 = arith.constant 64 : i32
      %parallel_loop3A_214 = arith.constant 2 : i32
      %parallel_loop3A_215:2 = scf.for %parallel_loop3A_519 = %parallel_loop3A_212 to %parallel_loop3A_213 step %parallel_loop3A_214 iter_args(%parallel_loop3A_520 = %broadcast_in_dim3A_211, %parallel_loop3A_521 = %broadcast_in_dim3A_211) -> (vector<16xi32>, vector<16xi32>)  : i32 {
        %parallel_loop3A_522 = arith.constant 16 : i32
        %parallel_loop3A_523 = arith.muli %parallel_loop3A_519, %parallel_loop3A_522 : i32
        %parallel_loop3A_524 = arith.addi %mul3A_209, %parallel_loop3A_523 : i32
        %parallel_loop3A_525 = arith.index_cast %parallel_loop3A_524 : i32 to index
        %parallel_loop3A_526 = tpu.vector_load %arg4[%parallel_loop3A_525] {strides = array<i32>} : memref<32768xf32, #tpu.memory_space<vmem>>, vector<16xf32>,
        %parallel_loop3A_527 = arith.constant 1 : i32
        %parallel_loop3A_528 = arith.addi %parallel_loop3A_519, %parallel_loop3A_527 : i32
        %parallel_loop3A_529 = arith.constant 16 : i32
        %parallel_loop3A_530 = arith.muli %parallel_loop3A_528, %parallel_loop3A_529 : i32
        %parallel_loop3A_531 = arith.addi %mul3A_209, %parallel_loop3A_530 : i32
        %parallel_loop3A_532 = arith.index_cast %parallel_loop3A_531 : i32 to index
        %parallel_loop3A_533 = tpu.vector_load %arg4[%parallel_loop3A_532] {strides = array<i32>} : memref<32768xf32, #tpu.memory_space<vmem>>, vector<16xf32>,
        %parallel_loop3A_534 = vector.broadcast %parallel_loop3A_519 : i32 to vector<16xi32>
        %parallel_loop3A_535 = arith.cmpf oeq, %parallel_loop3A_526, %broadcast_in_dim3A_193 : vector<16xf32>
        %parallel_loop3A_536 = arith.constant 1073741824 : i32
        %parallel_loop3A_537 = vector.broadcast %parallel_loop3A_536 : i32 to vector<16xi32>
        %parallel_loop3A_538 = arith.select %parallel_loop3A_535, %parallel_loop3A_534, %parallel_loop3A_537 : vector<16xi1>, vector<16xi32>
        %parallel_loop3A_539 = arith.minsi %parallel_loop3A_520, %parallel_loop3A_538 : vector<16xi32>
        %parallel_loop3A_540 = arith.cmpf oeq, %parallel_loop3A_533, %broadcast_in_dim3A_193 : vector<16xf32>
        %parallel_loop3A_541 = arith.constant 1 : i32
        %parallel_loop3A_542 = vector.broadcast %parallel_loop3A_541 : i32 to vector<16xi32>
        %parallel_loop3A_543 = arith.addi %parallel_loop3A_534, %parallel_loop3A_542 : vector<16xi32>
        %parallel_loop3A_544 = arith.constant 1073741824 : i32
        %parallel_loop3A_545 = vector.broadcast %parallel_loop3A_544 : i32 to vector<16xi32>
        %parallel_loop3A_546 = arith.select %parallel_loop3A_540, %parallel_loop3A_543, %parallel_loop3A_545 : vector<16xi1>, vector<16xi32>
        %parallel_loop3A_547 = arith.minsi %parallel_loop3A_521, %parallel_loop3A_546 : vector<16xi32>
        scf.yield %parallel_loop3A_539, %parallel_loop3A_547 : vector<16xi32>, vector<16xi32>
      } {sc.loop_unroll_factor = 1 : i64, sc.parallel_access}
      %min3A_216 = arith.minsi %parallel_loop3A_215#0, %parallel_loop3A_215#1 : vector<16xi32>
      %eq3A_217 = arith.constant 1073741824 : i32
      %eq3A_218 = vector.broadcast %eq3A_217 : i32 to vector<16xi32>
      %eq3A_219 = arith.cmpi eq, %min3A_216, %eq3A_218 : vector<16xi32>
      %mul3A_220 = arith.constant 16 : i32
      %mul3A_221 = vector.broadcast %mul3A_220 : i32 to vector<16xi32>
      %mul3A_222 = arith.muli %min3A_216, %mul3A_221 : vector<16xi32>
      %add3A_223 = arith.addi %mul3A_222, %iota3A : vector<16xi32>
      %jit3A_224 = arith.constant 1073741824 : i32
      %broadcast_in_dim3A_225 = vector.broadcast %jit3A_224 : i32 to vector<16xi32>
      %select_n3A_226 = arith.select %eq3A_219, %broadcast_in_dim3A_225, %add3A_223 : vector<16xi1>, vector<16xi32>
      %reduce_min3A_227 = arith.constant true
      %reduce_min3A_228 = vector.broadcast %reduce_min3A_227 : i1 to vector<16xi1>
      %reduce_min3A_229 = arith.constant -2147483648 : i32
      %reduce_min3A_230 = vector.broadcast %reduce_min3A_229 : i32 to vector<16xi32>
      %reduce_min3A_231 = arith.xori %select_n3A_226, %reduce_min3A_230 : vector<16xi32>
      %reduce_min3A_232 = tpu.scan <min>, %reduce_min3A_231 masked %reduce_min3A_228 : vector<16xi32>, vector<16xi1> -> vector<16xi32>
      %reduce_min3A_233 = arith.xori %reduce_min3A_232, %reduce_min3A_230 : vector<16xi32>
      %reduce_min3A_234 = vector.extract %reduce_min3A_233[15] : i32 from vector<16xi32>
      %add3A_235 = arith.addi %mul3A_209, %reduce_min3A_234 : i32
      %convert_element_type3A_236 = arith.sitofp %add3A_235 : i32 to f32
      %add3A_237 = arith.constant 3 : i32
      %add3A_238 = arith.addi %add3A_173, %add3A_237 : i32
      %lt3A = arith.constant 32 : i32
      %lt3A_239 = arith.cmpi slt, %add3A_238, %lt3A : i32
      %convert_element_type3A_240 = arith.extui %lt3A_239 : i1 to i32
      %cond3A = arith.constant 0 : i32
      %cond3A_241 = arith.cmpi ne, %convert_element_type3A_240, %cond3A : i32
      scf.if %cond3A_241 {
        %add3A_519 = arith.addi %mul3A_2, %add3A_173 : i32
        %add3A_520 = arith.constant 3 : i32
        %add3A_521 = arith.addi %add3A_519, %add3A_520 : i32
        %dma_start3A_522 = arith.constant 0 : i32
        %dma_start3A_523 = tpu.memref_slice %arg2[%add3A_521, %dma_start3A_522] : memref<1024x32768xf32, #tpu.memory_space<hbm>> -> memref<1x32768xf32, #tpu.memory_space<hbm>>
        %dma_start3A_524 = tpu.memref_squeeze %dma_start3A_523 : memref<1x32768xf32, #tpu.memory_space<hbm>> -> memref<32768xf32, #tpu.memory_space<hbm>>
        %dma_start3A_525 = arith.constant 0 : i32
        %dma_start3A_526 = tpu.memref_slice %arg2[%add3A_521, %dma_start3A_525] : memref<1024x32768xf32, #tpu.memory_space<hbm>> -> memref<1x32768xf32, #tpu.memory_space<hbm>>
        %dma_start3A_527 = tpu.memref_squeeze %dma_start3A_526 : memref<1x32768xf32, #tpu.memory_space<hbm>> -> memref<32768xf32, #tpu.memory_space<hbm>>
        tpu.enqueue_dma source(%dma_start3A_527 : memref<32768xf32, #tpu.memory_space<hbm>>) target(%arg4 : memref<32768xf32, #tpu.memory_space<vmem>>) target_semaphore(%arg9 : memref<!tpu.dma_semaphore, #tpu.memory_space<semaphore_mem>>)
      } else {
      }
      %jit3A_242 = arith.constant 16 : i32
      %eq3A_243 = arith.constant 0 : i32
      %eq3A_244 = arith.cmpi eq, %jit3A_242, %eq3A_243 : i32
      %jit3A_245 = arith.constant 1 : i32
      %select_n3A_246 = arith.select %eq3A_244, %jit3A_245, %jit3A_242 : i32
      %rem3A = arith.remsi %add3A_173, %select_n3A_246 : i32
      %ne3A = arith.constant 0 : i32
      %ne3A_247 = arith.cmpi ne, %rem3A, %ne3A : i32
      %lt3A_248 = arith.constant 0 : i32
      %lt3A_249 = arith.cmpi slt, %rem3A, %lt3A_248 : i32
      %lt3A_250 = arith.constant 0 : i32
      %lt3A_251 = arith.cmpi slt, %select_n3A_246, %lt3A_250 : i32
      %ne3A_252 = arith.xori %lt3A_249, %lt3A_251 : i1
      %and3A = arith.andi %ne3A_252, %ne3A_247 : i1
      %add3A_253 = arith.addi %rem3A, %select_n3A_246 : i32
      %select_n3A_254 = arith.select %and3A, %add3A_253, %rem3A : i32
      %eq3A_255 = vector.broadcast %select_n3A_254 : i32 to vector<16xi32>
      %eq3A_256 = arith.cmpi eq, %iota3A, %eq3A_255 : vector<16xi32>
      %broadcast_in_dim3A_257 = vector.broadcast %convert_element_type3A_236 : f32 to vector<16xf32>
      %select_n3A_258 = arith.select %eq3A_256, %broadcast_in_dim3A_257, %scan3A_169 : vector<16xi1>, vector<16xf32>
      %jit3A_259 = arith.constant 16 : i32
      %eq3A_260 = arith.constant 0 : i32
      %eq3A_261 = arith.cmpi eq, %jit3A_259, %eq3A_260 : i32
      %jit3A_262 = arith.constant 1 : i32
      %select_n3A_263 = arith.select %eq3A_261, %jit3A_262, %jit3A_259 : i32
      %rem3A_264 = arith.remsi %add3A_173, %select_n3A_263 : i32
      %ne3A_265 = arith.constant 0 : i32
      %ne3A_266 = arith.cmpi ne, %rem3A_264, %ne3A_265 : i32
      %lt3A_267 = arith.constant 0 : i32
      %lt3A_268 = arith.cmpi slt, %rem3A_264, %lt3A_267 : i32
      %lt3A_269 = arith.constant 0 : i32
      %lt3A_270 = arith.cmpi slt, %select_n3A_263, %lt3A_269 : i32
      %ne3A_271 = arith.xori %lt3A_268, %lt3A_270 : i1
      %and3A_272 = arith.andi %ne3A_271, %ne3A_266 : i1
      %add3A_273 = arith.addi %rem3A_264, %select_n3A_263 : i32
      %select_n3A_274 = arith.select %and3A_272, %add3A_273, %rem3A_264 : i32
      %eq3A_275 = arith.constant 15 : i32
      %eq3A_276 = arith.cmpi eq, %select_n3A_274, %eq3A_275 : i32
      %convert_element_type3A_277 = arith.extui %eq3A_276 : i1 to i32
      %cond3A_278 = arith.constant 0 : i32
      %cond3A_279 = arith.cmpi ne, %convert_element_type3A_277, %cond3A_278 : i32
      scf.if %cond3A_279 {
        %jit3A_519 = arith.constant 16 : i32
        %div3A = arith.divsi %add3A_173, %jit3A_519 : i32
        %sign3A = arith.constant 0 : i32
        %sign3A_520 = arith.cmpi sgt, %add3A_173, %sign3A : i32
        %sign3A_521 = arith.extui %sign3A_520 : i1 to i32
        %sign3A_522 = arith.constant 0 : i32
        %sign3A_523 = arith.cmpi slt, %add3A_173, %sign3A_522 : i32
        %sign3A_524 = arith.extui %sign3A_523 : i1 to i32
        %sign3A_525 = arith.subi %sign3A_521, %sign3A_524 : i32
        %sign3A_526 = arith.constant 0 : i32
        %sign3A_527 = arith.cmpi sgt, %jit3A_519, %sign3A_526 : i32
        %sign3A_528 = arith.extui %sign3A_527 : i1 to i32
        %sign3A_529 = arith.constant 0 : i32
        %sign3A_530 = arith.cmpi slt, %jit3A_519, %sign3A_529 : i32
        %sign3A_531 = arith.extui %sign3A_530 : i1 to i32
        %sign3A_532 = arith.subi %sign3A_528, %sign3A_531 : i32
        %ne3A_533 = arith.cmpi ne, %sign3A_525, %sign3A_532 : i32
        %rem3A_534 = arith.remsi %add3A_173, %jit3A_519 : i32
        %ne3A_535 = arith.constant 0 : i32
        %ne3A_536 = arith.cmpi ne, %rem3A_534, %ne3A_535 : i32
        %and3A_537 = arith.andi %ne3A_533, %ne3A_536 : i1
        %sub3A = arith.constant 1 : i32
        %sub3A_538 = arith.subi %div3A, %sub3A : i32
        %select_n3A_539 = arith.select %and3A_537, %sub3A_538, %div3A : i32
        %mul3A_540 = arith.constant 16 : i32
        %mul3A_541 = arith.muli %select_n3A_539, %mul3A_540 : i32
        %swap3A_542 = arith.index_cast %mul3A_541 : i32 to index
        %swap3A_543 = tpu.vector_load %arg8[%swap3A_542] {strides = array<i32>} : memref<32xf32, #tpu.memory_space<vmem>>, vector<16xf32>,
        tpu.vector_store %arg8[%swap3A_542], %select_n3A_258 {strides = array<i32>} : memref<32xf32, #tpu.memory_space<vmem>>, vector<16xf32>,
      } else {
      }
      %broadcast_in_dim3A_280 = arith.constant 0.000000e+00 : f32
      %broadcast_in_dim3A_281 = vector.broadcast %broadcast_in_dim3A_280 : f32 to vector<16xf32>
      %select_n3A_282 = arith.select %eq3A_276, %broadcast_in_dim3A_281, %select_n3A_258 : vector<16xf32>
      %mul3A_283 = arith.constant 3 : i32
      %mul3A_284 = arith.muli %mul3A_283, %scan3A_168 : i32
      %add3A_285 = arith.constant 1 : i32
      %add3A_286 = arith.addi %mul3A_284, %add3A_285 : i32
      %dma_wait3A_287 = arith.constant 0 : i32
      %dma_wait3A_288 = tpu.memref_slice %arg2[%mul3A_2, %dma_wait3A_287] : memref<1024x32768xf32, #tpu.memory_space<hbm>> -> memref<1x32768xf32, #tpu.memory_space<hbm>>
      %dma_wait3A_289 = tpu.memref_squeeze %dma_wait3A_288 : memref<1x32768xf32, #tpu.memory_space<hbm>> -> memref<32768xf32, #tpu.memory_space<hbm>>
      %dma_wait3A_290 = arith.constant 0 : i32
      %dma_wait3A_291 = tpu.memref_slice %arg2[%mul3A_2, %dma_wait3A_290] : memref<1024x32768xf32, #tpu.memory_space<hbm>> -> memref<1x32768xf32, #tpu.memory_space<hbm>>
      %dma_wait3A_292 = tpu.memref_squeeze %dma_wait3A_291 : memref<1x32768xf32, #tpu.memory_space<hbm>> -> memref<32768xf32, #tpu.memory_space<hbm>>
      tpu.wait_dma2 semaphore(%arg10 : memref<!tpu.dma_semaphore, #tpu.memory_space<semaphore_mem>>) src(%dma_wait3A_292 : memref<32768xf32, #tpu.memory_space<hbm>>) dst(%arg5 : memref<32768xf32, #tpu.memory_space<vmem>>)
      %broadcast_in_dim3A_293 = arith.constant 0xFF800000 : f32
      %broadcast_in_dim3A_294 = vector.broadcast %broadcast_in_dim3A_293 : f32 to vector<16xf32>
      %parallel_loop3A_295 = arith.constant 0 : i32
      %parallel_loop3A_296 = arith.constant 32 : i32
      %parallel_loop3A_297 = arith.constant 1 : i32
      scf.for %parallel_loop3A_519 = %parallel_loop3A_295 to %parallel_loop3A_296 step %parallel_loop3A_297  : i32 {
        %parallel_loop3A_520 = arith.constant 1024 : i32
        %parallel_loop3A_521 = arith.muli %parallel_loop3A_519, %parallel_loop3A_520 : i32
        %parallel_loop3A_522 = arith.constant 0 : i32
        %parallel_loop3A_523 = arith.addi %parallel_loop3A_521, %parallel_loop3A_522 : i32
        %parallel_loop3A_524 = arith.index_cast %parallel_loop3A_523 : i32 to index
        %parallel_loop3A_525 = tpu.vector_load %arg5[%parallel_loop3A_524] {strides = array<i32>} : memref<32768xf32, #tpu.memory_space<vmem>>, vector<16xf32>,
        %parallel_loop3A_526 = arith.maximumf %broadcast_in_dim3A_294, %parallel_loop3A_525 : vector<16xf32>
        %parallel_loop3A_527 = arith.constant 16 : i32
        %parallel_loop3A_528 = arith.addi %parallel_loop3A_521, %parallel_loop3A_527 : i32
        %parallel_loop3A_529 = arith.index_cast %parallel_loop3A_528 : i32 to index
        %parallel_loop3A_530 = tpu.vector_load %arg5[%parallel_loop3A_529] {strides = array<i32>} : memref<32768xf32, #tpu.memory_space<vmem>>, vector<16xf32>,
        %parallel_loop3A_531 = arith.maximumf %broadcast_in_dim3A_294, %parallel_loop3A_530 : vector<16xf32>
        %parallel_loop3A_532 = arith.constant 32 : i32
        %parallel_loop3A_533 = arith.addi %parallel_loop3A_521, %parallel_loop3A_532 : i32
        %parallel_loop3A_534 = arith.index_cast %parallel_loop3A_533 : i32 to index
        %parallel_loop3A_535 = tpu.vector_load %arg5[%parallel_loop3A_534] {strides = array<i32>} : memref<32768xf32, #tpu.memory_space<vmem>>, vector<16xf32>,
        %parallel_loop3A_536 = arith.maximumf %broadcast_in_dim3A_294, %parallel_loop3A_535 : vector<16xf32>
        %parallel_loop3A_537 = arith.constant 48 : i32
        %parallel_loop3A_538 = arith.addi %parallel_loop3A_521, %parallel_loop3A_537 : i32
        %parallel_loop3A_539 = arith.index_cast %parallel_loop3A_538 : i32 to index
        %parallel_loop3A_540 = tpu.vector_load %arg5[%parallel_loop3A_539] {strides = array<i32>} : memref<32768xf32, #tpu.memory_space<vmem>>, vector<16xf32>,
        %parallel_loop3A_541 = arith.maximumf %broadcast_in_dim3A_294, %parallel_loop3A_540 : vector<16xf32>
        %parallel_loop3A_542 = arith.constant 64 : i32
        %parallel_loop3A_543 = arith.addi %parallel_loop3A_521, %parallel_loop3A_542 : i32
        %parallel_loop3A_544 = arith.index_cast %parallel_loop3A_543 : i32 to index
        %parallel_loop3A_545 = tpu.vector_load %arg5[%parallel_loop3A_544] {strides = array<i32>} : memref<32768xf32, #tpu.memory_space<vmem>>, vector<16xf32>,
        %parallel_loop3A_546 = arith.maximumf %broadcast_in_dim3A_294, %parallel_loop3A_545 : vector<16xf32>
        %parallel_loop3A_547 = arith.constant 80 : i32
        %parallel_loop3A_548 = arith.addi %parallel_loop3A_521, %parallel_loop3A_547 : i32
        %parallel_loop3A_549 = arith.index_cast %parallel_loop3A_548 : i32 to index
        %parallel_loop3A_550 = tpu.vector_load %arg5[%parallel_loop3A_549] {strides = array<i32>} : memref<32768xf32, #tpu.memory_space<vmem>>, vector<16xf32>,
        %parallel_loop3A_551 = arith.maximumf %broadcast_in_dim3A_294, %parallel_loop3A_550 : vector<16xf32>
        %parallel_loop3A_552 = arith.constant 96 : i32
        %parallel_loop3A_553 = arith.addi %parallel_loop3A_521, %parallel_loop3A_552 : i32
        %parallel_loop3A_554 = arith.index_cast %parallel_loop3A_553 : i32 to index
        %parallel_loop3A_555 = tpu.vector_load %arg5[%parallel_loop3A_554] {strides = array<i32>} : memref<32768xf32, #tpu.memory_space<vmem>>, vector<16xf32>,
        %parallel_loop3A_556 = arith.maximumf %broadcast_in_dim3A_294, %parallel_loop3A_555 : vector<16xf32>
        %parallel_loop3A_557 = arith.constant 112 : i32
        %parallel_loop3A_558 = arith.addi %parallel_loop3A_521, %parallel_loop3A_557 : i32
        %parallel_loop3A_559 = arith.index_cast %parallel_loop3A_558 : i32 to index
        %parallel_loop3A_560 = tpu.vector_load %arg5[%parallel_loop3A_559] {strides = array<i32>} : memref<32768xf32, #tpu.memory_space<vmem>>, vector<16xf32>,
        %parallel_loop3A_561 = arith.maximumf %broadcast_in_dim3A_294, %parallel_loop3A_560 : vector<16xf32>
        %parallel_loop3A_562 = arith.constant 128 : i32
        %parallel_loop3A_563 = arith.addi %parallel_loop3A_521, %parallel_loop3A_562 : i32
        %parallel_loop3A_564 = arith.index_cast %parallel_loop3A_563 : i32 to index
        %parallel_loop3A_565 = tpu.vector_load %arg5[%parallel_loop3A_564] {strides = array<i32>} : memref<32768xf32, #tpu.memory_space<vmem>>, vector<16xf32>,
        %parallel_loop3A_566 = arith.maximumf %parallel_loop3A_526, %parallel_loop3A_565 : vector<16xf32>
        %parallel_loop3A_567 = arith.constant 144 : i32
        %parallel_loop3A_568 = arith.addi %parallel_loop3A_521, %parallel_loop3A_567 : i32
        %parallel_loop3A_569 = arith.index_cast %parallel_loop3A_568 : i32 to index
        %parallel_loop3A_570 = tpu.vector_load %arg5[%parallel_loop3A_569] {strides = array<i32>} : memref<32768xf32, #tpu.memory_space<vmem>>, vector<16xf32>,
        %parallel_loop3A_571 = arith.maximumf %parallel_loop3A_531, %parallel_loop3A_570 : vector<16xf32>
        %parallel_loop3A_572 = arith.constant 160 : i32
        %parallel_loop3A_573 = arith.addi %parallel_loop3A_521, %parallel_loop3A_572 : i32
        %parallel_loop3A_574 = arith.index_cast %parallel_loop3A_573 : i32 to index
        %parallel_loop3A_575 = tpu.vector_load %arg5[%parallel_loop3A_574] {strides = array<i32>} : memref<32768xf32, #tpu.memory_space<vmem>>, vector<16xf32>,
        %parallel_loop3A_576 = arith.maximumf %parallel_loop3A_536, %parallel_loop3A_575 : vector<16xf32>
        %parallel_loop3A_577 = arith.constant 176 : i32
        %parallel_loop3A_578 = arith.addi %parallel_loop3A_521, %parallel_loop3A_577 : i32
        %parallel_loop3A_579 = arith.index_cast %parallel_loop3A_578 : i32 to index
        %parallel_loop3A_580 = tpu.vector_load %arg5[%parallel_loop3A_579] {strides = array<i32>} : memref<32768xf32, #tpu.memory_space<vmem>>, vector<16xf32>,
        %parallel_loop3A_581 = arith.maximumf %parallel_loop3A_541, %parallel_loop3A_580 : vector<16xf32>
        %parallel_loop3A_582 = arith.constant 192 : i32
        %parallel_loop3A_583 = arith.addi %parallel_loop3A_521, %parallel_loop3A_582 : i32
        %parallel_loop3A_584 = arith.index_cast %parallel_loop3A_583 : i32 to index
        %parallel_loop3A_585 = tpu.vector_load %arg5[%parallel_loop3A_584] {strides = array<i32>} : memref<32768xf32, #tpu.memory_space<vmem>>, vector<16xf32>,
        %parallel_loop3A_586 = arith.maximumf %parallel_loop3A_546, %parallel_loop3A_585 : vector<16xf32>
        %parallel_loop3A_587 = arith.constant 208 : i32
        %parallel_loop3A_588 = arith.addi %parallel_loop3A_521, %parallel_loop3A_587 : i32
        %parallel_loop3A_589 = arith.index_cast %parallel_loop3A_588 : i32 to index
        %parallel_loop3A_590 = tpu.vector_load %arg5[%parallel_loop3A_589] {strides = array<i32>} : memref<32768xf32, #tpu.memory_space<vmem>>, vector<16xf32>,
        %parallel_loop3A_591 = arith.maximumf %parallel_loop3A_551, %parallel_loop3A_590 : vector<16xf32>
        %parallel_loop3A_592 = arith.constant 224 : i32
        %parallel_loop3A_593 = arith.addi %parallel_loop3A_521, %parallel_loop3A_592 : i32
        %parallel_loop3A_594 = arith.index_cast %parallel_loop3A_593 : i32 to index
        %parallel_loop3A_595 = tpu.vector_load %arg5[%parallel_loop3A_594] {strides = array<i32>} : memref<32768xf32, #tpu.memory_space<vmem>>, vector<16xf32>,
        %parallel_loop3A_596 = arith.maximumf %parallel_loop3A_556, %parallel_loop3A_595 : vector<16xf32>
        %parallel_loop3A_597 = arith.constant 240 : i32
        %parallel_loop3A_598 = arith.addi %parallel_loop3A_521, %parallel_loop3A_597 : i32
        %parallel_loop3A_599 = arith.index_cast %parallel_loop3A_598 : i32 to index
        %parallel_loop3A_600 = tpu.vector_load %arg5[%parallel_loop3A_599] {strides = array<i32>} : memref<32768xf32, #tpu.memory_space<vmem>>, vector<16xf32>,
        %parallel_loop3A_601 = arith.maximumf %parallel_loop3A_561, %parallel_loop3A_600 : vector<16xf32>
        %parallel_loop3A_602 = arith.constant 256 : i32
        %parallel_loop3A_603 = arith.addi %parallel_loop3A_521, %parallel_loop3A_602 : i32
        %parallel_loop3A_604 = arith.index_cast %parallel_loop3A_603 : i32 to index
        %parallel_loop3A_605 = tpu.vector_load %arg5[%parallel_loop3A_604] {strides = array<i32>} : memref<32768xf32, #tpu.memory_space<vmem>>, vector<16xf32>,
        %parallel_loop3A_606 = arith.maximumf %parallel_loop3A_566, %parallel_loop3A_605 : vector<16xf32>
        %parallel_loop3A_607 = arith.constant 272 : i32
        %parallel_loop3A_608 = arith.addi %parallel_loop3A_521, %parallel_loop3A_607 : i32
        %parallel_loop3A_609 = arith.index_cast %parallel_loop3A_608 : i32 to index
        %parallel_loop3A_610 = tpu.vector_load %arg5[%parallel_loop3A_609] {strides = array<i32>} : memref<32768xf32, #tpu.memory_space<vmem>>, vector<16xf32>,
        %parallel_loop3A_611 = arith.maximumf %parallel_loop3A_571, %parallel_loop3A_610 : vector<16xf32>
        %parallel_loop3A_612 = arith.constant 288 : i32
        %parallel_loop3A_613 = arith.addi %parallel_loop3A_521, %parallel_loop3A_612 : i32
        %parallel_loop3A_614 = arith.index_cast %parallel_loop3A_613 : i32 to index
        %parallel_loop3A_615 = tpu.vector_load %arg5[%parallel_loop3A_614] {strides = array<i32>} : memref<32768xf32, #tpu.memory_space<vmem>>, vector<16xf32>,
        %parallel_loop3A_616 = arith.maximumf %parallel_loop3A_576, %parallel_loop3A_615 : vector<16xf32>
        %parallel_loop3A_617 = arith.constant 304 : i32
        %parallel_loop3A_618 = arith.addi %parallel_loop3A_521, %parallel_loop3A_617 : i32
        %parallel_loop3A_619 = arith.index_cast %parallel_loop3A_618 : i32 to index
        %parallel_loop3A_620 = tpu.vector_load %arg5[%parallel_loop3A_619] {strides = array<i32>} : memref<32768xf32, #tpu.memory_space<vmem>>, vector<16xf32>,
        %parallel_loop3A_621 = arith.maximumf %parallel_loop3A_581, %parallel_loop3A_620 : vector<16xf32>
        %parallel_loop3A_622 = arith.constant 320 : i32
        %parallel_loop3A_623 = arith.addi %parallel_loop3A_521, %parallel_loop3A_622 : i32
        %parallel_loop3A_624 = arith.index_cast %parallel_loop3A_623 : i32 to index
        %parallel_loop3A_625 = tpu.vector_load %arg5[%parallel_loop3A_624] {strides = array<i32>} : memref<32768xf32, #tpu.memory_space<vmem>>, vector<16xf32>,
        %parallel_loop3A_626 = arith.maximumf %parallel_loop3A_586, %parallel_loop3A_625 : vector<16xf32>
        %parallel_loop3A_627 = arith.constant 336 : i32
        %parallel_loop3A_628 = arith.addi %parallel_loop3A_521, %parallel_loop3A_627 : i32
        %parallel_loop3A_629 = arith.index_cast %parallel_loop3A_628 : i32 to index
        %parallel_loop3A_630 = tpu.vector_load %arg5[%parallel_loop3A_629] {strides = array<i32>} : memref<32768xf32, #tpu.memory_space<vmem>>, vector<16xf32>,
        %parallel_loop3A_631 = arith.maximumf %parallel_loop3A_591, %parallel_loop3A_630 : vector<16xf32>
        %parallel_loop3A_632 = arith.constant 352 : i32
        %parallel_loop3A_633 = arith.addi %parallel_loop3A_521, %parallel_loop3A_632 : i32
        %parallel_loop3A_634 = arith.index_cast %parallel_loop3A_633 : i32 to index
        %parallel_loop3A_635 = tpu.vector_load %arg5[%parallel_loop3A_634] {strides = array<i32>} : memref<32768xf32, #tpu.memory_space<vmem>>, vector<16xf32>,
        %parallel_loop3A_636 = arith.maximumf %parallel_loop3A_596, %parallel_loop3A_635 : vector<16xf32>
        %parallel_loop3A_637 = arith.constant 368 : i32
        %parallel_loop3A_638 = arith.addi %parallel_loop3A_521, %parallel_loop3A_637 : i32
        %parallel_loop3A_639 = arith.index_cast %parallel_loop3A_638 : i32 to index
        %parallel_loop3A_640 = tpu.vector_load %arg5[%parallel_loop3A_639] {strides = array<i32>} : memref<32768xf32, #tpu.memory_space<vmem>>, vector<16xf32>,
        %parallel_loop3A_641 = arith.maximumf %parallel_loop3A_601, %parallel_loop3A_640 : vector<16xf32>
        %parallel_loop3A_642 = arith.constant 384 : i32
        %parallel_loop3A_643 = arith.addi %parallel_loop3A_521, %parallel_loop3A_642 : i32
        %parallel_loop3A_644 = arith.index_cast %parallel_loop3A_643 : i32 to index
        %parallel_loop3A_645 = tpu.vector_load %arg5[%parallel_loop3A_644] {strides = array<i32>} : memref<32768xf32, #tpu.memory_space<vmem>>, vector<16xf32>,
        %parallel_loop3A_646 = arith.maximumf %parallel_loop3A_606, %parallel_loop3A_645 : vector<16xf32>
        %parallel_loop3A_647 = arith.constant 400 : i32
        %parallel_loop3A_648 = arith.addi %parallel_loop3A_521, %parallel_loop3A_647 : i32
        %parallel_loop3A_649 = arith.index_cast %parallel_loop3A_648 : i32 to index
        %parallel_loop3A_650 = tpu.vector_load %arg5[%parallel_loop3A_649] {strides = array<i32>} : memref<32768xf32, #tpu.memory_space<vmem>>, vector<16xf32>,
        %parallel_loop3A_651 = arith.maximumf %parallel_loop3A_611, %parallel_loop3A_650 : vector<16xf32>
        %parallel_loop3A_652 = arith.constant 416 : i32
        %parallel_loop3A_653 = arith.addi %parallel_loop3A_521, %parallel_loop3A_652 : i32
        %parallel_loop3A_654 = arith.index_cast %parallel_loop3A_653 : i32 to index
        %parallel_loop3A_655 = tpu.vector_load %arg5[%parallel_loop3A_654] {strides = array<i32>} : memref<32768xf32, #tpu.memory_space<vmem>>, vector<16xf32>,
        %parallel_loop3A_656 = arith.maximumf %parallel_loop3A_616, %parallel_loop3A_655 : vector<16xf32>
        %parallel_loop3A_657 = arith.constant 432 : i32
        %parallel_loop3A_658 = arith.addi %parallel_loop3A_521, %parallel_loop3A_657 : i32
        %parallel_loop3A_659 = arith.index_cast %parallel_loop3A_658 : i32 to index
        %parallel_loop3A_660 = tpu.vector_load %arg5[%parallel_loop3A_659] {strides = array<i32>} : memref<32768xf32, #tpu.memory_space<vmem>>, vector<16xf32>,
        %parallel_loop3A_661 = arith.maximumf %parallel_loop3A_621, %parallel_loop3A_660 : vector<16xf32>
        %parallel_loop3A_662 = arith.constant 448 : i32
        %parallel_loop3A_663 = arith.addi %parallel_loop3A_521, %parallel_loop3A_662 : i32
        %parallel_loop3A_664 = arith.index_cast %parallel_loop3A_663 : i32 to index
        %parallel_loop3A_665 = tpu.vector_load %arg5[%parallel_loop3A_664] {strides = array<i32>} : memref<32768xf32, #tpu.memory_space<vmem>>, vector<16xf32>,
        %parallel_loop3A_666 = arith.maximumf %parallel_loop3A_626, %parallel_loop3A_665 : vector<16xf32>
        %parallel_loop3A_667 = arith.constant 464 : i32
        %parallel_loop3A_668 = arith.addi %parallel_loop3A_521, %parallel_loop3A_667 : i32
        %parallel_loop3A_669 = arith.index_cast %parallel_loop3A_668 : i32 to index
        %parallel_loop3A_670 = tpu.vector_load %arg5[%parallel_loop3A_669] {strides = array<i32>} : memref<32768xf32, #tpu.memory_space<vmem>>, vector<16xf32>,
        %parallel_loop3A_671 = arith.maximumf %parallel_loop3A_631, %parallel_loop3A_670 : vector<16xf32>
        %parallel_loop3A_672 = arith.constant 480 : i32
        %parallel_loop3A_673 = arith.addi %parallel_loop3A_521, %parallel_loop3A_672 : i32
        %parallel_loop3A_674 = arith.index_cast %parallel_loop3A_673 : i32 to index
        %parallel_loop3A_675 = tpu.vector_load %arg5[%parallel_loop3A_674] {strides = array<i32>} : memref<32768xf32, #tpu.memory_space<vmem>>, vector<16xf32>,
        %parallel_loop3A_676 = arith.maximumf %parallel_loop3A_636, %parallel_loop3A_675 : vector<16xf32>
        %parallel_loop3A_677 = arith.constant 496 : i32
        %parallel_loop3A_678 = arith.addi %parallel_loop3A_521, %parallel_loop3A_677 : i32
        %parallel_loop3A_679 = arith.index_cast %parallel_loop3A_678 : i32 to index
        %parallel_loop3A_680 = tpu.vector_load %arg5[%parallel_loop3A_679] {strides = array<i32>} : memref<32768xf32, #tpu.memory_space<vmem>>, vector<16xf32>,
        %parallel_loop3A_681 = arith.maximumf %parallel_loop3A_641, %parallel_loop3A_680 : vector<16xf32>
        %parallel_loop3A_682 = arith.constant 512 : i32
        %parallel_loop3A_683 = arith.addi %parallel_loop3A_521, %parallel_loop3A_682 : i32
        %parallel_loop3A_684 = arith.index_cast %parallel_loop3A_683 : i32 to index
        %parallel_loop3A_685 = tpu.vector_load %arg5[%parallel_loop3A_684] {strides = array<i32>} : memref<32768xf32, #tpu.memory_space<vmem>>, vector<16xf32>,
        %parallel_loop3A_686 = arith.maximumf %parallel_loop3A_646, %parallel_loop3A_685 : vector<16xf32>
        %parallel_loop3A_687 = arith.constant 528 : i32
        %parallel_loop3A_688 = arith.addi %parallel_loop3A_521, %parallel_loop3A_687 : i32
        %parallel_loop3A_689 = arith.index_cast %parallel_loop3A_688 : i32 to index
        %parallel_loop3A_690 = tpu.vector_load %arg5[%parallel_loop3A_689] {strides = array<i32>} : memref<32768xf32, #tpu.memory_space<vmem>>, vector<16xf32>,
        %parallel_loop3A_691 = arith.maximumf %parallel_loop3A_651, %parallel_loop3A_690 : vector<16xf32>
        %parallel_loop3A_692 = arith.constant 544 : i32
        %parallel_loop3A_693 = arith.addi %parallel_loop3A_521, %parallel_loop3A_692 : i32
        %parallel_loop3A_694 = arith.index_cast %parallel_loop3A_693 : i32 to index
        %parallel_loop3A_695 = tpu.vector_load %arg5[%parallel_loop3A_694] {strides = array<i32>} : memref<32768xf32, #tpu.memory_space<vmem>>, vector<16xf32>,
        %parallel_loop3A_696 = arith.maximumf %parallel_loop3A_656, %parallel_loop3A_695 : vector<16xf32>
        %parallel_loop3A_697 = arith.constant 560 : i32
        %parallel_loop3A_698 = arith.addi %parallel_loop3A_521, %parallel_loop3A_697 : i32
        %parallel_loop3A_699 = arith.index_cast %parallel_loop3A_698 : i32 to index
        %parallel_loop3A_700 = tpu.vector_load %arg5[%parallel_loop3A_699] {strides = array<i32>} : memref<32768xf32, #tpu.memory_space<vmem>>, vector<16xf32>,
        %parallel_loop3A_701 = arith.maximumf %parallel_loop3A_661, %parallel_loop3A_700 : vector<16xf32>
        %parallel_loop3A_702 = arith.constant 576 : i32
        %parallel_loop3A_703 = arith.addi %parallel_loop3A_521, %parallel_loop3A_702 : i32
        %parallel_loop3A_704 = arith.index_cast %parallel_loop3A_703 : i32 to index
        %parallel_loop3A_705 = tpu.vector_load %arg5[%parallel_loop3A_704] {strides = array<i32>} : memref<32768xf32, #tpu.memory_space<vmem>>, vector<16xf32>,
        %parallel_loop3A_706 = arith.maximumf %parallel_loop3A_666, %parallel_loop3A_705 : vector<16xf32>
        %parallel_loop3A_707 = arith.constant 592 : i32
        %parallel_loop3A_708 = arith.addi %parallel_loop3A_521, %parallel_loop3A_707 : i32
        %parallel_loop3A_709 = arith.index_cast %parallel_loop3A_708 : i32 to index
        %parallel_loop3A_710 = tpu.vector_load %arg5[%parallel_loop3A_709] {strides = array<i32>} : memref<32768xf32, #tpu.memory_space<vmem>>, vector<16xf32>,
        %parallel_loop3A_711 = arith.maximumf %parallel_loop3A_671, %parallel_loop3A_710 : vector<16xf32>
        %parallel_loop3A_712 = arith.constant 608 : i32
        %parallel_loop3A_713 = arith.addi %parallel_loop3A_521, %parallel_loop3A_712 : i32
        %parallel_loop3A_714 = arith.index_cast %parallel_loop3A_713 : i32 to index
        %parallel_loop3A_715 = tpu.vector_load %arg5[%parallel_loop3A_714] {strides = array<i32>} : memref<32768xf32, #tpu.memory_space<vmem>>, vector<16xf32>,
        %parallel_loop3A_716 = arith.maximumf %parallel_loop3A_676, %parallel_loop3A_715 : vector<16xf32>
        %parallel_loop3A_717 = arith.constant 624 : i32
        %parallel_loop3A_718 = arith.addi %parallel_loop3A_521, %parallel_loop3A_717 : i32
        %parallel_loop3A_719 = arith.index_cast %parallel_loop3A_718 : i32 to index
        %parallel_loop3A_720 = tpu.vector_load %arg5[%parallel_loop3A_719] {strides = array<i32>} : memref<32768xf32, #tpu.memory_space<vmem>>, vector<16xf32>,
        %parallel_loop3A_721 = arith.maximumf %parallel_loop3A_681, %parallel_loop3A_720 : vector<16xf32>
        %parallel_loop3A_722 = arith.constant 640 : i32
        %parallel_loop3A_723 = arith.addi %parallel_loop3A_521, %parallel_loop3A_722 : i32
        %parallel_loop3A_724 = arith.index_cast %parallel_loop3A_723 : i32 to index
        %parallel_loop3A_725 = tpu.vector_load %arg5[%parallel_loop3A_724] {strides = array<i32>} : memref<32768xf32, #tpu.memory_space<vmem>>, vector<16xf32>,
        %parallel_loop3A_726 = arith.maximumf %parallel_loop3A_686, %parallel_loop3A_725 : vector<16xf32>
        %parallel_loop3A_727 = arith.constant 656 : i32
        %parallel_loop3A_728 = arith.addi %parallel_loop3A_521, %parallel_loop3A_727 : i32
        %parallel_loop3A_729 = arith.index_cast %parallel_loop3A_728 : i32 to index
        %parallel_loop3A_730 = tpu.vector_load %arg5[%parallel_loop3A_729] {strides = array<i32>} : memref<32768xf32, #tpu.memory_space<vmem>>, vector<16xf32>,
        %parallel_loop3A_731 = arith.maximumf %parallel_loop3A_691, %parallel_loop3A_730 : vector<16xf32>
        %parallel_loop3A_732 = arith.constant 672 : i32
        %parallel_loop3A_733 = arith.addi %parallel_loop3A_521, %parallel_loop3A_732 : i32
        %parallel_loop3A_734 = arith.index_cast %parallel_loop3A_733 : i32 to index
        %parallel_loop3A_735 = tpu.vector_load %arg5[%parallel_loop3A_734] {strides = array<i32>} : memref<32768xf32, #tpu.memory_space<vmem>>, vector<16xf32>,
        %parallel_loop3A_736 = arith.maximumf %parallel_loop3A_696, %parallel_loop3A_735 : vector<16xf32>
        %parallel_loop3A_737 = arith.constant 688 : i32
        %parallel_loop3A_738 = arith.addi %parallel_loop3A_521, %parallel_loop3A_737 : i32
        %parallel_loop3A_739 = arith.index_cast %parallel_loop3A_738 : i32 to index
        %parallel_loop3A_740 = tpu.vector_load %arg5[%parallel_loop3A_739] {strides = array<i32>} : memref<32768xf32, #tpu.memory_space<vmem>>, vector<16xf32>,
        %parallel_loop3A_741 = arith.maximumf %parallel_loop3A_701, %parallel_loop3A_740 : vector<16xf32>
        %parallel_loop3A_742 = arith.constant 704 : i32
        %parallel_loop3A_743 = arith.addi %parallel_loop3A_521, %parallel_loop3A_742 : i32
        %parallel_loop3A_744 = arith.index_cast %parallel_loop3A_743 : i32 to index
        %parallel_loop3A_745 = tpu.vector_load %arg5[%parallel_loop3A_744] {strides = array<i32>} : memref<32768xf32, #tpu.memory_space<vmem>>, vector<16xf32>,
        %parallel_loop3A_746 = arith.maximumf %parallel_loop3A_706, %parallel_loop3A_745 : vector<16xf32>
        %parallel_loop3A_747 = arith.constant 720 : i32
        %parallel_loop3A_748 = arith.addi %parallel_loop3A_521, %parallel_loop3A_747 : i32
        %parallel_loop3A_749 = arith.index_cast %parallel_loop3A_748 : i32 to index
        %parallel_loop3A_750 = tpu.vector_load %arg5[%parallel_loop3A_749] {strides = array<i32>} : memref<32768xf32, #tpu.memory_space<vmem>>, vector<16xf32>,
        %parallel_loop3A_751 = arith.maximumf %parallel_loop3A_711, %parallel_loop3A_750 : vector<16xf32>
        %parallel_loop3A_752 = arith.constant 736 : i32
        %parallel_loop3A_753 = arith.addi %parallel_loop3A_521, %parallel_loop3A_752 : i32
        %parallel_loop3A_754 = arith.index_cast %parallel_loop3A_753 : i32 to index
        %parallel_loop3A_755 = tpu.vector_load %arg5[%parallel_loop3A_754] {strides = array<i32>} : memref<32768xf32, #tpu.memory_space<vmem>>, vector<16xf32>,
        %parallel_loop3A_756 = arith.maximumf %parallel_loop3A_716, %parallel_loop3A_755 : vector<16xf32>
        %parallel_loop3A_757 = arith.constant 752 : i32
        %parallel_loop3A_758 = arith.addi %parallel_loop3A_521, %parallel_loop3A_757 : i32
        %parallel_loop3A_759 = arith.index_cast %parallel_loop3A_758 : i32 to index
        %parallel_loop3A_760 = tpu.vector_load %arg5[%parallel_loop3A_759] {strides = array<i32>} : memref<32768xf32, #tpu.memory_space<vmem>>, vector<16xf32>,
        %parallel_loop3A_761 = arith.maximumf %parallel_loop3A_721, %parallel_loop3A_760 : vector<16xf32>
        %parallel_loop3A_762 = arith.constant 768 : i32
        %parallel_loop3A_763 = arith.addi %parallel_loop3A_521, %parallel_loop3A_762 : i32
        %parallel_loop3A_764 = arith.index_cast %parallel_loop3A_763 : i32 to index
        %parallel_loop3A_765 = tpu.vector_load %arg5[%parallel_loop3A_764] {strides = array<i32>} : memref<32768xf32, #tpu.memory_space<vmem>>, vector<16xf32>,
        %parallel_loop3A_766 = arith.maximumf %parallel_loop3A_726, %parallel_loop3A_765 : vector<16xf32>
        %parallel_loop3A_767 = arith.constant 784 : i32
        %parallel_loop3A_768 = arith.addi %parallel_loop3A_521, %parallel_loop3A_767 : i32
        %parallel_loop3A_769 = arith.index_cast %parallel_loop3A_768 : i32 to index
        %parallel_loop3A_770 = tpu.vector_load %arg5[%parallel_loop3A_769] {strides = array<i32>} : memref<32768xf32, #tpu.memory_space<vmem>>, vector<16xf32>,
        %parallel_loop3A_771 = arith.maximumf %parallel_loop3A_731, %parallel_loop3A_770 : vector<16xf32>
        %parallel_loop3A_772 = arith.constant 800 : i32
        %parallel_loop3A_773 = arith.addi %parallel_loop3A_521, %parallel_loop3A_772 : i32
        %parallel_loop3A_774 = arith.index_cast %parallel_loop3A_773 : i32 to index
        %parallel_loop3A_775 = tpu.vector_load %arg5[%parallel_loop3A_774] {strides = array<i32>} : memref<32768xf32, #tpu.memory_space<vmem>>, vector<16xf32>,
        %parallel_loop3A_776 = arith.maximumf %parallel_loop3A_736, %parallel_loop3A_775 : vector<16xf32>
        %parallel_loop3A_777 = arith.constant 816 : i32
        %parallel_loop3A_778 = arith.addi %parallel_loop3A_521, %parallel_loop3A_777 : i32
        %parallel_loop3A_779 = arith.index_cast %parallel_loop3A_778 : i32 to index
        %parallel_loop3A_780 = tpu.vector_load %arg5[%parallel_loop3A_779] {strides = array<i32>} : memref<32768xf32, #tpu.memory_space<vmem>>, vector<16xf32>,
        %parallel_loop3A_781 = arith.maximumf %parallel_loop3A_741, %parallel_loop3A_780 : vector<16xf32>
        %parallel_loop3A_782 = arith.constant 832 : i32
        %parallel_loop3A_783 = arith.addi %parallel_loop3A_521, %parallel_loop3A_782 : i32
        %parallel_loop3A_784 = arith.index_cast %parallel_loop3A_783 : i32 to index
        %parallel_loop3A_785 = tpu.vector_load %arg5[%parallel_loop3A_784] {strides = array<i32>} : memref<32768xf32, #tpu.memory_space<vmem>>, vector<16xf32>,
        %parallel_loop3A_786 = arith.maximumf %parallel_loop3A_746, %parallel_loop3A_785 : vector<16xf32>
        %parallel_loop3A_787 = arith.constant 848 : i32
        %parallel_loop3A_788 = arith.addi %parallel_loop3A_521, %parallel_loop3A_787 : i32
        %parallel_loop3A_789 = arith.index_cast %parallel_loop3A_788 : i32 to index
        %parallel_loop3A_790 = tpu.vector_load %arg5[%parallel_loop3A_789] {strides = array<i32>} : memref<32768xf32, #tpu.memory_space<vmem>>, vector<16xf32>,
        %parallel_loop3A_791 = arith.maximumf %parallel_loop3A_751, %parallel_loop3A_790 : vector<16xf32>
        %parallel_loop3A_792 = arith.constant 864 : i32
        %parallel_loop3A_793 = arith.addi %parallel_loop3A_521, %parallel_loop3A_792 : i32
        %parallel_loop3A_794 = arith.index_cast %parallel_loop3A_793 : i32 to index
        %parallel_loop3A_795 = tpu.vector_load %arg5[%parallel_loop3A_794] {strides = array<i32>} : memref<32768xf32, #tpu.memory_space<vmem>>, vector<16xf32>,
        %parallel_loop3A_796 = arith.maximumf %parallel_loop3A_756, %parallel_loop3A_795 : vector<16xf32>
        %parallel_loop3A_797 = arith.constant 880 : i32
        %parallel_loop3A_798 = arith.addi %parallel_loop3A_521, %parallel_loop3A_797 : i32
        %parallel_loop3A_799 = arith.index_cast %parallel_loop3A_798 : i32 to index
        %parallel_loop3A_800 = tpu.vector_load %arg5[%parallel_loop3A_799] {strides = array<i32>} : memref<32768xf32, #tpu.memory_space<vmem>>, vector<16xf32>,
        %parallel_loop3A_801 = arith.maximumf %parallel_loop3A_761, %parallel_loop3A_800 : vector<16xf32>
        %parallel_loop3A_802 = arith.constant 896 : i32
        %parallel_loop3A_803 = arith.addi %parallel_loop3A_521, %parallel_loop3A_802 : i32
        %parallel_loop3A_804 = arith.index_cast %parallel_loop3A_803 : i32 to index
        %parallel_loop3A_805 = tpu.vector_load %arg5[%parallel_loop3A_804] {strides = array<i32>} : memref<32768xf32, #tpu.memory_space<vmem>>, vector<16xf32>,
        %parallel_loop3A_806 = arith.maximumf %parallel_loop3A_766, %parallel_loop3A_805 : vector<16xf32>
        %parallel_loop3A_807 = arith.constant 912 : i32
        %parallel_loop3A_808 = arith.addi %parallel_loop3A_521, %parallel_loop3A_807 : i32
        %parallel_loop3A_809 = arith.index_cast %parallel_loop3A_808 : i32 to index
        %parallel_loop3A_810 = tpu.vector_load %arg5[%parallel_loop3A_809] {strides = array<i32>} : memref<32768xf32, #tpu.memory_space<vmem>>, vector<16xf32>,
        %parallel_loop3A_811 = arith.maximumf %parallel_loop3A_771, %parallel_loop3A_810 : vector<16xf32>
        %parallel_loop3A_812 = arith.constant 928 : i32
        %parallel_loop3A_813 = arith.addi %parallel_loop3A_521, %parallel_loop3A_812 : i32
        %parallel_loop3A_814 = arith.index_cast %parallel_loop3A_813 : i32 to index
        %parallel_loop3A_815 = tpu.vector_load %arg5[%parallel_loop3A_814] {strides = array<i32>} : memref<32768xf32, #tpu.memory_space<vmem>>, vector<16xf32>,
        %parallel_loop3A_816 = arith.maximumf %parallel_loop3A_776, %parallel_loop3A_815 : vector<16xf32>
        %parallel_loop3A_817 = arith.constant 944 : i32
        %parallel_loop3A_818 = arith.addi %parallel_loop3A_521, %parallel_loop3A_817 : i32
        %parallel_loop3A_819 = arith.index_cast %parallel_loop3A_818 : i32 to index
        %parallel_loop3A_820 = tpu.vector_load %arg5[%parallel_loop3A_819] {strides = array<i32>} : memref<32768xf32, #tpu.memory_space<vmem>>, vector<16xf32>,
        %parallel_loop3A_821 = arith.maximumf %parallel_loop3A_781, %parallel_loop3A_820 : vector<16xf32>
        %parallel_loop3A_822 = arith.constant 960 : i32
        %parallel_loop3A_823 = arith.addi %parallel_loop3A_521, %parallel_loop3A_822 : i32
        %parallel_loop3A_824 = arith.index_cast %parallel_loop3A_823 : i32 to index
        %parallel_loop3A_825 = tpu.vector_load %arg5[%parallel_loop3A_824] {strides = array<i32>} : memref<32768xf32, #tpu.memory_space<vmem>>, vector<16xf32>,
        %parallel_loop3A_826 = arith.maximumf %parallel_loop3A_786, %parallel_loop3A_825 : vector<16xf32>
        %parallel_loop3A_827 = arith.constant 976 : i32
        %parallel_loop3A_828 = arith.addi %parallel_loop3A_521, %parallel_loop3A_827 : i32
        %parallel_loop3A_829 = arith.index_cast %parallel_loop3A_828 : i32 to index
        %parallel_loop3A_830 = tpu.vector_load %arg5[%parallel_loop3A_829] {strides = array<i32>} : memref<32768xf32, #tpu.memory_space<vmem>>, vector<16xf32>,
        %parallel_loop3A_831 = arith.maximumf %parallel_loop3A_791, %parallel_loop3A_830 : vector<16xf32>
        %parallel_loop3A_832 = arith.constant 992 : i32
        %parallel_loop3A_833 = arith.addi %parallel_loop3A_521, %parallel_loop3A_832 : i32
        %parallel_loop3A_834 = arith.index_cast %parallel_loop3A_833 : i32 to index
        %parallel_loop3A_835 = tpu.vector_load %arg5[%parallel_loop3A_834] {strides = array<i32>} : memref<32768xf32, #tpu.memory_space<vmem>>, vector<16xf32>,
        %parallel_loop3A_836 = arith.maximumf %parallel_loop3A_796, %parallel_loop3A_835 : vector<16xf32>
        %parallel_loop3A_837 = arith.constant 1008 : i32
        %parallel_loop3A_838 = arith.addi %parallel_loop3A_521, %parallel_loop3A_837 : i32
        %parallel_loop3A_839 = arith.index_cast %parallel_loop3A_838 : i32 to index
        %parallel_loop3A_840 = tpu.vector_load %arg5[%parallel_loop3A_839] {strides = array<i32>} : memref<32768xf32, #tpu.memory_space<vmem>>, vector<16xf32>,
        %parallel_loop3A_841 = arith.maximumf %parallel_loop3A_801, %parallel_loop3A_840 : vector<16xf32>
        %parallel_loop3A_842 = arith.maximumf %parallel_loop3A_806, %parallel_loop3A_811 : vector<16xf32>
        %parallel_loop3A_843 = arith.maximumf %parallel_loop3A_816, %parallel_loop3A_821 : vector<16xf32>
        %parallel_loop3A_844 = arith.maximumf %parallel_loop3A_826, %parallel_loop3A_831 : vector<16xf32>
        %parallel_loop3A_845 = arith.maximumf %parallel_loop3A_836, %parallel_loop3A_841 : vector<16xf32>
        %parallel_loop3A_846 = arith.maximumf %parallel_loop3A_842, %parallel_loop3A_843 : vector<16xf32>
        %parallel_loop3A_847 = arith.maximumf %parallel_loop3A_844, %parallel_loop3A_845 : vector<16xf32>
        %parallel_loop3A_848 = arith.maximumf %parallel_loop3A_846, %parallel_loop3A_847 : vector<16xf32>
        %parallel_loop3A_849 = arith.constant 16 : i32
        %parallel_loop3A_850 = arith.muli %parallel_loop3A_519, %parallel_loop3A_849 : i32
        %parallel_loop3A_851 = arith.index_cast %parallel_loop3A_850 : i32 to index
        %parallel_loop3A_852 = tpu.vector_load %arg7[%parallel_loop3A_851] {strides = array<i32>} : memref<512xf32, #tpu.memory_space<vmem>>, vector<16xf32>,
        tpu.vector_store %arg7[%parallel_loop3A_851], %parallel_loop3A_848 {strides = array<i32>} : memref<512xf32, #tpu.memory_space<vmem>>, vector<16xf32>,
      } {sc.loop_unroll_factor = 1 : i64, sc.parallel_access}
      %parallel_loop3A_298 = arith.constant 0 : i32
      %parallel_loop3A_299 = arith.constant 32 : i32
      %parallel_loop3A_300 = arith.constant 1 : i32
      %parallel_loop3A_301 = scf.for %parallel_loop3A_519 = %parallel_loop3A_298 to %parallel_loop3A_299 step %parallel_loop3A_300 iter_args(%parallel_loop3A_520 = %broadcast_in_dim3A_294) -> (vector<16xf32>)  : i32 {
        %parallel_loop3A_521 = arith.constant 16 : i32
        %parallel_loop3A_522 = arith.muli %parallel_loop3A_519, %parallel_loop3A_521 : i32
        %parallel_loop3A_523 = arith.index_cast %parallel_loop3A_522 : i32 to index
        %parallel_loop3A_524 = tpu.vector_load %arg7[%parallel_loop3A_523] {strides = array<i32>} : memref<512xf32, #tpu.memory_space<vmem>>, vector<16xf32>,
        %parallel_loop3A_525 = arith.maximumf %parallel_loop3A_520, %parallel_loop3A_524 : vector<16xf32>
        scf.yield %parallel_loop3A_525 : vector<16xf32>
      } {sc.loop_unroll_factor = 1 : i64, sc.parallel_access}
      %reduce_max3A_302 = arith.constant true
      %reduce_max3A_303 = vector.broadcast %reduce_max3A_302 : i1 to vector<16xi1>
      %reduce_max3A_304 = tpu.scan <max>, %parallel_loop3A_301 masked %reduce_max3A_303 : vector<16xf32>, vector<16xi1> -> vector<16xf32>
      %reduce_max3A_305 = vector.extract %reduce_max3A_304[15] : f32 from vector<16xf32>
      %broadcast_in_dim3A_306 = vector.broadcast %reduce_max3A_305 : f32 to vector<16xf32>
      %broadcast_in_dim3A_307 = arith.constant 1073741824 : i32
      %broadcast_in_dim3A_308 = vector.broadcast %broadcast_in_dim3A_307 : i32 to vector<16xi32>
      %parallel_loop3A_309 = arith.constant 0 : i32
      %parallel_loop3A_310 = arith.constant 32 : i32
      %parallel_loop3A_311 = arith.constant 1 : i32
      %parallel_loop3A_312 = scf.for %parallel_loop3A_519 = %parallel_loop3A_309 to %parallel_loop3A_310 step %parallel_loop3A_311 iter_args(%parallel_loop3A_520 = %broadcast_in_dim3A_308) -> (vector<16xi32>)  : i32 {
        %parallel_loop3A_521 = arith.constant 16 : i32
        %parallel_loop3A_522 = arith.muli %parallel_loop3A_519, %parallel_loop3A_521 : i32
        %parallel_loop3A_523 = arith.index_cast %parallel_loop3A_522 : i32 to index
        %parallel_loop3A_524 = tpu.vector_load %arg7[%parallel_loop3A_523] {strides = array<i32>} : memref<512xf32, #tpu.memory_space<vmem>>, vector<16xf32>,
        %parallel_loop3A_525 = vector.broadcast %parallel_loop3A_519 : i32 to vector<16xi32>
        %parallel_loop3A_526 = arith.cmpf oeq, %parallel_loop3A_524, %broadcast_in_dim3A_306 : vector<16xf32>
        %parallel_loop3A_527 = arith.constant 1073741824 : i32
        %parallel_loop3A_528 = vector.broadcast %parallel_loop3A_527 : i32 to vector<16xi32>
        %parallel_loop3A_529 = arith.select %parallel_loop3A_526, %parallel_loop3A_525, %parallel_loop3A_528 : vector<16xi1>, vector<16xi32>
        %parallel_loop3A_530 = arith.minsi %parallel_loop3A_520, %parallel_loop3A_529 : vector<16xi32>
        scf.yield %parallel_loop3A_530 : vector<16xi32>
      } {sc.loop_unroll_factor = 1 : i64, sc.parallel_access}
      %reduce_min3A_313 = arith.constant true
      %reduce_min3A_314 = vector.broadcast %reduce_min3A_313 : i1 to vector<16xi1>
      %reduce_min3A_315 = arith.constant -2147483648 : i32
      %reduce_min3A_316 = vector.broadcast %reduce_min3A_315 : i32 to vector<16xi32>
      %reduce_min3A_317 = arith.xori %parallel_loop3A_312, %reduce_min3A_316 : vector<16xi32>
      %reduce_min3A_318 = tpu.scan <min>, %reduce_min3A_317 masked %reduce_min3A_314 : vector<16xi32>, vector<16xi1> -> vector<16xi32>
      %reduce_min3A_319 = arith.xori %reduce_min3A_318, %reduce_min3A_316 : vector<16xi32>
      %reduce_min3A_320 = vector.extract %reduce_min3A_319[15] : i32 from vector<16xi32>
      %mul3A_321 = arith.constant 1024 : i32
      %mul3A_322 = arith.muli %reduce_min3A_320, %mul3A_321 : i32
      %broadcast_in_dim3A_323 = arith.constant 1073741824 : i32
      %broadcast_in_dim3A_324 = vector.broadcast %broadcast_in_dim3A_323 : i32 to vector<16xi32>
      %parallel_loop3A_325 = arith.constant 0 : i32
      %parallel_loop3A_326 = arith.constant 64 : i32
      %parallel_loop3A_327 = arith.constant 2 : i32
      %parallel_loop3A_328:2 = scf.for %parallel_loop3A_519 = %parallel_loop3A_325 to %parallel_loop3A_326 step %parallel_loop3A_327 iter_args(%parallel_loop3A_520 = %broadcast_in_dim3A_324, %parallel_loop3A_521 = %broadcast_in_dim3A_324) -> (vector<16xi32>, vector<16xi32>)  : i32 {
        %parallel_loop3A_522 = arith.constant 16 : i32
        %parallel_loop3A_523 = arith.muli %parallel_loop3A_519, %parallel_loop3A_522 : i32
        %parallel_loop3A_524 = arith.addi %mul3A_322, %parallel_loop3A_523 : i32
        %parallel_loop3A_525 = arith.index_cast %parallel_loop3A_524 : i32 to index
        %parallel_loop3A_526 = tpu.vector_load %arg5[%parallel_loop3A_525] {strides = array<i32>} : memref<32768xf32, #tpu.memory_space<vmem>>, vector<16xf32>,
        %parallel_loop3A_527 = arith.constant 1 : i32
        %parallel_loop3A_528 = arith.addi %parallel_loop3A_519, %parallel_loop3A_527 : i32
        %parallel_loop3A_529 = arith.constant 16 : i32
        %parallel_loop3A_530 = arith.muli %parallel_loop3A_528, %parallel_loop3A_529 : i32
        %parallel_loop3A_531 = arith.addi %mul3A_322, %parallel_loop3A_530 : i32
        %parallel_loop3A_532 = arith.index_cast %parallel_loop3A_531 : i32 to index
        %parallel_loop3A_533 = tpu.vector_load %arg5[%parallel_loop3A_532] {strides = array<i32>} : memref<32768xf32, #tpu.memory_space<vmem>>, vector<16xf32>,
        %parallel_loop3A_534 = vector.broadcast %parallel_loop3A_519 : i32 to vector<16xi32>
        %parallel_loop3A_535 = arith.cmpf oeq, %parallel_loop3A_526, %broadcast_in_dim3A_306 : vector<16xf32>
        %parallel_loop3A_536 = arith.constant 1073741824 : i32
        %parallel_loop3A_537 = vector.broadcast %parallel_loop3A_536 : i32 to vector<16xi32>
        %parallel_loop3A_538 = arith.select %parallel_loop3A_535, %parallel_loop3A_534, %parallel_loop3A_537 : vector<16xi1>, vector<16xi32>
        %parallel_loop3A_539 = arith.minsi %parallel_loop3A_520, %parallel_loop3A_538 : vector<16xi32>
        %parallel_loop3A_540 = arith.cmpf oeq, %parallel_loop3A_533, %broadcast_in_dim3A_306 : vector<16xf32>
        %parallel_loop3A_541 = arith.constant 1 : i32
        %parallel_loop3A_542 = vector.broadcast %parallel_loop3A_541 : i32 to vector<16xi32>
        %parallel_loop3A_543 = arith.addi %parallel_loop3A_534, %parallel_loop3A_542 : vector<16xi32>
        %parallel_loop3A_544 = arith.constant 1073741824 : i32
        %parallel_loop3A_545 = vector.broadcast %parallel_loop3A_544 : i32 to vector<16xi32>
        %parallel_loop3A_546 = arith.select %parallel_loop3A_540, %parallel_loop3A_543, %parallel_loop3A_545 : vector<16xi1>, vector<16xi32>
        %parallel_loop3A_547 = arith.minsi %parallel_loop3A_521, %parallel_loop3A_546 : vector<16xi32>
        scf.yield %parallel_loop3A_539, %parallel_loop3A_547 : vector<16xi32>, vector<16xi32>
      } {sc.loop_unroll_factor = 1 : i64, sc.parallel_access}
      %min3A_329 = arith.minsi %parallel_loop3A_328#0, %parallel_loop3A_328#1 : vector<16xi32>
      %eq3A_330 = arith.constant 1073741824 : i32
      %eq3A_331 = vector.broadcast %eq3A_330 : i32 to vector<16xi32>
      %eq3A_332 = arith.cmpi eq, %min3A_329, %eq3A_331 : vector<16xi32>
      %mul3A_333 = arith.constant 16 : i32
      %mul3A_334 = vector.broadcast %mul3A_333 : i32 to vector<16xi32>
      %mul3A_335 = arith.muli %min3A_329, %mul3A_334 : vector<16xi32>
      %add3A_336 = arith.addi %mul3A_335, %iota3A : vector<16xi32>
      %jit3A_337 = arith.constant 1073741824 : i32
      %broadcast_in_dim3A_338 = vector.broadcast %jit3A_337 : i32 to vector<16xi32>
      %select_n3A_339 = arith.select %eq3A_332, %broadcast_in_dim3A_338, %add3A_336 : vector<16xi1>, vector<16xi32>
      %reduce_min3A_340 = arith.constant true
      %reduce_min3A_341 = vector.broadcast %reduce_min3A_340 : i1 to vector<16xi1>
      %reduce_min3A_342 = arith.constant -2147483648 : i32
      %reduce_min3A_343 = vector.broadcast %reduce_min3A_342 : i32 to vector<16xi32>
      %reduce_min3A_344 = arith.xori %select_n3A_339, %reduce_min3A_343 : vector<16xi32>
      %reduce_min3A_345 = tpu.scan <min>, %reduce_min3A_344 masked %reduce_min3A_341 : vector<16xi32>, vector<16xi1> -> vector<16xi32>
      %reduce_min3A_346 = arith.xori %reduce_min3A_345, %reduce_min3A_343 : vector<16xi32>
      %reduce_min3A_347 = vector.extract %reduce_min3A_346[15] : i32 from vector<16xi32>
      %add3A_348 = arith.addi %mul3A_322, %reduce_min3A_347 : i32
      %convert_element_type3A_349 = arith.sitofp %add3A_348 : i32 to f32
      %add3A_350 = arith.constant 3 : i32
      %add3A_351 = arith.addi %add3A_286, %add3A_350 : i32
      %lt3A_352 = arith.constant 32 : i32
      %lt3A_353 = arith.cmpi slt, %add3A_351, %lt3A_352 : i32
      %convert_element_type3A_354 = arith.extui %lt3A_353 : i1 to i32
      %cond3A_355 = arith.constant 0 : i32
      %cond3A_356 = arith.cmpi ne, %convert_element_type3A_354, %cond3A_355 : i32
      scf.if %cond3A_356 {
        %add3A_519 = arith.addi %mul3A_2, %add3A_286 : i32
        %add3A_520 = arith.constant 3 : i32
        %add3A_521 = arith.addi %add3A_519, %add3A_520 : i32
        %dma_start3A_522 = arith.constant 0 : i32
        %dma_start3A_523 = tpu.memref_slice %arg2[%add3A_521, %dma_start3A_522] : memref<1024x32768xf32, #tpu.memory_space<hbm>> -> memref<1x32768xf32, #tpu.memory_space<hbm>>
        %dma_start3A_524 = tpu.memref_squeeze %dma_start3A_523 : memref<1x32768xf32, #tpu.memory_space<hbm>> -> memref<32768xf32, #tpu.memory_space<hbm>>
        %dma_start3A_525 = arith.constant 0 : i32
        %dma_start3A_526 = tpu.memref_slice %arg2[%add3A_521, %dma_start3A_525] : memref<1024x32768xf32, #tpu.memory_space<hbm>> -> memref<1x32768xf32, #tpu.memory_space<hbm>>
        %dma_start3A_527 = tpu.memref_squeeze %dma_start3A_526 : memref<1x32768xf32, #tpu.memory_space<hbm>> -> memref<32768xf32, #tpu.memory_space<hbm>>
        tpu.enqueue_dma source(%dma_start3A_527 : memref<32768xf32, #tpu.memory_space<hbm>>) target(%arg5 : memref<32768xf32, #tpu.memory_space<vmem>>) target_semaphore(%arg10 : memref<!tpu.dma_semaphore, #tpu.memory_space<semaphore_mem>>)
      } else {
      }
      %jit3A_357 = arith.constant 16 : i32
      %eq3A_358 = arith.constant 0 : i32
      %eq3A_359 = arith.cmpi eq, %jit3A_357, %eq3A_358 : i32
      %jit3A_360 = arith.constant 1 : i32
      %select_n3A_361 = arith.select %eq3A_359, %jit3A_360, %jit3A_357 : i32
      %rem3A_362 = arith.remsi %add3A_286, %select_n3A_361 : i32
      %ne3A_363 = arith.constant 0 : i32
      %ne3A_364 = arith.cmpi ne, %rem3A_362, %ne3A_363 : i32
      %lt3A_365 = arith.constant 0 : i32
      %lt3A_366 = arith.cmpi slt, %rem3A_362, %lt3A_365 : i32
      %lt3A_367 = arith.constant 0 : i32
      %lt3A_368 = arith.cmpi slt, %select_n3A_361, %lt3A_367 : i32
      %ne3A_369 = arith.xori %lt3A_366, %lt3A_368 : i1
      %and3A_370 = arith.andi %ne3A_369, %ne3A_364 : i1
      %add3A_371 = arith.addi %rem3A_362, %select_n3A_361 : i32
      %select_n3A_372 = arith.select %and3A_370, %add3A_371, %rem3A_362 : i32
      %eq3A_373 = vector.broadcast %select_n3A_372 : i32 to vector<16xi32>
      %eq3A_374 = arith.cmpi eq, %iota3A, %eq3A_373 : vector<16xi32>
      %broadcast_in_dim3A_375 = vector.broadcast %convert_element_type3A_349 : f32 to vector<16xf32>
      %select_n3A_376 = arith.select %eq3A_374, %broadcast_in_dim3A_375, %select_n3A_282 : vector<16xi1>, vector<16xf32>
      %jit3A_377 = arith.constant 16 : i32
      %eq3A_378 = arith.constant 0 : i32
      %eq3A_379 = arith.cmpi eq, %jit3A_377, %eq3A_378 : i32
      %jit3A_380 = arith.constant 1 : i32
      %select_n3A_381 = arith.select %eq3A_379, %jit3A_380, %jit3A_377 : i32
      %rem3A_382 = arith.remsi %add3A_286, %select_n3A_381 : i32
      %ne3A_383 = arith.constant 0 : i32
      %ne3A_384 = arith.cmpi ne, %rem3A_382, %ne3A_383 : i32
      %lt3A_385 = arith.constant 0 : i32
      %lt3A_386 = arith.cmpi slt, %rem3A_382, %lt3A_385 : i32
      %lt3A_387 = arith.constant 0 : i32
      %lt3A_388 = arith.cmpi slt, %select_n3A_381, %lt3A_387 : i32
      %ne3A_389 = arith.xori %lt3A_386, %lt3A_388 : i1
      %and3A_390 = arith.andi %ne3A_389, %ne3A_384 : i1
      %add3A_391 = arith.addi %rem3A_382, %select_n3A_381 : i32
      %select_n3A_392 = arith.select %and3A_390, %add3A_391, %rem3A_382 : i32
      %eq3A_393 = arith.constant 15 : i32
      %eq3A_394 = arith.cmpi eq, %select_n3A_392, %eq3A_393 : i32
      %convert_element_type3A_395 = arith.extui %eq3A_394 : i1 to i32
      %cond3A_396 = arith.constant 0 : i32
      %cond3A_397 = arith.cmpi ne, %convert_element_type3A_395, %cond3A_396 : i32
      scf.if %cond3A_397 {
        %jit3A_519 = arith.constant 16 : i32
        %div3A = arith.divsi %add3A_286, %jit3A_519 : i32
        %sign3A = arith.constant 0 : i32
        %sign3A_520 = arith.cmpi sgt, %add3A_286, %sign3A : i32
        %sign3A_521 = arith.extui %sign3A_520 : i1 to i32
        %sign3A_522 = arith.constant 0 : i32
        %sign3A_523 = arith.cmpi slt, %add3A_286, %sign3A_522 : i32
        %sign3A_524 = arith.extui %sign3A_523 : i1 to i32
        %sign3A_525 = arith.subi %sign3A_521, %sign3A_524 : i32
        %sign3A_526 = arith.constant 0 : i32
        %sign3A_527 = arith.cmpi sgt, %jit3A_519, %sign3A_526 : i32
        %sign3A_528 = arith.extui %sign3A_527 : i1 to i32
        %sign3A_529 = arith.constant 0 : i32
        %sign3A_530 = arith.cmpi slt, %jit3A_519, %sign3A_529 : i32
        %sign3A_531 = arith.extui %sign3A_530 : i1 to i32
        %sign3A_532 = arith.subi %sign3A_528, %sign3A_531 : i32
        %ne3A_533 = arith.cmpi ne, %sign3A_525, %sign3A_532 : i32
        %rem3A_534 = arith.remsi %add3A_286, %jit3A_519 : i32
        %ne3A_535 = arith.constant 0 : i32
        %ne3A_536 = arith.cmpi ne, %rem3A_534, %ne3A_535 : i32
        %and3A_537 = arith.andi %ne3A_533, %ne3A_536 : i1
        %sub3A = arith.constant 1 : i32
        %sub3A_538 = arith.subi %div3A, %sub3A : i32
        %select_n3A_539 = arith.select %and3A_537, %sub3A_538, %div3A : i32
        %mul3A_540 = arith.constant 16 : i32
        %mul3A_541 = arith.muli %select_n3A_539, %mul3A_540 : i32
        %swap3A_542 = arith.index_cast %mul3A_541 : i32 to index
        %swap3A_543 = tpu.vector_load %arg8[%swap3A_542] {strides = array<i32>} : memref<32xf32, #tpu.memory_space<vmem>>, vector<16xf32>,
        tpu.vector_store %arg8[%swap3A_542], %select_n3A_376 {strides = array<i32>} : memref<32xf32, #tpu.memory_space<vmem>>, vector<16xf32>,
      } else {
      }
      %broadcast_in_dim3A_398 = arith.constant 0.000000e+00 : f32
      %broadcast_in_dim3A_399 = vector.broadcast %broadcast_in_dim3A_398 : f32 to vector<16xf32>
      %select_n3A_400 = arith.select %eq3A_394, %broadcast_in_dim3A_399, %select_n3A_376 : vector<16xf32>
      %mul3A_401 = arith.constant 3 : i32
      %mul3A_402 = arith.muli %mul3A_401, %scan3A_168 : i32
      %add3A_403 = arith.constant 2 : i32
      %add3A_404 = arith.addi %mul3A_402, %add3A_403 : i32
      %dma_wait3A_405 = arith.constant 0 : i32
      %dma_wait3A_406 = tpu.memref_slice %arg2[%mul3A_2, %dma_wait3A_405] : memref<1024x32768xf32, #tpu.memory_space<hbm>> -> memref<1x32768xf32, #tpu.memory_space<hbm>>
      %dma_wait3A_407 = tpu.memref_squeeze %dma_wait3A_406 : memref<1x32768xf32, #tpu.memory_space<hbm>> -> memref<32768xf32, #tpu.memory_space<hbm>>
      %dma_wait3A_408 = arith.constant 0 : i32
      %dma_wait3A_409 = tpu.memref_slice %arg2[%mul3A_2, %dma_wait3A_408] : memref<1024x32768xf32, #tpu.memory_space<hbm>> -> memref<1x32768xf32, #tpu.memory_space<hbm>>
      %dma_wait3A_410 = tpu.memref_squeeze %dma_wait3A_409 : memref<1x32768xf32, #tpu.memory_space<hbm>> -> memref<32768xf32, #tpu.memory_space<hbm>>
      tpu.wait_dma2 semaphore(%arg11 : memref<!tpu.dma_semaphore, #tpu.memory_space<semaphore_mem>>) src(%dma_wait3A_410 : memref<32768xf32, #tpu.memory_space<hbm>>) dst(%arg6 : memref<32768xf32, #tpu.memory_space<vmem>>)
      %broadcast_in_dim3A_411 = arith.constant 0xFF800000 : f32
      %broadcast_in_dim3A_412 = vector.broadcast %broadcast_in_dim3A_411 : f32 to vector<16xf32>
      %parallel_loop3A_413 = arith.constant 0 : i32
      %parallel_loop3A_414 = arith.constant 32 : i32
      %parallel_loop3A_415 = arith.constant 1 : i32
      scf.for %parallel_loop3A_519 = %parallel_loop3A_413 to %parallel_loop3A_414 step %parallel_loop3A_415  : i32 {
        %parallel_loop3A_520 = arith.constant 1024 : i32
        %parallel_loop3A_521 = arith.muli %parallel_loop3A_519, %parallel_loop3A_520 : i32
        %parallel_loop3A_522 = arith.constant 0 : i32
        %parallel_loop3A_523 = arith.addi %parallel_loop3A_521, %parallel_loop3A_522 : i32
        %parallel_loop3A_524 = arith.index_cast %parallel_loop3A_523 : i32 to index
        %parallel_loop3A_525 = tpu.vector_load %arg6[%parallel_loop3A_524] {strides = array<i32>} : memref<32768xf32, #tpu.memory_space<vmem>>, vector<16xf32>,
        %parallel_loop3A_526 = arith.maximumf %broadcast_in_dim3A_412, %parallel_loop3A_525 : vector<16xf32>
        %parallel_loop3A_527 = arith.constant 16 : i32
        %parallel_loop3A_528 = arith.addi %parallel_loop3A_521, %parallel_loop3A_527 : i32
        %parallel_loop3A_529 = arith.index_cast %parallel_loop3A_528 : i32 to index
        %parallel_loop3A_530 = tpu.vector_load %arg6[%parallel_loop3A_529] {strides = array<i32>} : memref<32768xf32, #tpu.memory_space<vmem>>, vector<16xf32>,
        %parallel_loop3A_531 = arith.maximumf %broadcast_in_dim3A_412, %parallel_loop3A_530 : vector<16xf32>
        %parallel_loop3A_532 = arith.constant 32 : i32
        %parallel_loop3A_533 = arith.addi %parallel_loop3A_521, %parallel_loop3A_532 : i32
        %parallel_loop3A_534 = arith.index_cast %parallel_loop3A_533 : i32 to index
        %parallel_loop3A_535 = tpu.vector_load %arg6[%parallel_loop3A_534] {strides = array<i32>} : memref<32768xf32, #tpu.memory_space<vmem>>, vector<16xf32>,
        %parallel_loop3A_536 = arith.maximumf %broadcast_in_dim3A_412, %parallel_loop3A_535 : vector<16xf32>
        %parallel_loop3A_537 = arith.constant 48 : i32
        %parallel_loop3A_538 = arith.addi %parallel_loop3A_521, %parallel_loop3A_537 : i32
        %parallel_loop3A_539 = arith.index_cast %parallel_loop3A_538 : i32 to index
        %parallel_loop3A_540 = tpu.vector_load %arg6[%parallel_loop3A_539] {strides = array<i32>} : memref<32768xf32, #tpu.memory_space<vmem>>, vector<16xf32>,
        %parallel_loop3A_541 = arith.maximumf %broadcast_in_dim3A_412, %parallel_loop3A_540 : vector<16xf32>
        %parallel_loop3A_542 = arith.constant 64 : i32
        %parallel_loop3A_543 = arith.addi %parallel_loop3A_521, %parallel_loop3A_542 : i32
        %parallel_loop3A_544 = arith.index_cast %parallel_loop3A_543 : i32 to index
        %parallel_loop3A_545 = tpu.vector_load %arg6[%parallel_loop3A_544] {strides = array<i32>} : memref<32768xf32, #tpu.memory_space<vmem>>, vector<16xf32>,
        %parallel_loop3A_546 = arith.maximumf %broadcast_in_dim3A_412, %parallel_loop3A_545 : vector<16xf32>
        %parallel_loop3A_547 = arith.constant 80 : i32
        %parallel_loop3A_548 = arith.addi %parallel_loop3A_521, %parallel_loop3A_547 : i32
        %parallel_loop3A_549 = arith.index_cast %parallel_loop3A_548 : i32 to index
        %parallel_loop3A_550 = tpu.vector_load %arg6[%parallel_loop3A_549] {strides = array<i32>} : memref<32768xf32, #tpu.memory_space<vmem>>, vector<16xf32>,
        %parallel_loop3A_551 = arith.maximumf %broadcast_in_dim3A_412, %parallel_loop3A_550 : vector<16xf32>
        %parallel_loop3A_552 = arith.constant 96 : i32
        %parallel_loop3A_553 = arith.addi %parallel_loop3A_521, %parallel_loop3A_552 : i32
        %parallel_loop3A_554 = arith.index_cast %parallel_loop3A_553 : i32 to index
        %parallel_loop3A_555 = tpu.vector_load %arg6[%parallel_loop3A_554] {strides = array<i32>} : memref<32768xf32, #tpu.memory_space<vmem>>, vector<16xf32>,
        %parallel_loop3A_556 = arith.maximumf %broadcast_in_dim3A_412, %parallel_loop3A_555 : vector<16xf32>
        %parallel_loop3A_557 = arith.constant 112 : i32
        %parallel_loop3A_558 = arith.addi %parallel_loop3A_521, %parallel_loop3A_557 : i32
        %parallel_loop3A_559 = arith.index_cast %parallel_loop3A_558 : i32 to index
        %parallel_loop3A_560 = tpu.vector_load %arg6[%parallel_loop3A_559] {strides = array<i32>} : memref<32768xf32, #tpu.memory_space<vmem>>, vector<16xf32>,
        %parallel_loop3A_561 = arith.maximumf %broadcast_in_dim3A_412, %parallel_loop3A_560 : vector<16xf32>
        %parallel_loop3A_562 = arith.constant 128 : i32
        %parallel_loop3A_563 = arith.addi %parallel_loop3A_521, %parallel_loop3A_562 : i32
        %parallel_loop3A_564 = arith.index_cast %parallel_loop3A_563 : i32 to index
        %parallel_loop3A_565 = tpu.vector_load %arg6[%parallel_loop3A_564] {strides = array<i32>} : memref<32768xf32, #tpu.memory_space<vmem>>, vector<16xf32>,
        %parallel_loop3A_566 = arith.maximumf %parallel_loop3A_526, %parallel_loop3A_565 : vector<16xf32>
        %parallel_loop3A_567 = arith.constant 144 : i32
        %parallel_loop3A_568 = arith.addi %parallel_loop3A_521, %parallel_loop3A_567 : i32
        %parallel_loop3A_569 = arith.index_cast %parallel_loop3A_568 : i32 to index
        %parallel_loop3A_570 = tpu.vector_load %arg6[%parallel_loop3A_569] {strides = array<i32>} : memref<32768xf32, #tpu.memory_space<vmem>>, vector<16xf32>,
        %parallel_loop3A_571 = arith.maximumf %parallel_loop3A_531, %parallel_loop3A_570 : vector<16xf32>
        %parallel_loop3A_572 = arith.constant 160 : i32
        %parallel_loop3A_573 = arith.addi %parallel_loop3A_521, %parallel_loop3A_572 : i32
        %parallel_loop3A_574 = arith.index_cast %parallel_loop3A_573 : i32 to index
        %parallel_loop3A_575 = tpu.vector_load %arg6[%parallel_loop3A_574] {strides = array<i32>} : memref<32768xf32, #tpu.memory_space<vmem>>, vector<16xf32>,
        %parallel_loop3A_576 = arith.maximumf %parallel_loop3A_536, %parallel_loop3A_575 : vector<16xf32>
        %parallel_loop3A_577 = arith.constant 176 : i32
        %parallel_loop3A_578 = arith.addi %parallel_loop3A_521, %parallel_loop3A_577 : i32
        %parallel_loop3A_579 = arith.index_cast %parallel_loop3A_578 : i32 to index
        %parallel_loop3A_580 = tpu.vector_load %arg6[%parallel_loop3A_579] {strides = array<i32>} : memref<32768xf32, #tpu.memory_space<vmem>>, vector<16xf32>,
        %parallel_loop3A_581 = arith.maximumf %parallel_loop3A_541, %parallel_loop3A_580 : vector<16xf32>
        %parallel_loop3A_582 = arith.constant 192 : i32
        %parallel_loop3A_583 = arith.addi %parallel_loop3A_521, %parallel_loop3A_582 : i32
        %parallel_loop3A_584 = arith.index_cast %parallel_loop3A_583 : i32 to index
        %parallel_loop3A_585 = tpu.vector_load %arg6[%parallel_loop3A_584] {strides = array<i32>} : memref<32768xf32, #tpu.memory_space<vmem>>, vector<16xf32>,
        %parallel_loop3A_586 = arith.maximumf %parallel_loop3A_546, %parallel_loop3A_585 : vector<16xf32>
        %parallel_loop3A_587 = arith.constant 208 : i32
        %parallel_loop3A_588 = arith.addi %parallel_loop3A_521, %parallel_loop3A_587 : i32
        %parallel_loop3A_589 = arith.index_cast %parallel_loop3A_588 : i32 to index
        %parallel_loop3A_590 = tpu.vector_load %arg6[%parallel_loop3A_589] {strides = array<i32>} : memref<32768xf32, #tpu.memory_space<vmem>>, vector<16xf32>,
        %parallel_loop3A_591 = arith.maximumf %parallel_loop3A_551, %parallel_loop3A_590 : vector<16xf32>
        %parallel_loop3A_592 = arith.constant 224 : i32
        %parallel_loop3A_593 = arith.addi %parallel_loop3A_521, %parallel_loop3A_592 : i32
        %parallel_loop3A_594 = arith.index_cast %parallel_loop3A_593 : i32 to index
        %parallel_loop3A_595 = tpu.vector_load %arg6[%parallel_loop3A_594] {strides = array<i32>} : memref<32768xf32, #tpu.memory_space<vmem>>, vector<16xf32>,
        %parallel_loop3A_596 = arith.maximumf %parallel_loop3A_556, %parallel_loop3A_595 : vector<16xf32>
        %parallel_loop3A_597 = arith.constant 240 : i32
        %parallel_loop3A_598 = arith.addi %parallel_loop3A_521, %parallel_loop3A_597 : i32
        %parallel_loop3A_599 = arith.index_cast %parallel_loop3A_598 : i32 to index
        %parallel_loop3A_600 = tpu.vector_load %arg6[%parallel_loop3A_599] {strides = array<i32>} : memref<32768xf32, #tpu.memory_space<vmem>>, vector<16xf32>,
        %parallel_loop3A_601 = arith.maximumf %parallel_loop3A_561, %parallel_loop3A_600 : vector<16xf32>
        %parallel_loop3A_602 = arith.constant 256 : i32
        %parallel_loop3A_603 = arith.addi %parallel_loop3A_521, %parallel_loop3A_602 : i32
        %parallel_loop3A_604 = arith.index_cast %parallel_loop3A_603 : i32 to index
        %parallel_loop3A_605 = tpu.vector_load %arg6[%parallel_loop3A_604] {strides = array<i32>} : memref<32768xf32, #tpu.memory_space<vmem>>, vector<16xf32>,
        %parallel_loop3A_606 = arith.maximumf %parallel_loop3A_566, %parallel_loop3A_605 : vector<16xf32>
        %parallel_loop3A_607 = arith.constant 272 : i32
        %parallel_loop3A_608 = arith.addi %parallel_loop3A_521, %parallel_loop3A_607 : i32
        %parallel_loop3A_609 = arith.index_cast %parallel_loop3A_608 : i32 to index
        %parallel_loop3A_610 = tpu.vector_load %arg6[%parallel_loop3A_609] {strides = array<i32>} : memref<32768xf32, #tpu.memory_space<vmem>>, vector<16xf32>,
        %parallel_loop3A_611 = arith.maximumf %parallel_loop3A_571, %parallel_loop3A_610 : vector<16xf32>
        %parallel_loop3A_612 = arith.constant 288 : i32
        %parallel_loop3A_613 = arith.addi %parallel_loop3A_521, %parallel_loop3A_612 : i32
        %parallel_loop3A_614 = arith.index_cast %parallel_loop3A_613 : i32 to index
        %parallel_loop3A_615 = tpu.vector_load %arg6[%parallel_loop3A_614] {strides = array<i32>} : memref<32768xf32, #tpu.memory_space<vmem>>, vector<16xf32>,
        %parallel_loop3A_616 = arith.maximumf %parallel_loop3A_576, %parallel_loop3A_615 : vector<16xf32>
        %parallel_loop3A_617 = arith.constant 304 : i32
        %parallel_loop3A_618 = arith.addi %parallel_loop3A_521, %parallel_loop3A_617 : i32
        %parallel_loop3A_619 = arith.index_cast %parallel_loop3A_618 : i32 to index
        %parallel_loop3A_620 = tpu.vector_load %arg6[%parallel_loop3A_619] {strides = array<i32>} : memref<32768xf32, #tpu.memory_space<vmem>>, vector<16xf32>,
        %parallel_loop3A_621 = arith.maximumf %parallel_loop3A_581, %parallel_loop3A_620 : vector<16xf32>
        %parallel_loop3A_622 = arith.constant 320 : i32
        %parallel_loop3A_623 = arith.addi %parallel_loop3A_521, %parallel_loop3A_622 : i32
        %parallel_loop3A_624 = arith.index_cast %parallel_loop3A_623 : i32 to index
        %parallel_loop3A_625 = tpu.vector_load %arg6[%parallel_loop3A_624] {strides = array<i32>} : memref<32768xf32, #tpu.memory_space<vmem>>, vector<16xf32>,
        %parallel_loop3A_626 = arith.maximumf %parallel_loop3A_586, %parallel_loop3A_625 : vector<16xf32>
        %parallel_loop3A_627 = arith.constant 336 : i32
        %parallel_loop3A_628 = arith.addi %parallel_loop3A_521, %parallel_loop3A_627 : i32
        %parallel_loop3A_629 = arith.index_cast %parallel_loop3A_628 : i32 to index
        %parallel_loop3A_630 = tpu.vector_load %arg6[%parallel_loop3A_629] {strides = array<i32>} : memref<32768xf32, #tpu.memory_space<vmem>>, vector<16xf32>,
        %parallel_loop3A_631 = arith.maximumf %parallel_loop3A_591, %parallel_loop3A_630 : vector<16xf32>
        %parallel_loop3A_632 = arith.constant 352 : i32
        %parallel_loop3A_633 = arith.addi %parallel_loop3A_521, %parallel_loop3A_632 : i32
        %parallel_loop3A_634 = arith.index_cast %parallel_loop3A_633 : i32 to index
        %parallel_loop3A_635 = tpu.vector_load %arg6[%parallel_loop3A_634] {strides = array<i32>} : memref<32768xf32, #tpu.memory_space<vmem>>, vector<16xf32>,
        %parallel_loop3A_636 = arith.maximumf %parallel_loop3A_596, %parallel_loop3A_635 : vector<16xf32>
        %parallel_loop3A_637 = arith.constant 368 : i32
        %parallel_loop3A_638 = arith.addi %parallel_loop3A_521, %parallel_loop3A_637 : i32
        %parallel_loop3A_639 = arith.index_cast %parallel_loop3A_638 : i32 to index
        %parallel_loop3A_640 = tpu.vector_load %arg6[%parallel_loop3A_639] {strides = array<i32>} : memref<32768xf32, #tpu.memory_space<vmem>>, vector<16xf32>,
        %parallel_loop3A_641 = arith.maximumf %parallel_loop3A_601, %parallel_loop3A_640 : vector<16xf32>
        %parallel_loop3A_642 = arith.constant 384 : i32
        %parallel_loop3A_643 = arith.addi %parallel_loop3A_521, %parallel_loop3A_642 : i32
        %parallel_loop3A_644 = arith.index_cast %parallel_loop3A_643 : i32 to index
        %parallel_loop3A_645 = tpu.vector_load %arg6[%parallel_loop3A_644] {strides = array<i32>} : memref<32768xf32, #tpu.memory_space<vmem>>, vector<16xf32>,
        %parallel_loop3A_646 = arith.maximumf %parallel_loop3A_606, %parallel_loop3A_645 : vector<16xf32>
        %parallel_loop3A_647 = arith.constant 400 : i32
        %parallel_loop3A_648 = arith.addi %parallel_loop3A_521, %parallel_loop3A_647 : i32
        %parallel_loop3A_649 = arith.index_cast %parallel_loop3A_648 : i32 to index
        %parallel_loop3A_650 = tpu.vector_load %arg6[%parallel_loop3A_649] {strides = array<i32>} : memref<32768xf32, #tpu.memory_space<vmem>>, vector<16xf32>,
        %parallel_loop3A_651 = arith.maximumf %parallel_loop3A_611, %parallel_loop3A_650 : vector<16xf32>
        %parallel_loop3A_652 = arith.constant 416 : i32
        %parallel_loop3A_653 = arith.addi %parallel_loop3A_521, %parallel_loop3A_652 : i32
        %parallel_loop3A_654 = arith.index_cast %parallel_loop3A_653 : i32 to index
        %parallel_loop3A_655 = tpu.vector_load %arg6[%parallel_loop3A_654] {strides = array<i32>} : memref<32768xf32, #tpu.memory_space<vmem>>, vector<16xf32>,
        %parallel_loop3A_656 = arith.maximumf %parallel_loop3A_616, %parallel_loop3A_655 : vector<16xf32>
        %parallel_loop3A_657 = arith.constant 432 : i32
        %parallel_loop3A_658 = arith.addi %parallel_loop3A_521, %parallel_loop3A_657 : i32
        %parallel_loop3A_659 = arith.index_cast %parallel_loop3A_658 : i32 to index
        %parallel_loop3A_660 = tpu.vector_load %arg6[%parallel_loop3A_659] {strides = array<i32>} : memref<32768xf32, #tpu.memory_space<vmem>>, vector<16xf32>,
        %parallel_loop3A_661 = arith.maximumf %parallel_loop3A_621, %parallel_loop3A_660 : vector<16xf32>
        %parallel_loop3A_662 = arith.constant 448 : i32
        %parallel_loop3A_663 = arith.addi %parallel_loop3A_521, %parallel_loop3A_662 : i32
        %parallel_loop3A_664 = arith.index_cast %parallel_loop3A_663 : i32 to index
        %parallel_loop3A_665 = tpu.vector_load %arg6[%parallel_loop3A_664] {strides = array<i32>} : memref<32768xf32, #tpu.memory_space<vmem>>, vector<16xf32>,
        %parallel_loop3A_666 = arith.maximumf %parallel_loop3A_626, %parallel_loop3A_665 : vector<16xf32>
        %parallel_loop3A_667 = arith.constant 464 : i32
        %parallel_loop3A_668 = arith.addi %parallel_loop3A_521, %parallel_loop3A_667 : i32
        %parallel_loop3A_669 = arith.index_cast %parallel_loop3A_668 : i32 to index
        %parallel_loop3A_670 = tpu.vector_load %arg6[%parallel_loop3A_669] {strides = array<i32>} : memref<32768xf32, #tpu.memory_space<vmem>>, vector<16xf32>,
        %parallel_loop3A_671 = arith.maximumf %parallel_loop3A_631, %parallel_loop3A_670 : vector<16xf32>
        %parallel_loop3A_672 = arith.constant 480 : i32
        %parallel_loop3A_673 = arith.addi %parallel_loop3A_521, %parallel_loop3A_672 : i32
        %parallel_loop3A_674 = arith.index_cast %parallel_loop3A_673 : i32 to index
        %parallel_loop3A_675 = tpu.vector_load %arg6[%parallel_loop3A_674] {strides = array<i32>} : memref<32768xf32, #tpu.memory_space<vmem>>, vector<16xf32>,
        %parallel_loop3A_676 = arith.maximumf %parallel_loop3A_636, %parallel_loop3A_675 : vector<16xf32>
        %parallel_loop3A_677 = arith.constant 496 : i32
        %parallel_loop3A_678 = arith.addi %parallel_loop3A_521, %parallel_loop3A_677 : i32
        %parallel_loop3A_679 = arith.index_cast %parallel_loop3A_678 : i32 to index
        %parallel_loop3A_680 = tpu.vector_load %arg6[%parallel_loop3A_679] {strides = array<i32>} : memref<32768xf32, #tpu.memory_space<vmem>>, vector<16xf32>,
        %parallel_loop3A_681 = arith.maximumf %parallel_loop3A_641, %parallel_loop3A_680 : vector<16xf32>
        %parallel_loop3A_682 = arith.constant 512 : i32
        %parallel_loop3A_683 = arith.addi %parallel_loop3A_521, %parallel_loop3A_682 : i32
        %parallel_loop3A_684 = arith.index_cast %parallel_loop3A_683 : i32 to index
        %parallel_loop3A_685 = tpu.vector_load %arg6[%parallel_loop3A_684] {strides = array<i32>} : memref<32768xf32, #tpu.memory_space<vmem>>, vector<16xf32>,
        %parallel_loop3A_686 = arith.maximumf %parallel_loop3A_646, %parallel_loop3A_685 : vector<16xf32>
        %parallel_loop3A_687 = arith.constant 528 : i32
        %parallel_loop3A_688 = arith.addi %parallel_loop3A_521, %parallel_loop3A_687 : i32
        %parallel_loop3A_689 = arith.index_cast %parallel_loop3A_688 : i32 to index
        %parallel_loop3A_690 = tpu.vector_load %arg6[%parallel_loop3A_689] {strides = array<i32>} : memref<32768xf32, #tpu.memory_space<vmem>>, vector<16xf32>,
        %parallel_loop3A_691 = arith.maximumf %parallel_loop3A_651, %parallel_loop3A_690 : vector<16xf32>
        %parallel_loop3A_692 = arith.constant 544 : i32
        %parallel_loop3A_693 = arith.addi %parallel_loop3A_521, %parallel_loop3A_692 : i32
        %parallel_loop3A_694 = arith.index_cast %parallel_loop3A_693 : i32 to index
        %parallel_loop3A_695 = tpu.vector_load %arg6[%parallel_loop3A_694] {strides = array<i32>} : memref<32768xf32, #tpu.memory_space<vmem>>, vector<16xf32>,
        %parallel_loop3A_696 = arith.maximumf %parallel_loop3A_656, %parallel_loop3A_695 : vector<16xf32>
        %parallel_loop3A_697 = arith.constant 560 : i32
        %parallel_loop3A_698 = arith.addi %parallel_loop3A_521, %parallel_loop3A_697 : i32
        %parallel_loop3A_699 = arith.index_cast %parallel_loop3A_698 : i32 to index
        %parallel_loop3A_700 = tpu.vector_load %arg6[%parallel_loop3A_699] {strides = array<i32>} : memref<32768xf32, #tpu.memory_space<vmem>>, vector<16xf32>,
        %parallel_loop3A_701 = arith.maximumf %parallel_loop3A_661, %parallel_loop3A_700 : vector<16xf32>
        %parallel_loop3A_702 = arith.constant 576 : i32
        %parallel_loop3A_703 = arith.addi %parallel_loop3A_521, %parallel_loop3A_702 : i32
        %parallel_loop3A_704 = arith.index_cast %parallel_loop3A_703 : i32 to index
        %parallel_loop3A_705 = tpu.vector_load %arg6[%parallel_loop3A_704] {strides = array<i32>} : memref<32768xf32, #tpu.memory_space<vmem>>, vector<16xf32>,
        %parallel_loop3A_706 = arith.maximumf %parallel_loop3A_666, %parallel_loop3A_705 : vector<16xf32>
        %parallel_loop3A_707 = arith.constant 592 : i32
        %parallel_loop3A_708 = arith.addi %parallel_loop3A_521, %parallel_loop3A_707 : i32
        %parallel_loop3A_709 = arith.index_cast %parallel_loop3A_708 : i32 to index
        %parallel_loop3A_710 = tpu.vector_load %arg6[%parallel_loop3A_709] {strides = array<i32>} : memref<32768xf32, #tpu.memory_space<vmem>>, vector<16xf32>,
        %parallel_loop3A_711 = arith.maximumf %parallel_loop3A_671, %parallel_loop3A_710 : vector<16xf32>
        %parallel_loop3A_712 = arith.constant 608 : i32
        %parallel_loop3A_713 = arith.addi %parallel_loop3A_521, %parallel_loop3A_712 : i32
        %parallel_loop3A_714 = arith.index_cast %parallel_loop3A_713 : i32 to index
        %parallel_loop3A_715 = tpu.vector_load %arg6[%parallel_loop3A_714] {strides = array<i32>} : memref<32768xf32, #tpu.memory_space<vmem>>, vector<16xf32>,
        %parallel_loop3A_716 = arith.maximumf %parallel_loop3A_676, %parallel_loop3A_715 : vector<16xf32>
        %parallel_loop3A_717 = arith.constant 624 : i32
        %parallel_loop3A_718 = arith.addi %parallel_loop3A_521, %parallel_loop3A_717 : i32
        %parallel_loop3A_719 = arith.index_cast %parallel_loop3A_718 : i32 to index
        %parallel_loop3A_720 = tpu.vector_load %arg6[%parallel_loop3A_719] {strides = array<i32>} : memref<32768xf32, #tpu.memory_space<vmem>>, vector<16xf32>,
        %parallel_loop3A_721 = arith.maximumf %parallel_loop3A_681, %parallel_loop3A_720 : vector<16xf32>
        %parallel_loop3A_722 = arith.constant 640 : i32
        %parallel_loop3A_723 = arith.addi %parallel_loop3A_521, %parallel_loop3A_722 : i32
        %parallel_loop3A_724 = arith.index_cast %parallel_loop3A_723 : i32 to index
        %parallel_loop3A_725 = tpu.vector_load %arg6[%parallel_loop3A_724] {strides = array<i32>} : memref<32768xf32, #tpu.memory_space<vmem>>, vector<16xf32>,
        %parallel_loop3A_726 = arith.maximumf %parallel_loop3A_686, %parallel_loop3A_725 : vector<16xf32>
        %parallel_loop3A_727 = arith.constant 656 : i32
        %parallel_loop3A_728 = arith.addi %parallel_loop3A_521, %parallel_loop3A_727 : i32
        %parallel_loop3A_729 = arith.index_cast %parallel_loop3A_728 : i32 to index
        %parallel_loop3A_730 = tpu.vector_load %arg6[%parallel_loop3A_729] {strides = array<i32>} : memref<32768xf32, #tpu.memory_space<vmem>>, vector<16xf32>,
        %parallel_loop3A_731 = arith.maximumf %parallel_loop3A_691, %parallel_loop3A_730 : vector<16xf32>
        %parallel_loop3A_732 = arith.constant 672 : i32
        %parallel_loop3A_733 = arith.addi %parallel_loop3A_521, %parallel_loop3A_732 : i32
        %parallel_loop3A_734 = arith.index_cast %parallel_loop3A_733 : i32 to index
        %parallel_loop3A_735 = tpu.vector_load %arg6[%parallel_loop3A_734] {strides = array<i32>} : memref<32768xf32, #tpu.memory_space<vmem>>, vector<16xf32>,
        %parallel_loop3A_736 = arith.maximumf %parallel_loop3A_696, %parallel_loop3A_735 : vector<16xf32>
        %parallel_loop3A_737 = arith.constant 688 : i32
        %parallel_loop3A_738 = arith.addi %parallel_loop3A_521, %parallel_loop3A_737 : i32
        %parallel_loop3A_739 = arith.index_cast %parallel_loop3A_738 : i32 to index
        %parallel_loop3A_740 = tpu.vector_load %arg6[%parallel_loop3A_739] {strides = array<i32>} : memref<32768xf32, #tpu.memory_space<vmem>>, vector<16xf32>,
        %parallel_loop3A_741 = arith.maximumf %parallel_loop3A_701, %parallel_loop3A_740 : vector<16xf32>
        %parallel_loop3A_742 = arith.constant 704 : i32
        %parallel_loop3A_743 = arith.addi %parallel_loop3A_521, %parallel_loop3A_742 : i32
        %parallel_loop3A_744 = arith.index_cast %parallel_loop3A_743 : i32 to index
        %parallel_loop3A_745 = tpu.vector_load %arg6[%parallel_loop3A_744] {strides = array<i32>} : memref<32768xf32, #tpu.memory_space<vmem>>, vector<16xf32>,
        %parallel_loop3A_746 = arith.maximumf %parallel_loop3A_706, %parallel_loop3A_745 : vector<16xf32>
        %parallel_loop3A_747 = arith.constant 720 : i32
        %parallel_loop3A_748 = arith.addi %parallel_loop3A_521, %parallel_loop3A_747 : i32
        %parallel_loop3A_749 = arith.index_cast %parallel_loop3A_748 : i32 to index
        %parallel_loop3A_750 = tpu.vector_load %arg6[%parallel_loop3A_749] {strides = array<i32>} : memref<32768xf32, #tpu.memory_space<vmem>>, vector<16xf32>,
        %parallel_loop3A_751 = arith.maximumf %parallel_loop3A_711, %parallel_loop3A_750 : vector<16xf32>
        %parallel_loop3A_752 = arith.constant 736 : i32
        %parallel_loop3A_753 = arith.addi %parallel_loop3A_521, %parallel_loop3A_752 : i32
        %parallel_loop3A_754 = arith.index_cast %parallel_loop3A_753 : i32 to index
        %parallel_loop3A_755 = tpu.vector_load %arg6[%parallel_loop3A_754] {strides = array<i32>} : memref<32768xf32, #tpu.memory_space<vmem>>, vector<16xf32>,
        %parallel_loop3A_756 = arith.maximumf %parallel_loop3A_716, %parallel_loop3A_755 : vector<16xf32>
        %parallel_loop3A_757 = arith.constant 752 : i32
        %parallel_loop3A_758 = arith.addi %parallel_loop3A_521, %parallel_loop3A_757 : i32
        %parallel_loop3A_759 = arith.index_cast %parallel_loop3A_758 : i32 to index
        %parallel_loop3A_760 = tpu.vector_load %arg6[%parallel_loop3A_759] {strides = array<i32>} : memref<32768xf32, #tpu.memory_space<vmem>>, vector<16xf32>,
        %parallel_loop3A_761 = arith.maximumf %parallel_loop3A_721, %parallel_loop3A_760 : vector<16xf32>
        %parallel_loop3A_762 = arith.constant 768 : i32
        %parallel_loop3A_763 = arith.addi %parallel_loop3A_521, %parallel_loop3A_762 : i32
        %parallel_loop3A_764 = arith.index_cast %parallel_loop3A_763 : i32 to index
        %parallel_loop3A_765 = tpu.vector_load %arg6[%parallel_loop3A_764] {strides = array<i32>} : memref<32768xf32, #tpu.memory_space<vmem>>, vector<16xf32>,
        %parallel_loop3A_766 = arith.maximumf %parallel_loop3A_726, %parallel_loop3A_765 : vector<16xf32>
        %parallel_loop3A_767 = arith.constant 784 : i32
        %parallel_loop3A_768 = arith.addi %parallel_loop3A_521, %parallel_loop3A_767 : i32
        %parallel_loop3A_769 = arith.index_cast %parallel_loop3A_768 : i32 to index
        %parallel_loop3A_770 = tpu.vector_load %arg6[%parallel_loop3A_769] {strides = array<i32>} : memref<32768xf32, #tpu.memory_space<vmem>>, vector<16xf32>,
        %parallel_loop3A_771 = arith.maximumf %parallel_loop3A_731, %parallel_loop3A_770 : vector<16xf32>
        %parallel_loop3A_772 = arith.constant 800 : i32
        %parallel_loop3A_773 = arith.addi %parallel_loop3A_521, %parallel_loop3A_772 : i32
        %parallel_loop3A_774 = arith.index_cast %parallel_loop3A_773 : i32 to index
        %parallel_loop3A_775 = tpu.vector_load %arg6[%parallel_loop3A_774] {strides = array<i32>} : memref<32768xf32, #tpu.memory_space<vmem>>, vector<16xf32>,
        %parallel_loop3A_776 = arith.maximumf %parallel_loop3A_736, %parallel_loop3A_775 : vector<16xf32>
        %parallel_loop3A_777 = arith.constant 816 : i32
        %parallel_loop3A_778 = arith.addi %parallel_loop3A_521, %parallel_loop3A_777 : i32
        %parallel_loop3A_779 = arith.index_cast %parallel_loop3A_778 : i32 to index
        %parallel_loop3A_780 = tpu.vector_load %arg6[%parallel_loop3A_779] {strides = array<i32>} : memref<32768xf32, #tpu.memory_space<vmem>>, vector<16xf32>,
        %parallel_loop3A_781 = arith.maximumf %parallel_loop3A_741, %parallel_loop3A_780 : vector<16xf32>
        %parallel_loop3A_782 = arith.constant 832 : i32
        %parallel_loop3A_783 = arith.addi %parallel_loop3A_521, %parallel_loop3A_782 : i32
        %parallel_loop3A_784 = arith.index_cast %parallel_loop3A_783 : i32 to index
        %parallel_loop3A_785 = tpu.vector_load %arg6[%parallel_loop3A_784] {strides = array<i32>} : memref<32768xf32, #tpu.memory_space<vmem>>, vector<16xf32>,
        %parallel_loop3A_786 = arith.maximumf %parallel_loop3A_746, %parallel_loop3A_785 : vector<16xf32>
        %parallel_loop3A_787 = arith.constant 848 : i32
        %parallel_loop3A_788 = arith.addi %parallel_loop3A_521, %parallel_loop3A_787 : i32
        %parallel_loop3A_789 = arith.index_cast %parallel_loop3A_788 : i32 to index
        %parallel_loop3A_790 = tpu.vector_load %arg6[%parallel_loop3A_789] {strides = array<i32>} : memref<32768xf32, #tpu.memory_space<vmem>>, vector<16xf32>,
        %parallel_loop3A_791 = arith.maximumf %parallel_loop3A_751, %parallel_loop3A_790 : vector<16xf32>
        %parallel_loop3A_792 = arith.constant 864 : i32
        %parallel_loop3A_793 = arith.addi %parallel_loop3A_521, %parallel_loop3A_792 : i32
        %parallel_loop3A_794 = arith.index_cast %parallel_loop3A_793 : i32 to index
        %parallel_loop3A_795 = tpu.vector_load %arg6[%parallel_loop3A_794] {strides = array<i32>} : memref<32768xf32, #tpu.memory_space<vmem>>, vector<16xf32>,
        %parallel_loop3A_796 = arith.maximumf %parallel_loop3A_756, %parallel_loop3A_795 : vector<16xf32>
        %parallel_loop3A_797 = arith.constant 880 : i32
        %parallel_loop3A_798 = arith.addi %parallel_loop3A_521, %parallel_loop3A_797 : i32
        %parallel_loop3A_799 = arith.index_cast %parallel_loop3A_798 : i32 to index
        %parallel_loop3A_800 = tpu.vector_load %arg6[%parallel_loop3A_799] {strides = array<i32>} : memref<32768xf32, #tpu.memory_space<vmem>>, vector<16xf32>,
        %parallel_loop3A_801 = arith.maximumf %parallel_loop3A_761, %parallel_loop3A_800 : vector<16xf32>
        %parallel_loop3A_802 = arith.constant 896 : i32
        %parallel_loop3A_803 = arith.addi %parallel_loop3A_521, %parallel_loop3A_802 : i32
        %parallel_loop3A_804 = arith.index_cast %parallel_loop3A_803 : i32 to index
        %parallel_loop3A_805 = tpu.vector_load %arg6[%parallel_loop3A_804] {strides = array<i32>} : memref<32768xf32, #tpu.memory_space<vmem>>, vector<16xf32>,
        %parallel_loop3A_806 = arith.maximumf %parallel_loop3A_766, %parallel_loop3A_805 : vector<16xf32>
        %parallel_loop3A_807 = arith.constant 912 : i32
        %parallel_loop3A_808 = arith.addi %parallel_loop3A_521, %parallel_loop3A_807 : i32
        %parallel_loop3A_809 = arith.index_cast %parallel_loop3A_808 : i32 to index
        %parallel_loop3A_810 = tpu.vector_load %arg6[%parallel_loop3A_809] {strides = array<i32>} : memref<32768xf32, #tpu.memory_space<vmem>>, vector<16xf32>,
        %parallel_loop3A_811 = arith.maximumf %parallel_loop3A_771, %parallel_loop3A_810 : vector<16xf32>
        %parallel_loop3A_812 = arith.constant 928 : i32
        %parallel_loop3A_813 = arith.addi %parallel_loop3A_521, %parallel_loop3A_812 : i32
        %parallel_loop3A_814 = arith.index_cast %parallel_loop3A_813 : i32 to index
        %parallel_loop3A_815 = tpu.vector_load %arg6[%parallel_loop3A_814] {strides = array<i32>} : memref<32768xf32, #tpu.memory_space<vmem>>, vector<16xf32>,
        %parallel_loop3A_816 = arith.maximumf %parallel_loop3A_776, %parallel_loop3A_815 : vector<16xf32>
        %parallel_loop3A_817 = arith.constant 944 : i32
        %parallel_loop3A_818 = arith.addi %parallel_loop3A_521, %parallel_loop3A_817 : i32
        %parallel_loop3A_819 = arith.index_cast %parallel_loop3A_818 : i32 to index
        %parallel_loop3A_820 = tpu.vector_load %arg6[%parallel_loop3A_819] {strides = array<i32>} : memref<32768xf32, #tpu.memory_space<vmem>>, vector<16xf32>,
        %parallel_loop3A_821 = arith.maximumf %parallel_loop3A_781, %parallel_loop3A_820 : vector<16xf32>
        %parallel_loop3A_822 = arith.constant 960 : i32
        %parallel_loop3A_823 = arith.addi %parallel_loop3A_521, %parallel_loop3A_822 : i32
        %parallel_loop3A_824 = arith.index_cast %parallel_loop3A_823 : i32 to index
        %parallel_loop3A_825 = tpu.vector_load %arg6[%parallel_loop3A_824] {strides = array<i32>} : memref<32768xf32, #tpu.memory_space<vmem>>, vector<16xf32>,
        %parallel_loop3A_826 = arith.maximumf %parallel_loop3A_786, %parallel_loop3A_825 : vector<16xf32>
        %parallel_loop3A_827 = arith.constant 976 : i32
        %parallel_loop3A_828 = arith.addi %parallel_loop3A_521, %parallel_loop3A_827 : i32
        %parallel_loop3A_829 = arith.index_cast %parallel_loop3A_828 : i32 to index
        %parallel_loop3A_830 = tpu.vector_load %arg6[%parallel_loop3A_829] {strides = array<i32>} : memref<32768xf32, #tpu.memory_space<vmem>>, vector<16xf32>,
        %parallel_loop3A_831 = arith.maximumf %parallel_loop3A_791, %parallel_loop3A_830 : vector<16xf32>
        %parallel_loop3A_832 = arith.constant 992 : i32
        %parallel_loop3A_833 = arith.addi %parallel_loop3A_521, %parallel_loop3A_832 : i32
        %parallel_loop3A_834 = arith.index_cast %parallel_loop3A_833 : i32 to index
        %parallel_loop3A_835 = tpu.vector_load %arg6[%parallel_loop3A_834] {strides = array<i32>} : memref<32768xf32, #tpu.memory_space<vmem>>, vector<16xf32>,
        %parallel_loop3A_836 = arith.maximumf %parallel_loop3A_796, %parallel_loop3A_835 : vector<16xf32>
        %parallel_loop3A_837 = arith.constant 1008 : i32
        %parallel_loop3A_838 = arith.addi %parallel_loop3A_521, %parallel_loop3A_837 : i32
        %parallel_loop3A_839 = arith.index_cast %parallel_loop3A_838 : i32 to index
        %parallel_loop3A_840 = tpu.vector_load %arg6[%parallel_loop3A_839] {strides = array<i32>} : memref<32768xf32, #tpu.memory_space<vmem>>, vector<16xf32>,
        %parallel_loop3A_841 = arith.maximumf %parallel_loop3A_801, %parallel_loop3A_840 : vector<16xf32>
        %parallel_loop3A_842 = arith.maximumf %parallel_loop3A_806, %parallel_loop3A_811 : vector<16xf32>
        %parallel_loop3A_843 = arith.maximumf %parallel_loop3A_816, %parallel_loop3A_821 : vector<16xf32>
        %parallel_loop3A_844 = arith.maximumf %parallel_loop3A_826, %parallel_loop3A_831 : vector<16xf32>
        %parallel_loop3A_845 = arith.maximumf %parallel_loop3A_836, %parallel_loop3A_841 : vector<16xf32>
        %parallel_loop3A_846 = arith.maximumf %parallel_loop3A_842, %parallel_loop3A_843 : vector<16xf32>
        %parallel_loop3A_847 = arith.maximumf %parallel_loop3A_844, %parallel_loop3A_845 : vector<16xf32>
        %parallel_loop3A_848 = arith.maximumf %parallel_loop3A_846, %parallel_loop3A_847 : vector<16xf32>
        %parallel_loop3A_849 = arith.constant 16 : i32
        %parallel_loop3A_850 = arith.muli %parallel_loop3A_519, %parallel_loop3A_849 : i32
        %parallel_loop3A_851 = arith.index_cast %parallel_loop3A_850 : i32 to index
        %parallel_loop3A_852 = tpu.vector_load %arg7[%parallel_loop3A_851] {strides = array<i32>} : memref<512xf32, #tpu.memory_space<vmem>>, vector<16xf32>,
        tpu.vector_store %arg7[%parallel_loop3A_851], %parallel_loop3A_848 {strides = array<i32>} : memref<512xf32, #tpu.memory_space<vmem>>, vector<16xf32>,
      } {sc.loop_unroll_factor = 1 : i64, sc.parallel_access}
      %parallel_loop3A_416 = arith.constant 0 : i32
      %parallel_loop3A_417 = arith.constant 32 : i32
      %parallel_loop3A_418 = arith.constant 1 : i32
      %parallel_loop3A_419 = scf.for %parallel_loop3A_519 = %parallel_loop3A_416 to %parallel_loop3A_417 step %parallel_loop3A_418 iter_args(%parallel_loop3A_520 = %broadcast_in_dim3A_412) -> (vector<16xf32>)  : i32 {
        %parallel_loop3A_521 = arith.constant 16 : i32
        %parallel_loop3A_522 = arith.muli %parallel_loop3A_519, %parallel_loop3A_521 : i32
        %parallel_loop3A_523 = arith.index_cast %parallel_loop3A_522 : i32 to index
        %parallel_loop3A_524 = tpu.vector_load %arg7[%parallel_loop3A_523] {strides = array<i32>} : memref<512xf32, #tpu.memory_space<vmem>>, vector<16xf32>,
        %parallel_loop3A_525 = arith.maximumf %parallel_loop3A_520, %parallel_loop3A_524 : vector<16xf32>
        scf.yield %parallel_loop3A_525 : vector<16xf32>
      } {sc.loop_unroll_factor = 1 : i64, sc.parallel_access}
      %reduce_max3A_420 = arith.constant true
      %reduce_max3A_421 = vector.broadcast %reduce_max3A_420 : i1 to vector<16xi1>
      %reduce_max3A_422 = tpu.scan <max>, %parallel_loop3A_419 masked %reduce_max3A_421 : vector<16xf32>, vector<16xi1> -> vector<16xf32>
      %reduce_max3A_423 = vector.extract %reduce_max3A_422[15] : f32 from vector<16xf32>
      %broadcast_in_dim3A_424 = vector.broadcast %reduce_max3A_423 : f32 to vector<16xf32>
      %broadcast_in_dim3A_425 = arith.constant 1073741824 : i32
      %broadcast_in_dim3A_426 = vector.broadcast %broadcast_in_dim3A_425 : i32 to vector<16xi32>
      %parallel_loop3A_427 = arith.constant 0 : i32
      %parallel_loop3A_428 = arith.constant 32 : i32
      %parallel_loop3A_429 = arith.constant 1 : i32
      %parallel_loop3A_430 = scf.for %parallel_loop3A_519 = %parallel_loop3A_427 to %parallel_loop3A_428 step %parallel_loop3A_429 iter_args(%parallel_loop3A_520 = %broadcast_in_dim3A_426) -> (vector<16xi32>)  : i32 {
        %parallel_loop3A_521 = arith.constant 16 : i32
        %parallel_loop3A_522 = arith.muli %parallel_loop3A_519, %parallel_loop3A_521 : i32
        %parallel_loop3A_523 = arith.index_cast %parallel_loop3A_522 : i32 to index
        %parallel_loop3A_524 = tpu.vector_load %arg7[%parallel_loop3A_523] {strides = array<i32>} : memref<512xf32, #tpu.memory_space<vmem>>, vector<16xf32>,
        %parallel_loop3A_525 = vector.broadcast %parallel_loop3A_519 : i32 to vector<16xi32>
        %parallel_loop3A_526 = arith.cmpf oeq, %parallel_loop3A_524, %broadcast_in_dim3A_424 : vector<16xf32>
        %parallel_loop3A_527 = arith.constant 1073741824 : i32
        %parallel_loop3A_528 = vector.broadcast %parallel_loop3A_527 : i32 to vector<16xi32>
        %parallel_loop3A_529 = arith.select %parallel_loop3A_526, %parallel_loop3A_525, %parallel_loop3A_528 : vector<16xi1>, vector<16xi32>
        %parallel_loop3A_530 = arith.minsi %parallel_loop3A_520, %parallel_loop3A_529 : vector<16xi32>
        scf.yield %parallel_loop3A_530 : vector<16xi32>
      } {sc.loop_unroll_factor = 1 : i64, sc.parallel_access}
      %reduce_min3A_431 = arith.constant true
      %reduce_min3A_432 = vector.broadcast %reduce_min3A_431 : i1 to vector<16xi1>
      %reduce_min3A_433 = arith.constant -2147483648 : i32
      %reduce_min3A_434 = vector.broadcast %reduce_min3A_433 : i32 to vector<16xi32>
      %reduce_min3A_435 = arith.xori %parallel_loop3A_430, %reduce_min3A_434 : vector<16xi32>
      %reduce_min3A_436 = tpu.scan <min>, %reduce_min3A_435 masked %reduce_min3A_432 : vector<16xi32>, vector<16xi1> -> vector<16xi32>
      %reduce_min3A_437 = arith.xori %reduce_min3A_436, %reduce_min3A_434 : vector<16xi32>
      %reduce_min3A_438 = vector.extract %reduce_min3A_437[15] : i32 from vector<16xi32>
      %mul3A_439 = arith.constant 1024 : i32
      %mul3A_440 = arith.muli %reduce_min3A_438, %mul3A_439 : i32
      %broadcast_in_dim3A_441 = arith.constant 1073741824 : i32
      %broadcast_in_dim3A_442 = vector.broadcast %broadcast_in_dim3A_441 : i32 to vector<16xi32>
      %parallel_loop3A_443 = arith.constant 0 : i32
      %parallel_loop3A_444 = arith.constant 64 : i32
      %parallel_loop3A_445 = arith.constant 2 : i32
      %parallel_loop3A_446:2 = scf.for %parallel_loop3A_519 = %parallel_loop3A_443 to %parallel_loop3A_444 step %parallel_loop3A_445 iter_args(%parallel_loop3A_520 = %broadcast_in_dim3A_442, %parallel_loop3A_521 = %broadcast_in_dim3A_442) -> (vector<16xi32>, vector<16xi32>)  : i32 {
        %parallel_loop3A_522 = arith.constant 16 : i32
        %parallel_loop3A_523 = arith.muli %parallel_loop3A_519, %parallel_loop3A_522 : i32
        %parallel_loop3A_524 = arith.addi %mul3A_440, %parallel_loop3A_523 : i32
        %parallel_loop3A_525 = arith.index_cast %parallel_loop3A_524 : i32 to index
        %parallel_loop3A_526 = tpu.vector_load %arg6[%parallel_loop3A_525] {strides = array<i32>} : memref<32768xf32, #tpu.memory_space<vmem>>, vector<16xf32>,
        %parallel_loop3A_527 = arith.constant 1 : i32
        %parallel_loop3A_528 = arith.addi %parallel_loop3A_519, %parallel_loop3A_527 : i32
        %parallel_loop3A_529 = arith.constant 16 : i32
        %parallel_loop3A_530 = arith.muli %parallel_loop3A_528, %parallel_loop3A_529 : i32
        %parallel_loop3A_531 = arith.addi %mul3A_440, %parallel_loop3A_530 : i32
        %parallel_loop3A_532 = arith.index_cast %parallel_loop3A_531 : i32 to index
        %parallel_loop3A_533 = tpu.vector_load %arg6[%parallel_loop3A_532] {strides = array<i32>} : memref<32768xf32, #tpu.memory_space<vmem>>, vector<16xf32>,
        %parallel_loop3A_534 = vector.broadcast %parallel_loop3A_519 : i32 to vector<16xi32>
        %parallel_loop3A_535 = arith.cmpf oeq, %parallel_loop3A_526, %broadcast_in_dim3A_424 : vector<16xf32>
        %parallel_loop3A_536 = arith.constant 1073741824 : i32
        %parallel_loop3A_537 = vector.broadcast %parallel_loop3A_536 : i32 to vector<16xi32>
        %parallel_loop3A_538 = arith.select %parallel_loop3A_535, %parallel_loop3A_534, %parallel_loop3A_537 : vector<16xi1>, vector<16xi32>
        %parallel_loop3A_539 = arith.minsi %parallel_loop3A_520, %parallel_loop3A_538 : vector<16xi32>
        %parallel_loop3A_540 = arith.cmpf oeq, %parallel_loop3A_533, %broadcast_in_dim3A_424 : vector<16xf32>
        %parallel_loop3A_541 = arith.constant 1 : i32
        %parallel_loop3A_542 = vector.broadcast %parallel_loop3A_541 : i32 to vector<16xi32>
        %parallel_loop3A_543 = arith.addi %parallel_loop3A_534, %parallel_loop3A_542 : vector<16xi32>
        %parallel_loop3A_544 = arith.constant 1073741824 : i32
        %parallel_loop3A_545 = vector.broadcast %parallel_loop3A_544 : i32 to vector<16xi32>
        %parallel_loop3A_546 = arith.select %parallel_loop3A_540, %parallel_loop3A_543, %parallel_loop3A_545 : vector<16xi1>, vector<16xi32>
        %parallel_loop3A_547 = arith.minsi %parallel_loop3A_521, %parallel_loop3A_546 : vector<16xi32>
        scf.yield %parallel_loop3A_539, %parallel_loop3A_547 : vector<16xi32>, vector<16xi32>
      } {sc.loop_unroll_factor = 1 : i64, sc.parallel_access}
      %min3A_447 = arith.minsi %parallel_loop3A_446#0, %parallel_loop3A_446#1 : vector<16xi32>
      %eq3A_448 = arith.constant 1073741824 : i32
      %eq3A_449 = vector.broadcast %eq3A_448 : i32 to vector<16xi32>
      %eq3A_450 = arith.cmpi eq, %min3A_447, %eq3A_449 : vector<16xi32>
      %mul3A_451 = arith.constant 16 : i32
      %mul3A_452 = vector.broadcast %mul3A_451 : i32 to vector<16xi32>
      %mul3A_453 = arith.muli %min3A_447, %mul3A_452 : vector<16xi32>
      %add3A_454 = arith.addi %mul3A_453, %iota3A : vector<16xi32>
      %jit3A_455 = arith.constant 1073741824 : i32
      %broadcast_in_dim3A_456 = vector.broadcast %jit3A_455 : i32 to vector<16xi32>
      %select_n3A_457 = arith.select %eq3A_450, %broadcast_in_dim3A_456, %add3A_454 : vector<16xi1>, vector<16xi32>
      %reduce_min3A_458 = arith.constant true
      %reduce_min3A_459 = vector.broadcast %reduce_min3A_458 : i1 to vector<16xi1>
      %reduce_min3A_460 = arith.constant -2147483648 : i32
      %reduce_min3A_461 = vector.broadcast %reduce_min3A_460 : i32 to vector<16xi32>
      %reduce_min3A_462 = arith.xori %select_n3A_457, %reduce_min3A_461 : vector<16xi32>
      %reduce_min3A_463 = tpu.scan <min>, %reduce_min3A_462 masked %reduce_min3A_459 : vector<16xi32>, vector<16xi1> -> vector<16xi32>
      %reduce_min3A_464 = arith.xori %reduce_min3A_463, %reduce_min3A_461 : vector<16xi32>
      %reduce_min3A_465 = vector.extract %reduce_min3A_464[15] : i32 from vector<16xi32>
      %add3A_466 = arith.addi %mul3A_440, %reduce_min3A_465 : i32
      %convert_element_type3A_467 = arith.sitofp %add3A_466 : i32 to f32
      %add3A_468 = arith.constant 3 : i32
      %add3A_469 = arith.addi %add3A_404, %add3A_468 : i32
      %lt3A_470 = arith.constant 32 : i32
      %lt3A_471 = arith.cmpi slt, %add3A_469, %lt3A_470 : i32
      %convert_element_type3A_472 = arith.extui %lt3A_471 : i1 to i32
      %cond3A_473 = arith.constant 0 : i32
      %cond3A_474 = arith.cmpi ne, %convert_element_type3A_472, %cond3A_473 : i32
      scf.if %cond3A_474 {
        %add3A_519 = arith.addi %mul3A_2, %add3A_404 : i32
        %add3A_520 = arith.constant 3 : i32
        %add3A_521 = arith.addi %add3A_519, %add3A_520 : i32
        %dma_start3A_522 = arith.constant 0 : i32
        %dma_start3A_523 = tpu.memref_slice %arg2[%add3A_521, %dma_start3A_522] : memref<1024x32768xf32, #tpu.memory_space<hbm>> -> memref<1x32768xf32, #tpu.memory_space<hbm>>
        %dma_start3A_524 = tpu.memref_squeeze %dma_start3A_523 : memref<1x32768xf32, #tpu.memory_space<hbm>> -> memref<32768xf32, #tpu.memory_space<hbm>>
        %dma_start3A_525 = arith.constant 0 : i32
        %dma_start3A_526 = tpu.memref_slice %arg2[%add3A_521, %dma_start3A_525] : memref<1024x32768xf32, #tpu.memory_space<hbm>> -> memref<1x32768xf32, #tpu.memory_space<hbm>>
        %dma_start3A_527 = tpu.memref_squeeze %dma_start3A_526 : memref<1x32768xf32, #tpu.memory_space<hbm>> -> memref<32768xf32, #tpu.memory_space<hbm>>
        tpu.enqueue_dma source(%dma_start3A_527 : memref<32768xf32, #tpu.memory_space<hbm>>) target(%arg6 : memref<32768xf32, #tpu.memory_space<vmem>>) target_semaphore(%arg11 : memref<!tpu.dma_semaphore, #tpu.memory_space<semaphore_mem>>)
      } else {
      }
      %jit3A_475 = arith.constant 16 : i32
      %eq3A_476 = arith.constant 0 : i32
      %eq3A_477 = arith.cmpi eq, %jit3A_475, %eq3A_476 : i32
      %jit3A_478 = arith.constant 1 : i32
      %select_n3A_479 = arith.select %eq3A_477, %jit3A_478, %jit3A_475 : i32
      %rem3A_480 = arith.remsi %add3A_404, %select_n3A_479 : i32
      %ne3A_481 = arith.constant 0 : i32
      %ne3A_482 = arith.cmpi ne, %rem3A_480, %ne3A_481 : i32
      %lt3A_483 = arith.constant 0 : i32
      %lt3A_484 = arith.cmpi slt, %rem3A_480, %lt3A_483 : i32
      %lt3A_485 = arith.constant 0 : i32
      %lt3A_486 = arith.cmpi slt, %select_n3A_479, %lt3A_485 : i32
      %ne3A_487 = arith.xori %lt3A_484, %lt3A_486 : i1
      %and3A_488 = arith.andi %ne3A_487, %ne3A_482 : i1
      %add3A_489 = arith.addi %rem3A_480, %select_n3A_479 : i32
      %select_n3A_490 = arith.select %and3A_488, %add3A_489, %rem3A_480 : i32
      %eq3A_491 = vector.broadcast %select_n3A_490 : i32 to vector<16xi32>
      %eq3A_492 = arith.cmpi eq, %iota3A, %eq3A_491 : vector<16xi32>
      %broadcast_in_dim3A_493 = vector.broadcast %convert_element_type3A_467 : f32 to vector<16xf32>
      %select_n3A_494 = arith.select %eq3A_492, %broadcast_in_dim3A_493, %select_n3A_400 : vector<16xi1>, vector<16xf32>
      %jit3A_495 = arith.constant 16 : i32
      %eq3A_496 = arith.constant 0 : i32
      %eq3A_497 = arith.cmpi eq, %jit3A_495, %eq3A_496 : i32
      %jit3A_498 = arith.constant 1 : i32
      %select_n3A_499 = arith.select %eq3A_497, %jit3A_498, %jit3A_495 : i32
      %rem3A_500 = arith.remsi %add3A_404, %select_n3A_499 : i32
      %ne3A_501 = arith.constant 0 : i32
      %ne3A_502 = arith.cmpi ne, %rem3A_500, %ne3A_501 : i32
      %lt3A_503 = arith.constant 0 : i32
      %lt3A_504 = arith.cmpi slt, %rem3A_500, %lt3A_503 : i32
      %lt3A_505 = arith.constant 0 : i32
      %lt3A_506 = arith.cmpi slt, %select_n3A_499, %lt3A_505 : i32
      %ne3A_507 = arith.xori %lt3A_504, %lt3A_506 : i1
      %and3A_508 = arith.andi %ne3A_507, %ne3A_502 : i1
      %add3A_509 = arith.addi %rem3A_500, %select_n3A_499 : i32
      %select_n3A_510 = arith.select %and3A_508, %add3A_509, %rem3A_500 : i32
      %eq3A_511 = arith.constant 15 : i32
      %eq3A_512 = arith.cmpi eq, %select_n3A_510, %eq3A_511 : i32
      %convert_element_type3A_513 = arith.extui %eq3A_512 : i1 to i32
      %cond3A_514 = arith.constant 0 : i32
      %cond3A_515 = arith.cmpi ne, %convert_element_type3A_513, %cond3A_514 : i32
      scf.if %cond3A_515 {
        %jit3A_519 = arith.constant 16 : i32
        %div3A = arith.divsi %add3A_404, %jit3A_519 : i32
        %sign3A = arith.constant 0 : i32
        %sign3A_520 = arith.cmpi sgt, %add3A_404, %sign3A : i32
        %sign3A_521 = arith.extui %sign3A_520 : i1 to i32
        %sign3A_522 = arith.constant 0 : i32
        %sign3A_523 = arith.cmpi slt, %add3A_404, %sign3A_522 : i32
        %sign3A_524 = arith.extui %sign3A_523 : i1 to i32
        %sign3A_525 = arith.subi %sign3A_521, %sign3A_524 : i32
        %sign3A_526 = arith.constant 0 : i32
        %sign3A_527 = arith.cmpi sgt, %jit3A_519, %sign3A_526 : i32
        %sign3A_528 = arith.extui %sign3A_527 : i1 to i32
        %sign3A_529 = arith.constant 0 : i32
        %sign3A_530 = arith.cmpi slt, %jit3A_519, %sign3A_529 : i32
        %sign3A_531 = arith.extui %sign3A_530 : i1 to i32
        %sign3A_532 = arith.subi %sign3A_528, %sign3A_531 : i32
        %ne3A_533 = arith.cmpi ne, %sign3A_525, %sign3A_532 : i32
        %rem3A_534 = arith.remsi %add3A_404, %jit3A_519 : i32
        %ne3A_535 = arith.constant 0 : i32
        %ne3A_536 = arith.cmpi ne, %rem3A_534, %ne3A_535 : i32
        %and3A_537 = arith.andi %ne3A_533, %ne3A_536 : i1
        %sub3A = arith.constant 1 : i32
        %sub3A_538 = arith.subi %div3A, %sub3A : i32
        %select_n3A_539 = arith.select %and3A_537, %sub3A_538, %div3A : i32
        %mul3A_540 = arith.constant 16 : i32
        %mul3A_541 = arith.muli %select_n3A_539, %mul3A_540 : i32
        %swap3A_542 = arith.index_cast %mul3A_541 : i32 to index
        %swap3A_543 = tpu.vector_load %arg8[%swap3A_542] {strides = array<i32>} : memref<32xf32, #tpu.memory_space<vmem>>, vector<16xf32>,
        tpu.vector_store %arg8[%swap3A_542], %select_n3A_494 {strides = array<i32>} : memref<32xf32, #tpu.memory_space<vmem>>, vector<16xf32>,
      } else {
      }
      %broadcast_in_dim3A_516 = arith.constant 0.000000e+00 : f32
      %broadcast_in_dim3A_517 = vector.broadcast %broadcast_in_dim3A_516 : f32 to vector<16xf32>
      %select_n3A_518 = arith.select %eq3A_512, %broadcast_in_dim3A_517, %select_n3A_494 : vector<16xf32>
      scf.yield %select_n3A_518 : vector<16xf32>
    }
    %scan3A_31 = arith.constant 10 : i32
    %dma_wait3A = arith.constant 0 : i32
    %dma_wait3A_32 = tpu.memref_slice %arg2[%mul3A_2, %dma_wait3A] : memref<1024x32768xf32, #tpu.memory_space<hbm>> -> memref<1x32768xf32, #tpu.memory_space<hbm>>
    %dma_wait3A_33 = tpu.memref_squeeze %dma_wait3A_32 : memref<1x32768xf32, #tpu.memory_space<hbm>> -> memref<32768xf32, #tpu.memory_space<hbm>>
    %dma_wait3A_34 = arith.constant 0 : i32
    %dma_wait3A_35 = tpu.memref_slice %arg2[%mul3A_2, %dma_wait3A_34] : memref<1024x32768xf32, #tpu.memory_space<hbm>> -> memref<1x32768xf32, #tpu.memory_space<hbm>>
    %dma_wait3A_36 = tpu.memref_squeeze %dma_wait3A_35 : memref<1x32768xf32, #tpu.memory_space<hbm>> -> memref<32768xf32, #tpu.memory_space<hbm>>
    tpu.wait_dma2 semaphore(%arg9 : memref<!tpu.dma_semaphore, #tpu.memory_space<semaphore_mem>>) src(%dma_wait3A_36 : memref<32768xf32, #tpu.memory_space<hbm>>) dst(%arg4 : memref<32768xf32, #tpu.memory_space<vmem>>)
    %broadcast_in_dim3A_37 = arith.constant 0xFF800000 : f32
    %broadcast_in_dim3A_38 = vector.broadcast %broadcast_in_dim3A_37 : f32 to vector<16xf32>
    %parallel_loop3A = arith.constant 0 : i32
    %parallel_loop3A_39 = arith.constant 32 : i32
    %parallel_loop3A_40 = arith.constant 1 : i32
    scf.for %parallel_loop3A_168 = %parallel_loop3A to %parallel_loop3A_39 step %parallel_loop3A_40  : i32 {
      %parallel_loop3A_169 = arith.constant 1024 : i32
      %parallel_loop3A_170 = arith.muli %parallel_loop3A_168, %parallel_loop3A_169 : i32
      %parallel_loop3A_171 = arith.constant 0 : i32
      %parallel_loop3A_172 = arith.addi %parallel_loop3A_170, %parallel_loop3A_171 : i32
      %parallel_loop3A_173 = arith.index_cast %parallel_loop3A_172 : i32 to index
      %parallel_loop3A_174 = tpu.vector_load %arg4[%parallel_loop3A_173] {strides = array<i32>} : memref<32768xf32, #tpu.memory_space<vmem>>, vector<16xf32>,
      %parallel_loop3A_175 = arith.maximumf %broadcast_in_dim3A_38, %parallel_loop3A_174 : vector<16xf32>
      %parallel_loop3A_176 = arith.constant 16 : i32
      %parallel_loop3A_177 = arith.addi %parallel_loop3A_170, %parallel_loop3A_176 : i32
      %parallel_loop3A_178 = arith.index_cast %parallel_loop3A_177 : i32 to index
      %parallel_loop3A_179 = tpu.vector_load %arg4[%parallel_loop3A_178] {strides = array<i32>} : memref<32768xf32, #tpu.memory_space<vmem>>, vector<16xf32>,
      %parallel_loop3A_180 = arith.maximumf %broadcast_in_dim3A_38, %parallel_loop3A_179 : vector<16xf32>
      %parallel_loop3A_181 = arith.constant 32 : i32
      %parallel_loop3A_182 = arith.addi %parallel_loop3A_170, %parallel_loop3A_181 : i32
      %parallel_loop3A_183 = arith.index_cast %parallel_loop3A_182 : i32 to index
      %parallel_loop3A_184 = tpu.vector_load %arg4[%parallel_loop3A_183] {strides = array<i32>} : memref<32768xf32, #tpu.memory_space<vmem>>, vector<16xf32>,
      %parallel_loop3A_185 = arith.maximumf %broadcast_in_dim3A_38, %parallel_loop3A_184 : vector<16xf32>
      %parallel_loop3A_186 = arith.constant 48 : i32
      %parallel_loop3A_187 = arith.addi %parallel_loop3A_170, %parallel_loop3A_186 : i32
      %parallel_loop3A_188 = arith.index_cast %parallel_loop3A_187 : i32 to index
      %parallel_loop3A_189 = tpu.vector_load %arg4[%parallel_loop3A_188] {strides = array<i32>} : memref<32768xf32, #tpu.memory_space<vmem>>, vector<16xf32>,
      %parallel_loop3A_190 = arith.maximumf %broadcast_in_dim3A_38, %parallel_loop3A_189 : vector<16xf32>
      %parallel_loop3A_191 = arith.constant 64 : i32
      %parallel_loop3A_192 = arith.addi %parallel_loop3A_170, %parallel_loop3A_191 : i32
      %parallel_loop3A_193 = arith.index_cast %parallel_loop3A_192 : i32 to index
      %parallel_loop3A_194 = tpu.vector_load %arg4[%parallel_loop3A_193] {strides = array<i32>} : memref<32768xf32, #tpu.memory_space<vmem>>, vector<16xf32>,
      %parallel_loop3A_195 = arith.maximumf %broadcast_in_dim3A_38, %parallel_loop3A_194 : vector<16xf32>
      %parallel_loop3A_196 = arith.constant 80 : i32
      %parallel_loop3A_197 = arith.addi %parallel_loop3A_170, %parallel_loop3A_196 : i32
      %parallel_loop3A_198 = arith.index_cast %parallel_loop3A_197 : i32 to index
      %parallel_loop3A_199 = tpu.vector_load %arg4[%parallel_loop3A_198] {strides = array<i32>} : memref<32768xf32, #tpu.memory_space<vmem>>, vector<16xf32>,
      %parallel_loop3A_200 = arith.maximumf %broadcast_in_dim3A_38, %parallel_loop3A_199 : vector<16xf32>
      %parallel_loop3A_201 = arith.constant 96 : i32
      %parallel_loop3A_202 = arith.addi %parallel_loop3A_170, %parallel_loop3A_201 : i32
      %parallel_loop3A_203 = arith.index_cast %parallel_loop3A_202 : i32 to index
      %parallel_loop3A_204 = tpu.vector_load %arg4[%parallel_loop3A_203] {strides = array<i32>} : memref<32768xf32, #tpu.memory_space<vmem>>, vector<16xf32>,
      %parallel_loop3A_205 = arith.maximumf %broadcast_in_dim3A_38, %parallel_loop3A_204 : vector<16xf32>
      %parallel_loop3A_206 = arith.constant 112 : i32
      %parallel_loop3A_207 = arith.addi %parallel_loop3A_170, %parallel_loop3A_206 : i32
      %parallel_loop3A_208 = arith.index_cast %parallel_loop3A_207 : i32 to index
      %parallel_loop3A_209 = tpu.vector_load %arg4[%parallel_loop3A_208] {strides = array<i32>} : memref<32768xf32, #tpu.memory_space<vmem>>, vector<16xf32>,
      %parallel_loop3A_210 = arith.maximumf %broadcast_in_dim3A_38, %parallel_loop3A_209 : vector<16xf32>
      %parallel_loop3A_211 = arith.constant 128 : i32
      %parallel_loop3A_212 = arith.addi %parallel_loop3A_170, %parallel_loop3A_211 : i32
      %parallel_loop3A_213 = arith.index_cast %parallel_loop3A_212 : i32 to index
      %parallel_loop3A_214 = tpu.vector_load %arg4[%parallel_loop3A_213] {strides = array<i32>} : memref<32768xf32, #tpu.memory_space<vmem>>, vector<16xf32>,
      %parallel_loop3A_215 = arith.maximumf %parallel_loop3A_175, %parallel_loop3A_214 : vector<16xf32>
      %parallel_loop3A_216 = arith.constant 144 : i32
      %parallel_loop3A_217 = arith.addi %parallel_loop3A_170, %parallel_loop3A_216 : i32
      %parallel_loop3A_218 = arith.index_cast %parallel_loop3A_217 : i32 to index
      %parallel_loop3A_219 = tpu.vector_load %arg4[%parallel_loop3A_218] {strides = array<i32>} : memref<32768xf32, #tpu.memory_space<vmem>>, vector<16xf32>,
      %parallel_loop3A_220 = arith.maximumf %parallel_loop3A_180, %parallel_loop3A_219 : vector<16xf32>
      %parallel_loop3A_221 = arith.constant 160 : i32
      %parallel_loop3A_222 = arith.addi %parallel_loop3A_170, %parallel_loop3A_221 : i32
      %parallel_loop3A_223 = arith.index_cast %parallel_loop3A_222 : i32 to index
      %parallel_loop3A_224 = tpu.vector_load %arg4[%parallel_loop3A_223] {strides = array<i32>} : memref<32768xf32, #tpu.memory_space<vmem>>, vector<16xf32>,
      %parallel_loop3A_225 = arith.maximumf %parallel_loop3A_185, %parallel_loop3A_224 : vector<16xf32>
      %parallel_loop3A_226 = arith.constant 176 : i32
      %parallel_loop3A_227 = arith.addi %parallel_loop3A_170, %parallel_loop3A_226 : i32
      %parallel_loop3A_228 = arith.index_cast %parallel_loop3A_227 : i32 to index
      %parallel_loop3A_229 = tpu.vector_load %arg4[%parallel_loop3A_228] {strides = array<i32>} : memref<32768xf32, #tpu.memory_space<vmem>>, vector<16xf32>,
      %parallel_loop3A_230 = arith.maximumf %parallel_loop3A_190, %parallel_loop3A_229 : vector<16xf32>
      %parallel_loop3A_231 = arith.constant 192 : i32
      %parallel_loop3A_232 = arith.addi %parallel_loop3A_170, %parallel_loop3A_231 : i32
      %parallel_loop3A_233 = arith.index_cast %parallel_loop3A_232 : i32 to index
      %parallel_loop3A_234 = tpu.vector_load %arg4[%parallel_loop3A_233] {strides = array<i32>} : memref<32768xf32, #tpu.memory_space<vmem>>, vector<16xf32>,
      %parallel_loop3A_235 = arith.maximumf %parallel_loop3A_195, %parallel_loop3A_234 : vector<16xf32>
      %parallel_loop3A_236 = arith.constant 208 : i32
      %parallel_loop3A_237 = arith.addi %parallel_loop3A_170, %parallel_loop3A_236 : i32
      %parallel_loop3A_238 = arith.index_cast %parallel_loop3A_237 : i32 to index
      %parallel_loop3A_239 = tpu.vector_load %arg4[%parallel_loop3A_238] {strides = array<i32>} : memref<32768xf32, #tpu.memory_space<vmem>>, vector<16xf32>,
      %parallel_loop3A_240 = arith.maximumf %parallel_loop3A_200, %parallel_loop3A_239 : vector<16xf32>
      %parallel_loop3A_241 = arith.constant 224 : i32
      %parallel_loop3A_242 = arith.addi %parallel_loop3A_170, %parallel_loop3A_241 : i32
      %parallel_loop3A_243 = arith.index_cast %parallel_loop3A_242 : i32 to index
      %parallel_loop3A_244 = tpu.vector_load %arg4[%parallel_loop3A_243] {strides = array<i32>} : memref<32768xf32, #tpu.memory_space<vmem>>, vector<16xf32>,
      %parallel_loop3A_245 = arith.maximumf %parallel_loop3A_205, %parallel_loop3A_244 : vector<16xf32>
      %parallel_loop3A_246 = arith.constant 240 : i32
      %parallel_loop3A_247 = arith.addi %parallel_loop3A_170, %parallel_loop3A_246 : i32
      %parallel_loop3A_248 = arith.index_cast %parallel_loop3A_247 : i32 to index
      %parallel_loop3A_249 = tpu.vector_load %arg4[%parallel_loop3A_248] {strides = array<i32>} : memref<32768xf32, #tpu.memory_space<vmem>>, vector<16xf32>,
      %parallel_loop3A_250 = arith.maximumf %parallel_loop3A_210, %parallel_loop3A_249 : vector<16xf32>
      %parallel_loop3A_251 = arith.constant 256 : i32
      %parallel_loop3A_252 = arith.addi %parallel_loop3A_170, %parallel_loop3A_251 : i32
      %parallel_loop3A_253 = arith.index_cast %parallel_loop3A_252 : i32 to index
      %parallel_loop3A_254 = tpu.vector_load %arg4[%parallel_loop3A_253] {strides = array<i32>} : memref<32768xf32, #tpu.memory_space<vmem>>, vector<16xf32>,
      %parallel_loop3A_255 = arith.maximumf %parallel_loop3A_215, %parallel_loop3A_254 : vector<16xf32>
      %parallel_loop3A_256 = arith.constant 272 : i32
      %parallel_loop3A_257 = arith.addi %parallel_loop3A_170, %parallel_loop3A_256 : i32
      %parallel_loop3A_258 = arith.index_cast %parallel_loop3A_257 : i32 to index
      %parallel_loop3A_259 = tpu.vector_load %arg4[%parallel_loop3A_258] {strides = array<i32>} : memref<32768xf32, #tpu.memory_space<vmem>>, vector<16xf32>,
      %parallel_loop3A_260 = arith.maximumf %parallel_loop3A_220, %parallel_loop3A_259 : vector<16xf32>
      %parallel_loop3A_261 = arith.constant 288 : i32
      %parallel_loop3A_262 = arith.addi %parallel_loop3A_170, %parallel_loop3A_261 : i32
      %parallel_loop3A_263 = arith.index_cast %parallel_loop3A_262 : i32 to index
      %parallel_loop3A_264 = tpu.vector_load %arg4[%parallel_loop3A_263] {strides = array<i32>} : memref<32768xf32, #tpu.memory_space<vmem>>, vector<16xf32>,
      %parallel_loop3A_265 = arith.maximumf %parallel_loop3A_225, %parallel_loop3A_264 : vector<16xf32>
      %parallel_loop3A_266 = arith.constant 304 : i32
      %parallel_loop3A_267 = arith.addi %parallel_loop3A_170, %parallel_loop3A_266 : i32
      %parallel_loop3A_268 = arith.index_cast %parallel_loop3A_267 : i32 to index
      %parallel_loop3A_269 = tpu.vector_load %arg4[%parallel_loop3A_268] {strides = array<i32>} : memref<32768xf32, #tpu.memory_space<vmem>>, vector<16xf32>,
      %parallel_loop3A_270 = arith.maximumf %parallel_loop3A_230, %parallel_loop3A_269 : vector<16xf32>
      %parallel_loop3A_271 = arith.constant 320 : i32
      %parallel_loop3A_272 = arith.addi %parallel_loop3A_170, %parallel_loop3A_271 : i32
      %parallel_loop3A_273 = arith.index_cast %parallel_loop3A_272 : i32 to index
      %parallel_loop3A_274 = tpu.vector_load %arg4[%parallel_loop3A_273] {strides = array<i32>} : memref<32768xf32, #tpu.memory_space<vmem>>, vector<16xf32>,
      %parallel_loop3A_275 = arith.maximumf %parallel_loop3A_235, %parallel_loop3A_274 : vector<16xf32>
      %parallel_loop3A_276 = arith.constant 336 : i32
      %parallel_loop3A_277 = arith.addi %parallel_loop3A_170, %parallel_loop3A_276 : i32
      %parallel_loop3A_278 = arith.index_cast %parallel_loop3A_277 : i32 to index
      %parallel_loop3A_279 = tpu.vector_load %arg4[%parallel_loop3A_278] {strides = array<i32>} : memref<32768xf32, #tpu.memory_space<vmem>>, vector<16xf32>,
      %parallel_loop3A_280 = arith.maximumf %parallel_loop3A_240, %parallel_loop3A_279 : vector<16xf32>
      %parallel_loop3A_281 = arith.constant 352 : i32
      %parallel_loop3A_282 = arith.addi %parallel_loop3A_170, %parallel_loop3A_281 : i32
      %parallel_loop3A_283 = arith.index_cast %parallel_loop3A_282 : i32 to index
      %parallel_loop3A_284 = tpu.vector_load %arg4[%parallel_loop3A_283] {strides = array<i32>} : memref<32768xf32, #tpu.memory_space<vmem>>, vector<16xf32>,
      %parallel_loop3A_285 = arith.maximumf %parallel_loop3A_245, %parallel_loop3A_284 : vector<16xf32>
      %parallel_loop3A_286 = arith.constant 368 : i32
      %parallel_loop3A_287 = arith.addi %parallel_loop3A_170, %parallel_loop3A_286 : i32
      %parallel_loop3A_288 = arith.index_cast %parallel_loop3A_287 : i32 to index
      %parallel_loop3A_289 = tpu.vector_load %arg4[%parallel_loop3A_288] {strides = array<i32>} : memref<32768xf32, #tpu.memory_space<vmem>>, vector<16xf32>,
      %parallel_loop3A_290 = arith.maximumf %parallel_loop3A_250, %parallel_loop3A_289 : vector<16xf32>
      %parallel_loop3A_291 = arith.constant 384 : i32
      %parallel_loop3A_292 = arith.addi %parallel_loop3A_170, %parallel_loop3A_291 : i32
      %parallel_loop3A_293 = arith.index_cast %parallel_loop3A_292 : i32 to index
      %parallel_loop3A_294 = tpu.vector_load %arg4[%parallel_loop3A_293] {strides = array<i32>} : memref<32768xf32, #tpu.memory_space<vmem>>, vector<16xf32>,
      %parallel_loop3A_295 = arith.maximumf %parallel_loop3A_255, %parallel_loop3A_294 : vector<16xf32>
      %parallel_loop3A_296 = arith.constant 400 : i32
      %parallel_loop3A_297 = arith.addi %parallel_loop3A_170, %parallel_loop3A_296 : i32
      %parallel_loop3A_298 = arith.index_cast %parallel_loop3A_297 : i32 to index
      %parallel_loop3A_299 = tpu.vector_load %arg4[%parallel_loop3A_298] {strides = array<i32>} : memref<32768xf32, #tpu.memory_space<vmem>>, vector<16xf32>,
      %parallel_loop3A_300 = arith.maximumf %parallel_loop3A_260, %parallel_loop3A_299 : vector<16xf32>
      %parallel_loop3A_301 = arith.constant 416 : i32
      %parallel_loop3A_302 = arith.addi %parallel_loop3A_170, %parallel_loop3A_301 : i32
      %parallel_loop3A_303 = arith.index_cast %parallel_loop3A_302 : i32 to index
      %parallel_loop3A_304 = tpu.vector_load %arg4[%parallel_loop3A_303] {strides = array<i32>} : memref<32768xf32, #tpu.memory_space<vmem>>, vector<16xf32>,
      %parallel_loop3A_305 = arith.maximumf %parallel_loop3A_265, %parallel_loop3A_304 : vector<16xf32>
      %parallel_loop3A_306 = arith.constant 432 : i32
      %parallel_loop3A_307 = arith.addi %parallel_loop3A_170, %parallel_loop3A_306 : i32
      %parallel_loop3A_308 = arith.index_cast %parallel_loop3A_307 : i32 to index
      %parallel_loop3A_309 = tpu.vector_load %arg4[%parallel_loop3A_308] {strides = array<i32>} : memref<32768xf32, #tpu.memory_space<vmem>>, vector<16xf32>,
      %parallel_loop3A_310 = arith.maximumf %parallel_loop3A_270, %parallel_loop3A_309 : vector<16xf32>
      %parallel_loop3A_311 = arith.constant 448 : i32
      %parallel_loop3A_312 = arith.addi %parallel_loop3A_170, %parallel_loop3A_311 : i32
      %parallel_loop3A_313 = arith.index_cast %parallel_loop3A_312 : i32 to index
      %parallel_loop3A_314 = tpu.vector_load %arg4[%parallel_loop3A_313] {strides = array<i32>} : memref<32768xf32, #tpu.memory_space<vmem>>, vector<16xf32>,
      %parallel_loop3A_315 = arith.maximumf %parallel_loop3A_275, %parallel_loop3A_314 : vector<16xf32>
      %parallel_loop3A_316 = arith.constant 464 : i32
      %parallel_loop3A_317 = arith.addi %parallel_loop3A_170, %parallel_loop3A_316 : i32
      %parallel_loop3A_318 = arith.index_cast %parallel_loop3A_317 : i32 to index
      %parallel_loop3A_319 = tpu.vector_load %arg4[%parallel_loop3A_318] {strides = array<i32>} : memref<32768xf32, #tpu.memory_space<vmem>>, vector<16xf32>,
      %parallel_loop3A_320 = arith.maximumf %parallel_loop3A_280, %parallel_loop3A_319 : vector<16xf32>
      %parallel_loop3A_321 = arith.constant 480 : i32
      %parallel_loop3A_322 = arith.addi %parallel_loop3A_170, %parallel_loop3A_321 : i32
      %parallel_loop3A_323 = arith.index_cast %parallel_loop3A_322 : i32 to index
      %parallel_loop3A_324 = tpu.vector_load %arg4[%parallel_loop3A_323] {strides = array<i32>} : memref<32768xf32, #tpu.memory_space<vmem>>, vector<16xf32>,
      %parallel_loop3A_325 = arith.maximumf %parallel_loop3A_285, %parallel_loop3A_324 : vector<16xf32>
      %parallel_loop3A_326 = arith.constant 496 : i32
      %parallel_loop3A_327 = arith.addi %parallel_loop3A_170, %parallel_loop3A_326 : i32
      %parallel_loop3A_328 = arith.index_cast %parallel_loop3A_327 : i32 to index
      %parallel_loop3A_329 = tpu.vector_load %arg4[%parallel_loop3A_328] {strides = array<i32>} : memref<32768xf32, #tpu.memory_space<vmem>>, vector<16xf32>,
      %parallel_loop3A_330 = arith.maximumf %parallel_loop3A_290, %parallel_loop3A_329 : vector<16xf32>
      %parallel_loop3A_331 = arith.constant 512 : i32
      %parallel_loop3A_332 = arith.addi %parallel_loop3A_170, %parallel_loop3A_331 : i32
      %parallel_loop3A_333 = arith.index_cast %parallel_loop3A_332 : i32 to index
      %parallel_loop3A_334 = tpu.vector_load %arg4[%parallel_loop3A_333] {strides = array<i32>} : memref<32768xf32, #tpu.memory_space<vmem>>, vector<16xf32>,
      %parallel_loop3A_335 = arith.maximumf %parallel_loop3A_295, %parallel_loop3A_334 : vector<16xf32>
      %parallel_loop3A_336 = arith.constant 528 : i32
      %parallel_loop3A_337 = arith.addi %parallel_loop3A_170, %parallel_loop3A_336 : i32
      %parallel_loop3A_338 = arith.index_cast %parallel_loop3A_337 : i32 to index
      %parallel_loop3A_339 = tpu.vector_load %arg4[%parallel_loop3A_338] {strides = array<i32>} : memref<32768xf32, #tpu.memory_space<vmem>>, vector<16xf32>,
      %parallel_loop3A_340 = arith.maximumf %parallel_loop3A_300, %parallel_loop3A_339 : vector<16xf32>
      %parallel_loop3A_341 = arith.constant 544 : i32
      %parallel_loop3A_342 = arith.addi %parallel_loop3A_170, %parallel_loop3A_341 : i32
      %parallel_loop3A_343 = arith.index_cast %parallel_loop3A_342 : i32 to index
      %parallel_loop3A_344 = tpu.vector_load %arg4[%parallel_loop3A_343] {strides = array<i32>} : memref<32768xf32, #tpu.memory_space<vmem>>, vector<16xf32>,
      %parallel_loop3A_345 = arith.maximumf %parallel_loop3A_305, %parallel_loop3A_344 : vector<16xf32>
      %parallel_loop3A_346 = arith.constant 560 : i32
      %parallel_loop3A_347 = arith.addi %parallel_loop3A_170, %parallel_loop3A_346 : i32
      %parallel_loop3A_348 = arith.index_cast %parallel_loop3A_347 : i32 to index
      %parallel_loop3A_349 = tpu.vector_load %arg4[%parallel_loop3A_348] {strides = array<i32>} : memref<32768xf32, #tpu.memory_space<vmem>>, vector<16xf32>,
      %parallel_loop3A_350 = arith.maximumf %parallel_loop3A_310, %parallel_loop3A_349 : vector<16xf32>
      %parallel_loop3A_351 = arith.constant 576 : i32
      %parallel_loop3A_352 = arith.addi %parallel_loop3A_170, %parallel_loop3A_351 : i32
      %parallel_loop3A_353 = arith.index_cast %parallel_loop3A_352 : i32 to index
      %parallel_loop3A_354 = tpu.vector_load %arg4[%parallel_loop3A_353] {strides = array<i32>} : memref<32768xf32, #tpu.memory_space<vmem>>, vector<16xf32>,
      %parallel_loop3A_355 = arith.maximumf %parallel_loop3A_315, %parallel_loop3A_354 : vector<16xf32>
      %parallel_loop3A_356 = arith.constant 592 : i32
      %parallel_loop3A_357 = arith.addi %parallel_loop3A_170, %parallel_loop3A_356 : i32
      %parallel_loop3A_358 = arith.index_cast %parallel_loop3A_357 : i32 to index
      %parallel_loop3A_359 = tpu.vector_load %arg4[%parallel_loop3A_358] {strides = array<i32>} : memref<32768xf32, #tpu.memory_space<vmem>>, vector<16xf32>,
      %parallel_loop3A_360 = arith.maximumf %parallel_loop3A_320, %parallel_loop3A_359 : vector<16xf32>
      %parallel_loop3A_361 = arith.constant 608 : i32
      %parallel_loop3A_362 = arith.addi %parallel_loop3A_170, %parallel_loop3A_361 : i32
      %parallel_loop3A_363 = arith.index_cast %parallel_loop3A_362 : i32 to index
      %parallel_loop3A_364 = tpu.vector_load %arg4[%parallel_loop3A_363] {strides = array<i32>} : memref<32768xf32, #tpu.memory_space<vmem>>, vector<16xf32>,
      %parallel_loop3A_365 = arith.maximumf %parallel_loop3A_325, %parallel_loop3A_364 : vector<16xf32>
      %parallel_loop3A_366 = arith.constant 624 : i32
      %parallel_loop3A_367 = arith.addi %parallel_loop3A_170, %parallel_loop3A_366 : i32
      %parallel_loop3A_368 = arith.index_cast %parallel_loop3A_367 : i32 to index
      %parallel_loop3A_369 = tpu.vector_load %arg4[%parallel_loop3A_368] {strides = array<i32>} : memref<32768xf32, #tpu.memory_space<vmem>>, vector<16xf32>,
      %parallel_loop3A_370 = arith.maximumf %parallel_loop3A_330, %parallel_loop3A_369 : vector<16xf32>
      %parallel_loop3A_371 = arith.constant 640 : i32
      %parallel_loop3A_372 = arith.addi %parallel_loop3A_170, %parallel_loop3A_371 : i32
      %parallel_loop3A_373 = arith.index_cast %parallel_loop3A_372 : i32 to index
      %parallel_loop3A_374 = tpu.vector_load %arg4[%parallel_loop3A_373] {strides = array<i32>} : memref<32768xf32, #tpu.memory_space<vmem>>, vector<16xf32>,
      %parallel_loop3A_375 = arith.maximumf %parallel_loop3A_335, %parallel_loop3A_374 : vector<16xf32>
      %parallel_loop3A_376 = arith.constant 656 : i32
      %parallel_loop3A_377 = arith.addi %parallel_loop3A_170, %parallel_loop3A_376 : i32
      %parallel_loop3A_378 = arith.index_cast %parallel_loop3A_377 : i32 to index
      %parallel_loop3A_379 = tpu.vector_load %arg4[%parallel_loop3A_378] {strides = array<i32>} : memref<32768xf32, #tpu.memory_space<vmem>>, vector<16xf32>,
      %parallel_loop3A_380 = arith.maximumf %parallel_loop3A_340, %parallel_loop3A_379 : vector<16xf32>
      %parallel_loop3A_381 = arith.constant 672 : i32
      %parallel_loop3A_382 = arith.addi %parallel_loop3A_170, %parallel_loop3A_381 : i32
      %parallel_loop3A_383 = arith.index_cast %parallel_loop3A_382 : i32 to index
      %parallel_loop3A_384 = tpu.vector_load %arg4[%parallel_loop3A_383] {strides = array<i32>} : memref<32768xf32, #tpu.memory_space<vmem>>, vector<16xf32>,
      %parallel_loop3A_385 = arith.maximumf %parallel_loop3A_345, %parallel_loop3A_384 : vector<16xf32>
      %parallel_loop3A_386 = arith.constant 688 : i32
      %parallel_loop3A_387 = arith.addi %parallel_loop3A_170, %parallel_loop3A_386 : i32
      %parallel_loop3A_388 = arith.index_cast %parallel_loop3A_387 : i32 to index
      %parallel_loop3A_389 = tpu.vector_load %arg4[%parallel_loop3A_388] {strides = array<i32>} : memref<32768xf32, #tpu.memory_space<vmem>>, vector<16xf32>,
      %parallel_loop3A_390 = arith.maximumf %parallel_loop3A_350, %parallel_loop3A_389 : vector<16xf32>
      %parallel_loop3A_391 = arith.constant 704 : i32
      %parallel_loop3A_392 = arith.addi %parallel_loop3A_170, %parallel_loop3A_391 : i32
      %parallel_loop3A_393 = arith.index_cast %parallel_loop3A_392 : i32 to index
      %parallel_loop3A_394 = tpu.vector_load %arg4[%parallel_loop3A_393] {strides = array<i32>} : memref<32768xf32, #tpu.memory_space<vmem>>, vector<16xf32>,
      %parallel_loop3A_395 = arith.maximumf %parallel_loop3A_355, %parallel_loop3A_394 : vector<16xf32>
      %parallel_loop3A_396 = arith.constant 720 : i32
      %parallel_loop3A_397 = arith.addi %parallel_loop3A_170, %parallel_loop3A_396 : i32
      %parallel_loop3A_398 = arith.index_cast %parallel_loop3A_397 : i32 to index
      %parallel_loop3A_399 = tpu.vector_load %arg4[%parallel_loop3A_398] {strides = array<i32>} : memref<32768xf32, #tpu.memory_space<vmem>>, vector<16xf32>,
      %parallel_loop3A_400 = arith.maximumf %parallel_loop3A_360, %parallel_loop3A_399 : vector<16xf32>
      %parallel_loop3A_401 = arith.constant 736 : i32
      %parallel_loop3A_402 = arith.addi %parallel_loop3A_170, %parallel_loop3A_401 : i32
      %parallel_loop3A_403 = arith.index_cast %parallel_loop3A_402 : i32 to index
      %parallel_loop3A_404 = tpu.vector_load %arg4[%parallel_loop3A_403] {strides = array<i32>} : memref<32768xf32, #tpu.memory_space<vmem>>, vector<16xf32>,
      %parallel_loop3A_405 = arith.maximumf %parallel_loop3A_365, %parallel_loop3A_404 : vector<16xf32>
      %parallel_loop3A_406 = arith.constant 752 : i32
      %parallel_loop3A_407 = arith.addi %parallel_loop3A_170, %parallel_loop3A_406 : i32
      %parallel_loop3A_408 = arith.index_cast %parallel_loop3A_407 : i32 to index
      %parallel_loop3A_409 = tpu.vector_load %arg4[%parallel_loop3A_408] {strides = array<i32>} : memref<32768xf32, #tpu.memory_space<vmem>>, vector<16xf32>,
      %parallel_loop3A_410 = arith.maximumf %parallel_loop3A_370, %parallel_loop3A_409 : vector<16xf32>
      %parallel_loop3A_411 = arith.constant 768 : i32
      %parallel_loop3A_412 = arith.addi %parallel_loop3A_170, %parallel_loop3A_411 : i32
      %parallel_loop3A_413 = arith.index_cast %parallel_loop3A_412 : i32 to index
      %parallel_loop3A_414 = tpu.vector_load %arg4[%parallel_loop3A_413] {strides = array<i32>} : memref<32768xf32, #tpu.memory_space<vmem>>, vector<16xf32>,
      %parallel_loop3A_415 = arith.maximumf %parallel_loop3A_375, %parallel_loop3A_414 : vector<16xf32>
      %parallel_loop3A_416 = arith.constant 784 : i32
      %parallel_loop3A_417 = arith.addi %parallel_loop3A_170, %parallel_loop3A_416 : i32
      %parallel_loop3A_418 = arith.index_cast %parallel_loop3A_417 : i32 to index
      %parallel_loop3A_419 = tpu.vector_load %arg4[%parallel_loop3A_418] {strides = array<i32>} : memref<32768xf32, #tpu.memory_space<vmem>>, vector<16xf32>,
      %parallel_loop3A_420 = arith.maximumf %parallel_loop3A_380, %parallel_loop3A_419 : vector<16xf32>
      %parallel_loop3A_421 = arith.constant 800 : i32
      %parallel_loop3A_422 = arith.addi %parallel_loop3A_170, %parallel_loop3A_421 : i32
      %parallel_loop3A_423 = arith.index_cast %parallel_loop3A_422 : i32 to index
      %parallel_loop3A_424 = tpu.vector_load %arg4[%parallel_loop3A_423] {strides = array<i32>} : memref<32768xf32, #tpu.memory_space<vmem>>, vector<16xf32>,
      %parallel_loop3A_425 = arith.maximumf %parallel_loop3A_385, %parallel_loop3A_424 : vector<16xf32>
      %parallel_loop3A_426 = arith.constant 816 : i32
      %parallel_loop3A_427 = arith.addi %parallel_loop3A_170, %parallel_loop3A_426 : i32
      %parallel_loop3A_428 = arith.index_cast %parallel_loop3A_427 : i32 to index
      %parallel_loop3A_429 = tpu.vector_load %arg4[%parallel_loop3A_428] {strides = array<i32>} : memref<32768xf32, #tpu.memory_space<vmem>>, vector<16xf32>,
      %parallel_loop3A_430 = arith.maximumf %parallel_loop3A_390, %parallel_loop3A_429 : vector<16xf32>
      %parallel_loop3A_431 = arith.constant 832 : i32
      %parallel_loop3A_432 = arith.addi %parallel_loop3A_170, %parallel_loop3A_431 : i32
      %parallel_loop3A_433 = arith.index_cast %parallel_loop3A_432 : i32 to index
      %parallel_loop3A_434 = tpu.vector_load %arg4[%parallel_loop3A_433] {strides = array<i32>} : memref<32768xf32, #tpu.memory_space<vmem>>, vector<16xf32>,
      %parallel_loop3A_435 = arith.maximumf %parallel_loop3A_395, %parallel_loop3A_434 : vector<16xf32>
      %parallel_loop3A_436 = arith.constant 848 : i32
      %parallel_loop3A_437 = arith.addi %parallel_loop3A_170, %parallel_loop3A_436 : i32
      %parallel_loop3A_438 = arith.index_cast %parallel_loop3A_437 : i32 to index
      %parallel_loop3A_439 = tpu.vector_load %arg4[%parallel_loop3A_438] {strides = array<i32>} : memref<32768xf32, #tpu.memory_space<vmem>>, vector<16xf32>,
      %parallel_loop3A_440 = arith.maximumf %parallel_loop3A_400, %parallel_loop3A_439 : vector<16xf32>
      %parallel_loop3A_441 = arith.constant 864 : i32
      %parallel_loop3A_442 = arith.addi %parallel_loop3A_170, %parallel_loop3A_441 : i32
      %parallel_loop3A_443 = arith.index_cast %parallel_loop3A_442 : i32 to index
      %parallel_loop3A_444 = tpu.vector_load %arg4[%parallel_loop3A_443] {strides = array<i32>} : memref<32768xf32, #tpu.memory_space<vmem>>, vector<16xf32>,
      %parallel_loop3A_445 = arith.maximumf %parallel_loop3A_405, %parallel_loop3A_444 : vector<16xf32>
      %parallel_loop3A_446 = arith.constant 880 : i32
      %parallel_loop3A_447 = arith.addi %parallel_loop3A_170, %parallel_loop3A_446 : i32
      %parallel_loop3A_448 = arith.index_cast %parallel_loop3A_447 : i32 to index
      %parallel_loop3A_449 = tpu.vector_load %arg4[%parallel_loop3A_448] {strides = array<i32>} : memref<32768xf32, #tpu.memory_space<vmem>>, vector<16xf32>,
      %parallel_loop3A_450 = arith.maximumf %parallel_loop3A_410, %parallel_loop3A_449 : vector<16xf32>
      %parallel_loop3A_451 = arith.constant 896 : i32
      %parallel_loop3A_452 = arith.addi %parallel_loop3A_170, %parallel_loop3A_451 : i32
      %parallel_loop3A_453 = arith.index_cast %parallel_loop3A_452 : i32 to index
      %parallel_loop3A_454 = tpu.vector_load %arg4[%parallel_loop3A_453] {strides = array<i32>} : memref<32768xf32, #tpu.memory_space<vmem>>, vector<16xf32>,
      %parallel_loop3A_455 = arith.maximumf %parallel_loop3A_415, %parallel_loop3A_454 : vector<16xf32>
      %parallel_loop3A_456 = arith.constant 912 : i32
      %parallel_loop3A_457 = arith.addi %parallel_loop3A_170, %parallel_loop3A_456 : i32
      %parallel_loop3A_458 = arith.index_cast %parallel_loop3A_457 : i32 to index
      %parallel_loop3A_459 = tpu.vector_load %arg4[%parallel_loop3A_458] {strides = array<i32>} : memref<32768xf32, #tpu.memory_space<vmem>>, vector<16xf32>,
      %parallel_loop3A_460 = arith.maximumf %parallel_loop3A_420, %parallel_loop3A_459 : vector<16xf32>
      %parallel_loop3A_461 = arith.constant 928 : i32
      %parallel_loop3A_462 = arith.addi %parallel_loop3A_170, %parallel_loop3A_461 : i32
      %parallel_loop3A_463 = arith.index_cast %parallel_loop3A_462 : i32 to index
      %parallel_loop3A_464 = tpu.vector_load %arg4[%parallel_loop3A_463] {strides = array<i32>} : memref<32768xf32, #tpu.memory_space<vmem>>, vector<16xf32>,
      %parallel_loop3A_465 = arith.maximumf %parallel_loop3A_425, %parallel_loop3A_464 : vector<16xf32>
      %parallel_loop3A_466 = arith.constant 944 : i32
      %parallel_loop3A_467 = arith.addi %parallel_loop3A_170, %parallel_loop3A_466 : i32
      %parallel_loop3A_468 = arith.index_cast %parallel_loop3A_467 : i32 to index
      %parallel_loop3A_469 = tpu.vector_load %arg4[%parallel_loop3A_468] {strides = array<i32>} : memref<32768xf32, #tpu.memory_space<vmem>>, vector<16xf32>,
      %parallel_loop3A_470 = arith.maximumf %parallel_loop3A_430, %parallel_loop3A_469 : vector<16xf32>
      %parallel_loop3A_471 = arith.constant 960 : i32
      %parallel_loop3A_472 = arith.addi %parallel_loop3A_170, %parallel_loop3A_471 : i32
      %parallel_loop3A_473 = arith.index_cast %parallel_loop3A_472 : i32 to index
      %parallel_loop3A_474 = tpu.vector_load %arg4[%parallel_loop3A_473] {strides = array<i32>} : memref<32768xf32, #tpu.memory_space<vmem>>, vector<16xf32>,
      %parallel_loop3A_475 = arith.maximumf %parallel_loop3A_435, %parallel_loop3A_474 : vector<16xf32>
      %parallel_loop3A_476 = arith.constant 976 : i32
      %parallel_loop3A_477 = arith.addi %parallel_loop3A_170, %parallel_loop3A_476 : i32
      %parallel_loop3A_478 = arith.index_cast %parallel_loop3A_477 : i32 to index
      %parallel_loop3A_479 = tpu.vector_load %arg4[%parallel_loop3A_478] {strides = array<i32>} : memref<32768xf32, #tpu.memory_space<vmem>>, vector<16xf32>,
      %parallel_loop3A_480 = arith.maximumf %parallel_loop3A_440, %parallel_loop3A_479 : vector<16xf32>
      %parallel_loop3A_481 = arith.constant 992 : i32
      %parallel_loop3A_482 = arith.addi %parallel_loop3A_170, %parallel_loop3A_481 : i32
      %parallel_loop3A_483 = arith.index_cast %parallel_loop3A_482 : i32 to index
      %parallel_loop3A_484 = tpu.vector_load %arg4[%parallel_loop3A_483] {strides = array<i32>} : memref<32768xf32, #tpu.memory_space<vmem>>, vector<16xf32>,
      %parallel_loop3A_485 = arith.maximumf %parallel_loop3A_445, %parallel_loop3A_484 : vector<16xf32>
      %parallel_loop3A_486 = arith.constant 1008 : i32
      %parallel_loop3A_487 = arith.addi %parallel_loop3A_170, %parallel_loop3A_486 : i32
      %parallel_loop3A_488 = arith.index_cast %parallel_loop3A_487 : i32 to index
      %parallel_loop3A_489 = tpu.vector_load %arg4[%parallel_loop3A_488] {strides = array<i32>} : memref<32768xf32, #tpu.memory_space<vmem>>, vector<16xf32>,
      %parallel_loop3A_490 = arith.maximumf %parallel_loop3A_450, %parallel_loop3A_489 : vector<16xf32>
      %parallel_loop3A_491 = arith.maximumf %parallel_loop3A_455, %parallel_loop3A_460 : vector<16xf32>
      %parallel_loop3A_492 = arith.maximumf %parallel_loop3A_465, %parallel_loop3A_470 : vector<16xf32>
      %parallel_loop3A_493 = arith.maximumf %parallel_loop3A_475, %parallel_loop3A_480 : vector<16xf32>
      %parallel_loop3A_494 = arith.maximumf %parallel_loop3A_485, %parallel_loop3A_490 : vector<16xf32>
      %parallel_loop3A_495 = arith.maximumf %parallel_loop3A_491, %parallel_loop3A_492 : vector<16xf32>
      %parallel_loop3A_496 = arith.maximumf %parallel_loop3A_493, %parallel_loop3A_494 : vector<16xf32>
      %parallel_loop3A_497 = arith.maximumf %parallel_loop3A_495, %parallel_loop3A_496 : vector<16xf32>
      %parallel_loop3A_498 = arith.constant 16 : i32
      %parallel_loop3A_499 = arith.muli %parallel_loop3A_168, %parallel_loop3A_498 : i32
      %parallel_loop3A_500 = arith.index_cast %parallel_loop3A_499 : i32 to index
      %parallel_loop3A_501 = tpu.vector_load %arg7[%parallel_loop3A_500] {strides = array<i32>} : memref<512xf32, #tpu.memory_space<vmem>>, vector<16xf32>,
      tpu.vector_store %arg7[%parallel_loop3A_500], %parallel_loop3A_497 {strides = array<i32>} : memref<512xf32, #tpu.memory_space<vmem>>, vector<16xf32>,
    } {sc.loop_unroll_factor = 1 : i64, sc.parallel_access}
    %parallel_loop3A_41 = arith.constant 0 : i32
    %parallel_loop3A_42 = arith.constant 32 : i32
    %parallel_loop3A_43 = arith.constant 1 : i32
    %parallel_loop3A_44 = scf.for %parallel_loop3A_168 = %parallel_loop3A_41 to %parallel_loop3A_42 step %parallel_loop3A_43 iter_args(%parallel_loop3A_169 = %broadcast_in_dim3A_38) -> (vector<16xf32>)  : i32 {
      %parallel_loop3A_170 = arith.constant 16 : i32
      %parallel_loop3A_171 = arith.muli %parallel_loop3A_168, %parallel_loop3A_170 : i32
      %parallel_loop3A_172 = arith.index_cast %parallel_loop3A_171 : i32 to index
      %parallel_loop3A_173 = tpu.vector_load %arg7[%parallel_loop3A_172] {strides = array<i32>} : memref<512xf32, #tpu.memory_space<vmem>>, vector<16xf32>,
      %parallel_loop3A_174 = arith.maximumf %parallel_loop3A_169, %parallel_loop3A_173 : vector<16xf32>
      scf.yield %parallel_loop3A_174 : vector<16xf32>
    } {sc.loop_unroll_factor = 1 : i64, sc.parallel_access}
    %reduce_max3A = arith.constant true
    %reduce_max3A_45 = vector.broadcast %reduce_max3A : i1 to vector<16xi1>
    %reduce_max3A_46 = tpu.scan <max>, %parallel_loop3A_44 masked %reduce_max3A_45 : vector<16xf32>, vector<16xi1> -> vector<16xf32>
    %reduce_max3A_47 = vector.extract %reduce_max3A_46[15] : f32 from vector<16xf32>
    %broadcast_in_dim3A_48 = vector.broadcast %reduce_max3A_47 : f32 to vector<16xf32>
    %broadcast_in_dim3A_49 = arith.constant 1073741824 : i32
    %broadcast_in_dim3A_50 = vector.broadcast %broadcast_in_dim3A_49 : i32 to vector<16xi32>
    %parallel_loop3A_51 = arith.constant 0 : i32
    %parallel_loop3A_52 = arith.constant 32 : i32
    %parallel_loop3A_53 = arith.constant 1 : i32
    %parallel_loop3A_54 = scf.for %parallel_loop3A_168 = %parallel_loop3A_51 to %parallel_loop3A_52 step %parallel_loop3A_53 iter_args(%parallel_loop3A_169 = %broadcast_in_dim3A_50) -> (vector<16xi32>)  : i32 {
      %parallel_loop3A_170 = arith.constant 16 : i32
      %parallel_loop3A_171 = arith.muli %parallel_loop3A_168, %parallel_loop3A_170 : i32
      %parallel_loop3A_172 = arith.index_cast %parallel_loop3A_171 : i32 to index
      %parallel_loop3A_173 = tpu.vector_load %arg7[%parallel_loop3A_172] {strides = array<i32>} : memref<512xf32, #tpu.memory_space<vmem>>, vector<16xf32>,
      %parallel_loop3A_174 = vector.broadcast %parallel_loop3A_168 : i32 to vector<16xi32>
      %parallel_loop3A_175 = arith.cmpf oeq, %parallel_loop3A_173, %broadcast_in_dim3A_48 : vector<16xf32>
      %parallel_loop3A_176 = arith.constant 1073741824 : i32
      %parallel_loop3A_177 = vector.broadcast %parallel_loop3A_176 : i32 to vector<16xi32>
      %parallel_loop3A_178 = arith.select %parallel_loop3A_175, %parallel_loop3A_174, %parallel_loop3A_177 : vector<16xi1>, vector<16xi32>
      %parallel_loop3A_179 = arith.minsi %parallel_loop3A_169, %parallel_loop3A_178 : vector<16xi32>
      scf.yield %parallel_loop3A_179 : vector<16xi32>
    } {sc.loop_unroll_factor = 1 : i64, sc.parallel_access}
    %reduce_min3A = arith.constant true
    %reduce_min3A_55 = vector.broadcast %reduce_min3A : i1 to vector<16xi1>
    %reduce_min3A_56 = arith.constant -2147483648 : i32
    %reduce_min3A_57 = vector.broadcast %reduce_min3A_56 : i32 to vector<16xi32>
    %reduce_min3A_58 = arith.xori %parallel_loop3A_54, %reduce_min3A_57 : vector<16xi32>
    %reduce_min3A_59 = tpu.scan <min>, %reduce_min3A_58 masked %reduce_min3A_55 : vector<16xi32>, vector<16xi1> -> vector<16xi32>
    %reduce_min3A_60 = arith.xori %reduce_min3A_59, %reduce_min3A_57 : vector<16xi32>
    %reduce_min3A_61 = vector.extract %reduce_min3A_60[15] : i32 from vector<16xi32>
    %mul3A_62 = arith.constant 1024 : i32
    %mul3A_63 = arith.muli %reduce_min3A_61, %mul3A_62 : i32
    %broadcast_in_dim3A_64 = arith.constant 1073741824 : i32
    %broadcast_in_dim3A_65 = vector.broadcast %broadcast_in_dim3A_64 : i32 to vector<16xi32>
    %parallel_loop3A_66 = arith.constant 0 : i32
    %parallel_loop3A_67 = arith.constant 64 : i32
    %parallel_loop3A_68 = arith.constant 2 : i32
    %parallel_loop3A_69:2 = scf.for %parallel_loop3A_168 = %parallel_loop3A_66 to %parallel_loop3A_67 step %parallel_loop3A_68 iter_args(%parallel_loop3A_169 = %broadcast_in_dim3A_65, %parallel_loop3A_170 = %broadcast_in_dim3A_65) -> (vector<16xi32>, vector<16xi32>)  : i32 {
      %parallel_loop3A_171 = arith.constant 16 : i32
      %parallel_loop3A_172 = arith.muli %parallel_loop3A_168, %parallel_loop3A_171 : i32
      %parallel_loop3A_173 = arith.addi %mul3A_63, %parallel_loop3A_172 : i32
      %parallel_loop3A_174 = arith.index_cast %parallel_loop3A_173 : i32 to index
      %parallel_loop3A_175 = tpu.vector_load %arg4[%parallel_loop3A_174] {strides = array<i32>} : memref<32768xf32, #tpu.memory_space<vmem>>, vector<16xf32>,
      %parallel_loop3A_176 = arith.constant 1 : i32
      %parallel_loop3A_177 = arith.addi %parallel_loop3A_168, %parallel_loop3A_176 : i32
      %parallel_loop3A_178 = arith.constant 16 : i32
      %parallel_loop3A_179 = arith.muli %parallel_loop3A_177, %parallel_loop3A_178 : i32
      %parallel_loop3A_180 = arith.addi %mul3A_63, %parallel_loop3A_179 : i32
      %parallel_loop3A_181 = arith.index_cast %parallel_loop3A_180 : i32 to index
      %parallel_loop3A_182 = tpu.vector_load %arg4[%parallel_loop3A_181] {strides = array<i32>} : memref<32768xf32, #tpu.memory_space<vmem>>, vector<16xf32>,
      %parallel_loop3A_183 = vector.broadcast %parallel_loop3A_168 : i32 to vector<16xi32>
      %parallel_loop3A_184 = arith.cmpf oeq, %parallel_loop3A_175, %broadcast_in_dim3A_48 : vector<16xf32>
      %parallel_loop3A_185 = arith.constant 1073741824 : i32
      %parallel_loop3A_186 = vector.broadcast %parallel_loop3A_185 : i32 to vector<16xi32>
      %parallel_loop3A_187 = arith.select %parallel_loop3A_184, %parallel_loop3A_183, %parallel_loop3A_186 : vector<16xi1>, vector<16xi32>
      %parallel_loop3A_188 = arith.minsi %parallel_loop3A_169, %parallel_loop3A_187 : vector<16xi32>
      %parallel_loop3A_189 = arith.cmpf oeq, %parallel_loop3A_182, %broadcast_in_dim3A_48 : vector<16xf32>
      %parallel_loop3A_190 = arith.constant 1 : i32
      %parallel_loop3A_191 = vector.broadcast %parallel_loop3A_190 : i32 to vector<16xi32>
      %parallel_loop3A_192 = arith.addi %parallel_loop3A_183, %parallel_loop3A_191 : vector<16xi32>
      %parallel_loop3A_193 = arith.constant 1073741824 : i32
      %parallel_loop3A_194 = vector.broadcast %parallel_loop3A_193 : i32 to vector<16xi32>
      %parallel_loop3A_195 = arith.select %parallel_loop3A_189, %parallel_loop3A_192, %parallel_loop3A_194 : vector<16xi1>, vector<16xi32>
      %parallel_loop3A_196 = arith.minsi %parallel_loop3A_170, %parallel_loop3A_195 : vector<16xi32>
      scf.yield %parallel_loop3A_188, %parallel_loop3A_196 : vector<16xi32>, vector<16xi32>
    } {sc.loop_unroll_factor = 1 : i64, sc.parallel_access}
    %min3A = arith.minsi %parallel_loop3A_69#0, %parallel_loop3A_69#1 : vector<16xi32>
    %eq3A = arith.constant 1073741824 : i32
    %eq3A_70 = vector.broadcast %eq3A : i32 to vector<16xi32>
    %eq3A_71 = arith.cmpi eq, %min3A, %eq3A_70 : vector<16xi32>
    %mul3A_72 = arith.constant 16 : i32
    %mul3A_73 = vector.broadcast %mul3A_72 : i32 to vector<16xi32>
    %mul3A_74 = arith.muli %min3A, %mul3A_73 : vector<16xi32>
    %add3A_75 = arith.addi %mul3A_74, %iota3A : vector<16xi32>
    %jit3A = arith.constant 1073741824 : i32
    %broadcast_in_dim3A_76 = vector.broadcast %jit3A : i32 to vector<16xi32>
    %select_n3A = arith.select %eq3A_71, %broadcast_in_dim3A_76, %add3A_75 : vector<16xi1>, vector<16xi32>
    %reduce_min3A_77 = arith.constant true
    %reduce_min3A_78 = vector.broadcast %reduce_min3A_77 : i1 to vector<16xi1>
    %reduce_min3A_79 = arith.constant -2147483648 : i32
    %reduce_min3A_80 = vector.broadcast %reduce_min3A_79 : i32 to vector<16xi32>
    %reduce_min3A_81 = arith.xori %select_n3A, %reduce_min3A_80 : vector<16xi32>
    %reduce_min3A_82 = tpu.scan <min>, %reduce_min3A_81 masked %reduce_min3A_78 : vector<16xi32>, vector<16xi1> -> vector<16xi32>
    %reduce_min3A_83 = arith.xori %reduce_min3A_82, %reduce_min3A_80 : vector<16xi32>
    %reduce_min3A_84 = vector.extract %reduce_min3A_83[15] : i32 from vector<16xi32>
    %add3A_85 = arith.addi %mul3A_63, %reduce_min3A_84 : i32
    %convert_element_type3A = arith.sitofp %add3A_85 : i32 to f32
    %eq3A_86 = arith.constant 14 : i32
    %eq3A_87 = vector.broadcast %eq3A_86 : i32 to vector<16xi32>
    %eq3A_88 = arith.cmpi eq, %iota3A, %eq3A_87 : vector<16xi32>
    %broadcast_in_dim3A_89 = vector.broadcast %convert_element_type3A : f32 to vector<16xf32>
    %select_n3A_90 = arith.select %eq3A_88, %broadcast_in_dim3A_89, %scan3A_30 : vector<16xi1>, vector<16xf32>
    %broadcast_in_dim3A_91 = arith.constant 0.000000e+00 : f32
    %broadcast_in_dim3A_92 = vector.broadcast %broadcast_in_dim3A_91 : f32 to vector<16xf32>
    %jit3A_93 = arith.constant false
    %select_n3A_94 = arith.select %jit3A_93, %broadcast_in_dim3A_92, %select_n3A_90 : vector<16xf32>
    %dma_wait3A_95 = arith.constant 0 : i32
    %dma_wait3A_96 = tpu.memref_slice %arg2[%mul3A_2, %dma_wait3A_95] : memref<1024x32768xf32, #tpu.memory_space<hbm>> -> memref<1x32768xf32, #tpu.memory_space<hbm>>
    %dma_wait3A_97 = tpu.memref_squeeze %dma_wait3A_96 : memref<1x32768xf32, #tpu.memory_space<hbm>> -> memref<32768xf32, #tpu.memory_space<hbm>>
    %dma_wait3A_98 = arith.constant 0 : i32
    %dma_wait3A_99 = tpu.memref_slice %arg2[%mul3A_2, %dma_wait3A_98] : memref<1024x32768xf32, #tpu.memory_space<hbm>> -> memref<1x32768xf32, #tpu.memory_space<hbm>>
    %dma_wait3A_100 = tpu.memref_squeeze %dma_wait3A_99 : memref<1x32768xf32, #tpu.memory_space<hbm>> -> memref<32768xf32, #tpu.memory_space<hbm>>
    tpu.wait_dma2 semaphore(%arg10 : memref<!tpu.dma_semaphore, #tpu.memory_space<semaphore_mem>>) src(%dma_wait3A_100 : memref<32768xf32, #tpu.memory_space<hbm>>) dst(%arg5 : memref<32768xf32, #tpu.memory_space<vmem>>)
    %broadcast_in_dim3A_101 = arith.constant 0xFF800000 : f32
    %broadcast_in_dim3A_102 = vector.broadcast %broadcast_in_dim3A_101 : f32 to vector<16xf32>
    %parallel_loop3A_103 = arith.constant 0 : i32
    %parallel_loop3A_104 = arith.constant 32 : i32
    %parallel_loop3A_105 = arith.constant 1 : i32
    scf.for %parallel_loop3A_168 = %parallel_loop3A_103 to %parallel_loop3A_104 step %parallel_loop3A_105  : i32 {
      %parallel_loop3A_169 = arith.constant 1024 : i32
      %parallel_loop3A_170 = arith.muli %parallel_loop3A_168, %parallel_loop3A_169 : i32
      %parallel_loop3A_171 = arith.constant 0 : i32
      %parallel_loop3A_172 = arith.addi %parallel_loop3A_170, %parallel_loop3A_171 : i32
      %parallel_loop3A_173 = arith.index_cast %parallel_loop3A_172 : i32 to index
      %parallel_loop3A_174 = tpu.vector_load %arg5[%parallel_loop3A_173] {strides = array<i32>} : memref<32768xf32, #tpu.memory_space<vmem>>, vector<16xf32>,
      %parallel_loop3A_175 = arith.maximumf %broadcast_in_dim3A_102, %parallel_loop3A_174 : vector<16xf32>
      %parallel_loop3A_176 = arith.constant 16 : i32
      %parallel_loop3A_177 = arith.addi %parallel_loop3A_170, %parallel_loop3A_176 : i32
      %parallel_loop3A_178 = arith.index_cast %parallel_loop3A_177 : i32 to index
      %parallel_loop3A_179 = tpu.vector_load %arg5[%parallel_loop3A_178] {strides = array<i32>} : memref<32768xf32, #tpu.memory_space<vmem>>, vector<16xf32>,
      %parallel_loop3A_180 = arith.maximumf %broadcast_in_dim3A_102, %parallel_loop3A_179 : vector<16xf32>
      %parallel_loop3A_181 = arith.constant 32 : i32
      %parallel_loop3A_182 = arith.addi %parallel_loop3A_170, %parallel_loop3A_181 : i32
      %parallel_loop3A_183 = arith.index_cast %parallel_loop3A_182 : i32 to index
      %parallel_loop3A_184 = tpu.vector_load %arg5[%parallel_loop3A_183] {strides = array<i32>} : memref<32768xf32, #tpu.memory_space<vmem>>, vector<16xf32>,
      %parallel_loop3A_185 = arith.maximumf %broadcast_in_dim3A_102, %parallel_loop3A_184 : vector<16xf32>
      %parallel_loop3A_186 = arith.constant 48 : i32
      %parallel_loop3A_187 = arith.addi %parallel_loop3A_170, %parallel_loop3A_186 : i32
      %parallel_loop3A_188 = arith.index_cast %parallel_loop3A_187 : i32 to index
      %parallel_loop3A_189 = tpu.vector_load %arg5[%parallel_loop3A_188] {strides = array<i32>} : memref<32768xf32, #tpu.memory_space<vmem>>, vector<16xf32>,
      %parallel_loop3A_190 = arith.maximumf %broadcast_in_dim3A_102, %parallel_loop3A_189 : vector<16xf32>
      %parallel_loop3A_191 = arith.constant 64 : i32
      %parallel_loop3A_192 = arith.addi %parallel_loop3A_170, %parallel_loop3A_191 : i32
      %parallel_loop3A_193 = arith.index_cast %parallel_loop3A_192 : i32 to index
      %parallel_loop3A_194 = tpu.vector_load %arg5[%parallel_loop3A_193] {strides = array<i32>} : memref<32768xf32, #tpu.memory_space<vmem>>, vector<16xf32>,
      %parallel_loop3A_195 = arith.maximumf %broadcast_in_dim3A_102, %parallel_loop3A_194 : vector<16xf32>
      %parallel_loop3A_196 = arith.constant 80 : i32
      %parallel_loop3A_197 = arith.addi %parallel_loop3A_170, %parallel_loop3A_196 : i32
      %parallel_loop3A_198 = arith.index_cast %parallel_loop3A_197 : i32 to index
      %parallel_loop3A_199 = tpu.vector_load %arg5[%parallel_loop3A_198] {strides = array<i32>} : memref<32768xf32, #tpu.memory_space<vmem>>, vector<16xf32>,
      %parallel_loop3A_200 = arith.maximumf %broadcast_in_dim3A_102, %parallel_loop3A_199 : vector<16xf32>
      %parallel_loop3A_201 = arith.constant 96 : i32
      %parallel_loop3A_202 = arith.addi %parallel_loop3A_170, %parallel_loop3A_201 : i32
      %parallel_loop3A_203 = arith.index_cast %parallel_loop3A_202 : i32 to index
      %parallel_loop3A_204 = tpu.vector_load %arg5[%parallel_loop3A_203] {strides = array<i32>} : memref<32768xf32, #tpu.memory_space<vmem>>, vector<16xf32>,
      %parallel_loop3A_205 = arith.maximumf %broadcast_in_dim3A_102, %parallel_loop3A_204 : vector<16xf32>
      %parallel_loop3A_206 = arith.constant 112 : i32
      %parallel_loop3A_207 = arith.addi %parallel_loop3A_170, %parallel_loop3A_206 : i32
      %parallel_loop3A_208 = arith.index_cast %parallel_loop3A_207 : i32 to index
      %parallel_loop3A_209 = tpu.vector_load %arg5[%parallel_loop3A_208] {strides = array<i32>} : memref<32768xf32, #tpu.memory_space<vmem>>, vector<16xf32>,
      %parallel_loop3A_210 = arith.maximumf %broadcast_in_dim3A_102, %parallel_loop3A_209 : vector<16xf32>
      %parallel_loop3A_211 = arith.constant 128 : i32
      %parallel_loop3A_212 = arith.addi %parallel_loop3A_170, %parallel_loop3A_211 : i32
      %parallel_loop3A_213 = arith.index_cast %parallel_loop3A_212 : i32 to index
      %parallel_loop3A_214 = tpu.vector_load %arg5[%parallel_loop3A_213] {strides = array<i32>} : memref<32768xf32, #tpu.memory_space<vmem>>, vector<16xf32>,
      %parallel_loop3A_215 = arith.maximumf %parallel_loop3A_175, %parallel_loop3A_214 : vector<16xf32>
      %parallel_loop3A_216 = arith.constant 144 : i32
      %parallel_loop3A_217 = arith.addi %parallel_loop3A_170, %parallel_loop3A_216 : i32
      %parallel_loop3A_218 = arith.index_cast %parallel_loop3A_217 : i32 to index
      %parallel_loop3A_219 = tpu.vector_load %arg5[%parallel_loop3A_218] {strides = array<i32>} : memref<32768xf32, #tpu.memory_space<vmem>>, vector<16xf32>,
      %parallel_loop3A_220 = arith.maximumf %parallel_loop3A_180, %parallel_loop3A_219 : vector<16xf32>
      %parallel_loop3A_221 = arith.constant 160 : i32
      %parallel_loop3A_222 = arith.addi %parallel_loop3A_170, %parallel_loop3A_221 : i32
      %parallel_loop3A_223 = arith.index_cast %parallel_loop3A_222 : i32 to index
      %parallel_loop3A_224 = tpu.vector_load %arg5[%parallel_loop3A_223] {strides = array<i32>} : memref<32768xf32, #tpu.memory_space<vmem>>, vector<16xf32>,
      %parallel_loop3A_225 = arith.maximumf %parallel_loop3A_185, %parallel_loop3A_224 : vector<16xf32>
      %parallel_loop3A_226 = arith.constant 176 : i32
      %parallel_loop3A_227 = arith.addi %parallel_loop3A_170, %parallel_loop3A_226 : i32
      %parallel_loop3A_228 = arith.index_cast %parallel_loop3A_227 : i32 to index
      %parallel_loop3A_229 = tpu.vector_load %arg5[%parallel_loop3A_228] {strides = array<i32>} : memref<32768xf32, #tpu.memory_space<vmem>>, vector<16xf32>,
      %parallel_loop3A_230 = arith.maximumf %parallel_loop3A_190, %parallel_loop3A_229 : vector<16xf32>
      %parallel_loop3A_231 = arith.constant 192 : i32
      %parallel_loop3A_232 = arith.addi %parallel_loop3A_170, %parallel_loop3A_231 : i32
      %parallel_loop3A_233 = arith.index_cast %parallel_loop3A_232 : i32 to index
      %parallel_loop3A_234 = tpu.vector_load %arg5[%parallel_loop3A_233] {strides = array<i32>} : memref<32768xf32, #tpu.memory_space<vmem>>, vector<16xf32>,
      %parallel_loop3A_235 = arith.maximumf %parallel_loop3A_195, %parallel_loop3A_234 : vector<16xf32>
      %parallel_loop3A_236 = arith.constant 208 : i32
      %parallel_loop3A_237 = arith.addi %parallel_loop3A_170, %parallel_loop3A_236 : i32
      %parallel_loop3A_238 = arith.index_cast %parallel_loop3A_237 : i32 to index
      %parallel_loop3A_239 = tpu.vector_load %arg5[%parallel_loop3A_238] {strides = array<i32>} : memref<32768xf32, #tpu.memory_space<vmem>>, vector<16xf32>,
      %parallel_loop3A_240 = arith.maximumf %parallel_loop3A_200, %parallel_loop3A_239 : vector<16xf32>
      %parallel_loop3A_241 = arith.constant 224 : i32
      %parallel_loop3A_242 = arith.addi %parallel_loop3A_170, %parallel_loop3A_241 : i32
      %parallel_loop3A_243 = arith.index_cast %parallel_loop3A_242 : i32 to index
      %parallel_loop3A_244 = tpu.vector_load %arg5[%parallel_loop3A_243] {strides = array<i32>} : memref<32768xf32, #tpu.memory_space<vmem>>, vector<16xf32>,
      %parallel_loop3A_245 = arith.maximumf %parallel_loop3A_205, %parallel_loop3A_244 : vector<16xf32>
      %parallel_loop3A_246 = arith.constant 240 : i32
      %parallel_loop3A_247 = arith.addi %parallel_loop3A_170, %parallel_loop3A_246 : i32
      %parallel_loop3A_248 = arith.index_cast %parallel_loop3A_247 : i32 to index
      %parallel_loop3A_249 = tpu.vector_load %arg5[%parallel_loop3A_248] {strides = array<i32>} : memref<32768xf32, #tpu.memory_space<vmem>>, vector<16xf32>,
      %parallel_loop3A_250 = arith.maximumf %parallel_loop3A_210, %parallel_loop3A_249 : vector<16xf32>
      %parallel_loop3A_251 = arith.constant 256 : i32
      %parallel_loop3A_252 = arith.addi %parallel_loop3A_170, %parallel_loop3A_251 : i32
      %parallel_loop3A_253 = arith.index_cast %parallel_loop3A_252 : i32 to index
      %parallel_loop3A_254 = tpu.vector_load %arg5[%parallel_loop3A_253] {strides = array<i32>} : memref<32768xf32, #tpu.memory_space<vmem>>, vector<16xf32>,
      %parallel_loop3A_255 = arith.maximumf %parallel_loop3A_215, %parallel_loop3A_254 : vector<16xf32>
      %parallel_loop3A_256 = arith.constant 272 : i32
      %parallel_loop3A_257 = arith.addi %parallel_loop3A_170, %parallel_loop3A_256 : i32
      %parallel_loop3A_258 = arith.index_cast %parallel_loop3A_257 : i32 to index
      %parallel_loop3A_259 = tpu.vector_load %arg5[%parallel_loop3A_258] {strides = array<i32>} : memref<32768xf32, #tpu.memory_space<vmem>>, vector<16xf32>,
      %parallel_loop3A_260 = arith.maximumf %parallel_loop3A_220, %parallel_loop3A_259 : vector<16xf32>
      %parallel_loop3A_261 = arith.constant 288 : i32
      %parallel_loop3A_262 = arith.addi %parallel_loop3A_170, %parallel_loop3A_261 : i32
      %parallel_loop3A_263 = arith.index_cast %parallel_loop3A_262 : i32 to index
      %parallel_loop3A_264 = tpu.vector_load %arg5[%parallel_loop3A_263] {strides = array<i32>} : memref<32768xf32, #tpu.memory_space<vmem>>, vector<16xf32>,
      %parallel_loop3A_265 = arith.maximumf %parallel_loop3A_225, %parallel_loop3A_264 : vector<16xf32>
      %parallel_loop3A_266 = arith.constant 304 : i32
      %parallel_loop3A_267 = arith.addi %parallel_loop3A_170, %parallel_loop3A_266 : i32
      %parallel_loop3A_268 = arith.index_cast %parallel_loop3A_267 : i32 to index
      %parallel_loop3A_269 = tpu.vector_load %arg5[%parallel_loop3A_268] {strides = array<i32>} : memref<32768xf32, #tpu.memory_space<vmem>>, vector<16xf32>,
      %parallel_loop3A_270 = arith.maximumf %parallel_loop3A_230, %parallel_loop3A_269 : vector<16xf32>
      %parallel_loop3A_271 = arith.constant 320 : i32
      %parallel_loop3A_272 = arith.addi %parallel_loop3A_170, %parallel_loop3A_271 : i32
      %parallel_loop3A_273 = arith.index_cast %parallel_loop3A_272 : i32 to index
      %parallel_loop3A_274 = tpu.vector_load %arg5[%parallel_loop3A_273] {strides = array<i32>} : memref<32768xf32, #tpu.memory_space<vmem>>, vector<16xf32>,
      %parallel_loop3A_275 = arith.maximumf %parallel_loop3A_235, %parallel_loop3A_274 : vector<16xf32>
      %parallel_loop3A_276 = arith.constant 336 : i32
      %parallel_loop3A_277 = arith.addi %parallel_loop3A_170, %parallel_loop3A_276 : i32
      %parallel_loop3A_278 = arith.index_cast %parallel_loop3A_277 : i32 to index
      %parallel_loop3A_279 = tpu.vector_load %arg5[%parallel_loop3A_278] {strides = array<i32>} : memref<32768xf32, #tpu.memory_space<vmem>>, vector<16xf32>,
      %parallel_loop3A_280 = arith.maximumf %parallel_loop3A_240, %parallel_loop3A_279 : vector<16xf32>
      %parallel_loop3A_281 = arith.constant 352 : i32
      %parallel_loop3A_282 = arith.addi %parallel_loop3A_170, %parallel_loop3A_281 : i32
      %parallel_loop3A_283 = arith.index_cast %parallel_loop3A_282 : i32 to index
      %parallel_loop3A_284 = tpu.vector_load %arg5[%parallel_loop3A_283] {strides = array<i32>} : memref<32768xf32, #tpu.memory_space<vmem>>, vector<16xf32>,
      %parallel_loop3A_285 = arith.maximumf %parallel_loop3A_245, %parallel_loop3A_284 : vector<16xf32>
      %parallel_loop3A_286 = arith.constant 368 : i32
      %parallel_loop3A_287 = arith.addi %parallel_loop3A_170, %parallel_loop3A_286 : i32
      %parallel_loop3A_288 = arith.index_cast %parallel_loop3A_287 : i32 to index
      %parallel_loop3A_289 = tpu.vector_load %arg5[%parallel_loop3A_288] {strides = array<i32>} : memref<32768xf32, #tpu.memory_space<vmem>>, vector<16xf32>,
      %parallel_loop3A_290 = arith.maximumf %parallel_loop3A_250, %parallel_loop3A_289 : vector<16xf32>
      %parallel_loop3A_291 = arith.constant 384 : i32
      %parallel_loop3A_292 = arith.addi %parallel_loop3A_170, %parallel_loop3A_291 : i32
      %parallel_loop3A_293 = arith.index_cast %parallel_loop3A_292 : i32 to index
      %parallel_loop3A_294 = tpu.vector_load %arg5[%parallel_loop3A_293] {strides = array<i32>} : memref<32768xf32, #tpu.memory_space<vmem>>, vector<16xf32>,
      %parallel_loop3A_295 = arith.maximumf %parallel_loop3A_255, %parallel_loop3A_294 : vector<16xf32>
      %parallel_loop3A_296 = arith.constant 400 : i32
      %parallel_loop3A_297 = arith.addi %parallel_loop3A_170, %parallel_loop3A_296 : i32
      %parallel_loop3A_298 = arith.index_cast %parallel_loop3A_297 : i32 to index
      %parallel_loop3A_299 = tpu.vector_load %arg5[%parallel_loop3A_298] {strides = array<i32>} : memref<32768xf32, #tpu.memory_space<vmem>>, vector<16xf32>,
      %parallel_loop3A_300 = arith.maximumf %parallel_loop3A_260, %parallel_loop3A_299 : vector<16xf32>
      %parallel_loop3A_301 = arith.constant 416 : i32
      %parallel_loop3A_302 = arith.addi %parallel_loop3A_170, %parallel_loop3A_301 : i32
      %parallel_loop3A_303 = arith.index_cast %parallel_loop3A_302 : i32 to index
      %parallel_loop3A_304 = tpu.vector_load %arg5[%parallel_loop3A_303] {strides = array<i32>} : memref<32768xf32, #tpu.memory_space<vmem>>, vector<16xf32>,
      %parallel_loop3A_305 = arith.maximumf %parallel_loop3A_265, %parallel_loop3A_304 : vector<16xf32>
      %parallel_loop3A_306 = arith.constant 432 : i32
      %parallel_loop3A_307 = arith.addi %parallel_loop3A_170, %parallel_loop3A_306 : i32
      %parallel_loop3A_308 = arith.index_cast %parallel_loop3A_307 : i32 to index
      %parallel_loop3A_309 = tpu.vector_load %arg5[%parallel_loop3A_308] {strides = array<i32>} : memref<32768xf32, #tpu.memory_space<vmem>>, vector<16xf32>,
      %parallel_loop3A_310 = arith.maximumf %parallel_loop3A_270, %parallel_loop3A_309 : vector<16xf32>
      %parallel_loop3A_311 = arith.constant 448 : i32
      %parallel_loop3A_312 = arith.addi %parallel_loop3A_170, %parallel_loop3A_311 : i32
      %parallel_loop3A_313 = arith.index_cast %parallel_loop3A_312 : i32 to index
      %parallel_loop3A_314 = tpu.vector_load %arg5[%parallel_loop3A_313] {strides = array<i32>} : memref<32768xf32, #tpu.memory_space<vmem>>, vector<16xf32>,
      %parallel_loop3A_315 = arith.maximumf %parallel_loop3A_275, %parallel_loop3A_314 : vector<16xf32>
      %parallel_loop3A_316 = arith.constant 464 : i32
      %parallel_loop3A_317 = arith.addi %parallel_loop3A_170, %parallel_loop3A_316 : i32
      %parallel_loop3A_318 = arith.index_cast %parallel_loop3A_317 : i32 to index
      %parallel_loop3A_319 = tpu.vector_load %arg5[%parallel_loop3A_318] {strides = array<i32>} : memref<32768xf32, #tpu.memory_space<vmem>>, vector<16xf32>,
      %parallel_loop3A_320 = arith.maximumf %parallel_loop3A_280, %parallel_loop3A_319 : vector<16xf32>
      %parallel_loop3A_321 = arith.constant 480 : i32
      %parallel_loop3A_322 = arith.addi %parallel_loop3A_170, %parallel_loop3A_321 : i32
      %parallel_loop3A_323 = arith.index_cast %parallel_loop3A_322 : i32 to index
      %parallel_loop3A_324 = tpu.vector_load %arg5[%parallel_loop3A_323] {strides = array<i32>} : memref<32768xf32, #tpu.memory_space<vmem>>, vector<16xf32>,
      %parallel_loop3A_325 = arith.maximumf %parallel_loop3A_285, %parallel_loop3A_324 : vector<16xf32>
      %parallel_loop3A_326 = arith.constant 496 : i32
      %parallel_loop3A_327 = arith.addi %parallel_loop3A_170, %parallel_loop3A_326 : i32
      %parallel_loop3A_328 = arith.index_cast %parallel_loop3A_327 : i32 to index
      %parallel_loop3A_329 = tpu.vector_load %arg5[%parallel_loop3A_328] {strides = array<i32>} : memref<32768xf32, #tpu.memory_space<vmem>>, vector<16xf32>,
      %parallel_loop3A_330 = arith.maximumf %parallel_loop3A_290, %parallel_loop3A_329 : vector<16xf32>
      %parallel_loop3A_331 = arith.constant 512 : i32
      %parallel_loop3A_332 = arith.addi %parallel_loop3A_170, %parallel_loop3A_331 : i32
      %parallel_loop3A_333 = arith.index_cast %parallel_loop3A_332 : i32 to index
      %parallel_loop3A_334 = tpu.vector_load %arg5[%parallel_loop3A_333] {strides = array<i32>} : memref<32768xf32, #tpu.memory_space<vmem>>, vector<16xf32>,
      %parallel_loop3A_335 = arith.maximumf %parallel_loop3A_295, %parallel_loop3A_334 : vector<16xf32>
      %parallel_loop3A_336 = arith.constant 528 : i32
      %parallel_loop3A_337 = arith.addi %parallel_loop3A_170, %parallel_loop3A_336 : i32
      %parallel_loop3A_338 = arith.index_cast %parallel_loop3A_337 : i32 to index
      %parallel_loop3A_339 = tpu.vector_load %arg5[%parallel_loop3A_338] {strides = array<i32>} : memref<32768xf32, #tpu.memory_space<vmem>>, vector<16xf32>,
      %parallel_loop3A_340 = arith.maximumf %parallel_loop3A_300, %parallel_loop3A_339 : vector<16xf32>
      %parallel_loop3A_341 = arith.constant 544 : i32
      %parallel_loop3A_342 = arith.addi %parallel_loop3A_170, %parallel_loop3A_341 : i32
      %parallel_loop3A_343 = arith.index_cast %parallel_loop3A_342 : i32 to index
      %parallel_loop3A_344 = tpu.vector_load %arg5[%parallel_loop3A_343] {strides = array<i32>} : memref<32768xf32, #tpu.memory_space<vmem>>, vector<16xf32>,
      %parallel_loop3A_345 = arith.maximumf %parallel_loop3A_305, %parallel_loop3A_344 : vector<16xf32>
      %parallel_loop3A_346 = arith.constant 560 : i32
      %parallel_loop3A_347 = arith.addi %parallel_loop3A_170, %parallel_loop3A_346 : i32
      %parallel_loop3A_348 = arith.index_cast %parallel_loop3A_347 : i32 to index
      %parallel_loop3A_349 = tpu.vector_load %arg5[%parallel_loop3A_348] {strides = array<i32>} : memref<32768xf32, #tpu.memory_space<vmem>>, vector<16xf32>,
      %parallel_loop3A_350 = arith.maximumf %parallel_loop3A_310, %parallel_loop3A_349 : vector<16xf32>
      %parallel_loop3A_351 = arith.constant 576 : i32
      %parallel_loop3A_352 = arith.addi %parallel_loop3A_170, %parallel_loop3A_351 : i32
      %parallel_loop3A_353 = arith.index_cast %parallel_loop3A_352 : i32 to index
      %parallel_loop3A_354 = tpu.vector_load %arg5[%parallel_loop3A_353] {strides = array<i32>} : memref<32768xf32, #tpu.memory_space<vmem>>, vector<16xf32>,
      %parallel_loop3A_355 = arith.maximumf %parallel_loop3A_315, %parallel_loop3A_354 : vector<16xf32>
      %parallel_loop3A_356 = arith.constant 592 : i32
      %parallel_loop3A_357 = arith.addi %parallel_loop3A_170, %parallel_loop3A_356 : i32
      %parallel_loop3A_358 = arith.index_cast %parallel_loop3A_357 : i32 to index
      %parallel_loop3A_359 = tpu.vector_load %arg5[%parallel_loop3A_358] {strides = array<i32>} : memref<32768xf32, #tpu.memory_space<vmem>>, vector<16xf32>,
      %parallel_loop3A_360 = arith.maximumf %parallel_loop3A_320, %parallel_loop3A_359 : vector<16xf32>
      %parallel_loop3A_361 = arith.constant 608 : i32
      %parallel_loop3A_362 = arith.addi %parallel_loop3A_170, %parallel_loop3A_361 : i32
      %parallel_loop3A_363 = arith.index_cast %parallel_loop3A_362 : i32 to index
      %parallel_loop3A_364 = tpu.vector_load %arg5[%parallel_loop3A_363] {strides = array<i32>} : memref<32768xf32, #tpu.memory_space<vmem>>, vector<16xf32>,
      %parallel_loop3A_365 = arith.maximumf %parallel_loop3A_325, %parallel_loop3A_364 : vector<16xf32>
      %parallel_loop3A_366 = arith.constant 624 : i32
      %parallel_loop3A_367 = arith.addi %parallel_loop3A_170, %parallel_loop3A_366 : i32
      %parallel_loop3A_368 = arith.index_cast %parallel_loop3A_367 : i32 to index
      %parallel_loop3A_369 = tpu.vector_load %arg5[%parallel_loop3A_368] {strides = array<i32>} : memref<32768xf32, #tpu.memory_space<vmem>>, vector<16xf32>,
      %parallel_loop3A_370 = arith.maximumf %parallel_loop3A_330, %parallel_loop3A_369 : vector<16xf32>
      %parallel_loop3A_371 = arith.constant 640 : i32
      %parallel_loop3A_372 = arith.addi %parallel_loop3A_170, %parallel_loop3A_371 : i32
      %parallel_loop3A_373 = arith.index_cast %parallel_loop3A_372 : i32 to index
      %parallel_loop3A_374 = tpu.vector_load %arg5[%parallel_loop3A_373] {strides = array<i32>} : memref<32768xf32, #tpu.memory_space<vmem>>, vector<16xf32>,
      %parallel_loop3A_375 = arith.maximumf %parallel_loop3A_335, %parallel_loop3A_374 : vector<16xf32>
      %parallel_loop3A_376 = arith.constant 656 : i32
      %parallel_loop3A_377 = arith.addi %parallel_loop3A_170, %parallel_loop3A_376 : i32
      %parallel_loop3A_378 = arith.index_cast %parallel_loop3A_377 : i32 to index
      %parallel_loop3A_379 = tpu.vector_load %arg5[%parallel_loop3A_378] {strides = array<i32>} : memref<32768xf32, #tpu.memory_space<vmem>>, vector<16xf32>,
      %parallel_loop3A_380 = arith.maximumf %parallel_loop3A_340, %parallel_loop3A_379 : vector<16xf32>
      %parallel_loop3A_381 = arith.constant 672 : i32
      %parallel_loop3A_382 = arith.addi %parallel_loop3A_170, %parallel_loop3A_381 : i32
      %parallel_loop3A_383 = arith.index_cast %parallel_loop3A_382 : i32 to index
      %parallel_loop3A_384 = tpu.vector_load %arg5[%parallel_loop3A_383] {strides = array<i32>} : memref<32768xf32, #tpu.memory_space<vmem>>, vector<16xf32>,
      %parallel_loop3A_385 = arith.maximumf %parallel_loop3A_345, %parallel_loop3A_384 : vector<16xf32>
      %parallel_loop3A_386 = arith.constant 688 : i32
      %parallel_loop3A_387 = arith.addi %parallel_loop3A_170, %parallel_loop3A_386 : i32
      %parallel_loop3A_388 = arith.index_cast %parallel_loop3A_387 : i32 to index
      %parallel_loop3A_389 = tpu.vector_load %arg5[%parallel_loop3A_388] {strides = array<i32>} : memref<32768xf32, #tpu.memory_space<vmem>>, vector<16xf32>,
      %parallel_loop3A_390 = arith.maximumf %parallel_loop3A_350, %parallel_loop3A_389 : vector<16xf32>
      %parallel_loop3A_391 = arith.constant 704 : i32
      %parallel_loop3A_392 = arith.addi %parallel_loop3A_170, %parallel_loop3A_391 : i32
      %parallel_loop3A_393 = arith.index_cast %parallel_loop3A_392 : i32 to index
      %parallel_loop3A_394 = tpu.vector_load %arg5[%parallel_loop3A_393] {strides = array<i32>} : memref<32768xf32, #tpu.memory_space<vmem>>, vector<16xf32>,
      %parallel_loop3A_395 = arith.maximumf %parallel_loop3A_355, %parallel_loop3A_394 : vector<16xf32>
      %parallel_loop3A_396 = arith.constant 720 : i32
      %parallel_loop3A_397 = arith.addi %parallel_loop3A_170, %parallel_loop3A_396 : i32
      %parallel_loop3A_398 = arith.index_cast %parallel_loop3A_397 : i32 to index
      %parallel_loop3A_399 = tpu.vector_load %arg5[%parallel_loop3A_398] {strides = array<i32>} : memref<32768xf32, #tpu.memory_space<vmem>>, vector<16xf32>,
      %parallel_loop3A_400 = arith.maximumf %parallel_loop3A_360, %parallel_loop3A_399 : vector<16xf32>
      %parallel_loop3A_401 = arith.constant 736 : i32
      %parallel_loop3A_402 = arith.addi %parallel_loop3A_170, %parallel_loop3A_401 : i32
      %parallel_loop3A_403 = arith.index_cast %parallel_loop3A_402 : i32 to index
      %parallel_loop3A_404 = tpu.vector_load %arg5[%parallel_loop3A_403] {strides = array<i32>} : memref<32768xf32, #tpu.memory_space<vmem>>, vector<16xf32>,
      %parallel_loop3A_405 = arith.maximumf %parallel_loop3A_365, %parallel_loop3A_404 : vector<16xf32>
      %parallel_loop3A_406 = arith.constant 752 : i32
      %parallel_loop3A_407 = arith.addi %parallel_loop3A_170, %parallel_loop3A_406 : i32
      %parallel_loop3A_408 = arith.index_cast %parallel_loop3A_407 : i32 to index
      %parallel_loop3A_409 = tpu.vector_load %arg5[%parallel_loop3A_408] {strides = array<i32>} : memref<32768xf32, #tpu.memory_space<vmem>>, vector<16xf32>,
      %parallel_loop3A_410 = arith.maximumf %parallel_loop3A_370, %parallel_loop3A_409 : vector<16xf32>
      %parallel_loop3A_411 = arith.constant 768 : i32
      %parallel_loop3A_412 = arith.addi %parallel_loop3A_170, %parallel_loop3A_411 : i32
      %parallel_loop3A_413 = arith.index_cast %parallel_loop3A_412 : i32 to index
      %parallel_loop3A_414 = tpu.vector_load %arg5[%parallel_loop3A_413] {strides = array<i32>} : memref<32768xf32, #tpu.memory_space<vmem>>, vector<16xf32>,
      %parallel_loop3A_415 = arith.maximumf %parallel_loop3A_375, %parallel_loop3A_414 : vector<16xf32>
      %parallel_loop3A_416 = arith.constant 784 : i32
      %parallel_loop3A_417 = arith.addi %parallel_loop3A_170, %parallel_loop3A_416 : i32
      %parallel_loop3A_418 = arith.index_cast %parallel_loop3A_417 : i32 to index
      %parallel_loop3A_419 = tpu.vector_load %arg5[%parallel_loop3A_418] {strides = array<i32>} : memref<32768xf32, #tpu.memory_space<vmem>>, vector<16xf32>,
      %parallel_loop3A_420 = arith.maximumf %parallel_loop3A_380, %parallel_loop3A_419 : vector<16xf32>
      %parallel_loop3A_421 = arith.constant 800 : i32
      %parallel_loop3A_422 = arith.addi %parallel_loop3A_170, %parallel_loop3A_421 : i32
      %parallel_loop3A_423 = arith.index_cast %parallel_loop3A_422 : i32 to index
      %parallel_loop3A_424 = tpu.vector_load %arg5[%parallel_loop3A_423] {strides = array<i32>} : memref<32768xf32, #tpu.memory_space<vmem>>, vector<16xf32>,
      %parallel_loop3A_425 = arith.maximumf %parallel_loop3A_385, %parallel_loop3A_424 : vector<16xf32>
      %parallel_loop3A_426 = arith.constant 816 : i32
      %parallel_loop3A_427 = arith.addi %parallel_loop3A_170, %parallel_loop3A_426 : i32
      %parallel_loop3A_428 = arith.index_cast %parallel_loop3A_427 : i32 to index
      %parallel_loop3A_429 = tpu.vector_load %arg5[%parallel_loop3A_428] {strides = array<i32>} : memref<32768xf32, #tpu.memory_space<vmem>>, vector<16xf32>,
      %parallel_loop3A_430 = arith.maximumf %parallel_loop3A_390, %parallel_loop3A_429 : vector<16xf32>
      %parallel_loop3A_431 = arith.constant 832 : i32
      %parallel_loop3A_432 = arith.addi %parallel_loop3A_170, %parallel_loop3A_431 : i32
      %parallel_loop3A_433 = arith.index_cast %parallel_loop3A_432 : i32 to index
      %parallel_loop3A_434 = tpu.vector_load %arg5[%parallel_loop3A_433] {strides = array<i32>} : memref<32768xf32, #tpu.memory_space<vmem>>, vector<16xf32>,
      %parallel_loop3A_435 = arith.maximumf %parallel_loop3A_395, %parallel_loop3A_434 : vector<16xf32>
      %parallel_loop3A_436 = arith.constant 848 : i32
      %parallel_loop3A_437 = arith.addi %parallel_loop3A_170, %parallel_loop3A_436 : i32
      %parallel_loop3A_438 = arith.index_cast %parallel_loop3A_437 : i32 to index
      %parallel_loop3A_439 = tpu.vector_load %arg5[%parallel_loop3A_438] {strides = array<i32>} : memref<32768xf32, #tpu.memory_space<vmem>>, vector<16xf32>,
      %parallel_loop3A_440 = arith.maximumf %parallel_loop3A_400, %parallel_loop3A_439 : vector<16xf32>
      %parallel_loop3A_441 = arith.constant 864 : i32
      %parallel_loop3A_442 = arith.addi %parallel_loop3A_170, %parallel_loop3A_441 : i32
      %parallel_loop3A_443 = arith.index_cast %parallel_loop3A_442 : i32 to index
      %parallel_loop3A_444 = tpu.vector_load %arg5[%parallel_loop3A_443] {strides = array<i32>} : memref<32768xf32, #tpu.memory_space<vmem>>, vector<16xf32>,
      %parallel_loop3A_445 = arith.maximumf %parallel_loop3A_405, %parallel_loop3A_444 : vector<16xf32>
      %parallel_loop3A_446 = arith.constant 880 : i32
      %parallel_loop3A_447 = arith.addi %parallel_loop3A_170, %parallel_loop3A_446 : i32
      %parallel_loop3A_448 = arith.index_cast %parallel_loop3A_447 : i32 to index
      %parallel_loop3A_449 = tpu.vector_load %arg5[%parallel_loop3A_448] {strides = array<i32>} : memref<32768xf32, #tpu.memory_space<vmem>>, vector<16xf32>,
      %parallel_loop3A_450 = arith.maximumf %parallel_loop3A_410, %parallel_loop3A_449 : vector<16xf32>
      %parallel_loop3A_451 = arith.constant 896 : i32
      %parallel_loop3A_452 = arith.addi %parallel_loop3A_170, %parallel_loop3A_451 : i32
      %parallel_loop3A_453 = arith.index_cast %parallel_loop3A_452 : i32 to index
      %parallel_loop3A_454 = tpu.vector_load %arg5[%parallel_loop3A_453] {strides = array<i32>} : memref<32768xf32, #tpu.memory_space<vmem>>, vector<16xf32>,
      %parallel_loop3A_455 = arith.maximumf %parallel_loop3A_415, %parallel_loop3A_454 : vector<16xf32>
      %parallel_loop3A_456 = arith.constant 912 : i32
      %parallel_loop3A_457 = arith.addi %parallel_loop3A_170, %parallel_loop3A_456 : i32
      %parallel_loop3A_458 = arith.index_cast %parallel_loop3A_457 : i32 to index
      %parallel_loop3A_459 = tpu.vector_load %arg5[%parallel_loop3A_458] {strides = array<i32>} : memref<32768xf32, #tpu.memory_space<vmem>>, vector<16xf32>,
      %parallel_loop3A_460 = arith.maximumf %parallel_loop3A_420, %parallel_loop3A_459 : vector<16xf32>
      %parallel_loop3A_461 = arith.constant 928 : i32
      %parallel_loop3A_462 = arith.addi %parallel_loop3A_170, %parallel_loop3A_461 : i32
      %parallel_loop3A_463 = arith.index_cast %parallel_loop3A_462 : i32 to index
      %parallel_loop3A_464 = tpu.vector_load %arg5[%parallel_loop3A_463] {strides = array<i32>} : memref<32768xf32, #tpu.memory_space<vmem>>, vector<16xf32>,
      %parallel_loop3A_465 = arith.maximumf %parallel_loop3A_425, %parallel_loop3A_464 : vector<16xf32>
      %parallel_loop3A_466 = arith.constant 944 : i32
      %parallel_loop3A_467 = arith.addi %parallel_loop3A_170, %parallel_loop3A_466 : i32
      %parallel_loop3A_468 = arith.index_cast %parallel_loop3A_467 : i32 to index
      %parallel_loop3A_469 = tpu.vector_load %arg5[%parallel_loop3A_468] {strides = array<i32>} : memref<32768xf32, #tpu.memory_space<vmem>>, vector<16xf32>,
      %parallel_loop3A_470 = arith.maximumf %parallel_loop3A_430, %parallel_loop3A_469 : vector<16xf32>
      %parallel_loop3A_471 = arith.constant 960 : i32
      %parallel_loop3A_472 = arith.addi %parallel_loop3A_170, %parallel_loop3A_471 : i32
      %parallel_loop3A_473 = arith.index_cast %parallel_loop3A_472 : i32 to index
      %parallel_loop3A_474 = tpu.vector_load %arg5[%parallel_loop3A_473] {strides = array<i32>} : memref<32768xf32, #tpu.memory_space<vmem>>, vector<16xf32>,
      %parallel_loop3A_475 = arith.maximumf %parallel_loop3A_435, %parallel_loop3A_474 : vector<16xf32>
      %parallel_loop3A_476 = arith.constant 976 : i32
      %parallel_loop3A_477 = arith.addi %parallel_loop3A_170, %parallel_loop3A_476 : i32
      %parallel_loop3A_478 = arith.index_cast %parallel_loop3A_477 : i32 to index
      %parallel_loop3A_479 = tpu.vector_load %arg5[%parallel_loop3A_478] {strides = array<i32>} : memref<32768xf32, #tpu.memory_space<vmem>>, vector<16xf32>,
      %parallel_loop3A_480 = arith.maximumf %parallel_loop3A_440, %parallel_loop3A_479 : vector<16xf32>
      %parallel_loop3A_481 = arith.constant 992 : i32
      %parallel_loop3A_482 = arith.addi %parallel_loop3A_170, %parallel_loop3A_481 : i32
      %parallel_loop3A_483 = arith.index_cast %parallel_loop3A_482 : i32 to index
      %parallel_loop3A_484 = tpu.vector_load %arg5[%parallel_loop3A_483] {strides = array<i32>} : memref<32768xf32, #tpu.memory_space<vmem>>, vector<16xf32>,
      %parallel_loop3A_485 = arith.maximumf %parallel_loop3A_445, %parallel_loop3A_484 : vector<16xf32>
      %parallel_loop3A_486 = arith.constant 1008 : i32
      %parallel_loop3A_487 = arith.addi %parallel_loop3A_170, %parallel_loop3A_486 : i32
      %parallel_loop3A_488 = arith.index_cast %parallel_loop3A_487 : i32 to index
      %parallel_loop3A_489 = tpu.vector_load %arg5[%parallel_loop3A_488] {strides = array<i32>} : memref<32768xf32, #tpu.memory_space<vmem>>, vector<16xf32>,
      %parallel_loop3A_490 = arith.maximumf %parallel_loop3A_450, %parallel_loop3A_489 : vector<16xf32>
      %parallel_loop3A_491 = arith.maximumf %parallel_loop3A_455, %parallel_loop3A_460 : vector<16xf32>
      %parallel_loop3A_492 = arith.maximumf %parallel_loop3A_465, %parallel_loop3A_470 : vector<16xf32>
      %parallel_loop3A_493 = arith.maximumf %parallel_loop3A_475, %parallel_loop3A_480 : vector<16xf32>
      %parallel_loop3A_494 = arith.maximumf %parallel_loop3A_485, %parallel_loop3A_490 : vector<16xf32>
      %parallel_loop3A_495 = arith.maximumf %parallel_loop3A_491, %parallel_loop3A_492 : vector<16xf32>
      %parallel_loop3A_496 = arith.maximumf %parallel_loop3A_493, %parallel_loop3A_494 : vector<16xf32>
      %parallel_loop3A_497 = arith.maximumf %parallel_loop3A_495, %parallel_loop3A_496 : vector<16xf32>
      %parallel_loop3A_498 = arith.constant 16 : i32
      %parallel_loop3A_499 = arith.muli %parallel_loop3A_168, %parallel_loop3A_498 : i32
      %parallel_loop3A_500 = arith.index_cast %parallel_loop3A_499 : i32 to index
      %parallel_loop3A_501 = tpu.vector_load %arg7[%parallel_loop3A_500] {strides = array<i32>} : memref<512xf32, #tpu.memory_space<vmem>>, vector<16xf32>,
      tpu.vector_store %arg7[%parallel_loop3A_500], %parallel_loop3A_497 {strides = array<i32>} : memref<512xf32, #tpu.memory_space<vmem>>, vector<16xf32>,
    } {sc.loop_unroll_factor = 1 : i64, sc.parallel_access}
    %parallel_loop3A_106 = arith.constant 0 : i32
    %parallel_loop3A_107 = arith.constant 32 : i32
    %parallel_loop3A_108 = arith.constant 1 : i32
    %parallel_loop3A_109 = scf.for %parallel_loop3A_168 = %parallel_loop3A_106 to %parallel_loop3A_107 step %parallel_loop3A_108 iter_args(%parallel_loop3A_169 = %broadcast_in_dim3A_102) -> (vector<16xf32>)  : i32 {
      %parallel_loop3A_170 = arith.constant 16 : i32
      %parallel_loop3A_171 = arith.muli %parallel_loop3A_168, %parallel_loop3A_170 : i32
      %parallel_loop3A_172 = arith.index_cast %parallel_loop3A_171 : i32 to index
      %parallel_loop3A_173 = tpu.vector_load %arg7[%parallel_loop3A_172] {strides = array<i32>} : memref<512xf32, #tpu.memory_space<vmem>>, vector<16xf32>,
      %parallel_loop3A_174 = arith.maximumf %parallel_loop3A_169, %parallel_loop3A_173 : vector<16xf32>
      scf.yield %parallel_loop3A_174 : vector<16xf32>
    } {sc.loop_unroll_factor = 1 : i64, sc.parallel_access}
    %reduce_max3A_110 = arith.constant true
    %reduce_max3A_111 = vector.broadcast %reduce_max3A_110 : i1 to vector<16xi1>
    %reduce_max3A_112 = tpu.scan <max>, %parallel_loop3A_109 masked %reduce_max3A_111 : vector<16xf32>, vector<16xi1> -> vector<16xf32>
    %reduce_max3A_113 = vector.extract %reduce_max3A_112[15] : f32 from vector<16xf32>
    %broadcast_in_dim3A_114 = vector.broadcast %reduce_max3A_113 : f32 to vector<16xf32>
    %broadcast_in_dim3A_115 = arith.constant 1073741824 : i32
    %broadcast_in_dim3A_116 = vector.broadcast %broadcast_in_dim3A_115 : i32 to vector<16xi32>
    %parallel_loop3A_117 = arith.constant 0 : i32
    %parallel_loop3A_118 = arith.constant 32 : i32
    %parallel_loop3A_119 = arith.constant 1 : i32
    %parallel_loop3A_120 = scf.for %parallel_loop3A_168 = %parallel_loop3A_117 to %parallel_loop3A_118 step %parallel_loop3A_119 iter_args(%parallel_loop3A_169 = %broadcast_in_dim3A_116) -> (vector<16xi32>)  : i32 {
      %parallel_loop3A_170 = arith.constant 16 : i32
      %parallel_loop3A_171 = arith.muli %parallel_loop3A_168, %parallel_loop3A_170 : i32
      %parallel_loop3A_172 = arith.index_cast %parallel_loop3A_171 : i32 to index
      %parallel_loop3A_173 = tpu.vector_load %arg7[%parallel_loop3A_172] {strides = array<i32>} : memref<512xf32, #tpu.memory_space<vmem>>, vector<16xf32>,
      %parallel_loop3A_174 = vector.broadcast %parallel_loop3A_168 : i32 to vector<16xi32>
      %parallel_loop3A_175 = arith.cmpf oeq, %parallel_loop3A_173, %broadcast_in_dim3A_114 : vector<16xf32>
      %parallel_loop3A_176 = arith.constant 1073741824 : i32
      %parallel_loop3A_177 = vector.broadcast %parallel_loop3A_176 : i32 to vector<16xi32>
      %parallel_loop3A_178 = arith.select %parallel_loop3A_175, %parallel_loop3A_174, %parallel_loop3A_177 : vector<16xi1>, vector<16xi32>
      %parallel_loop3A_179 = arith.minsi %parallel_loop3A_169, %parallel_loop3A_178 : vector<16xi32>
      scf.yield %parallel_loop3A_179 : vector<16xi32>
    } {sc.loop_unroll_factor = 1 : i64, sc.parallel_access}
    %reduce_min3A_121 = arith.constant true
    %reduce_min3A_122 = vector.broadcast %reduce_min3A_121 : i1 to vector<16xi1>
    %reduce_min3A_123 = arith.constant -2147483648 : i32
    %reduce_min3A_124 = vector.broadcast %reduce_min3A_123 : i32 to vector<16xi32>
    %reduce_min3A_125 = arith.xori %parallel_loop3A_120, %reduce_min3A_124 : vector<16xi32>
    %reduce_min3A_126 = tpu.scan <min>, %reduce_min3A_125 masked %reduce_min3A_122 : vector<16xi32>, vector<16xi1> -> vector<16xi32>
    %reduce_min3A_127 = arith.xori %reduce_min3A_126, %reduce_min3A_124 : vector<16xi32>
    %reduce_min3A_128 = vector.extract %reduce_min3A_127[15] : i32 from vector<16xi32>
    %mul3A_129 = arith.constant 1024 : i32
    %mul3A_130 = arith.muli %reduce_min3A_128, %mul3A_129 : i32
    %broadcast_in_dim3A_131 = arith.constant 1073741824 : i32
    %broadcast_in_dim3A_132 = vector.broadcast %broadcast_in_dim3A_131 : i32 to vector<16xi32>
    %parallel_loop3A_133 = arith.constant 0 : i32
    %parallel_loop3A_134 = arith.constant 64 : i32
    %parallel_loop3A_135 = arith.constant 2 : i32
    %parallel_loop3A_136:2 = scf.for %parallel_loop3A_168 = %parallel_loop3A_133 to %parallel_loop3A_134 step %parallel_loop3A_135 iter_args(%parallel_loop3A_169 = %broadcast_in_dim3A_132, %parallel_loop3A_170 = %broadcast_in_dim3A_132) -> (vector<16xi32>, vector<16xi32>)  : i32 {
      %parallel_loop3A_171 = arith.constant 16 : i32
      %parallel_loop3A_172 = arith.muli %parallel_loop3A_168, %parallel_loop3A_171 : i32
      %parallel_loop3A_173 = arith.addi %mul3A_130, %parallel_loop3A_172 : i32
      %parallel_loop3A_174 = arith.index_cast %parallel_loop3A_173 : i32 to index
      %parallel_loop3A_175 = tpu.vector_load %arg5[%parallel_loop3A_174] {strides = array<i32>} : memref<32768xf32, #tpu.memory_space<vmem>>, vector<16xf32>,
      %parallel_loop3A_176 = arith.constant 1 : i32
      %parallel_loop3A_177 = arith.addi %parallel_loop3A_168, %parallel_loop3A_176 : i32
      %parallel_loop3A_178 = arith.constant 16 : i32
      %parallel_loop3A_179 = arith.muli %parallel_loop3A_177, %parallel_loop3A_178 : i32
      %parallel_loop3A_180 = arith.addi %mul3A_130, %parallel_loop3A_179 : i32
      %parallel_loop3A_181 = arith.index_cast %parallel_loop3A_180 : i32 to index
      %parallel_loop3A_182 = tpu.vector_load %arg5[%parallel_loop3A_181] {strides = array<i32>} : memref<32768xf32, #tpu.memory_space<vmem>>, vector<16xf32>,
      %parallel_loop3A_183 = vector.broadcast %parallel_loop3A_168 : i32 to vector<16xi32>
      %parallel_loop3A_184 = arith.cmpf oeq, %parallel_loop3A_175, %broadcast_in_dim3A_114 : vector<16xf32>
      %parallel_loop3A_185 = arith.constant 1073741824 : i32
      %parallel_loop3A_186 = vector.broadcast %parallel_loop3A_185 : i32 to vector<16xi32>
      %parallel_loop3A_187 = arith.select %parallel_loop3A_184, %parallel_loop3A_183, %parallel_loop3A_186 : vector<16xi1>, vector<16xi32>
      %parallel_loop3A_188 = arith.minsi %parallel_loop3A_169, %parallel_loop3A_187 : vector<16xi32>
      %parallel_loop3A_189 = arith.cmpf oeq, %parallel_loop3A_182, %broadcast_in_dim3A_114 : vector<16xf32>
      %parallel_loop3A_190 = arith.constant 1 : i32
      %parallel_loop3A_191 = vector.broadcast %parallel_loop3A_190 : i32 to vector<16xi32>
      %parallel_loop3A_192 = arith.addi %parallel_loop3A_183, %parallel_loop3A_191 : vector<16xi32>
      %parallel_loop3A_193 = arith.constant 1073741824 : i32
      %parallel_loop3A_194 = vector.broadcast %parallel_loop3A_193 : i32 to vector<16xi32>
      %parallel_loop3A_195 = arith.select %parallel_loop3A_189, %parallel_loop3A_192, %parallel_loop3A_194 : vector<16xi1>, vector<16xi32>
      %parallel_loop3A_196 = arith.minsi %parallel_loop3A_170, %parallel_loop3A_195 : vector<16xi32>
      scf.yield %parallel_loop3A_188, %parallel_loop3A_196 : vector<16xi32>, vector<16xi32>
    } {sc.loop_unroll_factor = 1 : i64, sc.parallel_access}
    %min3A_137 = arith.minsi %parallel_loop3A_136#0, %parallel_loop3A_136#1 : vector<16xi32>
    %eq3A_138 = arith.constant 1073741824 : i32
    %eq3A_139 = vector.broadcast %eq3A_138 : i32 to vector<16xi32>
    %eq3A_140 = arith.cmpi eq, %min3A_137, %eq3A_139 : vector<16xi32>
    %mul3A_141 = arith.constant 16 : i32
    %mul3A_142 = vector.broadcast %mul3A_141 : i32 to vector<16xi32>
    %mul3A_143 = arith.muli %min3A_137, %mul3A_142 : vector<16xi32>
    %add3A_144 = arith.addi %mul3A_143, %iota3A : vector<16xi32>
    %jit3A_145 = arith.constant 1073741824 : i32
    %broadcast_in_dim3A_146 = vector.broadcast %jit3A_145 : i32 to vector<16xi32>
    %select_n3A_147 = arith.select %eq3A_140, %broadcast_in_dim3A_146, %add3A_144 : vector<16xi1>, vector<16xi32>
    %reduce_min3A_148 = arith.constant true
    %reduce_min3A_149 = vector.broadcast %reduce_min3A_148 : i1 to vector<16xi1>
    %reduce_min3A_150 = arith.constant -2147483648 : i32
    %reduce_min3A_151 = vector.broadcast %reduce_min3A_150 : i32 to vector<16xi32>
    %reduce_min3A_152 = arith.xori %select_n3A_147, %reduce_min3A_151 : vector<16xi32>
    %reduce_min3A_153 = tpu.scan <min>, %reduce_min3A_152 masked %reduce_min3A_149 : vector<16xi32>, vector<16xi1> -> vector<16xi32>
    %reduce_min3A_154 = arith.xori %reduce_min3A_153, %reduce_min3A_151 : vector<16xi32>
    %reduce_min3A_155 = vector.extract %reduce_min3A_154[15] : i32 from vector<16xi32>
    %add3A_156 = arith.addi %mul3A_130, %reduce_min3A_155 : i32
    %convert_element_type3A_157 = arith.sitofp %add3A_156 : i32 to f32
    %eq3A_158 = arith.constant 15 : i32
    %eq3A_159 = vector.broadcast %eq3A_158 : i32 to vector<16xi32>
    %eq3A_160 = arith.cmpi eq, %iota3A, %eq3A_159 : vector<16xi32>
    %broadcast_in_dim3A_161 = vector.broadcast %convert_element_type3A_157 : f32 to vector<16xf32>
    %select_n3A_162 = arith.select %eq3A_160, %broadcast_in_dim3A_161, %select_n3A_94 : vector<16xi1>, vector<16xf32>
    %swap3A = arith.constant 16 : index
    %swap3A_163 = tpu.vector_load %arg8[%swap3A] {strides = array<i32>} : memref<32xf32, #tpu.memory_space<vmem>>, vector<16xf32>,
    tpu.vector_store %arg8[%swap3A], %select_n3A_162 {strides = array<i32>} : memref<32xf32, #tpu.memory_space<vmem>>, vector<16xf32>,
    %broadcast_in_dim3A_164 = arith.constant 0.000000e+00 : f32
    %broadcast_in_dim3A_165 = vector.broadcast %broadcast_in_dim3A_164 : f32 to vector<16xf32>
    %jit3A_166 = arith.constant true
    %select_n3A_167 = arith.select %jit3A_166, %broadcast_in_dim3A_165, %select_n3A_162 : vector<16xf32>
    "tpu.region"() ({
      %run_scoped3A = tpu.sem_alloc : memref<!tpu.dma_semaphore, #tpu.memory_space<semaphore_mem>>
      %dma_start3A_168 = tpu.memref_slice %arg3[%mul3A_2] : memref<1024xf32, #tpu.memory_space<hbm>> -> memref<32xf32, #tpu.memory_space<hbm>>
      %dma_start3A_169 = tpu.memref_slice %arg3[%mul3A_2] : memref<1024xf32, #tpu.memory_space<hbm>> -> memref<32xf32, #tpu.memory_space<hbm>>
      tpu.enqueue_dma source(%arg8 : memref<32xf32, #tpu.memory_space<vmem>>) target(%dma_start3A_169 : memref<32xf32, #tpu.memory_space<hbm>>) target_semaphore(%run_scoped3A : memref<!tpu.dma_semaphore, #tpu.memory_space<semaphore_mem>>)
      %dma_wait3A_170 = tpu.memref_slice %arg3[%mul3A_2] : memref<1024xf32, #tpu.memory_space<hbm>> -> memref<32xf32, #tpu.memory_space<hbm>>
      %dma_wait3A_171 = tpu.memref_slice %arg3[%mul3A_2] : memref<1024xf32, #tpu.memory_space<hbm>> -> memref<32xf32, #tpu.memory_space<hbm>>
      tpu.wait_dma2 semaphore(%run_scoped3A : memref<!tpu.dma_semaphore, #tpu.memory_space<semaphore_mem>>) src(%arg8 : memref<32xf32, #tpu.memory_space<vmem>>) dst(%dma_wait3A_171 : memref<32xf32, #tpu.memory_space<hbm>>)
      tpu.yield
    }) : () -> ()
    return
  }
}

</mosaic_0001>

<sc_bundles>
// kernel: kernel.3.cloned.1.call-start
scs
__scs_entry_jumppad:
0x0: {  	(pc) =	sbr.rel $0x88, $3  }
0x1: {  	(tag) =	ssettag $0x0;
	lr =	simm.s32 $0x1  }
0x2: {  	[smem:$0x3FA0] =	sst lr;
	_ =	strace $0xD0000000  }
0x3: {  	_ = 	snop  }
0x4: {  	_ = 	snop  }
0x5: {  	_ = 	snop  }
0x6: {  	_ = 	snop  }
0x7: {  	_ = 	snop  }
__scs_overlays_trampoline_lowered:
0x8: {  	[smem:$0x3FAF] =	sst s0  }
0x9: {  	[smem:$0x3FB0] =	sst s1  }
0xa: {  	[smem:$0x3FB1] =	sst s2  }
0xb: {  	[smem:$0x3FB2] =	sst s3  }
0xc: {  	[smem:$0x3FB3] =	sst s4  }
0xd: {  	[smem:$0x3FB4] =	sst s5  }
0xe: {  	[smem:$0x3FB5] =	sst s6  }
0xf: {  	[smem:$0x3FB6] =	sst s7  }
0x10: {  	[smem:$0x3FB7] =	sst s8  }
0x11: {  	[smem:$0x3FB8] =	sst s9;
	s0 =	simm.s32 @!p0 $0x0  }
0x12: {  	s1 =	sld [smem:$0x3F9E];
	s0 =	simm.s32 @p0 $0x1  }
0x13: {  	[smem:$0x3FB9] =	sst s0;
	s0 =	simm.s32 @!p1 $0x0  }
0x14: {  	s2 =	sld [smem:$0x3F9D];
	s0 =	simm.s32 @p1 $0x1  }
0x15: {  	[smem:$0x3FBA] =	sst s0;
	s0 =	simm.s32 @!p2 $0x0  }
0x16: {  	s3 =	sld [smem:$0x3FDB];
	s0 =	simm.s32 @p2 $0x1  }
0x17: {  	s4 =	simm.s32 $0x1BF5;
	[smem:$0x3FBC] =	sst s0  }
0x18: {  	s0 =	sld [smem:$0x3F9F];
	_ =	swait.ge [sflag:s4], $0x0  }
0x19: {  	s7 =	sld [smem:$0x3FA0]  }
0x1a: {  	s8 =	sadd.s32 $0xFFFFE003, lr  }
0x1b: {  	s9 =	sadd.s32 $0xFFFFFEF7, lr;
	s5 =	simm.s32 $0xFFFFFFFF;
	p2 =	slt.u32 s8, $0xFFFFF086  }
0x1c: {  	p1 =	slt.u32 s9, $0xF7A;
	s5 =	simm.s32 @!p2 $0x0  }
0x1d: {  	s5 =	simm.s32 @p1 $0x1;
	p0 =	seq.s32 s7, s2  }
0x1e: {  	s7 =	smul.u32 @!p0 $0xF7A, s2;
	p2 =	seq.s32 @!p0 s5, $0x0  }
0x1f: {  	s9 =	smul.u32 $0xF7A, s1;
	s8 =	simm.s32 @!p0 $0x1BF5;
	p2 =	por !p2, p0  }
0x20: {  	[sflag:s8] =	ssyncset.s32 @!p0 $0xFFFFF086;
	s6 =	sadd.s32 @!p0 s3, s7;
	s7 =	simm.s32 @!p0 $0x108  }
0x21: {  	s3 =	sadd.s32 s3, s9;
	s6 =	sadd.s32 @!p0 $0x88, s6;
	s7 =	simm.s32 @p2 $0x1082  }
0x22: {  	[simem:s7], [sflag:s8] =	dma.local @!p0 [hbm:s6], $0xF7A  }
0x23: {  	s9 =	sor.u32 $0xD0000000, s2;
	s6 =	simm.s32 $0x108;
	_ =	swait.ge @!p0 [sflag:s8], $0x0  }
0x24: {  	s3 =	sadd.s32 $0x88, s3;
	s6 =	simm.s32 @!p1 $0x1082;
	[sflag:s4] =	ssyncset.s32 $0xFFFFF086  }
0x25: {  	[simem:s6], [sflag:s4] =	dma.local [hbm:s3], $0xF7A  }
0x26: {  	[smem:$0x3FA0] =	sst s1;
	(tag) =	ssettag s2;
	_ =	strace s9  }
0x27: {  	s1 =	sld [smem:$0x3FB0]  }
0x28: {  	s2 =	sld [smem:$0x3FB1]  }
0x29: {  	s4 =	sld [smem:$0x3FB3]  }
0x2a: {  	p0 =	seq.s32 s5, $0x0;
	s5 =	sld [smem:$0x3FB4]  }
0x2b: {  	s6 =	sld [smem:$0x3FB5]  }
0x2c: {  	s7 =	sld [smem:$0x3FB6]  }
0x2d: {  	s3 =	simm.s32 $0x108;
	s8 =	sld [smem:$0x3FB7]  }
0x2e: {  	s3 =	simm.s32 @!p0 $0x1082;
	s9 =	sld [smem:$0x3FB8]  }
0x2f: {  	lr =	sadd.s32 s0, s3;
	s0 =	sld [smem:$0x3FAF]  }
0x30: {  	s3 =	sld [smem:$0x3FB2]  }
0x31: {  	[smem:$0x3FBB] =	sst s10  }
0x32: {  	s10 =	sld [smem:$0x3FB9];
	_ =	sdelay $0x3  }
0x33: {  	p0 =	seq.s32 s10, $0x1;
	s10 =	sld [smem:$0x3FBB];
	_ =	sdelay $0x3  }
0x34: {  	[smem:$0x3FBB] =	sst s10  }
0x35: {  	s10 =	sld [smem:$0x3FBA];
	_ =	sdelay $0x3  }
0x36: {  	p1 =	seq.s32 s10, $0x1;
	s10 =	sld [smem:$0x3FBB];
	_ =	sdelay $0x3  }
0x37: {  	[smem:$0x3FBB] =	sst s10  }
0x38: {  	s10 =	sld [smem:$0x3FBC]  }
0x39: {  	_ = 	snop;
	(pc) =	sbr.ind lr, $3  }
0x3a: {  	_ = 	snop  }
0x3b: {  	_ = 	snop  }
0x3c: {  	p2 =	seq.s32 s10, $0x1;
	s10 =	sld [smem:$0x3FBB]  }
0x3d: {  	_ =	shalt  }
0x3e: {  	_ =	shalt  }
0x3f: {  	_ =	shalt  }
0x40: {  	_ =	shalt  }
0x41: {  	_ =	shalt  }
0x42: {  	_ =	shalt  }
0x43: {  	_ =	shalt  }
0x44: {  	_ =	shalt  }
0x45: {  	_ =	shalt  }
0x46: {  	_ =	shalt  }
0x47: {  	_ =	shalt  }
0x48: {  	_ =	shalt  }
0x49: {  	_ =	shalt  }
0x4a: {  	_ =	shalt  }
0x4b: {  	_ =	shalt  }
0x4c: {  	_ =	shalt  }
0x4d: {  	_ =	shalt  }
0x4e: {  	_ =	shalt  }
0x4f: {  	_ =	shalt  }
0x50: {  	_ =	shalt  }
0x51: {  	_ =	shalt  }
0x52: {  	_ =	shalt  }
0x53: {  	_ =	shalt  }
0x54: {  	_ =	shalt  }
0x55: {  	_ =	shalt  }
0x56: {  	_ =	shalt  }
0x57: {  	_ =	shalt  }
0x58: {  	_ =	shalt  }
0x59: {  	_ =	shalt  }
0x5a: {  	_ =	shalt  }
0x5b: {  	_ =	shalt  }
0x5c: {  	_ =	shalt  }
0x5d: {  	_ =	shalt  }
0x5e: {  	_ =	shalt  }
0x5f: {  	_ =	shalt  }
0x60: {  	_ =	shalt  }
0x61: {  	_ =	shalt  }
0x62: {  	_ =	shalt  }
0x63: {  	_ =	shalt  }
0x64: {  	_ =	shalt  }
0x65: {  	_ =	shalt  }
0x66: {  	_ =	shalt  }
0x67: {  	_ =	shalt  }
0x68: {  	_ =	shalt  }
0x69: {  	_ =	shalt  }
0x6a: {  	_ =	shalt  }
0x6b: {  	_ =	shalt  }
0x6c: {  	_ =	shalt  }
0x6d: {  	_ =	shalt  }
0x6e: {  	_ =	shalt  }
0x6f: {  	_ =	shalt  }
0x70: {  	_ =	shalt  }
0x71: {  	_ =	shalt  }
0x72: {  	_ =	shalt  }
0x73: {  	_ =	shalt  }
0x74: {  	_ =	shalt  }
0x75: {  	_ =	shalt  }
0x76: {  	_ =	shalt  }
0x77: {  	_ =	shalt  }
0x78: {  	_ =	shalt  }
0x79: {  	_ =	shalt  }
0x7a: {  	_ =	shalt  }
0x7b: {  	_ =	shalt  }
0x7c: {  	_ =	shalt  }
0x7d: {  	_ =	shalt  }
0x7e: {  	_ =	shalt  }
0x7f: {  	_ =	shalt  }
0x80: {  	_ =	shalt  }
0x81: {  	_ =	shalt  }
0x82: {  	_ =	shalt  }
0x83: {  	_ =	shalt  }
0x84: {  	_ =	shalt  }
0x85: {  	_ =	shalt  }
0x86: {  	_ =	shalt  }
0x87: {  	_ =	shalt  }
.Lfunc_end0:
.L_simem_size_0:
called_computation_lowered:
.L_overlay_start_0:
0x88: {  	s2 =	sld [smem:$0x3FD9]  }
0x89: {  	s3 =	sld [smem:$0x3FFE];
	_ =	sdelay $0x1  }
0x8a: {  	s1 =	srdreg.scid  }
0x8b: {  	s0 =	sand.u32 $0x1, s1  }
0x8c: {  	s18 =	sshll.u32 s0, $0xA;
	s2 =	sadd.s32 s3, s2  }
0x8d: {  	s2 =	sadd.s32 s2, s18  }
0x8e: {  	[smem:$0x3FC7] =	sst s2  }
0x8f: {  	_ = 	snop  }
0x90: {  	s2 =	sld [smem:$0x3FC9]  }
0x91: {  	s19 =	sld [smem:$0x3FD0];
	(tm) =	ssettm $0x1  }
0x92: {  	s4 =	sld [smem:$0x3FFB];
	_ =	sdelay $0x3  }
0x93: {  	_ =	strace s4  }
0x94: {  	s4 =	sld [smem:$0x3FFC];
	_ =	sdelay $0x3  }
0x95: {  	_ =	strace s4  }
0x96: {  	s4 =	sld [smem:$0x3FFD];
	_ =	sdelay $0x3  }
0x97: {  	_ =	strace s4  }
0x98: {  	_ =	strace $0x8FFFFFFF  }
0x99: {  	s20 =	sld [smem:$0x3FDB];
	_ =	sdelay $0x1  }
0x9a: {  	s5 =	simm.s32 $_scs_section_size  }
0x9b: {  	s6 =	simm.s32 $_size__tile_overlayer_lowered;
	s7 =	simm.s32 $_tile_overlayer_lowered  }
0x9c: {  	s23 =	simm.s32 $0x1BFF;
	s22 =	sshll.u32 s7, $0x1;
	s4 =	sadd.s32 s5, s20  }
0x9d: {  	s8 =	simm.s32 $0x0;
	s21 =	sshll.u32 s6, $0x1;
	s6 =	sadd.s32 s22, s4  }
0x9e: {  	[timem:s8], [sflag:s23] =	dma.local [hbm:s6], s21  }
0x9f: {  	_ =	swait.ge [sflag:s23], s21  }
0xa0: {  	s5 =	ssub.s32 $0x0, s21;
	[sflag:s23] =	ssyncset.done $0x0  }
0xa1: {  	[sflag:s23] =	ssyncadd.s32 s5;
	_ =	sdelay $0x1  }
0xa2: {  	s24 =	simm.s32 $0x1B8B  }
0xa3: {  	_ =	swait.ge [sflag:s24], $0x1  }
0xa4: {  	[sflag:s24] =	ssyncset.done $0x0  }
0xa5: {  	s25 =	simm.s32 $0x1B8E;
	[sflag:s24] =	ssyncadd.s32 $0xFFFFFFFF  }
0xa6: {  	s26 =	simm.s32 $execute0_lowered;
	[smem:$0x3FD2] =	sst s25  }
0xa7: {  	s5 =	sshll.u32 s26, $0x1;
	_ =	strace $0x80000046;
	[dreg:$0x1] =	wrdreg $0xFFFFFFFF  }
0xa8: {  	s28 =	simm.s32 $_size_execute0_lowered;
	s4 =	sadd.s32 s4, s5;
	[dreg:$0x0] =	wrdreg $0x0  }
0xa9: {  	s5 =	sshll.u32 s28, $0x1;
	[dreg:$0x2] =	wrdreg s4  }
0xaa: {  	[dreg:$0x3] =	wrdreg s5  }
0xab: {  	[dreg:$0x4] =	wrdreg $0xC0  }
0xac: {  	_ =	task [dreg:s8], $0x5FFFF  }
0xad: {  	[dreg:$0x1] =	wrdreg $0xFFFFFFFF  }
0xae: {  	[dreg:$0x0] =	wrdreg $0x60  }
0xaf: {  	[dreg:$0x2] =	wrdreg s2  }
0xb0: {  	[dreg:$0x3] =	wrdreg s19  }
0xb1: {  	[dreg:$0x4] =	wrdreg $0x9  }
0xb2: {  	_ =	task.clear_ibuf [dreg:s8], $0x5FFFF;
	_ =	strace $0x90000046  }
0xb3: {  	s29 =	simm.s32 $0x9;
	_ =	strace $0x80000048  }
0xb4: {  	_ =	swait.ge [sflag:s29], $0x1  }
0xb5: {  	[sflag:s29] =	ssyncadd.s32 $0xFFFFFFFF  }
0xb6: {  	_ =	strace $0x90000048  }
0xb7: {  	_ =	sfence  }
0xb8: {  	s30 =	sld [smem:$0x0];
	_ =	sdelay $0x2  }
0xb9: {  	s31 =	sshll.u32 s1, $0xD;
	s1 =	sshrl.u32 s1, $0x2  }
0xba: {  	s3 =	sand.u32 $0x4000, s31;
	s1 =	sadd.s32 s1, s30  }
0xbb: {  	s0 =	sor.u32 s3, s0;
	s1 =	sshll.u32 s1, $0x11  }
0xbc: {  	s0 =	sor.u32 s1, s0  }
0xbd: {  	s0 =	sadd.s32 $0x8F2B, s0  }
0xbe: {  	[sflag:s0] =	ssyncadd.remote.s32 $0x1  }
0xbf: {  	_ =	sfence.sel $0xFFFF  }
0xc0: {  	[dreg:$0x0] =	wrdreg $0xFFFFFFFF;
	(pc) =	sbr.abs _section_cstart, $3  }
0xc1: {  	[dreg:$0x1] =	wrdreg $0xFFFFFFFF  }
0xc2: {  	_ =	task.clear_ibuf [dreg:s8], $0x2FFFF;
	_ =	strace $0x9FFFFFFF  }
0xc3: {  	(tm) =	ssettm $0x7FFFFFFF  }
tec
execute0_lowered:
.L_overlay_start_1:
0x0: {  	(tag) =	ssettag $0x1  }
0x1: {  	s1 =	srdreg.scid  }
0x2: {  	s2 =	rddreg [dreg:$0x0];
	s0 =	stileid.u32  }
0x3: {  	s8 =	rddreg [dreg:$0x1];
	s11 =	simm.s32 $0x400;
	s12 =	simm.s32 $0x8000  }
0x4: {  	s13 =	simm.s32 $0x10000;
	s14 =	simm.s32 $0x1;
	s15 =	simm.s32 $0x2  }
0x5: {  	s16 =	simm.s32 $0x3;
	s17 =	simm.s32 $0x18200;
	s18 =	simm.s32 $0x4  }
0x6: {  	s19 =	simm.s32 $0x0;
	s4 =	sand.u32 $0x1, s1;
	s3 =	sshll.u32 s0, $0x6  }
0x7: {  	s1 =	rddreg [dreg:$0x2];
	s5 =	sshll.u32 s4, $0x5;
	s30 =	ssub.s32 $0x2, s4  }
0x8: {  	s9 =	sor.u32 s5, s3;
	s3 =	simm.s32 $0x0;
	s6 =	sshrl.u32 s30, $0x1  }
0x9: {  	s31 =	sshll.u32 s9, $0xC;
	[smem:$0x7FF] =	sst s3;
	s10 =	ssub.s32 s30, s6  }
0xa: {  	s7 =	sor.u32 $0x3, s9;
	s9 =	sshrl.u32 s9, $0x3;
	s4 =	sadd.s32 s2, s31  }
0xb: {  	v0 =	vlaneseq.u32;
	_ =	strace $0x80000047;
	s8 =	sadd.s32 s8, s9;
	s9 =	smax.u32 s10, $0x1  }
0xc: {  	v1 =	vor.u32 $0x80000000, v0;
	s10 =	simm.s32 $0x80;
	s5 =	sadd.s32 $0x10, s4;
	s6 =	sadd.s32 $0x20, s4  }
.LBB2_1:
0xd: {  	[tilespmem:s3], [sflag:$0x1] =	stream.strided.gather [hbm4b:s4+s10], $0x8000, s11, s10, $0x38;
	[tilespmem:$0x18280] =	vst v63  }
0xe: {  	_ = 	snop  }
0xf: {  	[tilespmem:s12], [sflag:$0x2] =	stream.strided.gather [hbm4b:s5+s10], $0x8000, s11, s10, $0x38;
	[tilespmem:$0x18280] =	vst v63  }
0x10: {  	s20 =	simm.s32 $0x0  }
0x11: {  	v2 =	vimm.f32 $0.0e+00;
	[tilespmem:s13], [sflag:$0x3] =	stream.strided.gather [hbm4b:s6+s10], $0x8000, s11, s10, $0x38;
	[tilespmem:$0x18280] =	vst v63  }
.LBB2_2:
0x12: {  	_ =	swait.ge [sflag:s14], $0x8000  }
0x13: {  	[sflag:s14] =	ssyncset.done $0x0  }
0x14: {  	s21 =	simm.s32 $0x200;
	[sflag:s14] =	ssyncadd.s32 $0xFFFF8000  }
0x15: {  	v6 =	vld [tilespmem:s21+$0x180]  }
0x16: {  	v7 =	vld [tilespmem:s21+$0x190]  }
0x17: {  	v3 =	vld [tilespmem:s21+$0x1A0]  }
0x18: {  	v4 =	vld [tilespmem:s21+$0x1B0]  }
0x19: {  	v5 =	vld [tilespmem:s21+$0x1C0]  }
0x1a: {  	v8 =	vld [tilespmem:s21+$0x100]  }
0x1b: {  	v10 =	vld [tilespmem:s21+$0x110]  }
0x1c: {  	v9 =	vld [tilespmem:s21+$0x120]  }
0x1d: {  	v11 =	vld [tilespmem:s21+$0x130]  }
0x1e: {  	v13 =	vld [tilespmem:s21+$0x140]  }
0x1f: {  	v12 =	vld [tilespmem:s21+$0x150]  }
0x20: {  	v17 =	vld [tilespmem:s21+$0x80]  }
0x21: {  	v14 =	vld [tilespmem:s21+$0x90]  }
0x22: {  	v16 =	vld [tilespmem:s21+$0xA0]  }
0x23: {  	v18 =	vld [tilespmem:s21+$0xB0]  }
0x24: {  	v15 =	vld [tilespmem:s21+$0xC0]  }
0x25: {  	v19 =	vld [tilespmem:s21+$0x0]  }
0x26: {  	v21 =	vld [tilespmem:s21+$0x10]  }
0x27: {  	v23 =	vld [tilespmem:s21+$0x20]  }
0x28: {  	v20 =	vld [tilespmem:s21+$0x30]  }
0x29: {  	v22 =	vld [tilespmem:s21+$0x40]  }
0x2a: {  	v25 =	vld [tilespmem:s21+$0xFFFFFF80]  }
0x2b: {  	v27 =	vld [tilespmem:s21+$0xFFFFFF90]  }
0x2c: {  	v31 =	vld [tilespmem:s21+$0xFFFFFFA0]  }
0x2d: {  	v32 =	vld [tilespmem:s21+$0xFFFFFFB0]  }
0x2e: {  	v33 =	vld [tilespmem:s21+$0xFFFFFFC0]  }
0x2f: {  	v34 =	vld [tilespmem:s21+$0xFFFFFFD0]  }
0x30: {  	v24 =	vld [tilespmem:s21+$0xFFFFFF00]  }
0x31: {  	v26 =	vld [tilespmem:s21+$0xFFFFFF10]  }
0x32: {  	v28 =	vld [tilespmem:s21+$0xFFFFFF20]  }
0x33: {  	v29 =	vld [tilespmem:s21+$0xFFFFFF30]  }
0x34: {  	v30 =	vld [tilespmem:s21+$0xFFFFFF40]  }
0x35: {  	v35 =	vld [tilespmem:s21+$0xFFFFFE00]  }
0x36: {  	v36 =	vld [tilespmem:s21+$0xFFFFFE10]  }
0x37: {  	v37 =	vld [tilespmem:s21+$0xFFFFFE20]  }
0x38: {  	v38 =	vld [tilespmem:s21+$0xFFFFFE30]  }
0x39: {  	v39 =	vld [tilespmem:s21+$0xFFFFFE40]  }
0x3a: {  	v40 =	vld [tilespmem:s21+$0xFFFFFE50]  }
0x3b: {  	v41 =	vld [tilespmem:s21+$0xFFFFFE60]  }
0x3c: {  	v42 =	vld [tilespmem:s21+$0xFFFFFE70]  }
0x3d: {  	v43 =	vld [tilespmem:s21+$0xFFFFFE80]  }
0x3e: {  	v44 =	vld [tilespmem:s21+$0xFFFFFE90]  }
0x3f: {  	v45 =	vld [tilespmem:s21+$0xFFFFFEA0]  }
0x40: {  	v46 =	vld [tilespmem:s21+$0xFFFFFEB0]  }
0x41: {  	v47 =	vld [tilespmem:s21+$0xFFFFFEC0]  }
0x42: {  	v48 =	vld [tilespmem:s21+$0xFFFFFED0]  }
0x43: {  	v49 =	vld [tilespmem:s21+$0xFFFFFEE0]  }
0x44: {  	v50 =	vld [tilespmem:s21+$0xFFFFFEF0]  }
0x45: {  	v51 =	vld [tilespmem:s21+$0xFFFFFF50]  }
0x46: {  	v52 =	vld [tilespmem:s21+$0xFFFFFF60]  }
0x47: {  	v61 =	vld [tilespmem:s21+$0xFFFFFF70];
	v35 =	vmax.f32 v35, v43;
	v36 =	vmax.f32 v36, v44;
	v37 =	vmax.f32 v37, v45  }
0x48: {  	v62 =	vld [tilespmem:s21+$0xFFFFFFE0];
	v38 =	vmax.f32 v38, v46;
	v39 =	vmax.f32 v39, v47;
	v40 =	vmax.f32 v40, v48  }
0x49: {  	v63 =	vld [tilespmem:s21+$0xFFFFFFF0];
	v41 =	vmax.f32 v41, v49;
	v42 =	vmax.f32 v42, v50;
	v35 =	vmax.f32 v35, v24  }
0x4a: {  	v36 =	vmax.f32 v36, v26;
	v37 =	vmax.f32 v37, v28;
	v38 =	vmax.f32 v38, v29;
	v24 =	vld [tilespmem:s21+$0x50]  }
0x4b: {  	v39 =	vmax.f32 v39, v30;
	v40 =	vmax.f32 v40, v51;
	v41 =	vmax.f32 v41, v52;
	v26 =	vld [tilespmem:s21+$0x60]  }
0x4c: {  	v42 =	vmax.f32 v42, v61;
	v28 =	vld [tilespmem:s21+$0x70];
	v29 =	vmax.f32 v35, v25;
	v30 =	vmax.f32 v36, v27  }
0x4d: {  	v35 =	vmax.f32 v37, v31;
	v31 =	vmax.f32 v38, v32;
	v32 =	vmax.f32 v39, v33;
	v25 =	vld [tilespmem:s21+$0xD0]  }
0x4e: {  	s22 =	simm.s32 $0x0;
	s23 =	simm.s32 $0x40;
	v36 =	vmax.f32 v40, v34;
	v33 =	vmax.f32 v41, v62;
	v34 =	vmax.f32 v42, v63;
	v27 =	vld [tilespmem:s21+$0xE0]  }
.LBB2_3:
0x4f: {  	p0 =	sne.s32 s23, $0x7C0;
	v19 =	vmax.f32 v29, v19;
	v21 =	vmax.f32 v30, v21;
	v23 =	vmax.f32 v35, v23;
	v29 =	vld [tilespmem:s21+$0xF0]  }
0x50: {  	v20 =	vmax.f32 v31, v20;
	v22 =	vmax.f32 v32, v22;
	v24 =	vmax.f32 v36, v24;
	v30 =	vld [tilespmem:s21+$0x160]  }
0x51: {  	v26 =	vmax.f32 v33, v26;
	v17 =	vmax.f32 v19, v17;
	v28 =	vmax.f32 v34, v28;
	v19 =	vld [tilespmem:s21+$0x170]  }
0x52: {  	v14 =	vmax.f32 v21, v14;
	v16 =	vmax.f32 v23, v16;
	v18 =	vmax.f32 v20, v18;
	v20 =	vld [tilespmem:s21+$0x1D0]  }
0x53: {  	v15 =	vmax.f32 v22, v15;
	v21 =	vmax.f32 v24, v25;
	v22 =	vmax.f32 v26, v27;
	v23 =	vld [tilespmem:s21+$0x1E0]  }
0x54: {  	v8 =	vmax.f32 v17, v8;
	v10 =	vmax.f32 v14, v10;
	v24 =	vmax.f32 v28, v29;
	v14 =	vld [tilespmem:s21+$0x1F0];
	s21 =	sadd.s32 $0x400, s21  }
0x55: {  	v9 =	vmax.f32 v16, v9;
	v11 =	vmax.f32 v18, v11;
	v13 =	vmax.f32 v15, v13;
	v17 =	vld [tilespmem:s21+$0x180]  }
0x56: {  	v12 =	vmax.f32 v21, v12;
	v16 =	vmax.f32 v22, v30;
	v15 =	vld [tilespmem:s21+$0x190];
	v18 =	vmax.f32 v24, v19  }
0x57: {  	v6 =	vmax.f32 v8, v6;
	v7 =	vmax.f32 v10, v7;
	v9 =	vmax.f32 v9, v3;
	v3 =	vld [tilespmem:s21+$0x1A0]  }
0x58: {  	v10 =	vmax.f32 v11, v4;
	v11 =	vmax.f32 v13, v5;
	v12 =	vmax.f32 v12, v20;
	v4 =	vld [tilespmem:s21+$0x1B0]  }
0x59: {  	v13 =	vmax.f32 v16, v23;
	v16 =	vmax.f32 v6, v7;
	v5 =	vld [tilespmem:s21+$0x1C0];
	v14 =	vmax.f32 v18, v14  }
0x5a: {  	v9 =	vmax.f32 v9, v10;
	v11 =	vmax.f32 v11, v12;
	v8 =	vld [tilespmem:s21+$0x100];
	v12 =	vmax.f32 v13, v14;
	v6 =	vmovc v17  }
0x5b: {  	v13 =	vmax.f32 v16, v9;
	v10 =	vld [tilespmem:s21+$0x110];
	v11 =	vmax.f32 v11, v12;
	v7 =	vmov v15  }
0x5c: {  	s24 =	sshra.s32 s22, $0x2;
	s22 =	smov.u32 s23;
	v9 =	vld [tilespmem:s21+$0x120];
	v12 =	vmax.f32 v13, v11  }
0x5d: {  	v11 =	vld [tilespmem:s21+$0x130];
	[tilespmem:s24+$0x18000] =	vst v12  }
0x5e: {  	v13 =	vld [tilespmem:s21+$0x140]  }
0x5f: {  	v12 =	vld [tilespmem:s21+$0x150]  }
0x60: {  	v17 =	vld [tilespmem:s21+$0x80]  }
0x61: {  	v14 =	vld [tilespmem:s21+$0x90]  }
0x62: {  	v16 =	vld [tilespmem:s21+$0xA0]  }
0x63: {  	v18 =	vld [tilespmem:s21+$0xB0]  }
0x64: {  	v15 =	vld [tilespmem:s21+$0xC0]  }
0x65: {  	v19 =	vld [tilespmem:s21+$0x0]  }
0x66: {  	v21 =	vld [tilespmem:s21+$0x10]  }
0x67: {  	v23 =	vld [tilespmem:s21+$0x20]  }
0x68: {  	v20 =	vld [tilespmem:s21+$0x30]  }
0x69: {  	v22 =	vld [tilespmem:s21+$0x40]  }
0x6a: {  	v25 =	vld [tilespmem:s21+$0xFFFFFF80]  }
0x6b: {  	v27 =	vld [tilespmem:s21+$0xFFFFFF90]  }
0x6c: {  	v31 =	vld [tilespmem:s21+$0xFFFFFFA0]  }
0x6d: {  	v32 =	vld [tilespmem:s21+$0xFFFFFFB0]  }
0x6e: {  	v33 =	vld [tilespmem:s21+$0xFFFFFFC0]  }
0x6f: {  	v34 =	vld [tilespmem:s21+$0xFFFFFFD0]  }
0x70: {  	v24 =	vld [tilespmem:s21+$0xFFFFFF00]  }
0x71: {  	v26 =	vld [tilespmem:s21+$0xFFFFFF10]  }
0x72: {  	v28 =	vld [tilespmem:s21+$0xFFFFFF20]  }
0x73: {  	v29 =	vld [tilespmem:s21+$0xFFFFFF30]  }
0x74: {  	v30 =	vld [tilespmem:s21+$0xFFFFFF40]  }
0x75: {  	v35 =	vld [tilespmem:s21+$0xFFFFFE00]  }
0x76: {  	v36 =	vld [tilespmem:s21+$0xFFFFFE10]  }
0x77: {  	v37 =	vld [tilespmem:s21+$0xFFFFFE20]  }
0x78: {  	v38 =	vld [tilespmem:s21+$0xFFFFFE30]  }
0x79: {  	v39 =	vld [tilespmem:s21+$0xFFFFFE40]  }
0x7a: {  	v40 =	vld [tilespmem:s21+$0xFFFFFE50]  }
0x7b: {  	v41 =	vld [tilespmem:s21+$0xFFFFFE60]  }
0x7c: {  	v42 =	vld [tilespmem:s21+$0xFFFFFE70]  }
0x7d: {  	v43 =	vld [tilespmem:s21+$0xFFFFFE80]  }
0x7e: {  	v44 =	vld [tilespmem:s21+$0xFFFFFE90]  }
0x7f: {  	v45 =	vld [tilespmem:s21+$0xFFFFFEA0]  }
0x80: {  	v46 =	vld [tilespmem:s21+$0xFFFFFEB0]  }
0x81: {  	v47 =	vld [tilespmem:s21+$0xFFFFFEC0]  }
0x82: {  	v48 =	vld [tilespmem:s21+$0xFFFFFED0]  }
0x83: {  	v49 =	vld [tilespmem:s21+$0xFFFFFEE0]  }
0x84: {  	v50 =	vld [tilespmem:s21+$0xFFFFFEF0]  }
0x85: {  	v51 =	vld [tilespmem:s21+$0xFFFFFF50]  }
0x86: {  	v52 =	vld [tilespmem:s21+$0xFFFFFF60]  }
0x87: {  	v35 =	vmax.f32 v35, v43;
	v36 =	vmax.f32 v36, v44;
	v37 =	vmax.f32 v37, v45;
	v43 =	vld [tilespmem:s21+$0xFFFFFF70]  }
0x88: {  	v38 =	vmax.f32 v38, v46;
	v39 =	vmax.f32 v39, v47;
	v40 =	vmax.f32 v40, v48;
	v44 =	vld [tilespmem:s21+$0xFFFFFFE0]  }
0x89: {  	v35 =	vmax.f32 v35, v24;
	v41 =	vmax.f32 v41, v49;
	v42 =	vmax.f32 v42, v50;
	v45 =	vld [tilespmem:s21+$0xFFFFFFF0]  }
.Ltmp0:
0x8a: {  	v36 =	vmax.f32 v36, v26;
	v37 =	vmax.f32 v37, v28;
	v38 =	vmax.f32 v38, v29;
	v24 =	vld [tilespmem:s21+$0x50];
	(pc) =	sbr.rel @p0 .LBB2_3-.Ltmp0, $4  }
0x8b: {  	v39 =	vmax.f32 v39, v30;
	v40 =	vmax.f32 v40, v51;
	v41 =	vmax.f32 v41, v52;
	v26 =	vld [tilespmem:s21+$0x60]  }
0x8c: {  	v29 =	vmax.f32 v35, v25;
	v30 =	vmax.f32 v36, v27;
	v42 =	vmax.f32 v42, v43;
	v28 =	vld [tilespmem:s21+$0x70]  }
0x8d: {  	v35 =	vmax.f32 v37, v31;
	v31 =	vmax.f32 v38, v32;
	v32 =	vmax.f32 v39, v33;
	v25 =	vld [tilespmem:s21+$0xD0]  }
0x8e: {  	s23 =	sadd.s32 $0x40, s23;
	v36 =	vmax.f32 v40, v34;
	v33 =	vmax.f32 v41, v44;
	v34 =	vmax.f32 v42, v45;
	v27 =	vld [tilespmem:s21+$0xE0]  }
0x8f: {  	v19 =	vmax.f32 v29, v19;
	v21 =	vmax.f32 v30, v21;
	v23 =	vmax.f32 v35, v23;
	v50 =	vld [tilespmem:s21+$0xF0]  }
0x90: {  	v20 =	vmax.f32 v31, v20;
	v22 =	vmax.f32 v32, v22;
	v24 =	vmax.f32 v36, v24;
	v51 =	vld [tilespmem:s21+$0x160]  }
0x91: {  	v52 =	vld [tilespmem:s21+$0x170];
	v26 =	vmax.f32 v33, v26;
	v17 =	vmax.f32 v19, v17;
	v14 =	vmax.f32 v21, v14  }
0x92: {  	v53 =	vld [tilespmem:s21+$0x1D0];
	v16 =	vmax.f32 v23, v16;
	v18 =	vmax.f32 v20, v18;
	v15 =	vmax.f32 v22, v15  }
0x93: {  	v56 =	vld [tilespmem:s21+$0x1E0];
	v28 =	vmax.f32 v34, v28;
	v8 =	vmax.f32 v17, v8;
	v10 =	vmax.f32 v14, v10  }
0x94: {  	v58 =	vld [tilespmem:s21+$0x1F0];
	v9 =	vmax.f32 v16, v9;
	v11 =	vmax.f32 v18, v11;
	v13 =	vmax.f32 v15, v13  }
0x95: {  	v54 =	vmax.f32 v24, v25;
	v6 =	vmax.f32 v8, v6;
	v7 =	vmax.f32 v10, v7  }
0x96: {  	v3 =	vmax.f32 v9, v3;
	v4 =	vmax.f32 v11, v4;
	v5 =	vmax.f32 v13, v5  }
0x97: {  	v55 =	vmax.f32 v26, v27;
	v12 =	vmax.f32 v54, v12;
	v57 =	vmax.f32 v28, v50  }
0x98: {  	v6 =	vmax.f32 v6, v7;
	v59 =	vmax.f32 v55, v51;
	v60 =	vmax.f32 v57, v52  }
0x99: {  	v61 =	vmax.f32 v12, v53;
	v62 =	vmax.f32 v59, v56;
	v63 =	vmax.f32 v60, v58  }
0x9a: {  	v3 =	vmax.f32 v3, v4;
	v4 =	vmax.f32 v5, v61;
	v5 =	vmax.f32 v62, v63  }
0x9b: {  	v3 =	vmax.f32 v6, v3;
	v4 =	vmax.f32 v4, v5  }
0x9c: {  	s30 =	sshra.s32 s22, $0x2;
	v3 =	vmax.f32 v3, v4  }
0x9d: {  	s31 =	simm.s32 $0x0;
	[tilespmem:s30+$0x18000] =	vst v3  }
0x9e: {  	s21 =	simm.s32 $0x40;
	v3 =	vimm.f32 $-Inf;
	v4 =	vld [tilespmem:s31+$0x18000]  }
.LBB2_5:
0x9f: {  	p0 =	sne.s32 s21, $0x7C0  }
.Ltmp1:
0xa0: {  	_ = 	snop;
	(pc) =	sbr.rel @p0 .LBB2_5-.Ltmp1, $3  }
0xa1: {  	_ =	sdelay $0x1  }
0xa2: {  	s22 =	sshra.s32 s21, $0x2;
	s21 =	sadd.s32 $0x40, s21;
	v3 =	vmax.f32 v3, v4  }
0xa3: {  	v4 =	vld [tilespmem:s22+$0x18000]  }
0xa4: {  	_ =	sdelay $0x3  }
0xa5: {  	v3 =	vmax.f32 v3, v4  }
0xa6: {  	(xrf0) =	vmax.scan.msk.f32 $0xffff, v3;
	_ =	sdelay $0x2  }
0xa7: {  	s21 =	simm.s32 $0x18000  }
0xa8: {  	v6 =	vld [tilespmem:s21+$0x0];
	_ =	sdelay $0x1  }
0xa9: {  	v3, _, _ =	vpop (xrf0)  }
0xaa: {  	v3 =	vbroadcast v3, $0xF  }
0xab: {  	s22 =	simm.s32 $0x0  }
0xac: {  	s21 =	simm.s32 $0x1;
	v5 =	vmov s22;
	s22 =	simm.s32 $0x18010;
	v4 =	vimm.s32 $0x40000000;
	vm0 =	veq.f32 v6, v3  }
.LBB2_7:
0xad: {  	v6 =	vld [tilespmem:s22+$0x0];
	p0 =	sne.s32 s21, $0x1F;
	v5 =	vnsel vm0, $0x40000000, v5;
	s23 =	smov.u32 s21;
	s21 =	sadd.s32 $0x1, s21  }
.Ltmp2:
0xae: {  	vm0 =	vlt.s32 v4, v5;
	(pc) =	sbr.rel @p0 .LBB2_7-.Ltmp2, $2  }
0xaf: {  	v4 =	vsel vm0, v4, v5;
	_ =	sdelay $0x2  }
0xb0: {  	s22 =	sadd.s32 $0x10, s22;
	v5 =	vmov s23;
	vm0 =	veq.f32 v6, v3  }
0xb1: {  	v5 =	vnsel vm0, $0x40000000, v5  }
0xb2: {  	vm0 =	vlt.s32 v4, v5  }
0xb3: {  	v4 =	vsel vm0, v4, v5  }
0xb4: {  	v4 =	vxor.u32 $0x80000000, v4  }
0xb5: {  	(xrf0) =	vmin.scan.msk.u32 $0xffff, v4;
	_ =	sdelay $0x5  }
0xb6: {  	v4, _, _ =	vpop (xrf0)  }
0xb7: {  	(v2sf) =	vpush v4, $0xF;
	_ =	sdelay $0xe  }
0xb8: {  	s23 =	simm.s32 $0x0;
	s21 =	spop (v2sf)  }
0xb9: {  	s29 =	sand.u32 $0x380, s23;
	s22 =	sshll.u32 s21, $0xA  }
0xba: {  	s23 =	sand.u32 $0x60, s23;
	s21 =	sadd.s32 s29, s22  }
0xbb: {  	s21 =	sadd.s32 s23, s21  }
0xbc: {  	v5 =	vld [tilespmem:s21+$0x0]  }
0xbd: {  	v6 =	vld [tilespmem:s21+$0x10]  }
0xbe: {  	s21 =	simm.s32 $0x20  }
0xbf: {  	s24 =	simm.s32 $0x0;
	s30 =	sand.u32 $0x380, s21  }
0xc0: {  	v7 =	vmov s24;
	s25 =	sand.u32 $0x60, s21;
	s23 =	sadd.s32 s30, s22  }
0xc1: {  	v8 =	vor.u32 $0x1, v7;
	s31 =	sadd.s32 s25, s23;
	vm0 =	veq.f32 v5, v3  }
0xc2: {  	v4 =	vimm.s32 $0x40000000;
	v5 =	vld [tilespmem:s31+$0x0];
	vm1 =	veq.f32 v6, v3;
	v9 =	vnsel vm0, $0x40000000, v7  }
0xc3: {  	s24 =	simm.s32 $0x2;
	s23 =	simm.s32 $0x2;
	v6 =	vimm.s32 $0x40000000;
	v7 =	vld [tilespmem:s31+$0x10];
	v8 =	vnsel vm1, $0x40000000, v8;
	vm0 =	vlt.s32 v4, v9  }
.LBB2_9:
0xc4: {  	s23 =	sadd.s32 $0x2, s23  }
0xc5: {  	s21 =	sadd.s32 $0x20, s21;
	v4 =	vsel vm0, v4, v9;
	vm0 =	vlt.s32 v6, v8;
	p0 =	slt.u32 s23, $0x3E  }
.Ltmp3:
0xc6: {  	s25 =	sand.u32 $0x380, s21;
	v6 =	vsel vm0, v6, v8;
	(pc) =	sbr.rel @p0 .LBB2_9-.Ltmp3, $4  }
0xc7: {  	s26 =	sand.u32 $0x60, s21;
	v8 =	vmov s24;
	s24 =	smov.u32 s23;
	s25 =	sadd.s32 s25, s22  }
0xc8: {  	v10 =	vor.u32 $0x1, v8;
	s25 =	sadd.s32 s26, s25;
	vm0 =	veq.f32 v5, v3  }
0xc9: {  	v5 =	vld [tilespmem:s25+$0x0];
	v9 =	vnsel vm0, $0x40000000, v8;
	vm1 =	veq.f32 v7, v3  }
0xca: {  	v7 =	vld [tilespmem:s25+$0x10];
	vm0 =	vlt.s32 v4, v9;
	v8 =	vnsel vm1, $0x40000000, v10  }
0xcb: {  	_ =	sdelay $0x2  }
0xcc: {  	v4 =	vsel vm0, v4, v9;
	vm12 =	vlt.s32 v6, v8;
	v9 =	vmov s24  }
0xcd: {  	vm1 =	veq.f32 v5, v3;
	v5 =	vor.u32 $0x1, v9;
	vm2 =	veq.f32 v7, v3  }
0xce: {  	v3 =	vsel vm12, v6, v8;
	v6 =	vnsel vm1, $0x40000000, v9;
	v5 =	vnsel vm2, $0x40000000, v5  }
0xcf: {  	vm13 =	vlt.s32 v4, v6;
	vm14 =	vlt.s32 v3, v5  }
0xd0: {  	v4 =	vsel vm13, v4, v6;
	v3 =	vsel vm14, v3, v5  }
0xd1: {  	vm0 =	vlt.s32 v4, v3  }
0xd2: {  	v3 =	vsel vm0, v4, v3  }
0xd3: {  	v4 =	vshll.u32 v3, $0x4  }
0xd4: {  	vm0 =	veq.s32 v3, $0x40000000;
	v3 =	vxor.u32 v1, v4  }
0xd5: {  	v3 =	vsel vm0, $0xC0000000, v3  }
0xd6: {  	(xrf0) =	vmin.scan.msk.u32 $0xffff, v3;
	_ =	sdelay $0x5  }
0xd7: {  	v3, _, _ =	vpop (xrf0)  }
0xd8: {  	(v2sf) =	vpush v3, $0xF;
	_ =	sdelay $0x6  }
0xd9: {  	s21 =	smul.u32 $0x3, s20;
	_ =	sdelay $0x1  }
0xda: {  	s23 =	sadd.s32 s21, s7  }
0xdb: {  	s29 =	sshll.u32 s23, $0x4  }
0xdc: {  	s23 =	sshll.u32 s23, $0xC;
	s24 =	sand.u32 $0x70, s29  }
0xdd: {  	s30 =	sand.u32 $0xF, s21;
	s23 =	sand.u32 $0xFFF8000, s23;
	s24 =	sadd.s32 s2, s24  }
0xde: {  	p0 =	sne.s32 s30, $0xF;
	s23 =	sadd.s32 s23, s24  }
0xdf: {  	[tilespmem:s3], [sflag:$0x1] =	stream.strided.gather [hbm4b:s23+s10], $0x8000, s11, s10, $0x38;
	[tilespmem:$0x18280] =	vst v63  }
0xe0: {  	p1 =	seq.s32 @!p0 s20, $0x0;
	s31 =	spop (v2sf)  }
0xe1: {  	p1 =	por !p1, p0;
	s24 =	simm.s32 @!p0 $0x1;
	s22 =	sadd.s32 s31, s22  }
0xe2: {  	s25 =	sshrl.u32 @!p0 s21, $0x4;
	s24 =	simm.s32 @p1 $0x0;
	s22 =	sadd.s32 $0x80000000, s22  }
0xe3: {  	s23 =	ssub.s32 @!p0 s25, s24;
	v3 =	vmov s30;
	s22 =	scvt.s32.f32 s22  }
0xe4: {  	s23 =	sshll.u32 @!p0 s23, $0x6;
	vm15 =	veq.s32 v3, v0  }
0xe5: {  	v2 =	vsel vm15, s22, v2;
	s22 =	sshra.s32 @!p0 s23, $0x2  }
0xe6: {  	[tilespmem:s22+$0x18200] =	vst @!p0 v2  }
0xe7: {  	_ =	swait.ge [sflag:s15], $0x8000  }
0xe8: {  	[sflag:s15] =	ssyncset.done $0x0  }
0xe9: {  	s22 =	simm.s32 $0x8200;
	[sflag:s15] =	ssyncadd.s32 $0xFFFF8000  }
0xea: {  	v6 =	vld [tilespmem:s22+$0x180]  }
0xeb: {  	v7 =	vld [tilespmem:s22+$0x190]  }
0xec: {  	v3 =	vld [tilespmem:s22+$0x1A0]  }
0xed: {  	v4 =	vld [tilespmem:s22+$0x1B0]  }
0xee: {  	v5 =	vld [tilespmem:s22+$0x1C0]  }
0xef: {  	v8 =	vld [tilespmem:s22+$0x100]  }
0xf0: {  	v10 =	vld [tilespmem:s22+$0x110]  }
0xf1: {  	v9 =	vld [tilespmem:s22+$0x120]  }
0xf2: {  	v11 =	vld [tilespmem:s22+$0x130]  }
0xf3: {  	v13 =	vld [tilespmem:s22+$0x140]  }
0xf4: {  	v12 =	vld [tilespmem:s22+$0x150]  }
0xf5: {  	v17 =	vld [tilespmem:s22+$0x80]  }
0xf6: {  	v14 =	vld [tilespmem:s22+$0x90]  }
0xf7: {  	v16 =	vld [tilespmem:s22+$0xA0]  }
0xf8: {  	v18 =	vld [tilespmem:s22+$0xB0]  }
0xf9: {  	v15 =	vld [tilespmem:s22+$0xC0]  }
0xfa: {  	v19 =	vld [tilespmem:s22+$0x0]  }
0xfb: {  	v21 =	vld [tilespmem:s22+$0x10]  }
0xfc: {  	v23 =	vld [tilespmem:s22+$0x20]  }
0xfd: {  	v20 =	vld [tilespmem:s22+$0x30]  }
0xfe: {  	v22 =	vld [tilespmem:s22+$0x40]  }
0xff: {  	v25 =	vld [tilespmem:s22+$0xFFFFFF80]  }
0x100: {  	v27 =	vld [tilespmem:s22+$0xFFFFFF90]  }
0x101: {  	v31 =	vld [tilespmem:s22+$0xFFFFFFA0]  }
0x102: {  	v32 =	vld [tilespmem:s22+$0xFFFFFFB0]  }
0x103: {  	v33 =	vld [tilespmem:s22+$0xFFFFFFC0]  }
0x104: {  	v34 =	vld [tilespmem:s22+$0xFFFFFFD0]  }
0x105: {  	v24 =	vld [tilespmem:s22+$0xFFFFFF00]  }
0x106: {  	v26 =	vld [tilespmem:s22+$0xFFFFFF10]  }
0x107: {  	v28 =	vld [tilespmem:s22+$0xFFFFFF20]  }
0x108: {  	v29 =	vld [tilespmem:s22+$0xFFFFFF30]  }
0x109: {  	v30 =	vld [tilespmem:s22+$0xFFFFFF40]  }
0x10a: {  	v35 =	vld [tilespmem:s22+$0xFFFFFE00]  }
0x10b: {  	v36 =	vld [tilespmem:s22+$0xFFFFFE10]  }
0x10c: {  	v37 =	vld [tilespmem:s22+$0xFFFFFE20]  }
0x10d: {  	v38 =	vld [tilespmem:s22+$0xFFFFFE30]  }
0x10e: {  	v39 =	vld [tilespmem:s22+$0xFFFFFE40]  }
0x10f: {  	v40 =	vld [tilespmem:s22+$0xFFFFFE50]  }
0x110: {  	v41 =	vld [tilespmem:s22+$0xFFFFFE60]  }
0x111: {  	v42 =	vld [tilespmem:s22+$0xFFFFFE70]  }
0x112: {  	v43 =	vld [tilespmem:s22+$0xFFFFFE80]  }
0x113: {  	v44 =	vld [tilespmem:s22+$0xFFFFFE90]  }
0x114: {  	v45 =	vld [tilespmem:s22+$0xFFFFFEA0]  }
0x115: {  	v46 =	vld [tilespmem:s22+$0xFFFFFEB0]  }
0x116: {  	v47 =	vld [tilespmem:s22+$0xFFFFFEC0]  }
0x117: {  	v48 =	vld [tilespmem:s22+$0xFFFFFED0]  }
0x118: {  	v49 =	vld [tilespmem:s22+$0xFFFFFEE0]  }
0x119: {  	v50 =	vld [tilespmem:s22+$0xFFFFFEF0]  }
0x11a: {  	v51 =	vld [tilespmem:s22+$0xFFFFFF50]  }
0x11b: {  	v2 =	vpsel !p0, $0x0, v2;
	v52 =	vld [tilespmem:s22+$0xFFFFFF60]  }
0x11c: {  	v61 =	vld [tilespmem:s22+$0xFFFFFF70];
	v35 =	vmax.f32 v35, v43;
	v36 =	vmax.f32 v36, v44;
	v37 =	vmax.f32 v37, v45  }
0x11d: {  	v62 =	vld [tilespmem:s22+$0xFFFFFFE0];
	v38 =	vmax.f32 v38, v46;
	v39 =	vmax.f32 v39, v47;
	v40 =	vmax.f32 v40, v48  }
0x11e: {  	v63 =	vld [tilespmem:s22+$0xFFFFFFF0];
	v41 =	vmax.f32 v41, v49;
	v42 =	vmax.f32 v42, v50;
	v35 =	vmax.f32 v35, v24  }
0x11f: {  	v36 =	vmax.f32 v36, v26;
	v37 =	vmax.f32 v37, v28;
	v38 =	vmax.f32 v38, v29;
	v24 =	vld [tilespmem:s22+$0x50]  }
0x120: {  	v39 =	vmax.f32 v39, v30;
	v40 =	vmax.f32 v40, v51;
	v41 =	vmax.f32 v41, v52;
	v26 =	vld [tilespmem:s22+$0x60]  }
0x121: {  	v42 =	vmax.f32 v42, v61;
	v28 =	vld [tilespmem:s22+$0x70];
	v29 =	vmax.f32 v35, v25;
	v30 =	vmax.f32 v36, v27  }
0x122: {  	v35 =	vmax.f32 v37, v31;
	v31 =	vmax.f32 v38, v32;
	v32 =	vmax.f32 v39, v33;
	v25 =	vld [tilespmem:s22+$0xD0]  }
0x123: {  	s24 =	simm.s32 $0x40;
	s23 =	simm.s32 $0x0;
	v36 =	vmax.f32 v40, v34;
	v33 =	vmax.f32 v41, v62;
	v34 =	vmax.f32 v42, v63;
	v27 =	vld [tilespmem:s22+$0xE0]  }
.LBB2_11:
0x124: {  	p0 =	sne.s32 s24, $0x7C0;
	v19 =	vmax.f32 v29, v19;
	v21 =	vmax.f32 v30, v21;
	v23 =	vmax.f32 v35, v23;
	v29 =	vld [tilespmem:s22+$0xF0]  }
0x125: {  	v20 =	vmax.f32 v31, v20;
	v22 =	vmax.f32 v32, v22;
	v24 =	vmax.f32 v36, v24;
	v30 =	vld [tilespmem:s22+$0x160]  }
0x126: {  	v26 =	vmax.f32 v33, v26;
	v17 =	vmax.f32 v19, v17;
	v28 =	vmax.f32 v34, v28;
	v19 =	vld [tilespmem:s22+$0x170]  }
0x127: {  	v14 =	vmax.f32 v21, v14;
	v16 =	vmax.f32 v23, v16;
	v18 =	vmax.f32 v20, v18;
	v20 =	vld [tilespmem:s22+$0x1D0]  }
0x128: {  	v15 =	vmax.f32 v22, v15;
	v21 =	vmax.f32 v24, v25;
	v22 =	vmax.f32 v26, v27;
	v23 =	vld [tilespmem:s22+$0x1E0]  }
0x129: {  	v8 =	vmax.f32 v17, v8;
	v10 =	vmax.f32 v14, v10;
	v24 =	vmax.f32 v28, v29;
	v14 =	vld [tilespmem:s22+$0x1F0];
	s22 =	sadd.s32 $0x400, s22  }
0x12a: {  	v9 =	vmax.f32 v16, v9;
	v11 =	vmax.f32 v18, v11;
	v13 =	vmax.f32 v15, v13;
	v17 =	vld [tilespmem:s22+$0x180]  }
0x12b: {  	v12 =	vmax.f32 v21, v12;
	v16 =	vmax.f32 v22, v30;
	v15 =	vld [tilespmem:s22+$0x190];
	v18 =	vmax.f32 v24, v19  }
0x12c: {  	v6 =	vmax.f32 v8, v6;
	v7 =	vmax.f32 v10, v7;
	v9 =	vmax.f32 v9, v3;
	v3 =	vld [tilespmem:s22+$0x1A0]  }
0x12d: {  	v10 =	vmax.f32 v11, v4;
	v11 =	vmax.f32 v13, v5;
	v12 =	vmax.f32 v12, v20;
	v4 =	vld [tilespmem:s22+$0x1B0]  }
0x12e: {  	v13 =	vmax.f32 v16, v23;
	v16 =	vmax.f32 v6, v7;
	v5 =	vld [tilespmem:s22+$0x1C0];
	v14 =	vmax.f32 v18, v14  }
0x12f: {  	v9 =	vmax.f32 v9, v10;
	v11 =	vmax.f32 v11, v12;
	v8 =	vld [tilespmem:s22+$0x100];
	v12 =	vmax.f32 v13, v14;
	v6 =	vmovc v17  }
0x130: {  	v13 =	vmax.f32 v16, v9;
	v10 =	vld [tilespmem:s22+$0x110];
	v11 =	vmax.f32 v11, v12;
	v7 =	vmov v15  }
0x131: {  	s25 =	sshra.s32 s23, $0x2;
	s23 =	smov.u32 s24;
	v9 =	vld [tilespmem:s22+$0x120];
	v12 =	vmax.f32 v13, v11  }
0x132: {  	v11 =	vld [tilespmem:s22+$0x130];
	[tilespmem:s25+$0x18000] =	vst v12  }
0x133: {  	v13 =	vld [tilespmem:s22+$0x140]  }
0x134: {  	v12 =	vld [tilespmem:s22+$0x150]  }
0x135: {  	v17 =	vld [tilespmem:s22+$0x80]  }
0x136: {  	v14 =	vld [tilespmem:s22+$0x90]  }
0x137: {  	v16 =	vld [tilespmem:s22+$0xA0]  }
0x138: {  	v18 =	vld [tilespmem:s22+$0xB0]  }
0x139: {  	v15 =	vld [tilespmem:s22+$0xC0]  }
0x13a: {  	v19 =	vld [tilespmem:s22+$0x0]  }
0x13b: {  	v21 =	vld [tilespmem:s22+$0x10]  }
0x13c: {  	v23 =	vld [tilespmem:s22+$0x20]  }
0x13d: {  	v20 =	vld [tilespmem:s22+$0x30]  }
0x13e: {  	v22 =	vld [tilespmem:s22+$0x40]  }
0x13f: {  	v25 =	vld [tilespmem:s22+$0xFFFFFF80]  }
0x140: {  	v27 =	vld [tilespmem:s22+$0xFFFFFF90]  }
0x141: {  	v31 =	vld [tilespmem:s22+$0xFFFFFFA0]  }
0x142: {  	v32 =	vld [tilespmem:s22+$0xFFFFFFB0]  }
0x143: {  	v33 =	vld [tilespmem:s22+$0xFFFFFFC0]  }
0x144: {  	v34 =	vld [tilespmem:s22+$0xFFFFFFD0]  }
0x145: {  	v24 =	vld [tilespmem:s22+$0xFFFFFF00]  }
0x146: {  	v26 =	vld [tilespmem:s22+$0xFFFFFF10]  }
0x147: {  	v28 =	vld [tilespmem:s22+$0xFFFFFF20]  }
0x148: {  	v29 =	vld [tilespmem:s22+$0xFFFFFF30]  }
0x149: {  	v30 =	vld [tilespmem:s22+$0xFFFFFF40]  }
0x14a: {  	v35 =	vld [tilespmem:s22+$0xFFFFFE00]  }
0x14b: {  	v36 =	vld [tilespmem:s22+$0xFFFFFE10]  }
0x14c: {  	v37 =	vld [tilespmem:s22+$0xFFFFFE20]  }
0x14d: {  	v38 =	vld [tilespmem:s22+$0xFFFFFE30]  }
0x14e: {  	v39 =	vld [tilespmem:s22+$0xFFFFFE40]  }
0x14f: {  	v40 =	vld [tilespmem:s22+$0xFFFFFE50]  }
0x150: {  	v41 =	vld [tilespmem:s22+$0xFFFFFE60]  }
0x151: {  	v42 =	vld [tilespmem:s22+$0xFFFFFE70]  }
0x152: {  	v43 =	vld [tilespmem:s22+$0xFFFFFE80]  }
0x153: {  	v44 =	vld [tilespmem:s22+$0xFFFFFE90]  }
0x154: {  	v45 =	vld [tilespmem:s22+$0xFFFFFEA0]  }
0x155: {  	v46 =	vld [tilespmem:s22+$0xFFFFFEB0]  }
0x156: {  	v47 =	vld [tilespmem:s22+$0xFFFFFEC0]  }
0x157: {  	v48 =	vld [tilespmem:s22+$0xFFFFFED0]  }
0x158: {  	v49 =	vld [tilespmem:s22+$0xFFFFFEE0]  }
0x159: {  	v50 =	vld [tilespmem:s22+$0xFFFFFEF0]  }
0x15a: {  	v51 =	vld [tilespmem:s22+$0xFFFFFF50]  }
0x15b: {  	v52 =	vld [tilespmem:s22+$0xFFFFFF60]  }
0x15c: {  	v35 =	vmax.f32 v35, v43;
	v36 =	vmax.f32 v36, v44;
	v37 =	vmax.f32 v37, v45;
	v43 =	vld [tilespmem:s22+$0xFFFFFF70]  }
0x15d: {  	v38 =	vmax.f32 v38, v46;
	v39 =	vmax.f32 v39, v47;
	v40 =	vmax.f32 v40, v48;
	v44 =	vld [tilespmem:s22+$0xFFFFFFE0]  }
0x15e: {  	v35 =	vmax.f32 v35, v24;
	v41 =	vmax.f32 v41, v49;
	v42 =	vmax.f32 v42, v50;
	v45 =	vld [tilespmem:s22+$0xFFFFFFF0]  }
.Ltmp4:
0x15f: {  	v36 =	vmax.f32 v36, v26;
	v37 =	vmax.f32 v37, v28;
	v38 =	vmax.f32 v38, v29;
	v24 =	vld [tilespmem:s22+$0x50];
	(pc) =	sbr.rel @p0 .LBB2_11-.Ltmp4, $4  }
0x160: {  	v39 =	vmax.f32 v39, v30;
	v40 =	vmax.f32 v40, v51;
	v41 =	vmax.f32 v41, v52;
	v26 =	vld [tilespmem:s22+$0x60]  }
0x161: {  	v29 =	vmax.f32 v35, v25;
	v30 =	vmax.f32 v36, v27;
	v42 =	vmax.f32 v42, v43;
	v28 =	vld [tilespmem:s22+$0x70]  }
0x162: {  	v35 =	vmax.f32 v37, v31;
	v31 =	vmax.f32 v38, v32;
	v32 =	vmax.f32 v39, v33;
	v25 =	vld [tilespmem:s22+$0xD0]  }
0x163: {  	s24 =	sadd.s32 $0x40, s24;
	v36 =	vmax.f32 v40, v34;
	v33 =	vmax.f32 v41, v44;
	v34 =	vmax.f32 v42, v45;
	v27 =	vld [tilespmem:s22+$0xE0]  }
0x164: {  	v19 =	vmax.f32 v29, v19;
	v21 =	vmax.f32 v30, v21;
	v23 =	vmax.f32 v35, v23;
	v50 =	vld [tilespmem:s22+$0xF0]  }
0x165: {  	v20 =	vmax.f32 v31, v20;
	v22 =	vmax.f32 v32, v22;
	v24 =	vmax.f32 v36, v24;
	v51 =	vld [tilespmem:s22+$0x160]  }
0x166: {  	v52 =	vld [tilespmem:s22+$0x170];
	v26 =	vmax.f32 v33, v26;
	v17 =	vmax.f32 v19, v17;
	v14 =	vmax.f32 v21, v14  }
0x167: {  	v53 =	vld [tilespmem:s22+$0x1D0];
	v16 =	vmax.f32 v23, v16;
	v18 =	vmax.f32 v20, v18;
	v15 =	vmax.f32 v22, v15  }
0x168: {  	v56 =	vld [tilespmem:s22+$0x1E0];
	v28 =	vmax.f32 v34, v28;
	v8 =	vmax.f32 v17, v8;
	v10 =	vmax.f32 v14, v10  }
0x169: {  	v58 =	vld [tilespmem:s22+$0x1F0];
	v9 =	vmax.f32 v16, v9;
	v11 =	vmax.f32 v18, v11;
	v13 =	vmax.f32 v15, v13  }
0x16a: {  	v54 =	vmax.f32 v24, v25;
	v6 =	vmax.f32 v8, v6;
	v7 =	vmax.f32 v10, v7  }
0x16b: {  	v3 =	vmax.f32 v9, v3;
	v4 =	vmax.f32 v11, v4;
	v5 =	vmax.f32 v13, v5  }
0x16c: {  	v55 =	vmax.f32 v26, v27;
	v12 =	vmax.f32 v54, v12;
	v57 =	vmax.f32 v28, v50  }
0x16d: {  	v6 =	vmax.f32 v6, v7;
	v59 =	vmax.f32 v55, v51;
	v60 =	vmax.f32 v57, v52  }
0x16e: {  	v61 =	vmax.f32 v12, v53;
	v62 =	vmax.f32 v59, v56;
	v63 =	vmax.f32 v60, v58  }
0x16f: {  	v3 =	vmax.f32 v3, v4;
	v4 =	vmax.f32 v5, v61;
	v5 =	vmax.f32 v62, v63  }
0x170: {  	v3 =	vmax.f32 v6, v3;
	v4 =	vmax.f32 v4, v5  }
0x171: {  	s30 =	sshra.s32 s23, $0x2;
	v3 =	vmax.f32 v3, v4  }
0x172: {  	s31 =	simm.s32 $0x0;
	[tilespmem:s30+$0x18000] =	vst v3  }
0x173: {  	s22 =	simm.s32 $0x40;
	v3 =	vimm.f32 $-Inf;
	v4 =	vld [tilespmem:s31+$0x18000]  }
.LBB2_13:
0x174: {  	p0 =	sne.s32 s22, $0x7C0  }
.Ltmp5:
0x175: {  	_ = 	snop;
	(pc) =	sbr.rel @p0 .LBB2_13-.Ltmp5, $3  }
0x176: {  	_ =	sdelay $0x1  }
0x177: {  	s23 =	sshra.s32 s22, $0x2;
	s22 =	sadd.s32 $0x40, s22;
	v3 =	vmax.f32 v3, v4  }
0x178: {  	v4 =	vld [tilespmem:s23+$0x18000]  }
0x179: {  	_ =	sdelay $0x3  }
0x17a: {  	v3 =	vmax.f32 v3, v4  }
0x17b: {  	(xrf0) =	vmax.scan.msk.f32 $0xffff, v3;
	_ =	sdelay $0x2  }
0x17c: {  	s22 =	simm.s32 $0x18000  }
0x17d: {  	v6 =	vld [tilespmem:s22+$0x0];
	_ =	sdelay $0x1  }
0x17e: {  	v3, _, _ =	vpop (xrf0)  }
0x17f: {  	v3 =	vbroadcast v3, $0xF  }
0x180: {  	s23 =	simm.s32 $0x0  }
0x181: {  	s22 =	simm.s32 $0x1;
	v5 =	vmov s23;
	s23 =	simm.s32 $0x18010;
	v4 =	vimm.s32 $0x40000000;
	vm0 =	veq.f32 v6, v3  }
.LBB2_15:
0x182: {  	v6 =	vld [tilespmem:s23+$0x0];
	p0 =	sne.s32 s22, $0x1F;
	v5 =	vnsel vm0, $0x40000000, v5;
	s24 =	smov.u32 s22;
	s22 =	sadd.s32 $0x1, s22  }
.Ltmp6:
0x183: {  	vm0 =	vlt.s32 v4, v5;
	(pc) =	sbr.rel @p0 .LBB2_15-.Ltmp6, $2  }
0x184: {  	v4 =	vsel vm0, v4, v5;
	_ =	sdelay $0x2  }
0x185: {  	s23 =	sadd.s32 $0x10, s23;
	v5 =	vmov s24;
	vm0 =	veq.f32 v6, v3  }
0x186: {  	v5 =	vnsel vm0, $0x40000000, v5  }
0x187: {  	vm0 =	vlt.s32 v4, v5  }
0x188: {  	v4 =	vsel vm0, v4, v5  }
0x189: {  	v4 =	vxor.u32 $0x80000000, v4  }
0x18a: {  	(xrf0) =	vmin.scan.msk.u32 $0xffff, v4;
	_ =	sdelay $0x5  }
0x18b: {  	v4, _, _ =	vpop (xrf0)  }
0x18c: {  	(v2sf) =	vpush v4, $0xF;
	_ =	sdelay $0xe  }
0x18d: {  	s22 =	spop (v2sf)  }
0x18e: {  	s24 =	simm.s32 $0x0;
	s22 =	sshll.u32 s22, $0xA  }
0x18f: {  	s25 =	sand.u32 $0x380, s24;
	s23 =	sadd.s32 $0x8000, s22  }
0x190: {  	s24 =	sand.u32 $0x60, s24;
	s25 =	sadd.s32 s25, s23  }
0x191: {  	s24 =	sadd.s32 s24, s25  }
0x192: {  	v5 =	vld [tilespmem:s24+$0x0]  }
0x193: {  	v6 =	vld [tilespmem:s24+$0x10]  }
0x194: {  	s24 =	simm.s32 $0x20  }
0x195: {  	s26 =	simm.s32 $0x0;
	s30 =	sand.u32 $0x380, s24  }
0x196: {  	v7 =	vmov s26;
	s28 =	sand.u32 $0x60, s24;
	s25 =	sadd.s32 s30, s23  }
0x197: {  	v8 =	vor.u32 $0x1, v7;
	s31 =	sadd.s32 s28, s25;
	vm0 =	veq.f32 v5, v3  }
0x198: {  	v4 =	vimm.s32 $0x40000000;
	v5 =	vld [tilespmem:s31+$0x0];
	vm1 =	veq.f32 v6, v3;
	v9 =	vnsel vm0, $0x40000000, v7  }
0x199: {  	s26 =	simm.s32 $0x2;
	s25 =	simm.s32 $0x2;
	v6 =	vimm.s32 $0x40000000;
	v7 =	vld [tilespmem:s31+$0x10];
	v8 =	vnsel vm1, $0x40000000, v8;
	vm0 =	vlt.s32 v4, v9  }
.LBB2_17:
0x19a: {  	s25 =	sadd.s32 $0x2, s25  }
0x19b: {  	s24 =	sadd.s32 $0x20, s24;
	v4 =	vsel vm0, v4, v9;
	vm0 =	vlt.s32 v6, v8;
	p0 =	slt.u32 s25, $0x3E  }
.Ltmp7:
0x19c: {  	s28 =	sand.u32 $0x380, s24;
	v6 =	vsel vm0, v6, v8;
	(pc) =	sbr.rel @p0 .LBB2_17-.Ltmp7, $4  }
0x19d: {  	s29 =	sand.u32 $0x60, s24;
	v8 =	vmov s26;
	s26 =	smov.u32 s25;
	s28 =	sadd.s32 s28, s23  }
0x19e: {  	v10 =	vor.u32 $0x1, v8;
	s28 =	sadd.s32 s29, s28;
	vm0 =	veq.f32 v5, v3  }
0x19f: {  	v5 =	vld [tilespmem:s28+$0x0];
	v9 =	vnsel vm0, $0x40000000, v8;
	vm1 =	veq.f32 v7, v3  }
0x1a0: {  	v7 =	vld [tilespmem:s28+$0x10];
	vm0 =	vlt.s32 v4, v9;
	v8 =	vnsel vm1, $0x40000000, v10  }
0x1a1: {  	_ =	sdelay $0x2  }
0x1a2: {  	v4 =	vsel vm0, v4, v9;
	vm12 =	vlt.s32 v6, v8;
	v9 =	vmov s26  }
0x1a3: {  	vm1 =	veq.f32 v5, v3;
	v5 =	vor.u32 $0x1, v9;
	vm2 =	veq.f32 v7, v3  }
0x1a4: {  	v3 =	vsel vm12, v6, v8;
	v6 =	vnsel vm1, $0x40000000, v9;
	v5 =	vnsel vm2, $0x40000000, v5  }
0x1a5: {  	vm13 =	vlt.s32 v4, v6;
	vm14 =	vlt.s32 v3, v5  }
0x1a6: {  	v4 =	vsel vm13, v4, v6;
	v3 =	vsel vm14, v3, v5  }
0x1a7: {  	vm0 =	vlt.s32 v4, v3  }
0x1a8: {  	v3 =	vsel vm0, v4, v3  }
0x1a9: {  	v4 =	vshll.u32 v3, $0x4  }
0x1aa: {  	vm0 =	veq.s32 v3, $0x40000000;
	v3 =	vxor.u32 v1, v4  }
0x1ab: {  	v3 =	vsel vm0, $0xC0000000, v3  }
0x1ac: {  	(xrf0) =	vmin.scan.msk.u32 $0xffff, v3;
	_ =	sdelay $0x5  }
0x1ad: {  	v3, _, _ =	vpop (xrf0)  }
0x1ae: {  	(v2sf) =	vpush v3, $0xF;
	_ =	sdelay $0xc  }
0x1af: {  	s23 =	sadd.s32 $0x1, s21  }
0x1b0: {  	s24 =	sadd.s32 s23, s7  }
0x1b1: {  	s31 =	sand.u32 $0xF, s23;
	s29 =	sshll.u32 s24, $0x4;
	s25 =	spop (v2sf)  }
0x1b2: {  	s24 =	sshll.u32 s24, $0xC;
	s30 =	sand.u32 $0x70, s29;
	s22 =	sadd.s32 s25, s22  }
0x1b3: {  	s24 =	sand.u32 $0xFFF8000, s24;
	s25 =	sadd.s32 s2, s30;
	s22 =	sadd.s32 $0x80000000, s22  }
0x1b4: {  	p0 =	sne.s32 s31, $0xF;
	v3 =	vmov s31;
	s24 =	sadd.s32 s24, s25;
	s22 =	scvt.s32.f32 s22  }
0x1b5: {  	vm15 =	veq.s32 v3, v0;
	[tilespmem:s12], [sflag:$0x2] =	stream.strided.gather [hbm4b:s24+s10], $0x8000, s11, s10, $0x38;
	[tilespmem:$0x18280] =	vst v63  }
0x1b6: {  	v2 =	vsel vm15, s22, v2;
	s22 =	sand.u32 @!p0 $0x70, s23  }
0x1b7: {  	[tilespmem:s22+$0x18200] =	vst @!p0 v2  }
0x1b8: {  	_ =	swait.ge [sflag:s16], $0x8000  }
0x1b9: {  	[sflag:s16] =	ssyncset.done $0x0  }
0x1ba: {  	s22 =	simm.s32 $0x10200;
	[sflag:s16] =	ssyncadd.s32 $0xFFFF8000  }
0x1bb: {  	v6 =	vld [tilespmem:s22+$0x180]  }
0x1bc: {  	v7 =	vld [tilespmem:s22+$0x190]  }
0x1bd: {  	v3 =	vld [tilespmem:s22+$0x1A0]  }
0x1be: {  	v4 =	vld [tilespmem:s22+$0x1B0]  }
0x1bf: {  	v5 =	vld [tilespmem:s22+$0x1C0]  }
0x1c0: {  	v8 =	vld [tilespmem:s22+$0x100]  }
0x1c1: {  	v10 =	vld [tilespmem:s22+$0x110]  }
0x1c2: {  	v9 =	vld [tilespmem:s22+$0x120]  }
0x1c3: {  	v11 =	vld [tilespmem:s22+$0x130]  }
0x1c4: {  	v13 =	vld [tilespmem:s22+$0x140]  }
0x1c5: {  	v12 =	vld [tilespmem:s22+$0x150]  }
0x1c6: {  	v17 =	vld [tilespmem:s22+$0x80]  }
0x1c7: {  	v14 =	vld [tilespmem:s22+$0x90]  }
0x1c8: {  	v16 =	vld [tilespmem:s22+$0xA0]  }
0x1c9: {  	v18 =	vld [tilespmem:s22+$0xB0]  }
0x1ca: {  	v15 =	vld [tilespmem:s22+$0xC0]  }
0x1cb: {  	v19 =	vld [tilespmem:s22+$0x0]  }
0x1cc: {  	v21 =	vld [tilespmem:s22+$0x10]  }
0x1cd: {  	v23 =	vld [tilespmem:s22+$0x20]  }
0x1ce: {  	v20 =	vld [tilespmem:s22+$0x30]  }
0x1cf: {  	v22 =	vld [tilespmem:s22+$0x40]  }
0x1d0: {  	v25 =	vld [tilespmem:s22+$0xFFFFFF80]  }
0x1d1: {  	v27 =	vld [tilespmem:s22+$0xFFFFFF90]  }
0x1d2: {  	v31 =	vld [tilespmem:s22+$0xFFFFFFA0]  }
0x1d3: {  	v32 =	vld [tilespmem:s22+$0xFFFFFFB0]  }
0x1d4: {  	v33 =	vld [tilespmem:s22+$0xFFFFFFC0]  }
0x1d5: {  	v34 =	vld [tilespmem:s22+$0xFFFFFFD0]  }
0x1d6: {  	v24 =	vld [tilespmem:s22+$0xFFFFFF00]  }
0x1d7: {  	v26 =	vld [tilespmem:s22+$0xFFFFFF10]  }
0x1d8: {  	v28 =	vld [tilespmem:s22+$0xFFFFFF20]  }
0x1d9: {  	v29 =	vld [tilespmem:s22+$0xFFFFFF30]  }
0x1da: {  	v30 =	vld [tilespmem:s22+$0xFFFFFF40]  }
0x1db: {  	v35 =	vld [tilespmem:s22+$0xFFFFFE00]  }
0x1dc: {  	v36 =	vld [tilespmem:s22+$0xFFFFFE10]  }
0x1dd: {  	v37 =	vld [tilespmem:s22+$0xFFFFFE20]  }
0x1de: {  	v38 =	vld [tilespmem:s22+$0xFFFFFE30]  }
0x1df: {  	v39 =	vld [tilespmem:s22+$0xFFFFFE40]  }
0x1e0: {  	v40 =	vld [tilespmem:s22+$0xFFFFFE50]  }
0x1e1: {  	v41 =	vld [tilespmem:s22+$0xFFFFFE60]  }
0x1e2: {  	v42 =	vld [tilespmem:s22+$0xFFFFFE70]  }
0x1e3: {  	v43 =	vld [tilespmem:s22+$0xFFFFFE80]  }
0x1e4: {  	v44 =	vld [tilespmem:s22+$0xFFFFFE90]  }
0x1e5: {  	v45 =	vld [tilespmem:s22+$0xFFFFFEA0]  }
0x1e6: {  	v46 =	vld [tilespmem:s22+$0xFFFFFEB0]  }
0x1e7: {  	v47 =	vld [tilespmem:s22+$0xFFFFFEC0]  }
0x1e8: {  	v48 =	vld [tilespmem:s22+$0xFFFFFED0]  }
0x1e9: {  	v49 =	vld [tilespmem:s22+$0xFFFFFEE0]  }
0x1ea: {  	v50 =	vld [tilespmem:s22+$0xFFFFFEF0]  }
0x1eb: {  	v51 =	vld [tilespmem:s22+$0xFFFFFF50]  }
0x1ec: {  	v2 =	vpsel !p0, $0x0, v2;
	v52 =	vld [tilespmem:s22+$0xFFFFFF60]  }
0x1ed: {  	v61 =	vld [tilespmem:s22+$0xFFFFFF70];
	v35 =	vmax.f32 v35, v43;
	v36 =	vmax.f32 v36, v44;
	v37 =	vmax.f32 v37, v45  }
0x1ee: {  	v62 =	vld [tilespmem:s22+$0xFFFFFFE0];
	v38 =	vmax.f32 v38, v46;
	v39 =	vmax.f32 v39, v47;
	v40 =	vmax.f32 v40, v48  }
0x1ef: {  	v63 =	vld [tilespmem:s22+$0xFFFFFFF0];
	v41 =	vmax.f32 v41, v49;
	v42 =	vmax.f32 v42, v50;
	v35 =	vmax.f32 v35, v24  }
0x1f0: {  	v36 =	vmax.f32 v36, v26;
	v37 =	vmax.f32 v37, v28;
	v38 =	vmax.f32 v38, v29;
	v24 =	vld [tilespmem:s22+$0x50]  }
0x1f1: {  	v39 =	vmax.f32 v39, v30;
	v40 =	vmax.f32 v40, v51;
	v41 =	vmax.f32 v41, v52;
	v26 =	vld [tilespmem:s22+$0x60]  }
0x1f2: {  	v42 =	vmax.f32 v42, v61;
	v28 =	vld [tilespmem:s22+$0x70];
	v29 =	vmax.f32 v35, v25;
	v30 =	vmax.f32 v36, v27  }
0x1f3: {  	v35 =	vmax.f32 v37, v31;
	v31 =	vmax.f32 v38, v32;
	v32 =	vmax.f32 v39, v33;
	v25 =	vld [tilespmem:s22+$0xD0]  }
0x1f4: {  	s24 =	simm.s32 $0x40;
	s23 =	simm.s32 $0x0;
	v36 =	vmax.f32 v40, v34;
	v33 =	vmax.f32 v41, v62;
	v34 =	vmax.f32 v42, v63;
	v27 =	vld [tilespmem:s22+$0xE0]  }
.LBB2_19:
0x1f5: {  	p0 =	sne.s32 s24, $0x7C0;
	v19 =	vmax.f32 v29, v19;
	v21 =	vmax.f32 v30, v21;
	v23 =	vmax.f32 v35, v23;
	v29 =	vld [tilespmem:s22+$0xF0]  }
0x1f6: {  	v20 =	vmax.f32 v31, v20;
	v22 =	vmax.f32 v32, v22;
	v24 =	vmax.f32 v36, v24;
	v30 =	vld [tilespmem:s22+$0x160]  }
0x1f7: {  	v26 =	vmax.f32 v33, v26;
	v17 =	vmax.f32 v19, v17;
	v28 =	vmax.f32 v34, v28;
	v19 =	vld [tilespmem:s22+$0x170]  }
0x1f8: {  	v14 =	vmax.f32 v21, v14;
	v16 =	vmax.f32 v23, v16;
	v18 =	vmax.f32 v20, v18;
	v20 =	vld [tilespmem:s22+$0x1D0]  }
0x1f9: {  	v15 =	vmax.f32 v22, v15;
	v21 =	vmax.f32 v24, v25;
	v22 =	vmax.f32 v26, v27;
	v23 =	vld [tilespmem:s22+$0x1E0]  }
0x1fa: {  	v8 =	vmax.f32 v17, v8;
	v10 =	vmax.f32 v14, v10;
	v24 =	vmax.f32 v28, v29;
	v14 =	vld [tilespmem:s22+$0x1F0];
	s22 =	sadd.s32 $0x400, s22  }
0x1fb: {  	v9 =	vmax.f32 v16, v9;
	v11 =	vmax.f32 v18, v11;
	v13 =	vmax.f32 v15, v13;
	v17 =	vld [tilespmem:s22+$0x180]  }
0x1fc: {  	v12 =	vmax.f32 v21, v12;
	v16 =	vmax.f32 v22, v30;
	v15 =	vld [tilespmem:s22+$0x190];
	v18 =	vmax.f32 v24, v19  }
0x1fd: {  	v6 =	vmax.f32 v8, v6;
	v7 =	vmax.f32 v10, v7;
	v9 =	vmax.f32 v9, v3;
	v3 =	vld [tilespmem:s22+$0x1A0]  }
0x1fe: {  	v10 =	vmax.f32 v11, v4;
	v11 =	vmax.f32 v13, v5;
	v12 =	vmax.f32 v12, v20;
	v4 =	vld [tilespmem:s22+$0x1B0]  }
0x1ff: {  	v13 =	vmax.f32 v16, v23;
	v16 =	vmax.f32 v6, v7;
	v5 =	vld [tilespmem:s22+$0x1C0];
	v14 =	vmax.f32 v18, v14  }
0x200: {  	v9 =	vmax.f32 v9, v10;
	v11 =	vmax.f32 v11, v12;
	v8 =	vld [tilespmem:s22+$0x100];
	v12 =	vmax.f32 v13, v14;
	v6 =	vmovc v17  }
0x201: {  	v13 =	vmax.f32 v16, v9;
	v10 =	vld [tilespmem:s22+$0x110];
	v11 =	vmax.f32 v11, v12;
	v7 =	vmov v15  }
0x202: {  	s25 =	sshra.s32 s23, $0x2;
	s23 =	smov.u32 s24;
	v9 =	vld [tilespmem:s22+$0x120];
	v12 =	vmax.f32 v13, v11  }
0x203: {  	v11 =	vld [tilespmem:s22+$0x130];
	[tilespmem:s25+$0x18000] =	vst v12  }
0x204: {  	v13 =	vld [tilespmem:s22+$0x140]  }
0x205: {  	v12 =	vld [tilespmem:s22+$0x150]  }
0x206: {  	v17 =	vld [tilespmem:s22+$0x80]  }
0x207: {  	v14 =	vld [tilespmem:s22+$0x90]  }
0x208: {  	v16 =	vld [tilespmem:s22+$0xA0]  }
0x209: {  	v18 =	vld [tilespmem:s22+$0xB0]  }
0x20a: {  	v15 =	vld [tilespmem:s22+$0xC0]  }
0x20b: {  	v19 =	vld [tilespmem:s22+$0x0]  }
0x20c: {  	v21 =	vld [tilespmem:s22+$0x10]  }
0x20d: {  	v23 =	vld [tilespmem:s22+$0x20]  }
0x20e: {  	v20 =	vld [tilespmem:s22+$0x30]  }
0x20f: {  	v22 =	vld [tilespmem:s22+$0x40]  }
0x210: {  	v25 =	vld [tilespmem:s22+$0xFFFFFF80]  }
0x211: {  	v27 =	vld [tilespmem:s22+$0xFFFFFF90]  }
0x212: {  	v31 =	vld [tilespmem:s22+$0xFFFFFFA0]  }
0x213: {  	v32 =	vld [tilespmem:s22+$0xFFFFFFB0]  }
0x214: {  	v33 =	vld [tilespmem:s22+$0xFFFFFFC0]  }
0x215: {  	v34 =	vld [tilespmem:s22+$0xFFFFFFD0]  }
0x216: {  	v24 =	vld [tilespmem:s22+$0xFFFFFF00]  }
0x217: {  	v26 =	vld [tilespmem:s22+$0xFFFFFF10]  }
0x218: {  	v28 =	vld [tilespmem:s22+$0xFFFFFF20]  }
0x219: {  	v29 =	vld [tilespmem:s22+$0xFFFFFF30]  }
0x21a: {  	v30 =	vld [tilespmem:s22+$0xFFFFFF40]  }
0x21b: {  	v35 =	vld [tilespmem:s22+$0xFFFFFE00]  }
0x21c: {  	v36 =	vld [tilespmem:s22+$0xFFFFFE10]  }
0x21d: {  	v37 =	vld [tilespmem:s22+$0xFFFFFE20]  }
0x21e: {  	v38 =	vld [tilespmem:s22+$0xFFFFFE30]  }
0x21f: {  	v39 =	vld [tilespmem:s22+$0xFFFFFE40]  }
0x220: {  	v40 =	vld [tilespmem:s22+$0xFFFFFE50]  }
0x221: {  	v41 =	vld [tilespmem:s22+$0xFFFFFE60]  }
0x222: {  	v42 =	vld [tilespmem:s22+$0xFFFFFE70]  }
0x223: {  	v43 =	vld [tilespmem:s22+$0xFFFFFE80]  }
0x224: {  	v44 =	vld [tilespmem:s22+$0xFFFFFE90]  }
0x225: {  	v45 =	vld [tilespmem:s22+$0xFFFFFEA0]  }
0x226: {  	v46 =	vld [tilespmem:s22+$0xFFFFFEB0]  }
0x227: {  	v47 =	vld [tilespmem:s22+$0xFFFFFEC0]  }
0x228: {  	v48 =	vld [tilespmem:s22+$0xFFFFFED0]  }
0x229: {  	v49 =	vld [tilespmem:s22+$0xFFFFFEE0]  }
0x22a: {  	v50 =	vld [tilespmem:s22+$0xFFFFFEF0]  }
0x22b: {  	v51 =	vld [tilespmem:s22+$0xFFFFFF50]  }
0x22c: {  	v52 =	vld [tilespmem:s22+$0xFFFFFF60]  }
0x22d: {  	v35 =	vmax.f32 v35, v43;
	v36 =	vmax.f32 v36, v44;
	v37 =	vmax.f32 v37, v45;
	v43 =	vld [tilespmem:s22+$0xFFFFFF70]  }
0x22e: {  	v38 =	vmax.f32 v38, v46;
	v39 =	vmax.f32 v39, v47;
	v40 =	vmax.f32 v40, v48;
	v44 =	vld [tilespmem:s22+$0xFFFFFFE0]  }
0x22f: {  	v35 =	vmax.f32 v35, v24;
	v41 =	vmax.f32 v41, v49;
	v42 =	vmax.f32 v42, v50;
	v45 =	vld [tilespmem:s22+$0xFFFFFFF0]  }
.Ltmp8:
0x230: {  	v36 =	vmax.f32 v36, v26;
	v37 =	vmax.f32 v37, v28;
	v38 =	vmax.f32 v38, v29;
	v24 =	vld [tilespmem:s22+$0x50];
	(pc) =	sbr.rel @p0 .LBB2_19-.Ltmp8, $4  }
0x231: {  	v39 =	vmax.f32 v39, v30;
	v40 =	vmax.f32 v40, v51;
	v41 =	vmax.f32 v41, v52;
	v26 =	vld [tilespmem:s22+$0x60]  }
0x232: {  	v29 =	vmax.f32 v35, v25;
	v30 =	vmax.f32 v36, v27;
	v42 =	vmax.f32 v42, v43;
	v28 =	vld [tilespmem:s22+$0x70]  }
0x233: {  	v35 =	vmax.f32 v37, v31;
	v31 =	vmax.f32 v38, v32;
	v32 =	vmax.f32 v39, v33;
	v25 =	vld [tilespmem:s22+$0xD0]  }
0x234: {  	s24 =	sadd.s32 $0x40, s24;
	v36 =	vmax.f32 v40, v34;
	v33 =	vmax.f32 v41, v44;
	v34 =	vmax.f32 v42, v45;
	v27 =	vld [tilespmem:s22+$0xE0]  }
0x235: {  	v19 =	vmax.f32 v29, v19;
	v21 =	vmax.f32 v30, v21;
	v23 =	vmax.f32 v35, v23;
	v50 =	vld [tilespmem:s22+$0xF0]  }
0x236: {  	v20 =	vmax.f32 v31, v20;
	v22 =	vmax.f32 v32, v22;
	v24 =	vmax.f32 v36, v24;
	v51 =	vld [tilespmem:s22+$0x160]  }
0x237: {  	v52 =	vld [tilespmem:s22+$0x170];
	v26 =	vmax.f32 v33, v26;
	v17 =	vmax.f32 v19, v17;
	v14 =	vmax.f32 v21, v14  }
0x238: {  	v53 =	vld [tilespmem:s22+$0x1D0];
	v16 =	vmax.f32 v23, v16;
	v18 =	vmax.f32 v20, v18;
	v15 =	vmax.f32 v22, v15  }
0x239: {  	v56 =	vld [tilespmem:s22+$0x1E0];
	v28 =	vmax.f32 v34, v28;
	v8 =	vmax.f32 v17, v8;
	v10 =	vmax.f32 v14, v10  }
0x23a: {  	v58 =	vld [tilespmem:s22+$0x1F0];
	v9 =	vmax.f32 v16, v9;
	v11 =	vmax.f32 v18, v11;
	v13 =	vmax.f32 v15, v13  }
0x23b: {  	v54 =	vmax.f32 v24, v25;
	v6 =	vmax.f32 v8, v6;
	v7 =	vmax.f32 v10, v7  }
0x23c: {  	v3 =	vmax.f32 v9, v3;
	v4 =	vmax.f32 v11, v4;
	v5 =	vmax.f32 v13, v5  }
0x23d: {  	v55 =	vmax.f32 v26, v27;
	v12 =	vmax.f32 v54, v12;
	v57 =	vmax.f32 v28, v50  }
0x23e: {  	v6 =	vmax.f32 v6, v7;
	v59 =	vmax.f32 v55, v51;
	v60 =	vmax.f32 v57, v52  }
0x23f: {  	v61 =	vmax.f32 v12, v53;
	v62 =	vmax.f32 v59, v56;
	v63 =	vmax.f32 v60, v58  }
0x240: {  	v3 =	vmax.f32 v3, v4;
	v4 =	vmax.f32 v5, v61;
	v5 =	vmax.f32 v62, v63  }
0x241: {  	v3 =	vmax.f32 v6, v3;
	v4 =	vmax.f32 v4, v5  }
0x242: {  	s30 =	sshra.s32 s23, $0x2;
	v3 =	vmax.f32 v3, v4  }
0x243: {  	s31 =	simm.s32 $0x0;
	[tilespmem:s30+$0x18000] =	vst v3  }
0x244: {  	s22 =	simm.s32 $0x40;
	v3 =	vimm.f32 $-Inf;
	v4 =	vld [tilespmem:s31+$0x18000]  }
.LBB2_21:
0x245: {  	p0 =	sne.s32 s22, $0x7C0  }
.Ltmp9:
0x246: {  	_ = 	snop;
	(pc) =	sbr.rel @p0 .LBB2_21-.Ltmp9, $3  }
0x247: {  	_ =	sdelay $0x1  }
0x248: {  	s23 =	sshra.s32 s22, $0x2;
	s22 =	sadd.s32 $0x40, s22;
	v3 =	vmax.f32 v3, v4  }
0x249: {  	v4 =	vld [tilespmem:s23+$0x18000]  }
0x24a: {  	_ =	sdelay $0x3  }
0x24b: {  	v3 =	vmax.f32 v3, v4  }
0x24c: {  	(xrf0) =	vmax.scan.msk.f32 $0xffff, v3;
	_ =	sdelay $0x2  }
0x24d: {  	s22 =	simm.s32 $0x18000  }
0x24e: {  	v6 =	vld [tilespmem:s22+$0x0];
	_ =	sdelay $0x1  }
0x24f: {  	v3, _, _ =	vpop (xrf0)  }
0x250: {  	v3 =	vbroadcast v3, $0xF  }
0x251: {  	s23 =	simm.s32 $0x0  }
0x252: {  	s22 =	simm.s32 $0x1;
	v5 =	vmov s23;
	s23 =	simm.s32 $0x18010;
	v4 =	vimm.s32 $0x40000000;
	vm0 =	veq.f32 v6, v3  }
.LBB2_23:
0x253: {  	v6 =	vld [tilespmem:s23+$0x0];
	p0 =	sne.s32 s22, $0x1F;
	v5 =	vnsel vm0, $0x40000000, v5;
	s24 =	smov.u32 s22;
	s22 =	sadd.s32 $0x1, s22  }
.Ltmp10:
0x254: {  	vm0 =	vlt.s32 v4, v5;
	(pc) =	sbr.rel @p0 .LBB2_23-.Ltmp10, $2  }
0x255: {  	v4 =	vsel vm0, v4, v5;
	_ =	sdelay $0x2  }
0x256: {  	s23 =	sadd.s32 $0x10, s23;
	v5 =	vmov s24;
	vm0 =	veq.f32 v6, v3  }
0x257: {  	v5 =	vnsel vm0, $0x40000000, v5  }
0x258: {  	vm0 =	vlt.s32 v4, v5  }
0x259: {  	v4 =	vsel vm0, v4, v5  }
0x25a: {  	v4 =	vxor.u32 $0x80000000, v4  }
0x25b: {  	(xrf0) =	vmin.scan.msk.u32 $0xffff, v4;
	_ =	sdelay $0x5  }
0x25c: {  	v4, _, _ =	vpop (xrf0)  }
0x25d: {  	(v2sf) =	vpush v4, $0xF;
	_ =	sdelay $0xe  }
0x25e: {  	s22 =	spop (v2sf)  }
0x25f: {  	s24 =	simm.s32 $0x0;
	s22 =	sshll.u32 s22, $0xA  }
0x260: {  	s25 =	sand.u32 $0x380, s24;
	s23 =	sadd.s32 $0x10000, s22  }
0x261: {  	s24 =	sand.u32 $0x60, s24;
	s25 =	sadd.s32 s25, s23  }
0x262: {  	s24 =	sadd.s32 s24, s25  }
0x263: {  	v5 =	vld [tilespmem:s24+$0x0]  }
0x264: {  	v6 =	vld [tilespmem:s24+$0x10]  }
0x265: {  	s24 =	simm.s32 $0x20  }
0x266: {  	s26 =	simm.s32 $0x0;
	s30 =	sand.u32 $0x380, s24  }
0x267: {  	v7 =	vmov s26;
	s28 =	sand.u32 $0x60, s24;
	s25 =	sadd.s32 s30, s23  }
0x268: {  	v8 =	vor.u32 $0x1, v7;
	s31 =	sadd.s32 s28, s25;
	vm0 =	veq.f32 v5, v3  }
0x269: {  	v4 =	vimm.s32 $0x40000000;
	v5 =	vld [tilespmem:s31+$0x0];
	vm1 =	veq.f32 v6, v3;
	v9 =	vnsel vm0, $0x40000000, v7  }
0x26a: {  	s26 =	simm.s32 $0x2;
	s25 =	simm.s32 $0x2;
	v6 =	vimm.s32 $0x40000000;
	v7 =	vld [tilespmem:s31+$0x10];
	v8 =	vnsel vm1, $0x40000000, v8;
	vm0 =	vlt.s32 v4, v9  }
.LBB2_25:
0x26b: {  	s25 =	sadd.s32 $0x2, s25  }
0x26c: {  	s24 =	sadd.s32 $0x20, s24;
	v4 =	vsel vm0, v4, v9;
	vm0 =	vlt.s32 v6, v8;
	p0 =	slt.u32 s25, $0x3E  }
.Ltmp11:
0x26d: {  	s28 =	sand.u32 $0x380, s24;
	v6 =	vsel vm0, v6, v8;
	(pc) =	sbr.rel @p0 .LBB2_25-.Ltmp11, $4  }
0x26e: {  	s29 =	sand.u32 $0x60, s24;
	v8 =	vmov s26;
	s26 =	smov.u32 s25;
	s28 =	sadd.s32 s28, s23  }
0x26f: {  	v10 =	vor.u32 $0x1, v8;
	s28 =	sadd.s32 s29, s28;
	vm0 =	veq.f32 v5, v3  }
0x270: {  	v5 =	vld [tilespmem:s28+$0x0];
	v9 =	vnsel vm0, $0x40000000, v8;
	vm1 =	veq.f32 v7, v3  }
0x271: {  	v7 =	vld [tilespmem:s28+$0x10];
	vm0 =	vlt.s32 v4, v9;
	v8 =	vnsel vm1, $0x40000000, v10  }
0x272: {  	_ =	sdelay $0x2  }
0x273: {  	v4 =	vsel vm0, v4, v9;
	vm12 =	vlt.s32 v6, v8;
	v61 =	vmov s26  }
0x274: {  	vm1 =	veq.f32 v5, v3;
	vm2 =	veq.f32 v7, v3;
	v3 =	vor.u32 $0x1, v61  }
0x275: {  	v62 =	vsel vm12, v6, v8;
	v63 =	vnsel vm1, $0x40000000, v61;
	v3 =	vnsel vm2, $0x40000000, v3  }
0x276: {  	vm13 =	vlt.s32 v4, v63;
	vm14 =	vlt.s32 v62, v3  }
0x277: {  	v4 =	vsel vm13, v4, v63;
	v3 =	vsel vm14, v62, v3  }
0x278: {  	vm0 =	vlt.s32 v4, v3  }
0x279: {  	v3 =	vsel vm0, v4, v3  }
0x27a: {  	v4 =	vshll.u32 v3, $0x4  }
0x27b: {  	vm0 =	veq.s32 v3, $0x40000000;
	v3 =	vxor.u32 v1, v4  }
0x27c: {  	v3 =	vsel vm0, $0xC0000000, v3  }
0x27d: {  	(xrf0) =	vmin.scan.msk.u32 $0xffff, v3;
	_ =	sdelay $0x5  }
0x27e: {  	v3, _, _ =	vpop (xrf0)  }
0x27f: {  	(v2sf) =	vpush v3, $0xF;
	_ =	sdelay $0x9  }
0x280: {  	s21 =	sadd.s32 $0x2, s21;
	p0 =	seq.s32 s20, $0x9  }
0x281: {  	s23 =	sadd.s32 @!p0 s21, s7  }
0x282: {  	s24 =	sshll.u32 @!p0 s23, $0x4  }
0x283: {  	s20 =	sadd.s32 $0x1, s20;
	s23 =	sshll.u32 @!p0 s23, $0xC;
	s24 =	sand.u32 @!p0 $0x70, s24  }
0x284: {  	s26 =	simm.s32 @!p0 $0x10000;
	s23 =	sand.u32 @!p0 $0xFFF8000, s23;
	s24 =	sadd.s32 @!p0 s2, s24  }
0x285: {  	p1 =	sne.s32 s20, $0xA;
	s23 =	sadd.s32 @!p0 s23, s24;
	s25 =	spop (v2sf)  }
0x286: {  	s24 =	simm.s32 @!p0 $0x80;
	s22 =	sadd.s32 s25, s22;
	s25 =	simm.s32 @!p0 $0x400  }
0x287: {  	[tilespmem:s26], [sflag:$0x3] =	stream.strided.gather @!p0 [hbm4b:s23+s24], $0x8000, s25, s24, $0x38;
	[tilespmem:$0x18280] =	vst v63  }
.Ltmp12:
0x288: {  	s31 =	sand.u32 $0xF, s21;
	s22 =	sadd.s32 $0x80000000, s22;
	(pc) =	sbr.rel @p1 .LBB2_2-.Ltmp12, $4  }
0x289: {  	v3 =	vmov s31;
	s22 =	scvt.s32.f32 s22  }
0x28a: {  	vm15 =	veq.s32 v3, v0;
	p0 =	sne.s32 s31, $0xF  }
0x28b: {  	s21 =	sand.u32 @!p0 $0x70, s21;
	v2 =	vsel vm15, s22, v2  }
0x28c: {  	[tilespmem:s21+$0x18200] =	vst @!p0 v2;
	v2 =	vpsel !p0, $0x0, v2  }
0x28d: {  	_ =	swait.ge [sflag:s14], $0x8000  }
0x28e: {  	[sflag:s14] =	ssyncset.done $0x0  }
0x28f: {  	s20 =	simm.s32 $0x200;
	[sflag:s14] =	ssyncadd.s32 $0xFFFF8000  }
0x290: {  	v6 =	vld [tilespmem:s20+$0x180]  }
0x291: {  	v7 =	vld [tilespmem:s20+$0x190]  }
0x292: {  	v3 =	vld [tilespmem:s20+$0x1A0]  }
0x293: {  	v4 =	vld [tilespmem:s20+$0x1B0]  }
0x294: {  	v5 =	vld [tilespmem:s20+$0x1C0]  }
0x295: {  	v8 =	vld [tilespmem:s20+$0x100]  }
0x296: {  	v10 =	vld [tilespmem:s20+$0x110]  }
0x297: {  	v9 =	vld [tilespmem:s20+$0x120]  }
0x298: {  	v11 =	vld [tilespmem:s20+$0x130]  }
0x299: {  	v13 =	vld [tilespmem:s20+$0x140]  }
0x29a: {  	v12 =	vld [tilespmem:s20+$0x150]  }
0x29b: {  	v17 =	vld [tilespmem:s20+$0x80]  }
0x29c: {  	v14 =	vld [tilespmem:s20+$0x90]  }
0x29d: {  	v16 =	vld [tilespmem:s20+$0xA0]  }
0x29e: {  	v18 =	vld [tilespmem:s20+$0xB0]  }
0x29f: {  	v15 =	vld [tilespmem:s20+$0xC0]  }
0x2a0: {  	v19 =	vld [tilespmem:s20+$0x0]  }
0x2a1: {  	v21 =	vld [tilespmem:s20+$0x10]  }
0x2a2: {  	v23 =	vld [tilespmem:s20+$0x20]  }
0x2a3: {  	v20 =	vld [tilespmem:s20+$0x30]  }
0x2a4: {  	v22 =	vld [tilespmem:s20+$0x40]  }
0x2a5: {  	v25 =	vld [tilespmem:s20+$0xFFFFFF80]  }
0x2a6: {  	v27 =	vld [tilespmem:s20+$0xFFFFFF90]  }
0x2a7: {  	v31 =	vld [tilespmem:s20+$0xFFFFFFA0]  }
0x2a8: {  	v32 =	vld [tilespmem:s20+$0xFFFFFFB0]  }
0x2a9: {  	v33 =	vld [tilespmem:s20+$0xFFFFFFC0]  }
0x2aa: {  	v34 =	vld [tilespmem:s20+$0xFFFFFFD0]  }
0x2ab: {  	v24 =	vld [tilespmem:s20+$0xFFFFFF00]  }
0x2ac: {  	v26 =	vld [tilespmem:s20+$0xFFFFFF10]  }
0x2ad: {  	v28 =	vld [tilespmem:s20+$0xFFFFFF20]  }
0x2ae: {  	v29 =	vld [tilespmem:s20+$0xFFFFFF30]  }
0x2af: {  	v30 =	vld [tilespmem:s20+$0xFFFFFF40]  }
0x2b0: {  	v35 =	vld [tilespmem:s20+$0xFFFFFE00]  }
0x2b1: {  	v36 =	vld [tilespmem:s20+$0xFFFFFE10]  }
0x2b2: {  	v37 =	vld [tilespmem:s20+$0xFFFFFE20]  }
0x2b3: {  	v38 =	vld [tilespmem:s20+$0xFFFFFE30]  }
0x2b4: {  	v39 =	vld [tilespmem:s20+$0xFFFFFE40]  }
0x2b5: {  	v40 =	vld [tilespmem:s20+$0xFFFFFE50]  }
0x2b6: {  	v41 =	vld [tilespmem:s20+$0xFFFFFE60]  }
0x2b7: {  	v42 =	vld [tilespmem:s20+$0xFFFFFE70]  }
0x2b8: {  	v43 =	vld [tilespmem:s20+$0xFFFFFE80]  }
0x2b9: {  	v44 =	vld [tilespmem:s20+$0xFFFFFE90]  }
0x2ba: {  	v45 =	vld [tilespmem:s20+$0xFFFFFEA0]  }
0x2bb: {  	v46 =	vld [tilespmem:s20+$0xFFFFFEB0]  }
0x2bc: {  	v47 =	vld [tilespmem:s20+$0xFFFFFEC0]  }
0x2bd: {  	v48 =	vld [tilespmem:s20+$0xFFFFFED0]  }
0x2be: {  	v49 =	vld [tilespmem:s20+$0xFFFFFEE0]  }
0x2bf: {  	v50 =	vld [tilespmem:s20+$0xFFFFFEF0]  }
0x2c0: {  	v51 =	vld [tilespmem:s20+$0xFFFFFF50]  }
0x2c1: {  	v52 =	vld [tilespmem:s20+$0xFFFFFF60]  }
0x2c2: {  	v61 =	vld [tilespmem:s20+$0xFFFFFF70];
	v35 =	vmax.f32 v35, v43;
	v36 =	vmax.f32 v36, v44;
	v37 =	vmax.f32 v37, v45  }
0x2c3: {  	v62 =	vld [tilespmem:s20+$0xFFFFFFE0];
	v38 =	vmax.f32 v38, v46;
	v39 =	vmax.f32 v39, v47;
	v40 =	vmax.f32 v40, v48  }
0x2c4: {  	v63 =	vld [tilespmem:s20+$0xFFFFFFF0];
	v41 =	vmax.f32 v41, v49;
	v42 =	vmax.f32 v42, v50;
	v35 =	vmax.f32 v35, v24  }
0x2c5: {  	v36 =	vmax.f32 v36, v26;
	v37 =	vmax.f32 v37, v28;
	v38 =	vmax.f32 v38, v29;
	v24 =	vld [tilespmem:s20+$0x50]  }
0x2c6: {  	v39 =	vmax.f32 v39, v30;
	v40 =	vmax.f32 v40, v51;
	v41 =	vmax.f32 v41, v52;
	v26 =	vld [tilespmem:s20+$0x60]  }
0x2c7: {  	v42 =	vmax.f32 v42, v61;
	v28 =	vld [tilespmem:s20+$0x70];
	v29 =	vmax.f32 v35, v25;
	v30 =	vmax.f32 v36, v27  }
0x2c8: {  	v35 =	vmax.f32 v37, v31;
	v31 =	vmax.f32 v38, v32;
	v32 =	vmax.f32 v39, v33;
	v25 =	vld [tilespmem:s20+$0xD0]  }
0x2c9: {  	s21 =	simm.s32 $0x0;
	s22 =	simm.s32 $0x40;
	v36 =	vmax.f32 v40, v34;
	v33 =	vmax.f32 v41, v62;
	v34 =	vmax.f32 v42, v63;
	v27 =	vld [tilespmem:s20+$0xE0]  }
.LBB2_28:
0x2ca: {  	p0 =	sne.s32 s22, $0x7C0;
	v19 =	vmax.f32 v29, v19;
	v21 =	vmax.f32 v30, v21;
	v23 =	vmax.f32 v35, v23;
	v29 =	vld [tilespmem:s20+$0xF0]  }
0x2cb: {  	v20 =	vmax.f32 v31, v20;
	v22 =	vmax.f32 v32, v22;
	v24 =	vmax.f32 v36, v24;
	v30 =	vld [tilespmem:s20+$0x160]  }
0x2cc: {  	v26 =	vmax.f32 v33, v26;
	v17 =	vmax.f32 v19, v17;
	v28 =	vmax.f32 v34, v28;
	v19 =	vld [tilespmem:s20+$0x170]  }
0x2cd: {  	v14 =	vmax.f32 v21, v14;
	v16 =	vmax.f32 v23, v16;
	v18 =	vmax.f32 v20, v18;
	v20 =	vld [tilespmem:s20+$0x1D0]  }
0x2ce: {  	v15 =	vmax.f32 v22, v15;
	v21 =	vmax.f32 v24, v25;
	v22 =	vmax.f32 v26, v27;
	v23 =	vld [tilespmem:s20+$0x1E0]  }
0x2cf: {  	v8 =	vmax.f32 v17, v8;
	v10 =	vmax.f32 v14, v10;
	v24 =	vmax.f32 v28, v29;
	v14 =	vld [tilespmem:s20+$0x1F0];
	s20 =	sadd.s32 $0x400, s20  }
0x2d0: {  	v9 =	vmax.f32 v16, v9;
	v11 =	vmax.f32 v18, v11;
	v13 =	vmax.f32 v15, v13;
	v17 =	vld [tilespmem:s20+$0x180]  }
0x2d1: {  	v12 =	vmax.f32 v21, v12;
	v16 =	vmax.f32 v22, v30;
	v15 =	vld [tilespmem:s20+$0x190];
	v18 =	vmax.f32 v24, v19  }
0x2d2: {  	v6 =	vmax.f32 v8, v6;
	v7 =	vmax.f32 v10, v7;
	v9 =	vmax.f32 v9, v3;
	v3 =	vld [tilespmem:s20+$0x1A0]  }
0x2d3: {  	v10 =	vmax.f32 v11, v4;
	v11 =	vmax.f32 v13, v5;
	v12 =	vmax.f32 v12, v20;
	v4 =	vld [tilespmem:s20+$0x1B0]  }
0x2d4: {  	v13 =	vmax.f32 v16, v23;
	v16 =	vmax.f32 v6, v7;
	v5 =	vld [tilespmem:s20+$0x1C0];
	v14 =	vmax.f32 v18, v14  }
0x2d5: {  	v9 =	vmax.f32 v9, v10;
	v11 =	vmax.f32 v11, v12;
	v8 =	vld [tilespmem:s20+$0x100];
	v12 =	vmax.f32 v13, v14;
	v6 =	vmovc v17  }
0x2d6: {  	v13 =	vmax.f32 v16, v9;
	v10 =	vld [tilespmem:s20+$0x110];
	v11 =	vmax.f32 v11, v12;
	v7 =	vmov v15  }
0x2d7: {  	s23 =	sshra.s32 s21, $0x2;
	s21 =	smov.u32 s22;
	v9 =	vld [tilespmem:s20+$0x120];
	v12 =	vmax.f32 v13, v11  }
0x2d8: {  	v11 =	vld [tilespmem:s20+$0x130];
	[tilespmem:s23+$0x18000] =	vst v12  }
0x2d9: {  	v13 =	vld [tilespmem:s20+$0x140]  }
0x2da: {  	v12 =	vld [tilespmem:s20+$0x150]  }
0x2db: {  	v17 =	vld [tilespmem:s20+$0x80]  }
0x2dc: {  	v14 =	vld [tilespmem:s20+$0x90]  }
0x2dd: {  	v16 =	vld [tilespmem:s20+$0xA0]  }
0x2de: {  	v18 =	vld [tilespmem:s20+$0xB0]  }
0x2df: {  	v15 =	vld [tilespmem:s20+$0xC0]  }
0x2e0: {  	v19 =	vld [tilespmem:s20+$0x0]  }
0x2e1: {  	v21 =	vld [tilespmem:s20+$0x10]  }
0x2e2: {  	v23 =	vld [tilespmem:s20+$0x20]  }
0x2e3: {  	v20 =	vld [tilespmem:s20+$0x30]  }
0x2e4: {  	v22 =	vld [tilespmem:s20+$0x40]  }
0x2e5: {  	v25 =	vld [tilespmem:s20+$0xFFFFFF80]  }
0x2e6: {  	v27 =	vld [tilespmem:s20+$0xFFFFFF90]  }
0x2e7: {  	v31 =	vld [tilespmem:s20+$0xFFFFFFA0]  }
0x2e8: {  	v32 =	vld [tilespmem:s20+$0xFFFFFFB0]  }
0x2e9: {  	v33 =	vld [tilespmem:s20+$0xFFFFFFC0]  }
0x2ea: {  	v34 =	vld [tilespmem:s20+$0xFFFFFFD0]  }
0x2eb: {  	v24 =	vld [tilespmem:s20+$0xFFFFFF00]  }
0x2ec: {  	v26 =	vld [tilespmem:s20+$0xFFFFFF10]  }
0x2ed: {  	v28 =	vld [tilespmem:s20+$0xFFFFFF20]  }
0x2ee: {  	v29 =	vld [tilespmem:s20+$0xFFFFFF30]  }
0x2ef: {  	v30 =	vld [tilespmem:s20+$0xFFFFFF40]  }
0x2f0: {  	v35 =	vld [tilespmem:s20+$0xFFFFFE00]  }
0x2f1: {  	v36 =	vld [tilespmem:s20+$0xFFFFFE10]  }
0x2f2: {  	v37 =	vld [tilespmem:s20+$0xFFFFFE20]  }
0x2f3: {  	v38 =	vld [tilespmem:s20+$0xFFFFFE30]  }
0x2f4: {  	v39 =	vld [tilespmem:s20+$0xFFFFFE40]  }
0x2f5: {  	v40 =	vld [tilespmem:s20+$0xFFFFFE50]  }
0x2f6: {  	v41 =	vld [tilespmem:s20+$0xFFFFFE60]  }
0x2f7: {  	v42 =	vld [tilespmem:s20+$0xFFFFFE70]  }
0x2f8: {  	v43 =	vld [tilespmem:s20+$0xFFFFFE80]  }
0x2f9: {  	v44 =	vld [tilespmem:s20+$0xFFFFFE90]  }
0x2fa: {  	v45 =	vld [tilespmem:s20+$0xFFFFFEA0]  }
0x2fb: {  	v46 =	vld [tilespmem:s20+$0xFFFFFEB0]  }
0x2fc: {  	v47 =	vld [tilespmem:s20+$0xFFFFFEC0]  }
0x2fd: {  	v48 =	vld [tilespmem:s20+$0xFFFFFED0]  }
0x2fe: {  	v49 =	vld [tilespmem:s20+$0xFFFFFEE0]  }
0x2ff: {  	v50 =	vld [tilespmem:s20+$0xFFFFFEF0]  }
0x300: {  	v51 =	vld [tilespmem:s20+$0xFFFFFF50]  }
0x301: {  	v52 =	vld [tilespmem:s20+$0xFFFFFF60]  }
0x302: {  	v35 =	vmax.f32 v35, v43;
	v36 =	vmax.f32 v36, v44;
	v37 =	vmax.f32 v37, v45;
	v43 =	vld [tilespmem:s20+$0xFFFFFF70]  }
0x303: {  	v38 =	vmax.f32 v38, v46;
	v39 =	vmax.f32 v39, v47;
	v40 =	vmax.f32 v40, v48;
	v44 =	vld [tilespmem:s20+$0xFFFFFFE0]  }
0x304: {  	v35 =	vmax.f32 v35, v24;
	v41 =	vmax.f32 v41, v49;
	v42 =	vmax.f32 v42, v50;
	v45 =	vld [tilespmem:s20+$0xFFFFFFF0]  }
.Ltmp13:
0x305: {  	v36 =	vmax.f32 v36, v26;
	v37 =	vmax.f32 v37, v28;
	v38 =	vmax.f32 v38, v29;
	v24 =	vld [tilespmem:s20+$0x50];
	(pc) =	sbr.rel @p0 .LBB2_28-.Ltmp13, $4  }
0x306: {  	v39 =	vmax.f32 v39, v30;
	v40 =	vmax.f32 v40, v51;
	v41 =	vmax.f32 v41, v52;
	v26 =	vld [tilespmem:s20+$0x60]  }
0x307: {  	v29 =	vmax.f32 v35, v25;
	v30 =	vmax.f32 v36, v27;
	v42 =	vmax.f32 v42, v43;
	v28 =	vld [tilespmem:s20+$0x70]  }
0x308: {  	v35 =	vmax.f32 v37, v31;
	v31 =	vmax.f32 v38, v32;
	v32 =	vmax.f32 v39, v33;
	v25 =	vld [tilespmem:s20+$0xD0]  }
0x309: {  	s22 =	sadd.s32 $0x40, s22;
	v36 =	vmax.f32 v40, v34;
	v33 =	vmax.f32 v41, v44;
	v34 =	vmax.f32 v42, v45;
	v27 =	vld [tilespmem:s20+$0xE0]  }
0x30a: {  	v19 =	vmax.f32 v29, v19;
	v21 =	vmax.f32 v30, v21;
	v23 =	vmax.f32 v35, v23;
	v50 =	vld [tilespmem:s20+$0xF0]  }
0x30b: {  	v20 =	vmax.f32 v31, v20;
	v22 =	vmax.f32 v32, v22;
	v24 =	vmax.f32 v36, v24;
	v51 =	vld [tilespmem:s20+$0x160]  }
0x30c: {  	v52 =	vld [tilespmem:s20+$0x170];
	v26 =	vmax.f32 v33, v26;
	v17 =	vmax.f32 v19, v17;
	v14 =	vmax.f32 v21, v14  }
0x30d: {  	v53 =	vld [tilespmem:s20+$0x1D0];
	v16 =	vmax.f32 v23, v16;
	v18 =	vmax.f32 v20, v18;
	v15 =	vmax.f32 v22, v15  }
0x30e: {  	v56 =	vld [tilespmem:s20+$0x1E0];
	v28 =	vmax.f32 v34, v28;
	v8 =	vmax.f32 v17, v8;
	v10 =	vmax.f32 v14, v10  }
0x30f: {  	v58 =	vld [tilespmem:s20+$0x1F0];
	v9 =	vmax.f32 v16, v9;
	v11 =	vmax.f32 v18, v11;
	v13 =	vmax.f32 v15, v13  }
0x310: {  	v54 =	vmax.f32 v24, v25;
	v6 =	vmax.f32 v8, v6;
	v7 =	vmax.f32 v10, v7  }
0x311: {  	v3 =	vmax.f32 v9, v3;
	v4 =	vmax.f32 v11, v4;
	v5 =	vmax.f32 v13, v5  }
0x312: {  	v55 =	vmax.f32 v26, v27;
	v12 =	vmax.f32 v54, v12;
	v57 =	vmax.f32 v28, v50  }
0x313: {  	v6 =	vmax.f32 v6, v7;
	v59 =	vmax.f32 v55, v51;
	v60 =	vmax.f32 v57, v52  }
0x314: {  	v61 =	vmax.f32 v12, v53;
	v62 =	vmax.f32 v59, v56;
	v63 =	vmax.f32 v60, v58  }
0x315: {  	v3 =	vmax.f32 v3, v4;
	v4 =	vmax.f32 v5, v61;
	v5 =	vmax.f32 v62, v63  }
0x316: {  	v3 =	vmax.f32 v6, v3;
	v4 =	vmax.f32 v4, v5  }
0x317: {  	s30 =	sshra.s32 s21, $0x2;
	v3 =	vmax.f32 v3, v4  }
0x318: {  	s31 =	simm.s32 $0x0;
	[tilespmem:s30+$0x18000] =	vst v3  }
0x319: {  	s20 =	simm.s32 $0x40;
	v3 =	vimm.f32 $-Inf;
	v4 =	vld [tilespmem:s31+$0x18000]  }
.LBB2_30:
0x31a: {  	p0 =	sne.s32 s20, $0x7C0  }
.Ltmp14:
0x31b: {  	_ = 	snop;
	(pc) =	sbr.rel @p0 .LBB2_30-.Ltmp14, $3  }
0x31c: {  	_ =	sdelay $0x1  }
0x31d: {  	s21 =	sshra.s32 s20, $0x2;
	s20 =	sadd.s32 $0x40, s20;
	v3 =	vmax.f32 v3, v4  }
0x31e: {  	v4 =	vld [tilespmem:s21+$0x18000]  }
0x31f: {  	_ =	sdelay $0x3  }
0x320: {  	v3 =	vmax.f32 v3, v4  }
0x321: {  	(xrf0) =	vmax.scan.msk.f32 $0xffff, v3;
	_ =	sdelay $0x2  }
0x322: {  	s20 =	simm.s32 $0x18000  }
0x323: {  	v6 =	vld [tilespmem:s20+$0x0];
	_ =	sdelay $0x1  }
0x324: {  	v3, _, _ =	vpop (xrf0)  }
0x325: {  	v3 =	vbroadcast v3, $0xF  }
0x326: {  	s21 =	simm.s32 $0x0  }
0x327: {  	s20 =	simm.s32 $0x1;
	v5 =	vmov s21;
	s21 =	simm.s32 $0x18010;
	v4 =	vimm.s32 $0x40000000;
	vm0 =	veq.f32 v6, v3  }
.LBB2_32:
0x328: {  	v6 =	vld [tilespmem:s21+$0x0];
	p0 =	sne.s32 s20, $0x1F;
	v5 =	vnsel vm0, $0x40000000, v5;
	s22 =	smov.u32 s20;
	s20 =	sadd.s32 $0x1, s20  }
.Ltmp15:
0x329: {  	vm0 =	vlt.s32 v4, v5;
	(pc) =	sbr.rel @p0 .LBB2_32-.Ltmp15, $2  }
0x32a: {  	v4 =	vsel vm0, v4, v5;
	_ =	sdelay $0x2  }
0x32b: {  	s21 =	sadd.s32 $0x10, s21;
	v5 =	vmov s22;
	vm0 =	veq.f32 v6, v3  }
0x32c: {  	v5 =	vnsel vm0, $0x40000000, v5  }
0x32d: {  	vm0 =	vlt.s32 v4, v5  }
0x32e: {  	v4 =	vsel vm0, v4, v5  }
0x32f: {  	v4 =	vxor.u32 $0x80000000, v4  }
0x330: {  	(xrf0) =	vmin.scan.msk.u32 $0xffff, v4;
	_ =	sdelay $0x5  }
0x331: {  	v4, _, _ =	vpop (xrf0)  }
0x332: {  	(v2sf) =	vpush v4, $0xF;
	_ =	sdelay $0xe  }
0x333: {  	s21 =	simm.s32 $0x0;
	s20 =	spop (v2sf)  }
0x334: {  	s22 =	sand.u32 $0x380, s21;
	s20 =	sshll.u32 s20, $0xA  }
0x335: {  	s21 =	sand.u32 $0x60, s21;
	s22 =	sadd.s32 s22, s20  }
0x336: {  	s21 =	sadd.s32 s21, s22  }
0x337: {  	v5 =	vld [tilespmem:s21+$0x0]  }
0x338: {  	v6 =	vld [tilespmem:s21+$0x10]  }
0x339: {  	s21 =	simm.s32 $0x20  }
0x33a: {  	s31 =	sand.u32 $0x380, s21  }
0x33b: {  	s23 =	simm.s32 $0x0;
	s24 =	sand.u32 $0x60, s21;
	s22 =	sadd.s32 s31, s20  }
0x33c: {  	v7 =	vmov s23;
	v4 =	vimm.s32 $0x40000000;
	s22 =	sadd.s32 s24, s22;
	vm0 =	veq.f32 v5, v3  }
0x33d: {  	v27 =	vld [tilespmem:s22+$0x0];
	v5 =	vor.u32 $0x1, v7;
	vm1 =	veq.f32 v6, v3;
	v30 =	vnsel vm0, $0x40000000, v7  }
0x33e: {  	v26 =	vimm.s32 $0x40000000;
	s23 =	simm.s32 $0x2;
	v28 =	vld [tilespmem:s22+$0x10];
	s22 =	simm.s32 $0x2;
	v29 =	vnsel vm1, $0x40000000, v5;
	vm0 =	vlt.s32 v4, v30  }
.LBB2_34:
0x33f: {  	s23 =	sadd.s32 $0x2, s23  }
0x340: {  	s21 =	sadd.s32 $0x20, s21;
	v4 =	vsel vm0, v4, v30;
	vm0 =	vlt.s32 v26, v29;
	p0 =	slt.u32 s23, $0x3E  }
.Ltmp16:
0x341: {  	s24 =	sand.u32 $0x380, s21;
	v26 =	vsel vm0, v26, v29;
	(pc) =	sbr.rel @p0 .LBB2_34-.Ltmp16, $4  }
0x342: {  	v5 =	vmov s22;
	s25 =	sand.u32 $0x60, s21;
	s22 =	smov.u32 s23;
	s24 =	sadd.s32 s24, s20  }
0x343: {  	v6 =	vor.u32 $0x1, v5;
	s24 =	sadd.s32 s25, s24;
	vm0 =	veq.f32 v27, v3  }
0x344: {  	v27 =	vld [tilespmem:s24+$0x0];
	v30 =	vnsel vm0, $0x40000000, v5;
	vm1 =	veq.f32 v28, v3  }
0x345: {  	v28 =	vld [tilespmem:s24+$0x10];
	vm0 =	vlt.s32 v4, v30;
	v29 =	vnsel vm1, $0x40000000, v6  }
0x346: {  	_ =	swait.ge [sflag:s15], $0x8000  }
0x347: {  	[sflag:s15] =	ssyncset.done $0x0  }
0x348: {  	s21 =	simm.s32 $0x8200;
	[sflag:s15] =	ssyncadd.s32 $0xFFFF8000  }
0x349: {  	v8 =	vld [tilespmem:s21+$0x180]  }
0x34a: {  	v9 =	vld [tilespmem:s21+$0x190]  }
0x34b: {  	v5 =	vld [tilespmem:s21+$0x1A0]  }
0x34c: {  	v6 =	vld [tilespmem:s21+$0x1B0]  }
0x34d: {  	v7 =	vld [tilespmem:s21+$0x1C0]  }
0x34e: {  	v10 =	vld [tilespmem:s21+$0x100]  }
0x34f: {  	v12 =	vld [tilespmem:s21+$0x110]  }
0x350: {  	v11 =	vld [tilespmem:s21+$0x120]  }
0x351: {  	v13 =	vld [tilespmem:s21+$0x130]  }
0x352: {  	v15 =	vld [tilespmem:s21+$0x140]  }
0x353: {  	v14 =	vld [tilespmem:s21+$0x150]  }
0x354: {  	v19 =	vld [tilespmem:s21+$0x80]  }
0x355: {  	v16 =	vld [tilespmem:s21+$0x90]  }
0x356: {  	v18 =	vld [tilespmem:s21+$0xA0]  }
0x357: {  	v20 =	vld [tilespmem:s21+$0xB0]  }
0x358: {  	v17 =	vld [tilespmem:s21+$0xC0]  }
0x359: {  	v21 =	vld [tilespmem:s21+$0x0]  }
0x35a: {  	v23 =	vld [tilespmem:s21+$0x10]  }
0x35b: {  	v25 =	vld [tilespmem:s21+$0x20]  }
0x35c: {  	v22 =	vld [tilespmem:s21+$0x30]  }
0x35d: {  	v24 =	vld [tilespmem:s21+$0x40]  }
0x35e: {  	v31 =	vld [tilespmem:s21+$0xFFFFFF80]  }
0x35f: {  	v32 =	vld [tilespmem:s21+$0xFFFFFF90]  }
0x360: {  	v33 =	vld [tilespmem:s21+$0xFFFFFFA0]  }
0x361: {  	v34 =	vld [tilespmem:s21+$0xFFFFFFB0]  }
0x362: {  	v35 =	vld [tilespmem:s21+$0xFFFFFFC0]  }
0x363: {  	v36 =	vld [tilespmem:s21+$0xFFFFFFD0]  }
0x364: {  	v37 =	vld [tilespmem:s21+$0xFFFFFF00]  }
0x365: {  	v38 =	vld [tilespmem:s21+$0xFFFFFF10]  }
0x366: {  	v39 =	vld [tilespmem:s21+$0xFFFFFF20]  }
0x367: {  	v40 =	vld [tilespmem:s21+$0xFFFFFF30]  }
0x368: {  	v41 =	vld [tilespmem:s21+$0xFFFFFF40]  }
0x369: {  	v42 =	vld [tilespmem:s21+$0xFFFFFE00]  }
0x36a: {  	v43 =	vld [tilespmem:s21+$0xFFFFFE10]  }
0x36b: {  	v44 =	vld [tilespmem:s21+$0xFFFFFE20]  }
0x36c: {  	v45 =	vld [tilespmem:s21+$0xFFFFFE30]  }
0x36d: {  	v46 =	vld [tilespmem:s21+$0xFFFFFE40]  }
0x36e: {  	v47 =	vld [tilespmem:s21+$0xFFFFFE50]  }
0x36f: {  	v48 =	vld [tilespmem:s21+$0xFFFFFE60]  }
0x370: {  	v49 =	vld [tilespmem:s21+$0xFFFFFE70]  }
0x371: {  	v50 =	vld [tilespmem:s21+$0xFFFFFE80]  }
0x372: {  	v51 =	vld [tilespmem:s21+$0xFFFFFE90]  }
0x373: {  	v52 =	vld [tilespmem:s21+$0xFFFFFEA0]  }
0x374: {  	v53 =	vld [tilespmem:s21+$0xFFFFFEB0]  }
0x375: {  	vm13 =	vlt.s32 v26, v29;
	v54 =	vld [tilespmem:s21+$0xFFFFFEC0]  }
0x376: {  	v4 =	vsel vm0, v4, v30;
	v30 =	vmov s22;
	v26 =	vsel vm13, v26, v29;
	v55 =	vld [tilespmem:s21+$0xFFFFFED0]  }
0x377: {  	vm1 =	veq.f32 v27, v3;
	v27 =	vor.u32 $0x1, v30;
	v29 =	vld [tilespmem:s21+$0xFFFFFEF0];
	vm2 =	veq.f32 v28, v3  }
0x378: {  	v28 =	vld [tilespmem:s21+$0xFFFFFEE0];
	v3 =	vnsel vm1, $0x40000000, v30;
	v27 =	vnsel vm2, $0x40000000, v27  }
0x379: {  	v59 =	vld [tilespmem:s21+$0xFFFFFF70];
	vm14 =	vlt.s32 v4, v3;
	vm15 =	vlt.s32 v26, v27  }
0x37a: {  	v30 =	vld [tilespmem:s21+$0xFFFFFF50];
	v3 =	vsel vm14, v4, v3;
	v4 =	vsel vm15, v26, v27  }
0x37b: {  	v27 =	vld [tilespmem:s21+$0xFFFFFF60];
	v26 =	vmax.f32 v42, v50;
	v57 =	vmax.f32 v43, v51;
	v58 =	vmax.f32 v44, v52  }
0x37c: {  	v61 =	vld [tilespmem:s21+$0xFFFFFFF0];
	v45 =	vmax.f32 v45, v53;
	v46 =	vmax.f32 v46, v54;
	v47 =	vmax.f32 v47, v55  }
0x37d: {  	v60 =	vld [tilespmem:s21+$0xFFFFFFE0];
	v29 =	vmax.f32 v49, v29;
	v28 =	vmax.f32 v48, v28;
	v37 =	vmax.f32 v26, v37  }
0x37e: {  	v38 =	vmax.f32 v57, v38;
	v39 =	vmax.f32 v58, v39;
	v40 =	vmax.f32 v45, v40;
	v26 =	vld [tilespmem:s21+$0x50]  }
0x37f: {  	v41 =	vmax.f32 v46, v41;
	v62 =	vmax.f32 v47, v30;
	v29 =	vmax.f32 v29, v59;
	v30 =	vld [tilespmem:s21+$0x70]  }
0x380: {  	v31 =	vmax.f32 v37, v31;
	v32 =	vmax.f32 v38, v32;
	v63 =	vmax.f32 v28, v27;
	v28 =	vld [tilespmem:s21+$0x60]  }
0x381: {  	v37 =	vmax.f32 v39, v33;
	v38 =	vmax.f32 v62, v36;
	v36 =	vmax.f32 v29, v61;
	v29 =	vld [tilespmem:s21+$0xE0]  }
0x382: {  	s22 =	simm.s32 $0x0;
	s23 =	simm.s32 $0x40;
	v33 =	vmax.f32 v40, v34;
	v34 =	vmax.f32 v41, v35;
	v27 =	vld [tilespmem:s21+$0xD0];
	v35 =	vmax.f32 v63, v60  }
.LBB2_36:
0x383: {  	p0 =	sne.s32 s23, $0x7C0;
	v21 =	vmax.f32 v31, v21;
	v23 =	vmax.f32 v32, v23;
	v25 =	vmax.f32 v37, v25;
	v31 =	vld [tilespmem:s21+$0xF0]  }
0x384: {  	v22 =	vmax.f32 v33, v22;
	v24 =	vmax.f32 v34, v24;
	v26 =	vmax.f32 v38, v26;
	v32 =	vld [tilespmem:s21+$0x160]  }
0x385: {  	v28 =	vmax.f32 v35, v28;
	v19 =	vmax.f32 v21, v19;
	v30 =	vmax.f32 v36, v30;
	v21 =	vld [tilespmem:s21+$0x170]  }
0x386: {  	v16 =	vmax.f32 v23, v16;
	v18 =	vmax.f32 v25, v18;
	v20 =	vmax.f32 v22, v20;
	v22 =	vld [tilespmem:s21+$0x1D0]  }
0x387: {  	v17 =	vmax.f32 v24, v17;
	v23 =	vmax.f32 v26, v27;
	v24 =	vmax.f32 v28, v29;
	v25 =	vld [tilespmem:s21+$0x1E0]  }
0x388: {  	v10 =	vmax.f32 v19, v10;
	v12 =	vmax.f32 v16, v12;
	v26 =	vmax.f32 v30, v31;
	v16 =	vld [tilespmem:s21+$0x1F0];
	s21 =	sadd.s32 $0x400, s21  }
0x389: {  	v11 =	vmax.f32 v18, v11;
	v13 =	vmax.f32 v20, v13;
	v15 =	vmax.f32 v17, v15;
	v19 =	vld [tilespmem:s21+$0x180]  }
0x38a: {  	v14 =	vmax.f32 v23, v14;
	v18 =	vmax.f32 v24, v32;
	v17 =	vld [tilespmem:s21+$0x190];
	v20 =	vmax.f32 v26, v21  }
0x38b: {  	v8 =	vmax.f32 v10, v8;
	v9 =	vmax.f32 v12, v9;
	v11 =	vmax.f32 v11, v5;
	v5 =	vld [tilespmem:s21+$0x1A0]  }
0x38c: {  	v12 =	vmax.f32 v13, v6;
	v13 =	vmax.f32 v15, v7;
	v14 =	vmax.f32 v14, v22;
	v6 =	vld [tilespmem:s21+$0x1B0]  }
0x38d: {  	v15 =	vmax.f32 v18, v25;
	v18 =	vmax.f32 v8, v9;
	v7 =	vld [tilespmem:s21+$0x1C0];
	v16 =	vmax.f32 v20, v16  }
0x38e: {  	v11 =	vmax.f32 v11, v12;
	v13 =	vmax.f32 v13, v14;
	v10 =	vld [tilespmem:s21+$0x100];
	v14 =	vmax.f32 v15, v16;
	v8 =	vmovc v19  }
0x38f: {  	v15 =	vmax.f32 v18, v11;
	v12 =	vld [tilespmem:s21+$0x110];
	v13 =	vmax.f32 v13, v14;
	v9 =	vmov v17  }
0x390: {  	s24 =	sshra.s32 s22, $0x2;
	s22 =	smov.u32 s23;
	v11 =	vld [tilespmem:s21+$0x120];
	v14 =	vmax.f32 v15, v13  }
0x391: {  	v13 =	vld [tilespmem:s21+$0x130];
	[tilespmem:s24+$0x18000] =	vst v14  }
0x392: {  	v15 =	vld [tilespmem:s21+$0x140]  }
0x393: {  	v14 =	vld [tilespmem:s21+$0x150]  }
0x394: {  	v19 =	vld [tilespmem:s21+$0x80]  }
0x395: {  	v16 =	vld [tilespmem:s21+$0x90]  }
0x396: {  	v18 =	vld [tilespmem:s21+$0xA0]  }
0x397: {  	v20 =	vld [tilespmem:s21+$0xB0]  }
0x398: {  	v17 =	vld [tilespmem:s21+$0xC0]  }
0x399: {  	v21 =	vld [tilespmem:s21+$0x0]  }
0x39a: {  	v23 =	vld [tilespmem:s21+$0x10]  }
0x39b: {  	v25 =	vld [tilespmem:s21+$0x20]  }
0x39c: {  	v22 =	vld [tilespmem:s21+$0x30]  }
0x39d: {  	v24 =	vld [tilespmem:s21+$0x40]  }
0x39e: {  	v27 =	vld [tilespmem:s21+$0xFFFFFF80]  }
0x39f: {  	v29 =	vld [tilespmem:s21+$0xFFFFFF90]  }
0x3a0: {  	v33 =	vld [tilespmem:s21+$0xFFFFFFA0]  }
0x3a1: {  	v34 =	vld [tilespmem:s21+$0xFFFFFFB0]  }
0x3a2: {  	v35 =	vld [tilespmem:s21+$0xFFFFFFC0]  }
0x3a3: {  	v36 =	vld [tilespmem:s21+$0xFFFFFFD0]  }
0x3a4: {  	v26 =	vld [tilespmem:s21+$0xFFFFFF00]  }
0x3a5: {  	v28 =	vld [tilespmem:s21+$0xFFFFFF10]  }
0x3a6: {  	v30 =	vld [tilespmem:s21+$0xFFFFFF20]  }
0x3a7: {  	v31 =	vld [tilespmem:s21+$0xFFFFFF30]  }
0x3a8: {  	v32 =	vld [tilespmem:s21+$0xFFFFFF40]  }
0x3a9: {  	v37 =	vld [tilespmem:s21+$0xFFFFFE00]  }
0x3aa: {  	v38 =	vld [tilespmem:s21+$0xFFFFFE10]  }
0x3ab: {  	v39 =	vld [tilespmem:s21+$0xFFFFFE20]  }
0x3ac: {  	v40 =	vld [tilespmem:s21+$0xFFFFFE30]  }
0x3ad: {  	v41 =	vld [tilespmem:s21+$0xFFFFFE40]  }
0x3ae: {  	v42 =	vld [tilespmem:s21+$0xFFFFFE50]  }
0x3af: {  	v43 =	vld [tilespmem:s21+$0xFFFFFE60]  }
0x3b0: {  	v44 =	vld [tilespmem:s21+$0xFFFFFE70]  }
0x3b1: {  	v45 =	vld [tilespmem:s21+$0xFFFFFE80]  }
0x3b2: {  	v46 =	vld [tilespmem:s21+$0xFFFFFE90]  }
0x3b3: {  	v47 =	vld [tilespmem:s21+$0xFFFFFEA0]  }
0x3b4: {  	v48 =	vld [tilespmem:s21+$0xFFFFFEB0]  }
0x3b5: {  	v49 =	vld [tilespmem:s21+$0xFFFFFEC0]  }
0x3b6: {  	v50 =	vld [tilespmem:s21+$0xFFFFFED0]  }
0x3b7: {  	v51 =	vld [tilespmem:s21+$0xFFFFFEE0]  }
0x3b8: {  	v52 =	vld [tilespmem:s21+$0xFFFFFEF0]  }
0x3b9: {  	v53 =	vld [tilespmem:s21+$0xFFFFFF50]  }
0x3ba: {  	v54 =	vld [tilespmem:s21+$0xFFFFFF60]  }
0x3bb: {  	v37 =	vmax.f32 v37, v45;
	v38 =	vmax.f32 v38, v46;
	v39 =	vmax.f32 v39, v47;
	v45 =	vld [tilespmem:s21+$0xFFFFFF70]  }
0x3bc: {  	v40 =	vmax.f32 v40, v48;
	v41 =	vmax.f32 v41, v49;
	v42 =	vmax.f32 v42, v50;
	v46 =	vld [tilespmem:s21+$0xFFFFFFE0]  }
0x3bd: {  	v37 =	vmax.f32 v37, v26;
	v43 =	vmax.f32 v43, v51;
	v44 =	vmax.f32 v44, v52;
	v47 =	vld [tilespmem:s21+$0xFFFFFFF0]  }
.Ltmp17:
0x3be: {  	v38 =	vmax.f32 v38, v28;
	v39 =	vmax.f32 v39, v30;
	v40 =	vmax.f32 v40, v31;
	v26 =	vld [tilespmem:s21+$0x50];
	(pc) =	sbr.rel @p0 .LBB2_36-.Ltmp17, $4  }
0x3bf: {  	v41 =	vmax.f32 v41, v32;
	v42 =	vmax.f32 v42, v53;
	v43 =	vmax.f32 v43, v54;
	v28 =	vld [tilespmem:s21+$0x60]  }
0x3c0: {  	v31 =	vmax.f32 v37, v27;
	v32 =	vmax.f32 v38, v29;
	v44 =	vmax.f32 v44, v45;
	v30 =	vld [tilespmem:s21+$0x70]  }
0x3c1: {  	v37 =	vmax.f32 v39, v33;
	v33 =	vmax.f32 v40, v34;
	v34 =	vmax.f32 v41, v35;
	v27 =	vld [tilespmem:s21+$0xD0]  }
0x3c2: {  	s23 =	sadd.s32 $0x40, s23;
	v38 =	vmax.f32 v42, v36;
	v35 =	vmax.f32 v43, v46;
	v36 =	vmax.f32 v44, v47;
	v29 =	vld [tilespmem:s21+$0xE0]  }
0x3c3: {  	v21 =	vmax.f32 v31, v21;
	v23 =	vmax.f32 v32, v23;
	v25 =	vmax.f32 v37, v25;
	v50 =	vld [tilespmem:s21+$0xF0]  }
0x3c4: {  	v22 =	vmax.f32 v33, v22;
	v24 =	vmax.f32 v34, v24;
	v26 =	vmax.f32 v38, v26;
	v51 =	vld [tilespmem:s21+$0x160]  }
0x3c5: {  	v52 =	vld [tilespmem:s21+$0x170];
	v28 =	vmax.f32 v35, v28;
	v19 =	vmax.f32 v21, v19;
	v16 =	vmax.f32 v23, v16  }
0x3c6: {  	v53 =	vld [tilespmem:s21+$0x1D0];
	v18 =	vmax.f32 v25, v18;
	v20 =	vmax.f32 v22, v20;
	v17 =	vmax.f32 v24, v17  }
0x3c7: {  	v56 =	vld [tilespmem:s21+$0x1E0];
	v30 =	vmax.f32 v36, v30;
	v10 =	vmax.f32 v19, v10;
	v12 =	vmax.f32 v16, v12  }
0x3c8: {  	v58 =	vld [tilespmem:s21+$0x1F0];
	v11 =	vmax.f32 v18, v11;
	v13 =	vmax.f32 v20, v13;
	v15 =	vmax.f32 v17, v15  }
0x3c9: {  	v54 =	vmax.f32 v26, v27;
	v8 =	vmax.f32 v10, v8;
	v9 =	vmax.f32 v12, v9  }
0x3ca: {  	v5 =	vmax.f32 v11, v5;
	v6 =	vmax.f32 v13, v6;
	v7 =	vmax.f32 v15, v7  }
0x3cb: {  	v55 =	vmax.f32 v28, v29;
	v14 =	vmax.f32 v54, v14;
	v57 =	vmax.f32 v30, v50  }
0x3cc: {  	v8 =	vmax.f32 v8, v9;
	v59 =	vmax.f32 v55, v51;
	v60 =	vmax.f32 v57, v52  }
0x3cd: {  	v61 =	vmax.f32 v14, v53;
	v62 =	vmax.f32 v59, v56;
	v63 =	vmax.f32 v60, v58  }
0x3ce: {  	v5 =	vmax.f32 v5, v6;
	v6 =	vmax.f32 v7, v61;
	v7 =	vmax.f32 v62, v63  }
0x3cf: {  	v5 =	vmax.f32 v8, v5;
	v6 =	vmax.f32 v6, v7  }
0x3d0: {  	s30 =	sshra.s32 s22, $0x2;
	v5 =	vmax.f32 v5, v6  }
0x3d1: {  	s31 =	simm.s32 $0x0;
	[tilespmem:s30+$0x18000] =	vst v5  }
0x3d2: {  	s21 =	simm.s32 $0x40;
	v5 =	vimm.f32 $-Inf;
	v6 =	vld [tilespmem:s31+$0x18000]  }
.LBB2_38:
0x3d3: {  	p0 =	sne.s32 s21, $0x7C0  }
.Ltmp18:
0x3d4: {  	_ = 	snop;
	(pc) =	sbr.rel @p0 .LBB2_38-.Ltmp18, $3  }
0x3d5: {  	_ =	sdelay $0x1  }
0x3d6: {  	s22 =	sshra.s32 s21, $0x2;
	s21 =	sadd.s32 $0x40, s21;
	v5 =	vmax.f32 v5, v6  }
0x3d7: {  	v6 =	vld [tilespmem:s22+$0x18000]  }
0x3d8: {  	_ =	sdelay $0x3  }
0x3d9: {  	v5 =	vmax.f32 v5, v6  }
0x3da: {  	(xrf0) =	vmax.scan.msk.f32 $0xffff, v5;
	_ =	sdelay $0x2  }
0x3db: {  	s21 =	simm.s32 $0x18000  }
0x3dc: {  	v8 =	vld [tilespmem:s21+$0x0];
	_ =	sdelay $0x1  }
0x3dd: {  	v5, _, _ =	vpop (xrf0)  }
0x3de: {  	v5 =	vbroadcast v5, $0xF  }
0x3df: {  	s22 =	simm.s32 $0x0  }
0x3e0: {  	s21 =	simm.s32 $0x1;
	v7 =	vmov s22;
	s22 =	simm.s32 $0x18010;
	v6 =	vimm.s32 $0x40000000;
	vm0 =	veq.f32 v8, v5  }
.LBB2_40:
0x3e1: {  	v8 =	vld [tilespmem:s22+$0x0];
	p0 =	sne.s32 s21, $0x1F;
	v7 =	vnsel vm0, $0x40000000, v7;
	s23 =	smov.u32 s21;
	s21 =	sadd.s32 $0x1, s21  }
.Ltmp19:
0x3e2: {  	vm0 =	vlt.s32 v6, v7;
	(pc) =	sbr.rel @p0 .LBB2_40-.Ltmp19, $2  }
0x3e3: {  	v6 =	vsel vm0, v6, v7;
	_ =	sdelay $0x2  }
0x3e4: {  	s22 =	sadd.s32 $0x10, s22;
	v7 =	vmov s23;
	vm0 =	veq.f32 v8, v5  }
0x3e5: {  	v7 =	vnsel vm0, $0x40000000, v7  }
0x3e6: {  	vm0 =	vlt.s32 v6, v7  }
0x3e7: {  	v6 =	vsel vm0, v6, v7  }
0x3e8: {  	v6 =	vxor.u32 $0x80000000, v6  }
0x3e9: {  	(xrf0) =	vmin.scan.msk.u32 $0xffff, v6;
	_ =	sdelay $0x5  }
0x3ea: {  	v6, _, _ =	vpop (xrf0)  }
0x3eb: {  	(v2sf) =	vpush v6, $0xF;
	_ =	sdelay $0xe  }
0x3ec: {  	s21 =	spop (v2sf)  }
0x3ed: {  	s23 =	simm.s32 $0x0;
	s21 =	sshll.u32 s21, $0xA  }
0x3ee: {  	s24 =	sand.u32 $0x380, s23;
	s22 =	sadd.s32 $0x8000, s21  }
0x3ef: {  	s23 =	sand.u32 $0x60, s23;
	s24 =	sadd.s32 s24, s22  }
0x3f0: {  	s23 =	sadd.s32 s23, s24  }
0x3f1: {  	v7 =	vld [tilespmem:s23+$0x0]  }
0x3f2: {  	v8 =	vld [tilespmem:s23+$0x10]  }
0x3f3: {  	s23 =	simm.s32 $0x20  }
0x3f4: {  	s25 =	simm.s32 $0x0;
	s30 =	sand.u32 $0x380, s23  }
0x3f5: {  	v9 =	vmov s25;
	s26 =	sand.u32 $0x60, s23;
	s24 =	sadd.s32 s30, s22  }
0x3f6: {  	v10 =	vor.u32 $0x1, v9;
	s31 =	sadd.s32 s26, s24;
	vm0 =	veq.f32 v7, v5  }
0x3f7: {  	v6 =	vimm.s32 $0x40000000;
	v7 =	vld [tilespmem:s31+$0x0];
	vm1 =	veq.f32 v8, v5;
	v11 =	vnsel vm0, $0x40000000, v9  }
0x3f8: {  	s25 =	simm.s32 $0x2;
	s24 =	simm.s32 $0x2;
	v8 =	vimm.s32 $0x40000000;
	v9 =	vld [tilespmem:s31+$0x10];
	v10 =	vnsel vm1, $0x40000000, v10;
	vm0 =	vlt.s32 v6, v11  }
.LBB2_42:
0x3f9: {  	s24 =	sadd.s32 $0x2, s24  }
0x3fa: {  	s23 =	sadd.s32 $0x20, s23;
	v6 =	vsel vm0, v6, v11;
	vm0 =	vlt.s32 v8, v10;
	p0 =	slt.u32 s24, $0x3E  }
.Ltmp20:
0x3fb: {  	s26 =	sand.u32 $0x380, s23;
	v8 =	vsel vm0, v8, v10;
	(pc) =	sbr.rel @p0 .LBB2_42-.Ltmp20, $4  }
0x3fc: {  	s28 =	sand.u32 $0x60, s23;
	v10 =	vmov s25;
	s25 =	smov.u32 s24;
	s26 =	sadd.s32 s26, s22  }
0x3fd: {  	v12 =	vor.u32 $0x1, v10;
	s26 =	sadd.s32 s28, s26;
	vm0 =	veq.f32 v7, v5  }
0x3fe: {  	v7 =	vld [tilespmem:s26+$0x0];
	v11 =	vnsel vm0, $0x40000000, v10;
	vm1 =	veq.f32 v9, v5  }
0x3ff: {  	v9 =	vld [tilespmem:s26+$0x10];
	vm0 =	vlt.s32 v6, v11;
	v10 =	vnsel vm1, $0x40000000, v12  }
0x400: {  	_ =	sdelay $0x2  }
0x401: {  	v6 =	vsel vm0, v6, v11;
	vm7 =	vlt.s32 v8, v10;
	v59 =	vmov s25  }
0x402: {  	v60 =	vor.u32 $0x1, v59;
	vm1 =	veq.f32 v7, v5;
	vm2 =	veq.f32 v9, v5  }
0x403: {  	v61 =	vsel vm7, v8, v10;
	v62 =	vnsel vm1, $0x40000000, v59;
	v5 =	vnsel vm2, $0x40000000, v60  }
0x404: {  	vm8 =	vlt.s32 v6, v62;
	vm9 =	vlt.s32 v61, v5  }
0x405: {  	vm10 =	vlt.s32 v3, v4;
	v6 =	vsel vm8, v6, v62;
	v5 =	vsel vm9, v61, v5  }
0x406: {  	v3 =	vsel vm10, v3, v4;
	vm11 =	vlt.s32 v6, v5  }
0x407: {  	v4 =	vshll.u32 v3, $0x4;
	v5 =	vsel vm11, v6, v5  }
0x408: {  	vm12 =	veq.s32 v3, $0x40000000;
	v3 =	vxor.u32 v1, v4;
	v63 =	vshll.u32 v5, $0x4  }
0x409: {  	v3 =	vsel vm12, $0xC0000000, v3;
	vm13 =	veq.s32 v5, $0x40000000;
	v4 =	vxor.u32 v1, v63  }
0x40a: {  	(xrf0) =	vmin.scan.msk.u32 $0xffff, v3;
	v3 =	vsel vm13, $0xC0000000, v4  }
0x40b: {  	(xrf0) =	vmin.scan.msk.u32 $0xffff, v3;
	_ =	sdelay $0x4  }
0x40c: {  	v3, _, _ =	vpop (xrf0)  }
0x40d: {  	(v2sf) =	vpush v3, $0xF;
	v3, _, _ =	vpop (xrf0)  }
0x40e: {  	(v2sf) =	vpush v3, $0xF;
	_ =	sdelay $0xd  }
0x40f: {  	s22 =	spop (v2sf)  }
0x410: {  	s20 =	sadd.s32 s22, s20;
	s31 =	spop (v2sf)  }
0x411: {  	s20 =	sadd.s32 $0x80000000, s20;
	s21 =	sadd.s32 s31, s21  }
0x412: {  	s20 =	scvt.s32.f32 s20;
	s21 =	sadd.s32 $0x80000000, s21  }
0x413: {  	vm14 =	veq.s32 v0, $0xE;
	s21 =	scvt.s32.f32 s21  }
0x414: {  	vm15 =	veq.s32 v0, $0xF;
	s19 =	sadd.s32 $0x1, s19;
	v2 =	vsel vm14, s20, v2  }
0x415: {  	p0 =	sne.s32 s19, s9;
	v2 =	vsel vm15, s21, v2  }
.Ltmp21:
0x416: {  	[tilespmem:$0x18210] =	vst v2;
	(pc) =	sbr.rel @p0 .LBB2_1-.Ltmp21, $4  }
0x417: {  	[hbm4b:s8+s3] =	stream.linear.scatter [tilespmem:s17], [sflag:$0x4], $0x20, $0x38;
	[tilespmem:$0x18280] =	vst v63  }
0x418: {  	_ =	swait.ge [sflag:s18], $0x20  }
0x419: {  	[sflag:s18] =	ssyncset.done $0x0  }
0x41a: {  	[sflag:s18] =	ssyncadd.s32 $0xFFFFFFE0  }
0x41b: {  	_ =	sfence.sel $0x180000  }
0x41c: {  	[bflag:$0x0] =	sbarrier.arrive $0xFFFF  }
0x41d: {  	p0 =	sne.s32 s0, $0x0;
	_ =	strace $0x90000047  }
0x41e: {  	s0 =	sadd.s32 @!p0 $0x100000, s1;
	[bflag:$0x2] =	sbarrier.arrive $0xFFFF  }
0x41f: {  	[sflag:s0] =	ssyncadd.tile.s32 @!p0 $0x1;
	_ =	shalt  }
.Lfunc_end2:
_tile_overlayer_lowered:
.L_overlay_start_2:
0x420: {  	(tag) =	ssettag $0x2  }
0x421: {  	s0 =	rddreg [dreg:$0x0];
	s2 =	stileid.u32  }
0x422: {  	s1 =	rddreg [dreg:$0x1];
	p0 =	sne.s32 s2, $0x0  }
0x423: {  	s3 =	rddreg [dreg:$0x2];
	[bflag:$0x3] =	sbarrier.arrive $0xFFFF;
	s2 =	simm.s32 @!p0 $0x1C04  }
0x424: {  	[timem:s3], [sflag:s2] =	dma.local @!p0 [hbm:s0], s1  }
0x425: {  	s0 =	simm.s32 @!p0 $0x4  }
0x426: {  	_ =	swait.ge @!p0 [sflag:s0], s1  }
0x427: {  	s1 =	ssub.s32 @!p0 $0x0, s1;
	[sflag:s0] =	ssyncset.done @!p0 $0x0  }
0x428: {  	[sflag:s0] =	ssyncadd.s32 @!p0 s1  }
0x429: {  	[bflag:$0x3] =	sbarrier.arrive $0xFFFF  }
0x42a: {  	_ =	shalt  }

</sc_bundles>
